<compile_context>
chip_gen: v7x
topology: tpu7x:2x2x1
jax: 0.10.2.dev20260603
libtpu: 0.0.44.dev20260713+nightly
codegen_flags: <defaults>
</compile_context>

<pallas_src>
import functools

import jax
import jax.numpy as jnp
from jax import lax
from jax.experimental import pallas as pl
from jax.experimental.pallas import tpu as pltpu
from jax.experimental.pallas import tpu_sc as plsc

_N = 5000
_NPAD = 5008
_NPAD2 = _NPAD + 16
_NKEY = 5120
_ROWS = _NKEY // 128
_SCORE_THRESH = 0.2
_NMS_THRESH = 0.5
_MAXK = 15


def _rank_body(srow_ref, scol_ref, rank_ref):
    f32 = jnp.float32
    i32 = jnp.int32
    neg1 = f32(-1.0)
    thr = f32(_SCORE_THRESH)
    tri = (lax.broadcasted_iota(i32, (128, 128), 0)
           < lax.broadcasted_iota(i32, (128, 128), 1))

    for c in range(_ROWS):
        s_i = srow_ref[pl.ds(c, 1), :]
        ki = jnp.where(s_i >= thr, s_i, neg1)
        cnt = jnp.zeros((128,), i32)
        if c > 0:
            topv = scol_ref[pl.ds(0, c * 128), :]
            ktop = jnp.where(topv >= thr, topv, neg1)
            cnt = cnt + jnp.sum((ktop >= ki).astype(i32), axis=0)
        if c < _ROWS - 1:
            botv = scol_ref[pl.ds((c + 1) * 128, (_ROWS - 1 - c) * 128), :]
            kbot = jnp.where(botv >= thr, botv, neg1)
            cnt = cnt + jnp.sum((kbot > ki).astype(i32), axis=0)
        bandv = scol_ref[pl.ds(c * 128, 128), :]
        kband = jnp.where(bandv >= thr, bandv, neg1)
        tb = (kband > ki) | ((kband == ki) & tri)
        cnt = cnt + jnp.sum(tb.astype(i32), axis=0)
        rank_ref[pl.ds(c, 1), :] = cnt.reshape(1, 128)


def _sc_body(boxes_hbm, scores_hbm, labels_hbm, rank_hbm, out_hbm,
             bx_v, sc_v, lb_v, rk_v,
             sox0, soy0, sox1, soy1, sarea, ssc, slab,
             srx0, sry0, srx1, sry1,
             kox0, koy0, kox1, koy1, karea,
             orx0, ory0, orx1, ory1, osc, out_v):
    f32 = jnp.float32
    i32 = jnp.int32
    cid = lax.axis_index("c")
    sid = lax.axis_index("s")

    @pl.when((cid == 0) & (sid == 0))
    def _work():
        pltpu.sync_copy(boxes_hbm, bx_v)
        pltpu.sync_copy(scores_hbm.at[pl.ds(0, _NPAD)], sc_v)
        pltpu.sync_copy(labels_hbm, lb_v)
        pltpu.sync_copy(rank_hbm, rk_v)

        lanes = lax.iota(i32, 16)

        def a1body(k, mx):
            idx = k * 16 + lanes
            idxc = jnp.minimum(idx, i32(_N - 1))
            r = plsc.load_gather(
                rk_v, [jnp.full((16,), k // 8, i32), (k % 8) * 16 + lanes])
            s = sc_v[pl.ds(k * 16, 16)]
            l = lb_v[pl.ds(k * 16, 16)]
            x0 = plsc.load_gather(bx_v, [idxc * 4])
            y0 = plsc.load_gather(bx_v, [idxc * 4 + 1])
            x1 = plsc.load_gather(bx_v, [idxc * 4 + 2])
            y1 = plsc.load_gather(bx_v, [idxc * 4 + 3])
            msk = idx < _N
            plsc.store_scatter(ssc, [r], s, mask=msk)
            plsc.store_scatter(slab, [r], l, mask=msk)
            plsc.store_scatter(srx0, [r], x0, mask=msk)
            plsc.store_scatter(sry0, [r], y0, mask=msk)
            plsc.store_scatter(srx1, [r], x1, mask=msk)
            plsc.store_scatter(sry1, [r], y1, mask=msk)
            return jnp.maximum(mx, jnp.maximum(x1, y1))
        mvec = lax.fori_loop(0, _NPAD // 16, a1body,
                             jnp.full((16,), -3e38, f32))
        m1 = jnp.max(mvec) + f32(1.0)

        def a2body(j, _):
            b = j * 16
            rx0 = srx0[pl.ds(b, 16)]
            ry0 = sry0[pl.ds(b, 16)]
            rx1 = srx1[pl.ds(b, 16)]
            ry1 = sry1[pl.ds(b, 16)]
            l = slab[pl.ds(b, 16)]
            off = l.astype(f32) * m1
            ox0 = rx0 + off
            oy0 = ry0 + off
            ox1 = rx1 + off
            oy1 = ry1 + off
            sox0[pl.ds(b, 16)] = ox0
            soy0[pl.ds(b, 16)] = oy0
            sox1[pl.ds(b, 16)] = ox1
            soy1[pl.ds(b, 16)] = oy1
            sarea[pl.ds(b, 16)] = (ox1 - ox0) * (oy1 - oy0)
            return 0
        lax.fori_loop(0, _NPAD // 16, a2body, 0)

        LO = jnp.full((16,), 1e30, f32)
        HI = jnp.full((16,), -1e30, f32)
        zf = jnp.zeros((16,), f32)
        for half in (0, 16):
            kox0[pl.ds(half, 16)] = LO
            koy0[pl.ds(half, 16)] = LO
            kox1[pl.ds(half, 16)] = HI
            koy1[pl.ds(half, 16)] = HI
            karea[pl.ds(half, 16)] = zf
            orx0[pl.ds(half, 16)] = zf
            ory0[pl.ds(half, 16)] = zf
            orx1[pl.ds(half, 16)] = zf
            ory1[pl.ds(half, 16)] = zf
            osc[pl.ds(half, 16)] = zf

        thr = f32(_SCORE_THRESH)

        def cond(carry):
            t, hc, oc, stop = carry
            return (~stop) & (t < _N)

        def body(carry):
            t, hc, oc, stop = carry
            civ = t + lanes
            s = plsc.load_gather(ssc, [civ])
            l = plsc.load_gather(slab, [civ])
            cox0 = plsc.load_gather(sox0, [civ])
            coy0 = plsc.load_gather(soy0, [civ])
            cox1 = plsc.load_gather(sox1, [civ])
            coy1 = plsc.load_gather(soy1, [civ])
            car = plsc.load_gather(sarea, [civ])
            ish = l == 0
            invalid = (s < thr) | (civ >= _N)
            skipv = jnp.where(ish, hc >= _MAXK, oc >= _MAXK)
            base = jnp.where(ish, 0, 16)
            maybe = (~invalid) & (~skipv)

            def _slot_loop():
                sup = jnp.zeros((16,), jnp.bool_)
                for k in range(_MAXK):
                    idxk = base + k
                    kx0 = plsc.load_gather(kox0, [idxk])
                    ky0 = plsc.load_gather(koy0, [idxk])
                    kx1 = plsc.load_gather(kox1, [idxk])
                    ky1 = plsc.load_gather(koy1, [idxk])
                    kar = plsc.load_gather(karea, [idxk])
                    lt0 = jnp.maximum(cox0, kx0)
                    lt1 = jnp.maximum(coy0, ky0)
                    rb0 = jnp.minimum(cox1, kx1)
                    rb1 = jnp.minimum(coy1, ky1)
                    w = jnp.maximum(rb0 - lt0, f32(0.0))
                    h = jnp.maximum(rb1 - lt1, f32(0.0))
                    inter = w * h
                    union = car + kar - inter
                    iou = inter / jnp.maximum(union, f32(1e-9))
                    sup = sup | (iou > f32(_NMS_THRESH))
                return sup

            sup = lax.cond(jnp.any(maybe), _slot_loop,
                           lambda: jnp.zeros((16,), jnp.bool_))
            appable = maybe & (~sup)
            fa = lax.slice(plsc.all_reduce_ffs(appable), (0,), (1,))[0]
            fi = lax.slice(plsc.all_reduce_ffs(invalid), (0,), (1,))[0]
            did_app = (fa < fi) & (fa < 16)
            hit_inv = (fi < 16) & (fi <= fa)
            ta = jnp.minimum(t + fa, i32(_N))

            tav = jnp.full((16,), ta, i32)
            la = plsc.load_gather(slab, [tav])
            ish_a = lax.slice(la, (0,), (1,))[0] == 0

            @pl.when(did_app)
            def _append():
                pos = jnp.where(ish_a, hc, oc + 16)
                pv = jnp.full((16,), pos, i32)
                one = lanes == 0
                plsc.store_scatter(kox0, [pv], plsc.load_gather(sox0, [tav]),
                                   mask=one)
                plsc.store_scatter(koy0, [pv], plsc.load_gather(soy0, [tav]),
                                   mask=one)
                plsc.store_scatter(kox1, [pv], plsc.load_gather(sox1, [tav]),
                                   mask=one)
                plsc.store_scatter(koy1, [pv], plsc.load_gather(soy1, [tav]),
                                   mask=one)
                plsc.store_scatter(karea, [pv], plsc.load_gather(sarea, [tav]),
                                   mask=one)
                plsc.store_scatter(orx0, [pv], plsc.load_gather(srx0, [tav]),
                                   mask=one)
                plsc.store_scatter(ory0, [pv], plsc.load_gather(sry0, [tav]),
                                   mask=one)
                plsc.store_scatter(orx1, [pv], plsc.load_gather(srx1, [tav]),
                                   mask=one)
                plsc.store_scatter(ory1, [pv], plsc.load_gather(sry1, [tav]),
                                   mask=one)
                plsc.store_scatter(osc, [pv], plsc.load_gather(ssc, [tav]),
                                   mask=one)

            inc = jnp.where(did_app, i32(1), i32(0))
            hc2 = hc + jnp.where(ish_a, inc, i32(0))
            oc2 = oc + jnp.where(ish_a, i32(0), inc)
            t2 = jnp.where(did_app, ta + 1, t + 16)
            stop2 = hit_inv | ((hc2 >= _MAXK) & (oc2 >= _MAXK))
            return (t2, hc2, oc2, stop2)

        lax.while_loop(cond, body, (i32(0), i32(0), i32(0), False))

        m15 = lanes < _MAXK
        for c, ref in enumerate([orx0, ory0, orx1, ory1, osc]):
            cv = jnp.full((16,), c, i32)
            plsc.store_scatter(out_v, [lanes, cv], ref[pl.ds(0, 16)],
                               mask=m15)
            plsc.store_scatter(out_v, [lanes + _MAXK, cv], ref[pl.ds(16, 16)],
                               mask=m15)
        pltpu.sync_copy(out_v, out_hbm)


def kernel(boxes, scores, labels):
    f32 = jnp.float32
    i32 = jnp.int32

    scores_p = jnp.pad(scores, (0, _NKEY - _N),
                       constant_values=jnp.float32(-1000.0))
    srow = scores_p.reshape(_ROWS, 128)
    scol = scores_p.reshape(_NKEY, 1)
    rank2d = pl.pallas_call(
        _rank_body,
        out_shape=jax.ShapeDtypeStruct((_ROWS, 128), i32),
    )(srow, scol)
    labels_f = jnp.pad(labels, (0, _NPAD - _N))

    sc_fn = functools.partial(
        pl.kernel,
        out_type=jax.ShapeDtypeStruct((2 * _MAXK, 5), f32),
        mesh=plsc.VectorSubcoreMesh(core_axis_name="c", subcore_axis_name="s"),
        compiler_params=pltpu.CompilerParams(needs_layout_passes=False),
        scratch_types=[
            pltpu.VMEM((_N * 4,), f32),
            pltpu.VMEM((_NPAD,), f32),
            pltpu.VMEM((_NPAD,), i32),
            pltpu.VMEM((_ROWS, 128), i32),
            pltpu.VMEM((_NPAD2,), f32),
            pltpu.VMEM((_NPAD2,), f32),
            pltpu.VMEM((_NPAD2,), f32),
            pltpu.VMEM((_NPAD2,), f32),
            pltpu.VMEM((_NPAD2,), f32),
            pltpu.VMEM((_NPAD2,), f32),
            pltpu.VMEM((_NPAD2,), i32),
            pltpu.VMEM((_NPAD2,), f32),
            pltpu.VMEM((_NPAD2,), f32),
            pltpu.VMEM((_NPAD2,), f32),
            pltpu.VMEM((_NPAD2,), f32),
            pltpu.VMEM((32,), f32),
            pltpu.VMEM((32,), f32),
            pltpu.VMEM((32,), f32),
            pltpu.VMEM((32,), f32),
            pltpu.VMEM((32,), f32),
            pltpu.VMEM((32,), f32),
            pltpu.VMEM((32,), f32),
            pltpu.VMEM((32,), f32),
            pltpu.VMEM((32,), f32),
            pltpu.VMEM((32,), f32),
            pltpu.VMEM((2 * _MAXK, 5), f32),
        ],
    )(_sc_body)
    return sc_fn(boxes.reshape(-1), scores_p, labels_f, rank2d)

# --- scband reference (transcript-rebuilt; emitter-appended) ---
"""Pipeline reference for scband-interaction-head-17884243821377 (READ-ONLY COPY).

The authoritative reference and input builder live on the scoring server;
editing this copy changes nothing except your own understanding.
"""

import jax, jax.numpy as jnp
import numpy as np

N = 5000
NUM_OBJ_CLASSES = 81
HUMAN_IDX = 0
NMS_THRESH = 0.5
SCORE_THRESH = 0.2
MAX_HUMAN = 15
MAX_OBJECT = 15


def _pairwise_iou(a, b):
    area_a = (a[:, 2] - a[:, 0]) * (a[:, 3] - a[:, 1])
    area_b = (b[:, 2] - b[:, 0]) * (b[:, 3] - b[:, 1])
    lt = jnp.maximum(a[:, None, :2], b[None, :, :2])
    rb = jnp.minimum(a[:, None, 2:], b[None, :, 2:])
    wh = jnp.clip(rb - lt, 0.0)
    inter = wh[..., 0] * wh[..., 1]
    union = area_a[:, None] + area_b[None, :] - inter
    return inter / jnp.maximum(union, 1e-9)


def setup_inputs(seed: int = 0) -> dict:
    key = jax.random.key(seed)
    k1, k2, k3, k4 = jax.random.split(key, 4)
    xy = jax.random.uniform(k1, (N, 2), minval=0.0, maxval=800.0)
    wh = jax.random.uniform(k2, (N, 2), minval=16.0, maxval=256.0)
    boxes = jnp.concatenate([xy, xy + wh], axis=1).astype(jnp.float32)
    scores = jax.random.uniform(k3, (N,), dtype=jnp.float32)
    labels = jax.random.randint(k4, (N,), 0, NUM_OBJ_CLASSES).astype(jnp.int32)
    return {"boxes": boxes, "scores": scores, "labels": labels}


def reference(boxes, scores, labels):
    # Faithful JAX version of InteractionHead.preprocess core (append_gt=False):
    #   1) score-threshold filter  2) class-aware (batched) NMS
    #   3) sort survivors by score 4) keep top max_human humans + top max_object objects
    valid = scores >= SCORE_THRESH
    # batched_nms trick: offset boxes per class so cross-class IoU is zero
    max_coord = jnp.max(boxes)
    offsets = labels.astype(boxes.dtype) * (max_coord + 1.0)
    boxes_nms = boxes + offsets[:, None]
    # sort descending by score; invalid boxes (score < thresh) sort after all valid ones
    order = jnp.argsort(-jnp.where(valid, scores, -1.0))
    b_s = boxes_nms[order]
    boxes_s = boxes[order]
    scores_s = scores[order]
    labels_s = labels[order]
    valid_s = valid[order]
    ious = _pairwise_iou(b_s, b_s)
    supp = (ious > NMS_THRESH) & jnp.triu(jnp.ones((N, N), dtype=bool), 1)

    def body(i, keep):
        return jnp.where(keep[i], keep & (~supp[i]), keep)

    keep = jax.lax.fori_loop(0, N, body, jnp.ones((N,), dtype=bool))
    keep = keep & valid_s
    is_h = labels_s == HUMAN_IDX
    NEG = jnp.float32(-1e9)
    h_scores = jnp.where(keep & is_h, scores_s, NEG)
    o_scores = jnp.where(keep & (~is_h), scores_s, NEG)
    vh, ih = jax.lax.top_k(h_scores, MAX_HUMAN)
    vo, io = jax.lax.top_k(o_scores, MAX_OBJECT)
    mh = vh > (NEG / 2)
    mo = vo > (NEG / 2)
    boxes_h = jnp.where(mh[:, None], boxes_s[ih], 0.0)
    boxes_o = jnp.where(mo[:, None], boxes_s[io], 0.0)
    scores_h = jnp.where(mh, vh, 0.0)
    scores_o = jnp.where(mo, vo, 0.0)
    out = jnp.concatenate([
        jnp.concatenate([boxes_h, scores_h[:, None]], axis=1),
        jnp.concatenate([boxes_o, scores_o[:, None]], axis=1),
    ], axis=0)
    return out

if __name__ == "__main__":
    import jax
    _d = setup_inputs()
    print(jax.jit(kernel)(*tuple(_d.values())))

</pallas_src>

<mosaic_0001>
#map = affine_map<(d0, d1) -> (0)>
#map1 = affine_map<(d0, d1) -> (0, 0)>
module attributes {stable_mosaic.version = 14 : i64} {
  func.func @_sc_body(%arg0: i32, %arg1: i32, %arg2: memref<20000xf32, #tpu.memory_space<hbm>>, %arg3: memref<5120xf32, #tpu.memory_space<hbm>>, %arg4: memref<5008xi32, #tpu.memory_space<hbm>>, %arg5: memref<40x128xi32, #tpu.memory_space<hbm>>, %arg6: memref<30x5xf32, #tpu.memory_space<hbm>>, %arg7: memref<20000xf32, #tpu.memory_space<vmem>>, %arg8: memref<5008xf32, #tpu.memory_space<vmem>>, %arg9: memref<5008xi32, #tpu.memory_space<vmem>>, %arg10: memref<40x128xi32, #tpu.memory_space<vmem>>, %arg11: memref<5024xf32, #tpu.memory_space<vmem>>, %arg12: memref<5024xf32, #tpu.memory_space<vmem>>, %arg13: memref<5024xf32, #tpu.memory_space<vmem>>, %arg14: memref<5024xf32, #tpu.memory_space<vmem>>, %arg15: memref<5024xf32, #tpu.memory_space<vmem>>, %arg16: memref<5024xf32, #tpu.memory_space<vmem>>, %arg17: memref<5024xi32, #tpu.memory_space<vmem>>, %arg18: memref<5024xf32, #tpu.memory_space<vmem>>, %arg19: memref<5024xf32, #tpu.memory_space<vmem>>, %arg20: memref<5024xf32, #tpu.memory_space<vmem>>, %arg21: memref<5024xf32, #tpu.memory_space<vmem>>, %arg22: memref<32xf32, #tpu.memory_space<vmem>>, %arg23: memref<32xf32, #tpu.memory_space<vmem>>, %arg24: memref<32xf32, #tpu.memory_space<vmem>>, %arg25: memref<32xf32, #tpu.memory_space<vmem>>, %arg26: memref<32xf32, #tpu.memory_space<vmem>>, %arg27: memref<32xf32, #tpu.memory_space<vmem>>, %arg28: memref<32xf32, #tpu.memory_space<vmem>>, %arg29: memref<32xf32, #tpu.memory_space<vmem>>, %arg30: memref<32xf32, #tpu.memory_space<vmem>>, %arg31: memref<32xf32, #tpu.memory_space<vmem>>, %arg32: memref<30x5xf32, #tpu.memory_space<vmem>>) attributes {dimension_semantics = [#tpu.dimension_semantics<core_parallel>, #tpu.dimension_semantics<subcore_parallel>], iteration_bounds = array<i64: 2, 16>, scalar_prefetch = 0 : i64, scratch_operands = 26 : i64, tpu.core_type = #tpu.core_type<sc_vector_subcore>, window_params = [{transform_indices = #map}, {transform_indices = #map}, {transform_indices = #map}, {transform_indices = #map1}, {transform_indices = #map1}]} {
    %eq3A = arith.constant 0 : i32
    %eq3A_0 = arith.cmpi eq, %arg0, %eq3A : i32
    %eq3A_1 = arith.constant 0 : i32
    %eq3A_2 = arith.cmpi eq, %arg1, %eq3A_1 : i32
    %and3A = arith.andi %eq3A_0, %eq3A_2 : i1
    %convert_element_type3A = arith.extui %and3A : i1 to i32
    %cond3A = arith.constant 0 : i32
    %cond3A_3 = arith.cmpi ne, %convert_element_type3A, %cond3A : i32
    scf.if %cond3A_3 {
      "tpu.region"() ({
        %run_scoped3A = tpu.sem_alloc : memref<!tpu.dma_semaphore, #tpu.memory_space<semaphore_mem>>
        tpu.enqueue_dma source(%arg2 : memref<20000xf32, #tpu.memory_space<hbm>>) target(%arg7 : memref<20000xf32, #tpu.memory_space<vmem>>) target_semaphore(%run_scoped3A : memref<!tpu.dma_semaphore, #tpu.memory_space<semaphore_mem>>)
        tpu.wait_dma2 semaphore(%run_scoped3A : memref<!tpu.dma_semaphore, #tpu.memory_space<semaphore_mem>>) src(%arg2 : memref<20000xf32, #tpu.memory_space<hbm>>) dst(%arg7 : memref<20000xf32, #tpu.memory_space<vmem>>)
        tpu.yield
      }) : () -> ()
      "tpu.region"() ({
        %run_scoped3A = tpu.sem_alloc : memref<!tpu.dma_semaphore, #tpu.memory_space<semaphore_mem>>
        %dma_start3A = arith.constant 0 : i32
        %dma_start3A_117 = tpu.memref_slice %arg3[%dma_start3A] : memref<5120xf32, #tpu.memory_space<hbm>> -> memref<5008xf32, #tpu.memory_space<hbm>>
        %dma_start3A_118 = arith.constant 0 : i32
        %dma_start3A_119 = tpu.memref_slice %arg3[%dma_start3A_118] : memref<5120xf32, #tpu.memory_space<hbm>> -> memref<5008xf32, #tpu.memory_space<hbm>>
        tpu.enqueue_dma source(%dma_start3A_119 : memref<5008xf32, #tpu.memory_space<hbm>>) target(%arg8 : memref<5008xf32, #tpu.memory_space<vmem>>) target_semaphore(%run_scoped3A : memref<!tpu.dma_semaphore, #tpu.memory_space<semaphore_mem>>)
        %dma_wait3A = arith.constant 0 : i32
        %dma_wait3A_120 = tpu.memref_slice %arg3[%dma_wait3A] : memref<5120xf32, #tpu.memory_space<hbm>> -> memref<5008xf32, #tpu.memory_space<hbm>>
        %dma_wait3A_121 = arith.constant 0 : i32
        %dma_wait3A_122 = tpu.memref_slice %arg3[%dma_wait3A_121] : memref<5120xf32, #tpu.memory_space<hbm>> -> memref<5008xf32, #tpu.memory_space<hbm>>
        tpu.wait_dma2 semaphore(%run_scoped3A : memref<!tpu.dma_semaphore, #tpu.memory_space<semaphore_mem>>) src(%dma_wait3A_122 : memref<5008xf32, #tpu.memory_space<hbm>>) dst(%arg8 : memref<5008xf32, #tpu.memory_space<vmem>>)
        tpu.yield
      }) : () -> ()
      "tpu.region"() ({
        %run_scoped3A = tpu.sem_alloc : memref<!tpu.dma_semaphore, #tpu.memory_space<semaphore_mem>>
        tpu.enqueue_dma source(%arg4 : memref<5008xi32, #tpu.memory_space<hbm>>) target(%arg9 : memref<5008xi32, #tpu.memory_space<vmem>>) target_semaphore(%run_scoped3A : memref<!tpu.dma_semaphore, #tpu.memory_space<semaphore_mem>>)
        tpu.wait_dma2 semaphore(%run_scoped3A : memref<!tpu.dma_semaphore, #tpu.memory_space<semaphore_mem>>) src(%arg4 : memref<5008xi32, #tpu.memory_space<hbm>>) dst(%arg9 : memref<5008xi32, #tpu.memory_space<vmem>>)
        tpu.yield
      }) : () -> ()
      "tpu.region"() ({
        %run_scoped3A = tpu.sem_alloc : memref<!tpu.dma_semaphore, #tpu.memory_space<semaphore_mem>>
        tpu.enqueue_dma source(%arg5 : memref<40x128xi32, #tpu.memory_space<hbm>>) target(%arg10 : memref<40x128xi32, #tpu.memory_space<vmem>>) target_semaphore(%run_scoped3A : memref<!tpu.dma_semaphore, #tpu.memory_space<semaphore_mem>>)
        tpu.wait_dma2 semaphore(%run_scoped3A : memref<!tpu.dma_semaphore, #tpu.memory_space<semaphore_mem>>) src(%arg5 : memref<40x128xi32, #tpu.memory_space<hbm>>) dst(%arg10 : memref<40x128xi32, #tpu.memory_space<vmem>>)
        tpu.yield
      }) : () -> ()
      %iota3A = tpu.iota {dimensions = array<i32: 0>} : vector<16xi32>
      %broadcast_in_dim3A = arith.constant -3.000000e+38 : f32
      %broadcast_in_dim3A_4 = vector.broadcast %broadcast_in_dim3A : f32 to vector<16xf32>
      %scan3A = arith.constant 0 : i32
      %scan3A_5 = arith.constant 313 : i32
      %scan3A_6 = arith.addi %scan3A, %scan3A_5 : i32
      %scan3A_7 = arith.constant 1 : i32
      %scan3A_8 = scf.for %scan3A_117 = %scan3A to %scan3A_6 step %scan3A_7 iter_args(%scan3A_118 = %broadcast_in_dim3A_4) -> (vector<16xf32>)  : i32 {
        %mul3A = arith.constant 16 : i32
        %mul3A_119 = arith.muli %scan3A_117, %mul3A : i32
        %add3A_120 = vector.broadcast %mul3A_119 : i32 to vector<16xi32>
        %add3A_121 = arith.addi %add3A_120, %iota3A : vector<16xi32>
        %min3A = arith.constant 4999 : i32
        %min3A_122 = vector.broadcast %min3A : i32 to vector<16xi32>
        %min3A_123 = arith.minsi %add3A_121, %min3A_122 : vector<16xi32>
        %jit3A = arith.constant 8 : i32
        %div3A = arith.divsi %scan3A_117, %jit3A : i32
        %sign3A = arith.constant 0 : i32
        %sign3A_124 = arith.cmpi sgt, %scan3A_117, %sign3A : i32
        %sign3A_125 = arith.extui %sign3A_124 : i1 to i32
        %sign3A_126 = arith.constant 0 : i32
        %sign3A_127 = arith.cmpi slt, %scan3A_117, %sign3A_126 : i32
        %sign3A_128 = arith.extui %sign3A_127 : i1 to i32
        %sign3A_129 = arith.subi %sign3A_125, %sign3A_128 : i32
        %sign3A_130 = arith.constant 0 : i32
        %sign3A_131 = arith.cmpi sgt, %jit3A, %sign3A_130 : i32
        %sign3A_132 = arith.extui %sign3A_131 : i1 to i32
        %sign3A_133 = arith.constant 0 : i32
        %sign3A_134 = arith.cmpi slt, %jit3A, %sign3A_133 : i32
        %sign3A_135 = arith.extui %sign3A_134 : i1 to i32
        %sign3A_136 = arith.subi %sign3A_132, %sign3A_135 : i32
        %ne3A = arith.cmpi ne, %sign3A_129, %sign3A_136 : i32
        %rem3A = arith.remsi %scan3A_117, %jit3A : i32
        %ne3A_137 = arith.constant 0 : i32
        %ne3A_138 = arith.cmpi ne, %rem3A, %ne3A_137 : i32
        %and3A_139 = arith.andi %ne3A, %ne3A_138 : i1
        %sub3A = arith.constant 1 : i32
        %sub3A_140 = arith.subi %div3A, %sub3A : i32
        %select_n3A = arith.select %and3A_139, %sub3A_140, %div3A : i32
        %broadcast_in_dim3A_141 = vector.broadcast %select_n3A : i32 to vector<16xi32>
        %jit3A_142 = arith.constant 8 : i32
        %eq3A_143 = arith.constant 0 : i32
        %eq3A_144 = arith.cmpi eq, %jit3A_142, %eq3A_143 : i32
        %jit3A_145 = arith.constant 1 : i32
        %select_n3A_146 = arith.select %eq3A_144, %jit3A_145, %jit3A_142 : i32
        %rem3A_147 = arith.remsi %scan3A_117, %select_n3A_146 : i32
        %ne3A_148 = arith.constant 0 : i32
        %ne3A_149 = arith.cmpi ne, %rem3A_147, %ne3A_148 : i32
        %lt3A_150 = arith.constant 0 : i32
        %lt3A_151 = arith.cmpi slt, %rem3A_147, %lt3A_150 : i32
        %lt3A_152 = arith.constant 0 : i32
        %lt3A_153 = arith.cmpi slt, %select_n3A_146, %lt3A_152 : i32
        %ne3A_154 = arith.xori %lt3A_151, %lt3A_153 : i1
        %and3A_155 = arith.andi %ne3A_154, %ne3A_149 : i1
        %add3A_156 = arith.addi %rem3A_147, %select_n3A_146 : i32
        %select_n3A_157 = arith.select %and3A_155, %add3A_156, %rem3A_147 : i32
        %mul3A_158 = arith.constant 16 : i32
        %mul3A_159 = arith.muli %select_n3A_157, %mul3A_158 : i32
        %add3A_160 = vector.broadcast %mul3A_159 : i32 to vector<16xi32>
        %add3A_161 = arith.addi %add3A_160, %iota3A : vector<16xi32>
        %gather3A = tpu.vector_load_idx %arg10[%broadcast_in_dim3A_141, %add3A_161] : memref<40x128xi32, #tpu.memory_space<vmem>>[vector<16xi32>, vector<16xi32>], vector<16xi32>,
        %mul3A_162 = arith.constant 16 : i32
        %mul3A_163 = arith.muli %scan3A_117, %mul3A_162 : i32
        %get3A_164 = arith.index_cast %mul3A_163 : i32 to index
        %get3A_165 = tpu.vector_load %arg8[%get3A_164] {strides = array<i32>} : memref<5008xf32, #tpu.memory_space<vmem>>, vector<16xf32>,
        %mul3A_166 = arith.constant 16 : i32
        %mul3A_167 = arith.muli %scan3A_117, %mul3A_166 : i32
        %get3A_168 = arith.index_cast %mul3A_167 : i32 to index
        %get3A_169 = tpu.vector_load %arg9[%get3A_168] {strides = array<i32>} : memref<5008xi32, #tpu.memory_space<vmem>>, vector<16xi32>,
        %mul3A_170 = arith.constant 4 : i32
        %mul3A_171 = vector.broadcast %mul3A_170 : i32 to vector<16xi32>
        %mul3A_172 = arith.muli %min3A_123, %mul3A_171 : vector<16xi32>
        %gather3A_173 = tpu.vector_load_idx %arg7[%mul3A_172] : memref<20000xf32, #tpu.memory_space<vmem>>[vector<16xi32>], vector<16xf32>,
        %mul3A_174 = arith.constant 4 : i32
        %mul3A_175 = vector.broadcast %mul3A_174 : i32 to vector<16xi32>
        %mul3A_176 = arith.muli %min3A_123, %mul3A_175 : vector<16xi32>
        %add3A_177 = arith.constant 1 : i32
        %add3A_178 = vector.broadcast %add3A_177 : i32 to vector<16xi32>
        %add3A_179 = arith.addi %mul3A_176, %add3A_178 : vector<16xi32>
        %gather3A_180 = tpu.vector_load_idx %arg7[%add3A_179] : memref<20000xf32, #tpu.memory_space<vmem>>[vector<16xi32>], vector<16xf32>,
        %mul3A_181 = arith.constant 4 : i32
        %mul3A_182 = vector.broadcast %mul3A_181 : i32 to vector<16xi32>
        %mul3A_183 = arith.muli %min3A_123, %mul3A_182 : vector<16xi32>
        %add3A_184 = arith.constant 2 : i32
        %add3A_185 = vector.broadcast %add3A_184 : i32 to vector<16xi32>
        %add3A_186 = arith.addi %mul3A_183, %add3A_185 : vector<16xi32>
        %gather3A_187 = tpu.vector_load_idx %arg7[%add3A_186] : memref<20000xf32, #tpu.memory_space<vmem>>[vector<16xi32>], vector<16xf32>,
        %mul3A_188 = arith.constant 4 : i32
        %mul3A_189 = vector.broadcast %mul3A_188 : i32 to vector<16xi32>
        %mul3A_190 = arith.muli %min3A_123, %mul3A_189 : vector<16xi32>
        %add3A_191 = arith.constant 3 : i32
        %add3A_192 = vector.broadcast %add3A_191 : i32 to vector<16xi32>
        %add3A_193 = arith.addi %mul3A_190, %add3A_192 : vector<16xi32>
        %gather3A_194 = tpu.vector_load_idx %arg7[%add3A_193] : memref<20000xf32, #tpu.memory_space<vmem>>[vector<16xi32>], vector<16xf32>,
        %lt3A_195 = arith.constant 5000 : i32
        %lt3A_196 = vector.broadcast %lt3A_195 : i32 to vector<16xi32>
        %lt3A_197 = arith.cmpi slt, %add3A_121, %lt3A_196 : vector<16xi32>
        tpu.vector_store_idx %arg16[%gather3A], %get3A_165 masked %lt3A_197 : memref<5024xf32, #tpu.memory_space<vmem>>[vector<16xi32>], vector<16xf32>, vector<16xi1>
        tpu.vector_store_idx %arg17[%gather3A], %get3A_169 masked %lt3A_197 : memref<5024xi32, #tpu.memory_space<vmem>>[vector<16xi32>], vector<16xi32>, vector<16xi1>
        tpu.vector_store_idx %arg18[%gather3A], %gather3A_173 masked %lt3A_197 : memref<5024xf32, #tpu.memory_space<vmem>>[vector<16xi32>], vector<16xf32>, vector<16xi1>
        tpu.vector_store_idx %arg19[%gather3A], %gather3A_180 masked %lt3A_197 : memref<5024xf32, #tpu.memory_space<vmem>>[vector<16xi32>], vector<16xf32>, vector<16xi1>
        tpu.vector_store_idx %arg20[%gather3A], %gather3A_187 masked %lt3A_197 : memref<5024xf32, #tpu.memory_space<vmem>>[vector<16xi32>], vector<16xf32>, vector<16xi1>
        tpu.vector_store_idx %arg21[%gather3A], %gather3A_194 masked %lt3A_197 : memref<5024xf32, #tpu.memory_space<vmem>>[vector<16xi32>], vector<16xf32>, vector<16xi1>
        %max3A = arith.maximumf %gather3A_187, %gather3A_194 : vector<16xf32>
        %max3A_198 = arith.maximumf %scan3A_118, %max3A : vector<16xf32>
        scf.yield %max3A_198 : vector<16xf32>
      }
      %scan3A_9 = arith.constant 313 : i32
      %reduce_max3A = arith.constant true
      %reduce_max3A_10 = vector.broadcast %reduce_max3A : i1 to vector<16xi1>
      %reduce_max3A_11 = tpu.scan <max>, %scan3A_8 masked %reduce_max3A_10 : vector<16xf32>, vector<16xi1> -> vector<16xf32>
      %reduce_max3A_12 = vector.extract %reduce_max3A_11[15] : f32 from vector<16xf32>
      %add3A = arith.constant 1.000000e+00 : f32
      %add3A_13 = arith.addf %reduce_max3A_12, %add3A : f32
      %scan3A_14 = arith.constant 0 : i32
      %scan3A_15 = arith.constant 0 : i32
      %scan3A_16 = arith.constant 313 : i32
      %scan3A_17 = arith.addi %scan3A_15, %scan3A_16 : i32
      %scan3A_18 = arith.constant 1 : i32
      %scan3A_19 = scf.for %scan3A_117 = %scan3A_15 to %scan3A_17 step %scan3A_18 iter_args(%scan3A_118 = %scan3A_14) -> (i32)  : i32 {
        %mul3A = arith.constant 16 : i32
        %mul3A_119 = arith.muli %scan3A_117, %mul3A : i32
        %get3A_120 = arith.index_cast %mul3A_119 : i32 to index
        %get3A_121 = tpu.vector_load %arg18[%get3A_120] {strides = array<i32>} : memref<5024xf32, #tpu.memory_space<vmem>>, vector<16xf32>,
        %get3A_122 = arith.index_cast %mul3A_119 : i32 to index
        %get3A_123 = tpu.vector_load %arg19[%get3A_122] {strides = array<i32>} : memref<5024xf32, #tpu.memory_space<vmem>>, vector<16xf32>,
        %get3A_124 = arith.index_cast %mul3A_119 : i32 to index
        %get3A_125 = tpu.vector_load %arg20[%get3A_124] {strides = array<i32>} : memref<5024xf32, #tpu.memory_space<vmem>>, vector<16xf32>,
        %get3A_126 = arith.index_cast %mul3A_119 : i32 to index
        %get3A_127 = tpu.vector_load %arg21[%get3A_126] {strides = array<i32>} : memref<5024xf32, #tpu.memory_space<vmem>>, vector<16xf32>,
        %get3A_128 = arith.index_cast %mul3A_119 : i32 to index
        %get3A_129 = tpu.vector_load %arg17[%get3A_128] {strides = array<i32>} : memref<5024xi32, #tpu.memory_space<vmem>>, vector<16xi32>,
        %convert_element_type3A_130 = arith.sitofp %get3A_129 : vector<16xi32> to vector<16xf32>
        %mul3A_131 = vector.broadcast %add3A_13 : f32 to vector<16xf32>
        %mul3A_132 = arith.mulf %convert_element_type3A_130, %mul3A_131 : vector<16xf32>
        %add3A_133 = arith.addf %get3A_121, %mul3A_132 : vector<16xf32>
        %add3A_134 = arith.addf %get3A_123, %mul3A_132 : vector<16xf32>
        %add3A_135 = arith.addf %get3A_125, %mul3A_132 : vector<16xf32>
        %add3A_136 = arith.addf %get3A_127, %mul3A_132 : vector<16xf32>
        %swap3A_137 = arith.index_cast %mul3A_119 : i32 to index
        %swap3A_138 = tpu.vector_load %arg11[%swap3A_137] {strides = array<i32>} : memref<5024xf32, #tpu.memory_space<vmem>>, vector<16xf32>,
        tpu.vector_store %arg11[%swap3A_137], %add3A_133 {strides = array<i32>} : memref<5024xf32, #tpu.memory_space<vmem>>, vector<16xf32>,
        %swap3A_139 = arith.index_cast %mul3A_119 : i32 to index
        %swap3A_140 = tpu.vector_load %arg12[%swap3A_139] {strides = array<i32>} : memref<5024xf32, #tpu.memory_space<vmem>>, vector<16xf32>,
        tpu.vector_store %arg12[%swap3A_139], %add3A_134 {strides = array<i32>} : memref<5024xf32, #tpu.memory_space<vmem>>, vector<16xf32>,
        %swap3A_141 = arith.index_cast %mul3A_119 : i32 to index
        %swap3A_142 = tpu.vector_load %arg13[%swap3A_141] {strides = array<i32>} : memref<5024xf32, #tpu.memory_space<vmem>>, vector<16xf32>,
        tpu.vector_store %arg13[%swap3A_141], %add3A_135 {strides = array<i32>} : memref<5024xf32, #tpu.memory_space<vmem>>, vector<16xf32>,
        %swap3A_143 = arith.index_cast %mul3A_119 : i32 to index
        %swap3A_144 = tpu.vector_load %arg14[%swap3A_143] {strides = array<i32>} : memref<5024xf32, #tpu.memory_space<vmem>>, vector<16xf32>,
        tpu.vector_store %arg14[%swap3A_143], %add3A_136 {strides = array<i32>} : memref<5024xf32, #tpu.memory_space<vmem>>, vector<16xf32>,
        %sub3A = arith.subf %add3A_135, %add3A_133 : vector<16xf32>
        %sub3A_145 = arith.subf %add3A_136, %add3A_134 : vector<16xf32>
        %mul3A_146 = arith.mulf %sub3A, %sub3A_145 : vector<16xf32>
        %swap3A_147 = arith.index_cast %mul3A_119 : i32 to index
        %swap3A_148 = tpu.vector_load %arg15[%swap3A_147] {strides = array<i32>} : memref<5024xf32, #tpu.memory_space<vmem>>, vector<16xf32>,
        tpu.vector_store %arg15[%swap3A_147], %mul3A_146 {strides = array<i32>} : memref<5024xf32, #tpu.memory_space<vmem>>, vector<16xf32>,
        %scan3A_149 = arith.constant 0 : i32
        scf.yield %scan3A_149 : i32
      }
      %scan3A_20 = arith.constant 313 : i32
      %broadcast_in_dim3A_21 = arith.constant 1.000000e+30 : f32
      %broadcast_in_dim3A_22 = vector.broadcast %broadcast_in_dim3A_21 : f32 to vector<16xf32>
      %broadcast_in_dim3A_23 = arith.constant -1.000000e+30 : f32
      %broadcast_in_dim3A_24 = vector.broadcast %broadcast_in_dim3A_23 : f32 to vector<16xf32>
      %broadcast_in_dim3A_25 = arith.constant 0.000000e+00 : f32
      %broadcast_in_dim3A_26 = vector.broadcast %broadcast_in_dim3A_25 : f32 to vector<16xf32>
      %swap3A = arith.constant 0 : index
      %swap3A_27 = tpu.vector_load %arg22[%swap3A] {strides = array<i32>} : memref<32xf32, #tpu.memory_space<vmem>>, vector<16xf32>,
      tpu.vector_store %arg22[%swap3A], %broadcast_in_dim3A_22 {strides = array<i32>} : memref<32xf32, #tpu.memory_space<vmem>>, vector<16xf32>,
      %swap3A_28 = arith.constant 0 : index
      %swap3A_29 = tpu.vector_load %arg23[%swap3A_28] {strides = array<i32>} : memref<32xf32, #tpu.memory_space<vmem>>, vector<16xf32>,
      tpu.vector_store %arg23[%swap3A_28], %broadcast_in_dim3A_22 {strides = array<i32>} : memref<32xf32, #tpu.memory_space<vmem>>, vector<16xf32>,
      %swap3A_30 = arith.constant 0 : index
      %swap3A_31 = tpu.vector_load %arg24[%swap3A_30] {strides = array<i32>} : memref<32xf32, #tpu.memory_space<vmem>>, vector<16xf32>,
      tpu.vector_store %arg24[%swap3A_30], %broadcast_in_dim3A_24 {strides = array<i32>} : memref<32xf32, #tpu.memory_space<vmem>>, vector<16xf32>,
      %swap3A_32 = arith.constant 0 : index
      %swap3A_33 = tpu.vector_load %arg25[%swap3A_32] {strides = array<i32>} : memref<32xf32, #tpu.memory_space<vmem>>, vector<16xf32>,
      tpu.vector_store %arg25[%swap3A_32], %broadcast_in_dim3A_24 {strides = array<i32>} : memref<32xf32, #tpu.memory_space<vmem>>, vector<16xf32>,
      %swap3A_34 = arith.constant 0 : index
      %swap3A_35 = tpu.vector_load %arg26[%swap3A_34] {strides = array<i32>} : memref<32xf32, #tpu.memory_space<vmem>>, vector<16xf32>,
      tpu.vector_store %arg26[%swap3A_34], %broadcast_in_dim3A_26 {strides = array<i32>} : memref<32xf32, #tpu.memory_space<vmem>>, vector<16xf32>,
      %swap3A_36 = arith.constant 0 : index
      %swap3A_37 = tpu.vector_load %arg27[%swap3A_36] {strides = array<i32>} : memref<32xf32, #tpu.memory_space<vmem>>, vector<16xf32>,
      tpu.vector_store %arg27[%swap3A_36], %broadcast_in_dim3A_26 {strides = array<i32>} : memref<32xf32, #tpu.memory_space<vmem>>, vector<16xf32>,
      %swap3A_38 = arith.constant 0 : index
      %swap3A_39 = tpu.vector_load %arg28[%swap3A_38] {strides = array<i32>} : memref<32xf32, #tpu.memory_space<vmem>>, vector<16xf32>,
      tpu.vector_store %arg28[%swap3A_38], %broadcast_in_dim3A_26 {strides = array<i32>} : memref<32xf32, #tpu.memory_space<vmem>>, vector<16xf32>,
      %swap3A_40 = arith.constant 0 : index
      %swap3A_41 = tpu.vector_load %arg29[%swap3A_40] {strides = array<i32>} : memref<32xf32, #tpu.memory_space<vmem>>, vector<16xf32>,
      tpu.vector_store %arg29[%swap3A_40], %broadcast_in_dim3A_26 {strides = array<i32>} : memref<32xf32, #tpu.memory_space<vmem>>, vector<16xf32>,
      %swap3A_42 = arith.constant 0 : index
      %swap3A_43 = tpu.vector_load %arg30[%swap3A_42] {strides = array<i32>} : memref<32xf32, #tpu.memory_space<vmem>>, vector<16xf32>,
      tpu.vector_store %arg30[%swap3A_42], %broadcast_in_dim3A_26 {strides = array<i32>} : memref<32xf32, #tpu.memory_space<vmem>>, vector<16xf32>,
      %swap3A_44 = arith.constant 0 : index
      %swap3A_45 = tpu.vector_load %arg31[%swap3A_44] {strides = array<i32>} : memref<32xf32, #tpu.memory_space<vmem>>, vector<16xf32>,
      tpu.vector_store %arg31[%swap3A_44], %broadcast_in_dim3A_26 {strides = array<i32>} : memref<32xf32, #tpu.memory_space<vmem>>, vector<16xf32>,
      %swap3A_46 = arith.constant 16 : index
      %swap3A_47 = tpu.vector_load %arg22[%swap3A_46] {strides = array<i32>} : memref<32xf32, #tpu.memory_space<vmem>>, vector<16xf32>,
      tpu.vector_store %arg22[%swap3A_46], %broadcast_in_dim3A_22 {strides = array<i32>} : memref<32xf32, #tpu.memory_space<vmem>>, vector<16xf32>,
      %swap3A_48 = arith.constant 16 : index
      %swap3A_49 = tpu.vector_load %arg23[%swap3A_48] {strides = array<i32>} : memref<32xf32, #tpu.memory_space<vmem>>, vector<16xf32>,
      tpu.vector_store %arg23[%swap3A_48], %broadcast_in_dim3A_22 {strides = array<i32>} : memref<32xf32, #tpu.memory_space<vmem>>, vector<16xf32>,
      %swap3A_50 = arith.constant 16 : index
      %swap3A_51 = tpu.vector_load %arg24[%swap3A_50] {strides = array<i32>} : memref<32xf32, #tpu.memory_space<vmem>>, vector<16xf32>,
      tpu.vector_store %arg24[%swap3A_50], %broadcast_in_dim3A_24 {strides = array<i32>} : memref<32xf32, #tpu.memory_space<vmem>>, vector<16xf32>,
      %swap3A_52 = arith.constant 16 : index
      %swap3A_53 = tpu.vector_load %arg25[%swap3A_52] {strides = array<i32>} : memref<32xf32, #tpu.memory_space<vmem>>, vector<16xf32>,
      tpu.vector_store %arg25[%swap3A_52], %broadcast_in_dim3A_24 {strides = array<i32>} : memref<32xf32, #tpu.memory_space<vmem>>, vector<16xf32>,
      %swap3A_54 = arith.constant 16 : index
      %swap3A_55 = tpu.vector_load %arg26[%swap3A_54] {strides = array<i32>} : memref<32xf32, #tpu.memory_space<vmem>>, vector<16xf32>,
      tpu.vector_store %arg26[%swap3A_54], %broadcast_in_dim3A_26 {strides = array<i32>} : memref<32xf32, #tpu.memory_space<vmem>>, vector<16xf32>,
      %swap3A_56 = arith.constant 16 : index
      %swap3A_57 = tpu.vector_load %arg27[%swap3A_56] {strides = array<i32>} : memref<32xf32, #tpu.memory_space<vmem>>, vector<16xf32>,
      tpu.vector_store %arg27[%swap3A_56], %broadcast_in_dim3A_26 {strides = array<i32>} : memref<32xf32, #tpu.memory_space<vmem>>, vector<16xf32>,
      %swap3A_58 = arith.constant 16 : index
      %swap3A_59 = tpu.vector_load %arg28[%swap3A_58] {strides = array<i32>} : memref<32xf32, #tpu.memory_space<vmem>>, vector<16xf32>,
      tpu.vector_store %arg28[%swap3A_58], %broadcast_in_dim3A_26 {strides = array<i32>} : memref<32xf32, #tpu.memory_space<vmem>>, vector<16xf32>,
      %swap3A_60 = arith.constant 16 : index
      %swap3A_61 = tpu.vector_load %arg29[%swap3A_60] {strides = array<i32>} : memref<32xf32, #tpu.memory_space<vmem>>, vector<16xf32>,
      tpu.vector_store %arg29[%swap3A_60], %broadcast_in_dim3A_26 {strides = array<i32>} : memref<32xf32, #tpu.memory_space<vmem>>, vector<16xf32>,
      %swap3A_62 = arith.constant 16 : index
      %swap3A_63 = tpu.vector_load %arg30[%swap3A_62] {strides = array<i32>} : memref<32xf32, #tpu.memory_space<vmem>>, vector<16xf32>,
      tpu.vector_store %arg30[%swap3A_62], %broadcast_in_dim3A_26 {strides = array<i32>} : memref<32xf32, #tpu.memory_space<vmem>>, vector<16xf32>,
      %swap3A_64 = arith.constant 16 : index
      %swap3A_65 = tpu.vector_load %arg31[%swap3A_64] {strides = array<i32>} : memref<32xf32, #tpu.memory_space<vmem>>, vector<16xf32>,
      tpu.vector_store %arg31[%swap3A_64], %broadcast_in_dim3A_26 {strides = array<i32>} : memref<32xf32, #tpu.memory_space<vmem>>, vector<16xf32>,
      %while3A = arith.constant 2.000000e-01 : f32
      %while3A_66 = arith.constant 0 : i32
      %while3A_67 = arith.constant 0 : i32
      %while3A_68 = arith.constant 0 : i32
      %while3A_69 = arith.constant false
      %while3A_70:4 = scf.while (%while3A_117 = %while3A_66, %while3A_118 = %while3A_67, %while3A_119 = %while3A_68, %while3A_120 = %while3A_69) : (i32, i32, i32, i1) -> (i32, i32, i32, i1) {
        %not3A = arith.constant true
        %not3A_121 = arith.xori %while3A_120, %not3A : i1
        %lt3A_122 = arith.constant 5000 : i32
        %lt3A_123 = arith.cmpi slt, %while3A_117, %lt3A_122 : i32
        %and3A_124 = arith.andi %not3A_121, %lt3A_123 : i1
        scf.condition(%and3A_124) %while3A_117, %while3A_118, %while3A_119, %while3A_120 : i32, i32, i32, i1
      } do {
      ^bb0(%while3A_117: i32, %while3A_118: i32, %while3A_119: i32, %while3A_120: i1):
        %add3A_121 = vector.broadcast %while3A_117 : i32 to vector<16xi32>
        %add3A_122 = arith.addi %add3A_121, %iota3A : vector<16xi32>
        %gather3A = tpu.vector_load_idx %arg16[%add3A_122] : memref<5024xf32, #tpu.memory_space<vmem>>[vector<16xi32>], vector<16xf32>,
        %gather3A_123 = tpu.vector_load_idx %arg17[%add3A_122] : memref<5024xi32, #tpu.memory_space<vmem>>[vector<16xi32>], vector<16xi32>,
        %gather3A_124 = tpu.vector_load_idx %arg11[%add3A_122] : memref<5024xf32, #tpu.memory_space<vmem>>[vector<16xi32>], vector<16xf32>,
        %gather3A_125 = tpu.vector_load_idx %arg12[%add3A_122] : memref<5024xf32, #tpu.memory_space<vmem>>[vector<16xi32>], vector<16xf32>,
        %gather3A_126 = tpu.vector_load_idx %arg13[%add3A_122] : memref<5024xf32, #tpu.memory_space<vmem>>[vector<16xi32>], vector<16xf32>,
        %gather3A_127 = tpu.vector_load_idx %arg14[%add3A_122] : memref<5024xf32, #tpu.memory_space<vmem>>[vector<16xi32>], vector<16xf32>,
        %gather3A_128 = tpu.vector_load_idx %arg15[%add3A_122] : memref<5024xf32, #tpu.memory_space<vmem>>[vector<16xi32>], vector<16xf32>,
        %eq3A_129 = arith.constant 0 : i32
        %eq3A_130 = vector.broadcast %eq3A_129 : i32 to vector<16xi32>
        %eq3A_131 = arith.cmpi eq, %gather3A_123, %eq3A_130 : vector<16xi32>
        %lt3A_132 = vector.broadcast %while3A : f32 to vector<16xf32>
        %lt3A_133 = arith.cmpf olt, %gather3A, %lt3A_132 : vector<16xf32>
        %ge3A = arith.constant 5000 : i32
        %ge3A_134 = vector.broadcast %ge3A : i32 to vector<16xi32>
        %ge3A_135 = arith.cmpi sge, %add3A_122, %ge3A_134 : vector<16xi32>
        %or3A = arith.ori %lt3A_133, %ge3A_135 : vector<16xi1>
        %ge3A_136 = arith.constant 15 : i32
        %ge3A_137 = arith.cmpi sge, %while3A_118, %ge3A_136 : i32
        %ge3A_138 = arith.constant 15 : i32
        %ge3A_139 = arith.cmpi sge, %while3A_119, %ge3A_138 : i32
        %broadcast_in_dim3A_140 = vector.broadcast %ge3A_137 : i1 to vector<16xi1>
        %broadcast_in_dim3A_141 = vector.broadcast %ge3A_139 : i1 to vector<16xi1>
        %select_n3A = arith.select %eq3A_131, %broadcast_in_dim3A_140, %broadcast_in_dim3A_141 : vector<16xi1>, vector<16xi1>
        %jit3A = arith.constant 0 : i32
        %jit3A_142 = arith.constant 16 : i32
        %broadcast_in_dim3A_143 = vector.broadcast %jit3A : i32 to vector<16xi32>
        %broadcast_in_dim3A_144 = vector.broadcast %jit3A_142 : i32 to vector<16xi32>
        %select_n3A_145 = arith.select %eq3A_131, %broadcast_in_dim3A_143, %broadcast_in_dim3A_144 : vector<16xi1>, vector<16xi32>
        %not3A = arith.constant dense<true> : vector<16xi1>
        %not3A_146 = arith.xori %or3A, %not3A : vector<16xi1>
        %not3A_147 = arith.constant dense<true> : vector<16xi1>
        %not3A_148 = arith.xori %select_n3A, %not3A_147 : vector<16xi1>
        %and3A_149 = arith.andi %not3A_146, %not3A_148 : vector<16xi1>
        %reduce_or3A = arith.constant 1.000000e+00 : f32
        %reduce_or3A_150 = arith.constant 0.000000e+00 : f32
        %reduce_or3A_151 = vector.broadcast %reduce_or3A : f32 to vector<16xf32>
        %reduce_or3A_152 = vector.broadcast %reduce_or3A_150 : f32 to vector<16xf32>
        %reduce_or3A_153 = arith.select %and3A_149, %reduce_or3A_151, %reduce_or3A_152 : vector<16xi1>, vector<16xf32>
        %reduce_or3A_154 = arith.constant true
        %reduce_or3A_155 = vector.broadcast %reduce_or3A_154 : i1 to vector<16xi1>
        %reduce_or3A_156 = tpu.scan <max>, %reduce_or3A_153 masked %reduce_or3A_155 : vector<16xf32>, vector<16xi1> -> vector<16xf32>
        %reduce_or3A_157 = vector.extract %reduce_or3A_156[15] : f32 from vector<16xf32>
        %reduce_or3A_158 = arith.constant 0.000000e+00 : f32
        %reduce_or3A_159 = arith.cmpf ogt, %reduce_or3A_157, %reduce_or3A_158 : f32
        %convert_element_type3A_160 = arith.extui %reduce_or3A_159 : i1 to i32
        %cond3A_161 = arith.constant 0 : i32
        %cond3A_162 = arith.cmpi ne, %convert_element_type3A_160, %cond3A_161 : i32
        %cond3A_163 = scf.if %cond3A_162 -> (vector<16xi1>) {
          %broadcast_in_dim3A_208 = arith.constant false
          %broadcast_in_dim3A_209 = vector.broadcast %broadcast_in_dim3A_208 : i1 to vector<16xi1>
          %add3A_210 = arith.constant 0 : i32
          %add3A_211 = vector.broadcast %add3A_210 : i32 to vector<16xi32>
          %add3A_212 = arith.addi %select_n3A_145, %add3A_211 : vector<16xi32>
          %gather3A_213 = tpu.vector_load_idx %arg22[%add3A_212] : memref<32xf32, #tpu.memory_space<vmem>>[vector<16xi32>], vector<16xf32>,
          %gather3A_214 = tpu.vector_load_idx %arg23[%add3A_212] : memref<32xf32, #tpu.memory_space<vmem>>[vector<16xi32>], vector<16xf32>,
          %gather3A_215 = tpu.vector_load_idx %arg24[%add3A_212] : memref<32xf32, #tpu.memory_space<vmem>>[vector<16xi32>], vector<16xf32>,
          %gather3A_216 = tpu.vector_load_idx %arg25[%add3A_212] : memref<32xf32, #tpu.memory_space<vmem>>[vector<16xi32>], vector<16xf32>,
          %gather3A_217 = tpu.vector_load_idx %arg26[%add3A_212] : memref<32xf32, #tpu.memory_space<vmem>>[vector<16xi32>], vector<16xf32>,
          %max3A = arith.maximumf %gather3A_124, %gather3A_213 : vector<16xf32>
          %max3A_218 = arith.maximumf %gather3A_125, %gather3A_214 : vector<16xf32>
          %min3A_219 = arith.minimumf %gather3A_126, %gather3A_215 : vector<16xf32>
          %min3A_220 = arith.minimumf %gather3A_127, %gather3A_216 : vector<16xf32>
          %sub3A = arith.subf %min3A_219, %max3A : vector<16xf32>
          %max3A_221 = arith.constant 0.000000e+00 : f32
          %max3A_222 = vector.broadcast %max3A_221 : f32 to vector<16xf32>
          %max3A_223 = arith.maximumf %sub3A, %max3A_222 : vector<16xf32>
          %sub3A_224 = arith.subf %min3A_220, %max3A_218 : vector<16xf32>
          %max3A_225 = arith.constant 0.000000e+00 : f32
          %max3A_226 = vector.broadcast %max3A_225 : f32 to vector<16xf32>
          %max3A_227 = arith.maximumf %sub3A_224, %max3A_226 : vector<16xf32>
          %mul3A = arith.mulf %max3A_223, %max3A_227 : vector<16xf32>
          %add3A_228 = arith.addf %gather3A_128, %gather3A_217 : vector<16xf32>
          %sub3A_229 = arith.subf %add3A_228, %mul3A : vector<16xf32>
          %max3A_230 = arith.constant 9.99999971E-10 : f32
          %max3A_231 = vector.broadcast %max3A_230 : f32 to vector<16xf32>
          %max3A_232 = arith.maximumf %sub3A_229, %max3A_231 : vector<16xf32>
          %div3A = arith.divf %mul3A, %max3A_232 : vector<16xf32>
          %gt3A = arith.constant 5.000000e-01 : f32
          %gt3A_233 = vector.broadcast %gt3A : f32 to vector<16xf32>
          %gt3A_234 = arith.cmpf ogt, %div3A, %gt3A_233 : vector<16xf32>
          %or3A_235 = arith.ori %broadcast_in_dim3A_209, %gt3A_234 : vector<16xi1>
          %add3A_236 = arith.constant 1 : i32
          %add3A_237 = vector.broadcast %add3A_236 : i32 to vector<16xi32>
          %add3A_238 = arith.addi %select_n3A_145, %add3A_237 : vector<16xi32>
          %gather3A_239 = tpu.vector_load_idx %arg22[%add3A_238] : memref<32xf32, #tpu.memory_space<vmem>>[vector<16xi32>], vector<16xf32>,
          %gather3A_240 = tpu.vector_load_idx %arg23[%add3A_238] : memref<32xf32, #tpu.memory_space<vmem>>[vector<16xi32>], vector<16xf32>,
          %gather3A_241 = tpu.vector_load_idx %arg24[%add3A_238] : memref<32xf32, #tpu.memory_space<vmem>>[vector<16xi32>], vector<16xf32>,
          %gather3A_242 = tpu.vector_load_idx %arg25[%add3A_238] : memref<32xf32, #tpu.memory_space<vmem>>[vector<16xi32>], vector<16xf32>,
          %gather3A_243 = tpu.vector_load_idx %arg26[%add3A_238] : memref<32xf32, #tpu.memory_space<vmem>>[vector<16xi32>], vector<16xf32>,
          %max3A_244 = arith.maximumf %gather3A_124, %gather3A_239 : vector<16xf32>
          %max3A_245 = arith.maximumf %gather3A_125, %gather3A_240 : vector<16xf32>
          %min3A_246 = arith.minimumf %gather3A_126, %gather3A_241 : vector<16xf32>
          %min3A_247 = arith.minimumf %gather3A_127, %gather3A_242 : vector<16xf32>
          %sub3A_248 = arith.subf %min3A_246, %max3A_244 : vector<16xf32>
          %max3A_249 = arith.constant 0.000000e+00 : f32
          %max3A_250 = vector.broadcast %max3A_249 : f32 to vector<16xf32>
          %max3A_251 = arith.maximumf %sub3A_248, %max3A_250 : vector<16xf32>
          %sub3A_252 = arith.subf %min3A_247, %max3A_245 : vector<16xf32>
          %max3A_253 = arith.constant 0.000000e+00 : f32
          %max3A_254 = vector.broadcast %max3A_253 : f32 to vector<16xf32>
          %max3A_255 = arith.maximumf %sub3A_252, %max3A_254 : vector<16xf32>
          %mul3A_256 = arith.mulf %max3A_251, %max3A_255 : vector<16xf32>
          %add3A_257 = arith.addf %gather3A_128, %gather3A_243 : vector<16xf32>
          %sub3A_258 = arith.subf %add3A_257, %mul3A_256 : vector<16xf32>
          %max3A_259 = arith.constant 9.99999971E-10 : f32
          %max3A_260 = vector.broadcast %max3A_259 : f32 to vector<16xf32>
          %max3A_261 = arith.maximumf %sub3A_258, %max3A_260 : vector<16xf32>
          %div3A_262 = arith.divf %mul3A_256, %max3A_261 : vector<16xf32>
          %gt3A_263 = arith.constant 5.000000e-01 : f32
          %gt3A_264 = vector.broadcast %gt3A_263 : f32 to vector<16xf32>
          %gt3A_265 = arith.cmpf ogt, %div3A_262, %gt3A_264 : vector<16xf32>
          %or3A_266 = arith.ori %or3A_235, %gt3A_265 : vector<16xi1>
          %add3A_267 = arith.constant 2 : i32
          %add3A_268 = vector.broadcast %add3A_267 : i32 to vector<16xi32>
          %add3A_269 = arith.addi %select_n3A_145, %add3A_268 : vector<16xi32>
          %gather3A_270 = tpu.vector_load_idx %arg22[%add3A_269] : memref<32xf32, #tpu.memory_space<vmem>>[vector<16xi32>], vector<16xf32>,
          %gather3A_271 = tpu.vector_load_idx %arg23[%add3A_269] : memref<32xf32, #tpu.memory_space<vmem>>[vector<16xi32>], vector<16xf32>,
          %gather3A_272 = tpu.vector_load_idx %arg24[%add3A_269] : memref<32xf32, #tpu.memory_space<vmem>>[vector<16xi32>], vector<16xf32>,
          %gather3A_273 = tpu.vector_load_idx %arg25[%add3A_269] : memref<32xf32, #tpu.memory_space<vmem>>[vector<16xi32>], vector<16xf32>,
          %gather3A_274 = tpu.vector_load_idx %arg26[%add3A_269] : memref<32xf32, #tpu.memory_space<vmem>>[vector<16xi32>], vector<16xf32>,
          %max3A_275 = arith.maximumf %gather3A_124, %gather3A_270 : vector<16xf32>
          %max3A_276 = arith.maximumf %gather3A_125, %gather3A_271 : vector<16xf32>
          %min3A_277 = arith.minimumf %gather3A_126, %gather3A_272 : vector<16xf32>
          %min3A_278 = arith.minimumf %gather3A_127, %gather3A_273 : vector<16xf32>
          %sub3A_279 = arith.subf %min3A_277, %max3A_275 : vector<16xf32>
          %max3A_280 = arith.constant 0.000000e+00 : f32
          %max3A_281 = vector.broadcast %max3A_280 : f32 to vector<16xf32>
          %max3A_282 = arith.maximumf %sub3A_279, %max3A_281 : vector<16xf32>
          %sub3A_283 = arith.subf %min3A_278, %max3A_276 : vector<16xf32>
          %max3A_284 = arith.constant 0.000000e+00 : f32
          %max3A_285 = vector.broadcast %max3A_284 : f32 to vector<16xf32>
          %max3A_286 = arith.maximumf %sub3A_283, %max3A_285 : vector<16xf32>
          %mul3A_287 = arith.mulf %max3A_282, %max3A_286 : vector<16xf32>
          %add3A_288 = arith.addf %gather3A_128, %gather3A_274 : vector<16xf32>
          %sub3A_289 = arith.subf %add3A_288, %mul3A_287 : vector<16xf32>
          %max3A_290 = arith.constant 9.99999971E-10 : f32
          %max3A_291 = vector.broadcast %max3A_290 : f32 to vector<16xf32>
          %max3A_292 = arith.maximumf %sub3A_289, %max3A_291 : vector<16xf32>
          %div3A_293 = arith.divf %mul3A_287, %max3A_292 : vector<16xf32>
          %gt3A_294 = arith.constant 5.000000e-01 : f32
          %gt3A_295 = vector.broadcast %gt3A_294 : f32 to vector<16xf32>
          %gt3A_296 = arith.cmpf ogt, %div3A_293, %gt3A_295 : vector<16xf32>
          %or3A_297 = arith.ori %or3A_266, %gt3A_296 : vector<16xi1>
          %add3A_298 = arith.constant 3 : i32
          %add3A_299 = vector.broadcast %add3A_298 : i32 to vector<16xi32>
          %add3A_300 = arith.addi %select_n3A_145, %add3A_299 : vector<16xi32>
          %gather3A_301 = tpu.vector_load_idx %arg22[%add3A_300] : memref<32xf32, #tpu.memory_space<vmem>>[vector<16xi32>], vector<16xf32>,
          %gather3A_302 = tpu.vector_load_idx %arg23[%add3A_300] : memref<32xf32, #tpu.memory_space<vmem>>[vector<16xi32>], vector<16xf32>,
          %gather3A_303 = tpu.vector_load_idx %arg24[%add3A_300] : memref<32xf32, #tpu.memory_space<vmem>>[vector<16xi32>], vector<16xf32>,
          %gather3A_304 = tpu.vector_load_idx %arg25[%add3A_300] : memref<32xf32, #tpu.memory_space<vmem>>[vector<16xi32>], vector<16xf32>,
          %gather3A_305 = tpu.vector_load_idx %arg26[%add3A_300] : memref<32xf32, #tpu.memory_space<vmem>>[vector<16xi32>], vector<16xf32>,
          %max3A_306 = arith.maximumf %gather3A_124, %gather3A_301 : vector<16xf32>
          %max3A_307 = arith.maximumf %gather3A_125, %gather3A_302 : vector<16xf32>
          %min3A_308 = arith.minimumf %gather3A_126, %gather3A_303 : vector<16xf32>
          %min3A_309 = arith.minimumf %gather3A_127, %gather3A_304 : vector<16xf32>
          %sub3A_310 = arith.subf %min3A_308, %max3A_306 : vector<16xf32>
          %max3A_311 = arith.constant 0.000000e+00 : f32
          %max3A_312 = vector.broadcast %max3A_311 : f32 to vector<16xf32>
          %max3A_313 = arith.maximumf %sub3A_310, %max3A_312 : vector<16xf32>
          %sub3A_314 = arith.subf %min3A_309, %max3A_307 : vector<16xf32>
          %max3A_315 = arith.constant 0.000000e+00 : f32
          %max3A_316 = vector.broadcast %max3A_315 : f32 to vector<16xf32>
          %max3A_317 = arith.maximumf %sub3A_314, %max3A_316 : vector<16xf32>
          %mul3A_318 = arith.mulf %max3A_313, %max3A_317 : vector<16xf32>
          %add3A_319 = arith.addf %gather3A_128, %gather3A_305 : vector<16xf32>
          %sub3A_320 = arith.subf %add3A_319, %mul3A_318 : vector<16xf32>
          %max3A_321 = arith.constant 9.99999971E-10 : f32
          %max3A_322 = vector.broadcast %max3A_321 : f32 to vector<16xf32>
          %max3A_323 = arith.maximumf %sub3A_320, %max3A_322 : vector<16xf32>
          %div3A_324 = arith.divf %mul3A_318, %max3A_323 : vector<16xf32>
          %gt3A_325 = arith.constant 5.000000e-01 : f32
          %gt3A_326 = vector.broadcast %gt3A_325 : f32 to vector<16xf32>
          %gt3A_327 = arith.cmpf ogt, %div3A_324, %gt3A_326 : vector<16xf32>
          %or3A_328 = arith.ori %or3A_297, %gt3A_327 : vector<16xi1>
          %add3A_329 = arith.constant 4 : i32
          %add3A_330 = vector.broadcast %add3A_329 : i32 to vector<16xi32>
          %add3A_331 = arith.addi %select_n3A_145, %add3A_330 : vector<16xi32>
          %gather3A_332 = tpu.vector_load_idx %arg22[%add3A_331] : memref<32xf32, #tpu.memory_space<vmem>>[vector<16xi32>], vector<16xf32>,
          %gather3A_333 = tpu.vector_load_idx %arg23[%add3A_331] : memref<32xf32, #tpu.memory_space<vmem>>[vector<16xi32>], vector<16xf32>,
          %gather3A_334 = tpu.vector_load_idx %arg24[%add3A_331] : memref<32xf32, #tpu.memory_space<vmem>>[vector<16xi32>], vector<16xf32>,
          %gather3A_335 = tpu.vector_load_idx %arg25[%add3A_331] : memref<32xf32, #tpu.memory_space<vmem>>[vector<16xi32>], vector<16xf32>,
          %gather3A_336 = tpu.vector_load_idx %arg26[%add3A_331] : memref<32xf32, #tpu.memory_space<vmem>>[vector<16xi32>], vector<16xf32>,
          %max3A_337 = arith.maximumf %gather3A_124, %gather3A_332 : vector<16xf32>
          %max3A_338 = arith.maximumf %gather3A_125, %gather3A_333 : vector<16xf32>
          %min3A_339 = arith.minimumf %gather3A_126, %gather3A_334 : vector<16xf32>
          %min3A_340 = arith.minimumf %gather3A_127, %gather3A_335 : vector<16xf32>
          %sub3A_341 = arith.subf %min3A_339, %max3A_337 : vector<16xf32>
          %max3A_342 = arith.constant 0.000000e+00 : f32
          %max3A_343 = vector.broadcast %max3A_342 : f32 to vector<16xf32>
          %max3A_344 = arith.maximumf %sub3A_341, %max3A_343 : vector<16xf32>
          %sub3A_345 = arith.subf %min3A_340, %max3A_338 : vector<16xf32>
          %max3A_346 = arith.constant 0.000000e+00 : f32
          %max3A_347 = vector.broadcast %max3A_346 : f32 to vector<16xf32>
          %max3A_348 = arith.maximumf %sub3A_345, %max3A_347 : vector<16xf32>
          %mul3A_349 = arith.mulf %max3A_344, %max3A_348 : vector<16xf32>
          %add3A_350 = arith.addf %gather3A_128, %gather3A_336 : vector<16xf32>
          %sub3A_351 = arith.subf %add3A_350, %mul3A_349 : vector<16xf32>
          %max3A_352 = arith.constant 9.99999971E-10 : f32
          %max3A_353 = vector.broadcast %max3A_352 : f32 to vector<16xf32>
          %max3A_354 = arith.maximumf %sub3A_351, %max3A_353 : vector<16xf32>
          %div3A_355 = arith.divf %mul3A_349, %max3A_354 : vector<16xf32>
          %gt3A_356 = arith.constant 5.000000e-01 : f32
          %gt3A_357 = vector.broadcast %gt3A_356 : f32 to vector<16xf32>
          %gt3A_358 = arith.cmpf ogt, %div3A_355, %gt3A_357 : vector<16xf32>
          %or3A_359 = arith.ori %or3A_328, %gt3A_358 : vector<16xi1>
          %add3A_360 = arith.constant 5 : i32
          %add3A_361 = vector.broadcast %add3A_360 : i32 to vector<16xi32>
          %add3A_362 = arith.addi %select_n3A_145, %add3A_361 : vector<16xi32>
          %gather3A_363 = tpu.vector_load_idx %arg22[%add3A_362] : memref<32xf32, #tpu.memory_space<vmem>>[vector<16xi32>], vector<16xf32>,
          %gather3A_364 = tpu.vector_load_idx %arg23[%add3A_362] : memref<32xf32, #tpu.memory_space<vmem>>[vector<16xi32>], vector<16xf32>,
          %gather3A_365 = tpu.vector_load_idx %arg24[%add3A_362] : memref<32xf32, #tpu.memory_space<vmem>>[vector<16xi32>], vector<16xf32>,
          %gather3A_366 = tpu.vector_load_idx %arg25[%add3A_362] : memref<32xf32, #tpu.memory_space<vmem>>[vector<16xi32>], vector<16xf32>,
          %gather3A_367 = tpu.vector_load_idx %arg26[%add3A_362] : memref<32xf32, #tpu.memory_space<vmem>>[vector<16xi32>], vector<16xf32>,
          %max3A_368 = arith.maximumf %gather3A_124, %gather3A_363 : vector<16xf32>
          %max3A_369 = arith.maximumf %gather3A_125, %gather3A_364 : vector<16xf32>
          %min3A_370 = arith.minimumf %gather3A_126, %gather3A_365 : vector<16xf32>
          %min3A_371 = arith.minimumf %gather3A_127, %gather3A_366 : vector<16xf32>
          %sub3A_372 = arith.subf %min3A_370, %max3A_368 : vector<16xf32>
          %max3A_373 = arith.constant 0.000000e+00 : f32
          %max3A_374 = vector.broadcast %max3A_373 : f32 to vector<16xf32>
          %max3A_375 = arith.maximumf %sub3A_372, %max3A_374 : vector<16xf32>
          %sub3A_376 = arith.subf %min3A_371, %max3A_369 : vector<16xf32>
          %max3A_377 = arith.constant 0.000000e+00 : f32
          %max3A_378 = vector.broadcast %max3A_377 : f32 to vector<16xf32>
          %max3A_379 = arith.maximumf %sub3A_376, %max3A_378 : vector<16xf32>
          %mul3A_380 = arith.mulf %max3A_375, %max3A_379 : vector<16xf32>
          %add3A_381 = arith.addf %gather3A_128, %gather3A_367 : vector<16xf32>
          %sub3A_382 = arith.subf %add3A_381, %mul3A_380 : vector<16xf32>
          %max3A_383 = arith.constant 9.99999971E-10 : f32
          %max3A_384 = vector.broadcast %max3A_383 : f32 to vector<16xf32>
          %max3A_385 = arith.maximumf %sub3A_382, %max3A_384 : vector<16xf32>
          %div3A_386 = arith.divf %mul3A_380, %max3A_385 : vector<16xf32>
          %gt3A_387 = arith.constant 5.000000e-01 : f32
          %gt3A_388 = vector.broadcast %gt3A_387 : f32 to vector<16xf32>
          %gt3A_389 = arith.cmpf ogt, %div3A_386, %gt3A_388 : vector<16xf32>
          %or3A_390 = arith.ori %or3A_359, %gt3A_389 : vector<16xi1>
          %add3A_391 = arith.constant 6 : i32
          %add3A_392 = vector.broadcast %add3A_391 : i32 to vector<16xi32>
          %add3A_393 = arith.addi %select_n3A_145, %add3A_392 : vector<16xi32>
          %gather3A_394 = tpu.vector_load_idx %arg22[%add3A_393] : memref<32xf32, #tpu.memory_space<vmem>>[vector<16xi32>], vector<16xf32>,
          %gather3A_395 = tpu.vector_load_idx %arg23[%add3A_393] : memref<32xf32, #tpu.memory_space<vmem>>[vector<16xi32>], vector<16xf32>,
          %gather3A_396 = tpu.vector_load_idx %arg24[%add3A_393] : memref<32xf32, #tpu.memory_space<vmem>>[vector<16xi32>], vector<16xf32>,
          %gather3A_397 = tpu.vector_load_idx %arg25[%add3A_393] : memref<32xf32, #tpu.memory_space<vmem>>[vector<16xi32>], vector<16xf32>,
          %gather3A_398 = tpu.vector_load_idx %arg26[%add3A_393] : memref<32xf32, #tpu.memory_space<vmem>>[vector<16xi32>], vector<16xf32>,
          %max3A_399 = arith.maximumf %gather3A_124, %gather3A_394 : vector<16xf32>
          %max3A_400 = arith.maximumf %gather3A_125, %gather3A_395 : vector<16xf32>
          %min3A_401 = arith.minimumf %gather3A_126, %gather3A_396 : vector<16xf32>
          %min3A_402 = arith.minimumf %gather3A_127, %gather3A_397 : vector<16xf32>
          %sub3A_403 = arith.subf %min3A_401, %max3A_399 : vector<16xf32>
          %max3A_404 = arith.constant 0.000000e+00 : f32
          %max3A_405 = vector.broadcast %max3A_404 : f32 to vector<16xf32>
          %max3A_406 = arith.maximumf %sub3A_403, %max3A_405 : vector<16xf32>
          %sub3A_407 = arith.subf %min3A_402, %max3A_400 : vector<16xf32>
          %max3A_408 = arith.constant 0.000000e+00 : f32
          %max3A_409 = vector.broadcast %max3A_408 : f32 to vector<16xf32>
          %max3A_410 = arith.maximumf %sub3A_407, %max3A_409 : vector<16xf32>
          %mul3A_411 = arith.mulf %max3A_406, %max3A_410 : vector<16xf32>
          %add3A_412 = arith.addf %gather3A_128, %gather3A_398 : vector<16xf32>
          %sub3A_413 = arith.subf %add3A_412, %mul3A_411 : vector<16xf32>
          %max3A_414 = arith.constant 9.99999971E-10 : f32
          %max3A_415 = vector.broadcast %max3A_414 : f32 to vector<16xf32>
          %max3A_416 = arith.maximumf %sub3A_413, %max3A_415 : vector<16xf32>
          %div3A_417 = arith.divf %mul3A_411, %max3A_416 : vector<16xf32>
          %gt3A_418 = arith.constant 5.000000e-01 : f32
          %gt3A_419 = vector.broadcast %gt3A_418 : f32 to vector<16xf32>
          %gt3A_420 = arith.cmpf ogt, %div3A_417, %gt3A_419 : vector<16xf32>
          %or3A_421 = arith.ori %or3A_390, %gt3A_420 : vector<16xi1>
          %add3A_422 = arith.constant 7 : i32
          %add3A_423 = vector.broadcast %add3A_422 : i32 to vector<16xi32>
          %add3A_424 = arith.addi %select_n3A_145, %add3A_423 : vector<16xi32>
          %gather3A_425 = tpu.vector_load_idx %arg22[%add3A_424] : memref<32xf32, #tpu.memory_space<vmem>>[vector<16xi32>], vector<16xf32>,
          %gather3A_426 = tpu.vector_load_idx %arg23[%add3A_424] : memref<32xf32, #tpu.memory_space<vmem>>[vector<16xi32>], vector<16xf32>,
          %gather3A_427 = tpu.vector_load_idx %arg24[%add3A_424] : memref<32xf32, #tpu.memory_space<vmem>>[vector<16xi32>], vector<16xf32>,
          %gather3A_428 = tpu.vector_load_idx %arg25[%add3A_424] : memref<32xf32, #tpu.memory_space<vmem>>[vector<16xi32>], vector<16xf32>,
          %gather3A_429 = tpu.vector_load_idx %arg26[%add3A_424] : memref<32xf32, #tpu.memory_space<vmem>>[vector<16xi32>], vector<16xf32>,
          %max3A_430 = arith.maximumf %gather3A_124, %gather3A_425 : vector<16xf32>
          %max3A_431 = arith.maximumf %gather3A_125, %gather3A_426 : vector<16xf32>
          %min3A_432 = arith.minimumf %gather3A_126, %gather3A_427 : vector<16xf32>
          %min3A_433 = arith.minimumf %gather3A_127, %gather3A_428 : vector<16xf32>
          %sub3A_434 = arith.subf %min3A_432, %max3A_430 : vector<16xf32>
          %max3A_435 = arith.constant 0.000000e+00 : f32
          %max3A_436 = vector.broadcast %max3A_435 : f32 to vector<16xf32>
          %max3A_437 = arith.maximumf %sub3A_434, %max3A_436 : vector<16xf32>
          %sub3A_438 = arith.subf %min3A_433, %max3A_431 : vector<16xf32>
          %max3A_439 = arith.constant 0.000000e+00 : f32
          %max3A_440 = vector.broadcast %max3A_439 : f32 to vector<16xf32>
          %max3A_441 = arith.maximumf %sub3A_438, %max3A_440 : vector<16xf32>
          %mul3A_442 = arith.mulf %max3A_437, %max3A_441 : vector<16xf32>
          %add3A_443 = arith.addf %gather3A_128, %gather3A_429 : vector<16xf32>
          %sub3A_444 = arith.subf %add3A_443, %mul3A_442 : vector<16xf32>
          %max3A_445 = arith.constant 9.99999971E-10 : f32
          %max3A_446 = vector.broadcast %max3A_445 : f32 to vector<16xf32>
          %max3A_447 = arith.maximumf %sub3A_444, %max3A_446 : vector<16xf32>
          %div3A_448 = arith.divf %mul3A_442, %max3A_447 : vector<16xf32>
          %gt3A_449 = arith.constant 5.000000e-01 : f32
          %gt3A_450 = vector.broadcast %gt3A_449 : f32 to vector<16xf32>
          %gt3A_451 = arith.cmpf ogt, %div3A_448, %gt3A_450 : vector<16xf32>
          %or3A_452 = arith.ori %or3A_421, %gt3A_451 : vector<16xi1>
          %add3A_453 = arith.constant 8 : i32
          %add3A_454 = vector.broadcast %add3A_453 : i32 to vector<16xi32>
          %add3A_455 = arith.addi %select_n3A_145, %add3A_454 : vector<16xi32>
          %gather3A_456 = tpu.vector_load_idx %arg22[%add3A_455] : memref<32xf32, #tpu.memory_space<vmem>>[vector<16xi32>], vector<16xf32>,
          %gather3A_457 = tpu.vector_load_idx %arg23[%add3A_455] : memref<32xf32, #tpu.memory_space<vmem>>[vector<16xi32>], vector<16xf32>,
          %gather3A_458 = tpu.vector_load_idx %arg24[%add3A_455] : memref<32xf32, #tpu.memory_space<vmem>>[vector<16xi32>], vector<16xf32>,
          %gather3A_459 = tpu.vector_load_idx %arg25[%add3A_455] : memref<32xf32, #tpu.memory_space<vmem>>[vector<16xi32>], vector<16xf32>,
          %gather3A_460 = tpu.vector_load_idx %arg26[%add3A_455] : memref<32xf32, #tpu.memory_space<vmem>>[vector<16xi32>], vector<16xf32>,
          %max3A_461 = arith.maximumf %gather3A_124, %gather3A_456 : vector<16xf32>
          %max3A_462 = arith.maximumf %gather3A_125, %gather3A_457 : vector<16xf32>
          %min3A_463 = arith.minimumf %gather3A_126, %gather3A_458 : vector<16xf32>
          %min3A_464 = arith.minimumf %gather3A_127, %gather3A_459 : vector<16xf32>
          %sub3A_465 = arith.subf %min3A_463, %max3A_461 : vector<16xf32>
          %max3A_466 = arith.constant 0.000000e+00 : f32
          %max3A_467 = vector.broadcast %max3A_466 : f32 to vector<16xf32>
          %max3A_468 = arith.maximumf %sub3A_465, %max3A_467 : vector<16xf32>
          %sub3A_469 = arith.subf %min3A_464, %max3A_462 : vector<16xf32>
          %max3A_470 = arith.constant 0.000000e+00 : f32
          %max3A_471 = vector.broadcast %max3A_470 : f32 to vector<16xf32>
          %max3A_472 = arith.maximumf %sub3A_469, %max3A_471 : vector<16xf32>
          %mul3A_473 = arith.mulf %max3A_468, %max3A_472 : vector<16xf32>
          %add3A_474 = arith.addf %gather3A_128, %gather3A_460 : vector<16xf32>
          %sub3A_475 = arith.subf %add3A_474, %mul3A_473 : vector<16xf32>
          %max3A_476 = arith.constant 9.99999971E-10 : f32
          %max3A_477 = vector.broadcast %max3A_476 : f32 to vector<16xf32>
          %max3A_478 = arith.maximumf %sub3A_475, %max3A_477 : vector<16xf32>
          %div3A_479 = arith.divf %mul3A_473, %max3A_478 : vector<16xf32>
          %gt3A_480 = arith.constant 5.000000e-01 : f32
          %gt3A_481 = vector.broadcast %gt3A_480 : f32 to vector<16xf32>
          %gt3A_482 = arith.cmpf ogt, %div3A_479, %gt3A_481 : vector<16xf32>
          %or3A_483 = arith.ori %or3A_452, %gt3A_482 : vector<16xi1>
          %add3A_484 = arith.constant 9 : i32
          %add3A_485 = vector.broadcast %add3A_484 : i32 to vector<16xi32>
          %add3A_486 = arith.addi %select_n3A_145, %add3A_485 : vector<16xi32>
          %gather3A_487 = tpu.vector_load_idx %arg22[%add3A_486] : memref<32xf32, #tpu.memory_space<vmem>>[vector<16xi32>], vector<16xf32>,
          %gather3A_488 = tpu.vector_load_idx %arg23[%add3A_486] : memref<32xf32, #tpu.memory_space<vmem>>[vector<16xi32>], vector<16xf32>,
          %gather3A_489 = tpu.vector_load_idx %arg24[%add3A_486] : memref<32xf32, #tpu.memory_space<vmem>>[vector<16xi32>], vector<16xf32>,
          %gather3A_490 = tpu.vector_load_idx %arg25[%add3A_486] : memref<32xf32, #tpu.memory_space<vmem>>[vector<16xi32>], vector<16xf32>,
          %gather3A_491 = tpu.vector_load_idx %arg26[%add3A_486] : memref<32xf32, #tpu.memory_space<vmem>>[vector<16xi32>], vector<16xf32>,
          %max3A_492 = arith.maximumf %gather3A_124, %gather3A_487 : vector<16xf32>
          %max3A_493 = arith.maximumf %gather3A_125, %gather3A_488 : vector<16xf32>
          %min3A_494 = arith.minimumf %gather3A_126, %gather3A_489 : vector<16xf32>
          %min3A_495 = arith.minimumf %gather3A_127, %gather3A_490 : vector<16xf32>
          %sub3A_496 = arith.subf %min3A_494, %max3A_492 : vector<16xf32>
          %max3A_497 = arith.constant 0.000000e+00 : f32
          %max3A_498 = vector.broadcast %max3A_497 : f32 to vector<16xf32>
          %max3A_499 = arith.maximumf %sub3A_496, %max3A_498 : vector<16xf32>
          %sub3A_500 = arith.subf %min3A_495, %max3A_493 : vector<16xf32>
          %max3A_501 = arith.constant 0.000000e+00 : f32
          %max3A_502 = vector.broadcast %max3A_501 : f32 to vector<16xf32>
          %max3A_503 = arith.maximumf %sub3A_500, %max3A_502 : vector<16xf32>
          %mul3A_504 = arith.mulf %max3A_499, %max3A_503 : vector<16xf32>
          %add3A_505 = arith.addf %gather3A_128, %gather3A_491 : vector<16xf32>
          %sub3A_506 = arith.subf %add3A_505, %mul3A_504 : vector<16xf32>
          %max3A_507 = arith.constant 9.99999971E-10 : f32
          %max3A_508 = vector.broadcast %max3A_507 : f32 to vector<16xf32>
          %max3A_509 = arith.maximumf %sub3A_506, %max3A_508 : vector<16xf32>
          %div3A_510 = arith.divf %mul3A_504, %max3A_509 : vector<16xf32>
          %gt3A_511 = arith.constant 5.000000e-01 : f32
          %gt3A_512 = vector.broadcast %gt3A_511 : f32 to vector<16xf32>
          %gt3A_513 = arith.cmpf ogt, %div3A_510, %gt3A_512 : vector<16xf32>
          %or3A_514 = arith.ori %or3A_483, %gt3A_513 : vector<16xi1>
          %add3A_515 = arith.constant 10 : i32
          %add3A_516 = vector.broadcast %add3A_515 : i32 to vector<16xi32>
          %add3A_517 = arith.addi %select_n3A_145, %add3A_516 : vector<16xi32>
          %gather3A_518 = tpu.vector_load_idx %arg22[%add3A_517] : memref<32xf32, #tpu.memory_space<vmem>>[vector<16xi32>], vector<16xf32>,
          %gather3A_519 = tpu.vector_load_idx %arg23[%add3A_517] : memref<32xf32, #tpu.memory_space<vmem>>[vector<16xi32>], vector<16xf32>,
          %gather3A_520 = tpu.vector_load_idx %arg24[%add3A_517] : memref<32xf32, #tpu.memory_space<vmem>>[vector<16xi32>], vector<16xf32>,
          %gather3A_521 = tpu.vector_load_idx %arg25[%add3A_517] : memref<32xf32, #tpu.memory_space<vmem>>[vector<16xi32>], vector<16xf32>,
          %gather3A_522 = tpu.vector_load_idx %arg26[%add3A_517] : memref<32xf32, #tpu.memory_space<vmem>>[vector<16xi32>], vector<16xf32>,
          %max3A_523 = arith.maximumf %gather3A_124, %gather3A_518 : vector<16xf32>
          %max3A_524 = arith.maximumf %gather3A_125, %gather3A_519 : vector<16xf32>
          %min3A_525 = arith.minimumf %gather3A_126, %gather3A_520 : vector<16xf32>
          %min3A_526 = arith.minimumf %gather3A_127, %gather3A_521 : vector<16xf32>
          %sub3A_527 = arith.subf %min3A_525, %max3A_523 : vector<16xf32>
          %max3A_528 = arith.constant 0.000000e+00 : f32
          %max3A_529 = vector.broadcast %max3A_528 : f32 to vector<16xf32>
          %max3A_530 = arith.maximumf %sub3A_527, %max3A_529 : vector<16xf32>
          %sub3A_531 = arith.subf %min3A_526, %max3A_524 : vector<16xf32>
          %max3A_532 = arith.constant 0.000000e+00 : f32
          %max3A_533 = vector.broadcast %max3A_532 : f32 to vector<16xf32>
          %max3A_534 = arith.maximumf %sub3A_531, %max3A_533 : vector<16xf32>
          %mul3A_535 = arith.mulf %max3A_530, %max3A_534 : vector<16xf32>
          %add3A_536 = arith.addf %gather3A_128, %gather3A_522 : vector<16xf32>
          %sub3A_537 = arith.subf %add3A_536, %mul3A_535 : vector<16xf32>
          %max3A_538 = arith.constant 9.99999971E-10 : f32
          %max3A_539 = vector.broadcast %max3A_538 : f32 to vector<16xf32>
          %max3A_540 = arith.maximumf %sub3A_537, %max3A_539 : vector<16xf32>
          %div3A_541 = arith.divf %mul3A_535, %max3A_540 : vector<16xf32>
          %gt3A_542 = arith.constant 5.000000e-01 : f32
          %gt3A_543 = vector.broadcast %gt3A_542 : f32 to vector<16xf32>
          %gt3A_544 = arith.cmpf ogt, %div3A_541, %gt3A_543 : vector<16xf32>
          %or3A_545 = arith.ori %or3A_514, %gt3A_544 : vector<16xi1>
          %add3A_546 = arith.constant 11 : i32
          %add3A_547 = vector.broadcast %add3A_546 : i32 to vector<16xi32>
          %add3A_548 = arith.addi %select_n3A_145, %add3A_547 : vector<16xi32>
          %gather3A_549 = tpu.vector_load_idx %arg22[%add3A_548] : memref<32xf32, #tpu.memory_space<vmem>>[vector<16xi32>], vector<16xf32>,
          %gather3A_550 = tpu.vector_load_idx %arg23[%add3A_548] : memref<32xf32, #tpu.memory_space<vmem>>[vector<16xi32>], vector<16xf32>,
          %gather3A_551 = tpu.vector_load_idx %arg24[%add3A_548] : memref<32xf32, #tpu.memory_space<vmem>>[vector<16xi32>], vector<16xf32>,
          %gather3A_552 = tpu.vector_load_idx %arg25[%add3A_548] : memref<32xf32, #tpu.memory_space<vmem>>[vector<16xi32>], vector<16xf32>,
          %gather3A_553 = tpu.vector_load_idx %arg26[%add3A_548] : memref<32xf32, #tpu.memory_space<vmem>>[vector<16xi32>], vector<16xf32>,
          %max3A_554 = arith.maximumf %gather3A_124, %gather3A_549 : vector<16xf32>
          %max3A_555 = arith.maximumf %gather3A_125, %gather3A_550 : vector<16xf32>
          %min3A_556 = arith.minimumf %gather3A_126, %gather3A_551 : vector<16xf32>
          %min3A_557 = arith.minimumf %gather3A_127, %gather3A_552 : vector<16xf32>
          %sub3A_558 = arith.subf %min3A_556, %max3A_554 : vector<16xf32>
          %max3A_559 = arith.constant 0.000000e+00 : f32
          %max3A_560 = vector.broadcast %max3A_559 : f32 to vector<16xf32>
          %max3A_561 = arith.maximumf %sub3A_558, %max3A_560 : vector<16xf32>
          %sub3A_562 = arith.subf %min3A_557, %max3A_555 : vector<16xf32>
          %max3A_563 = arith.constant 0.000000e+00 : f32
          %max3A_564 = vector.broadcast %max3A_563 : f32 to vector<16xf32>
          %max3A_565 = arith.maximumf %sub3A_562, %max3A_564 : vector<16xf32>
          %mul3A_566 = arith.mulf %max3A_561, %max3A_565 : vector<16xf32>
          %add3A_567 = arith.addf %gather3A_128, %gather3A_553 : vector<16xf32>
          %sub3A_568 = arith.subf %add3A_567, %mul3A_566 : vector<16xf32>
          %max3A_569 = arith.constant 9.99999971E-10 : f32
          %max3A_570 = vector.broadcast %max3A_569 : f32 to vector<16xf32>
          %max3A_571 = arith.maximumf %sub3A_568, %max3A_570 : vector<16xf32>
          %div3A_572 = arith.divf %mul3A_566, %max3A_571 : vector<16xf32>
          %gt3A_573 = arith.constant 5.000000e-01 : f32
          %gt3A_574 = vector.broadcast %gt3A_573 : f32 to vector<16xf32>
          %gt3A_575 = arith.cmpf ogt, %div3A_572, %gt3A_574 : vector<16xf32>
          %or3A_576 = arith.ori %or3A_545, %gt3A_575 : vector<16xi1>
          %add3A_577 = arith.constant 12 : i32
          %add3A_578 = vector.broadcast %add3A_577 : i32 to vector<16xi32>
          %add3A_579 = arith.addi %select_n3A_145, %add3A_578 : vector<16xi32>
          %gather3A_580 = tpu.vector_load_idx %arg22[%add3A_579] : memref<32xf32, #tpu.memory_space<vmem>>[vector<16xi32>], vector<16xf32>,
          %gather3A_581 = tpu.vector_load_idx %arg23[%add3A_579] : memref<32xf32, #tpu.memory_space<vmem>>[vector<16xi32>], vector<16xf32>,
          %gather3A_582 = tpu.vector_load_idx %arg24[%add3A_579] : memref<32xf32, #tpu.memory_space<vmem>>[vector<16xi32>], vector<16xf32>,
          %gather3A_583 = tpu.vector_load_idx %arg25[%add3A_579] : memref<32xf32, #tpu.memory_space<vmem>>[vector<16xi32>], vector<16xf32>,
          %gather3A_584 = tpu.vector_load_idx %arg26[%add3A_579] : memref<32xf32, #tpu.memory_space<vmem>>[vector<16xi32>], vector<16xf32>,
          %max3A_585 = arith.maximumf %gather3A_124, %gather3A_580 : vector<16xf32>
          %max3A_586 = arith.maximumf %gather3A_125, %gather3A_581 : vector<16xf32>
          %min3A_587 = arith.minimumf %gather3A_126, %gather3A_582 : vector<16xf32>
          %min3A_588 = arith.minimumf %gather3A_127, %gather3A_583 : vector<16xf32>
          %sub3A_589 = arith.subf %min3A_587, %max3A_585 : vector<16xf32>
          %max3A_590 = arith.constant 0.000000e+00 : f32
          %max3A_591 = vector.broadcast %max3A_590 : f32 to vector<16xf32>
          %max3A_592 = arith.maximumf %sub3A_589, %max3A_591 : vector<16xf32>
          %sub3A_593 = arith.subf %min3A_588, %max3A_586 : vector<16xf32>
          %max3A_594 = arith.constant 0.000000e+00 : f32
          %max3A_595 = vector.broadcast %max3A_594 : f32 to vector<16xf32>
          %max3A_596 = arith.maximumf %sub3A_593, %max3A_595 : vector<16xf32>
          %mul3A_597 = arith.mulf %max3A_592, %max3A_596 : vector<16xf32>
          %add3A_598 = arith.addf %gather3A_128, %gather3A_584 : vector<16xf32>
          %sub3A_599 = arith.subf %add3A_598, %mul3A_597 : vector<16xf32>
          %max3A_600 = arith.constant 9.99999971E-10 : f32
          %max3A_601 = vector.broadcast %max3A_600 : f32 to vector<16xf32>
          %max3A_602 = arith.maximumf %sub3A_599, %max3A_601 : vector<16xf32>
          %div3A_603 = arith.divf %mul3A_597, %max3A_602 : vector<16xf32>
          %gt3A_604 = arith.constant 5.000000e-01 : f32
          %gt3A_605 = vector.broadcast %gt3A_604 : f32 to vector<16xf32>
          %gt3A_606 = arith.cmpf ogt, %div3A_603, %gt3A_605 : vector<16xf32>
          %or3A_607 = arith.ori %or3A_576, %gt3A_606 : vector<16xi1>
          %add3A_608 = arith.constant 13 : i32
          %add3A_609 = vector.broadcast %add3A_608 : i32 to vector<16xi32>
          %add3A_610 = arith.addi %select_n3A_145, %add3A_609 : vector<16xi32>
          %gather3A_611 = tpu.vector_load_idx %arg22[%add3A_610] : memref<32xf32, #tpu.memory_space<vmem>>[vector<16xi32>], vector<16xf32>,
          %gather3A_612 = tpu.vector_load_idx %arg23[%add3A_610] : memref<32xf32, #tpu.memory_space<vmem>>[vector<16xi32>], vector<16xf32>,
          %gather3A_613 = tpu.vector_load_idx %arg24[%add3A_610] : memref<32xf32, #tpu.memory_space<vmem>>[vector<16xi32>], vector<16xf32>,
          %gather3A_614 = tpu.vector_load_idx %arg25[%add3A_610] : memref<32xf32, #tpu.memory_space<vmem>>[vector<16xi32>], vector<16xf32>,
          %gather3A_615 = tpu.vector_load_idx %arg26[%add3A_610] : memref<32xf32, #tpu.memory_space<vmem>>[vector<16xi32>], vector<16xf32>,
          %max3A_616 = arith.maximumf %gather3A_124, %gather3A_611 : vector<16xf32>
          %max3A_617 = arith.maximumf %gather3A_125, %gather3A_612 : vector<16xf32>
          %min3A_618 = arith.minimumf %gather3A_126, %gather3A_613 : vector<16xf32>
          %min3A_619 = arith.minimumf %gather3A_127, %gather3A_614 : vector<16xf32>
          %sub3A_620 = arith.subf %min3A_618, %max3A_616 : vector<16xf32>
          %max3A_621 = arith.constant 0.000000e+00 : f32
          %max3A_622 = vector.broadcast %max3A_621 : f32 to vector<16xf32>
          %max3A_623 = arith.maximumf %sub3A_620, %max3A_622 : vector<16xf32>
          %sub3A_624 = arith.subf %min3A_619, %max3A_617 : vector<16xf32>
          %max3A_625 = arith.constant 0.000000e+00 : f32
          %max3A_626 = vector.broadcast %max3A_625 : f32 to vector<16xf32>
          %max3A_627 = arith.maximumf %sub3A_624, %max3A_626 : vector<16xf32>
          %mul3A_628 = arith.mulf %max3A_623, %max3A_627 : vector<16xf32>
          %add3A_629 = arith.addf %gather3A_128, %gather3A_615 : vector<16xf32>
          %sub3A_630 = arith.subf %add3A_629, %mul3A_628 : vector<16xf32>
          %max3A_631 = arith.constant 9.99999971E-10 : f32
          %max3A_632 = vector.broadcast %max3A_631 : f32 to vector<16xf32>
          %max3A_633 = arith.maximumf %sub3A_630, %max3A_632 : vector<16xf32>
          %div3A_634 = arith.divf %mul3A_628, %max3A_633 : vector<16xf32>
          %gt3A_635 = arith.constant 5.000000e-01 : f32
          %gt3A_636 = vector.broadcast %gt3A_635 : f32 to vector<16xf32>
          %gt3A_637 = arith.cmpf ogt, %div3A_634, %gt3A_636 : vector<16xf32>
          %or3A_638 = arith.ori %or3A_607, %gt3A_637 : vector<16xi1>
          %add3A_639 = arith.constant 14 : i32
          %add3A_640 = vector.broadcast %add3A_639 : i32 to vector<16xi32>
          %add3A_641 = arith.addi %select_n3A_145, %add3A_640 : vector<16xi32>
          %gather3A_642 = tpu.vector_load_idx %arg22[%add3A_641] : memref<32xf32, #tpu.memory_space<vmem>>[vector<16xi32>], vector<16xf32>,
          %gather3A_643 = tpu.vector_load_idx %arg23[%add3A_641] : memref<32xf32, #tpu.memory_space<vmem>>[vector<16xi32>], vector<16xf32>,
          %gather3A_644 = tpu.vector_load_idx %arg24[%add3A_641] : memref<32xf32, #tpu.memory_space<vmem>>[vector<16xi32>], vector<16xf32>,
          %gather3A_645 = tpu.vector_load_idx %arg25[%add3A_641] : memref<32xf32, #tpu.memory_space<vmem>>[vector<16xi32>], vector<16xf32>,
          %gather3A_646 = tpu.vector_load_idx %arg26[%add3A_641] : memref<32xf32, #tpu.memory_space<vmem>>[vector<16xi32>], vector<16xf32>,
          %max3A_647 = arith.maximumf %gather3A_124, %gather3A_642 : vector<16xf32>
          %max3A_648 = arith.maximumf %gather3A_125, %gather3A_643 : vector<16xf32>
          %min3A_649 = arith.minimumf %gather3A_126, %gather3A_644 : vector<16xf32>
          %min3A_650 = arith.minimumf %gather3A_127, %gather3A_645 : vector<16xf32>
          %sub3A_651 = arith.subf %min3A_649, %max3A_647 : vector<16xf32>
          %max3A_652 = arith.constant 0.000000e+00 : f32
          %max3A_653 = vector.broadcast %max3A_652 : f32 to vector<16xf32>
          %max3A_654 = arith.maximumf %sub3A_651, %max3A_653 : vector<16xf32>
          %sub3A_655 = arith.subf %min3A_650, %max3A_648 : vector<16xf32>
          %max3A_656 = arith.constant 0.000000e+00 : f32
          %max3A_657 = vector.broadcast %max3A_656 : f32 to vector<16xf32>
          %max3A_658 = arith.maximumf %sub3A_655, %max3A_657 : vector<16xf32>
          %mul3A_659 = arith.mulf %max3A_654, %max3A_658 : vector<16xf32>
          %add3A_660 = arith.addf %gather3A_128, %gather3A_646 : vector<16xf32>
          %sub3A_661 = arith.subf %add3A_660, %mul3A_659 : vector<16xf32>
          %max3A_662 = arith.constant 9.99999971E-10 : f32
          %max3A_663 = vector.broadcast %max3A_662 : f32 to vector<16xf32>
          %max3A_664 = arith.maximumf %sub3A_661, %max3A_663 : vector<16xf32>
          %div3A_665 = arith.divf %mul3A_659, %max3A_664 : vector<16xf32>
          %gt3A_666 = arith.constant 5.000000e-01 : f32
          %gt3A_667 = vector.broadcast %gt3A_666 : f32 to vector<16xf32>
          %gt3A_668 = arith.cmpf ogt, %div3A_665, %gt3A_667 : vector<16xf32>
          %or3A_669 = arith.ori %or3A_638, %gt3A_668 : vector<16xi1>
          scf.yield %or3A_669 : vector<16xi1>
        } else {
          %broadcast_in_dim3A_208 = arith.constant false
          %broadcast_in_dim3A_209 = vector.broadcast %broadcast_in_dim3A_208 : i1 to vector<16xi1>
          scf.yield %broadcast_in_dim3A_209 : vector<16xi1>
        }
        %not3A_164 = arith.constant dense<true> : vector<16xi1>
        %not3A_165 = arith.xori %cond3A_163, %not3A_164 : vector<16xi1>
        %and3A_166 = arith.andi %and3A_149, %not3A_165 : vector<16xi1>
        %all_reduce_ffs3A = tpu.all_reduce %and3A_166 {dim = 0 : i64, kind = #tpu.reduction_kind<find_first_set>} : vector<16xi1> -> vector<16xi32>
        %slice3A = vector.extract_strided_slice %all_reduce_ffs3A {offsets = [0], sizes = [1], strides = [1]} : vector<16xi32> to vector<1xi32>
        %squeeze3A = vector.extract %slice3A[0] : i32 from vector<1xi32>
        %all_reduce_ffs3A_167 = tpu.all_reduce %or3A {dim = 0 : i64, kind = #tpu.reduction_kind<find_first_set>} : vector<16xi1> -> vector<16xi32>
        %slice3A_168 = vector.extract_strided_slice %all_reduce_ffs3A_167 {offsets = [0], sizes = [1], strides = [1]} : vector<16xi32> to vector<1xi32>
        %squeeze3A_169 = vector.extract %slice3A_168[0] : i32 from vector<1xi32>
        %lt3A_170 = arith.cmpi slt, %squeeze3A, %squeeze3A_169 : i32
        %lt3A_171 = arith.constant 16 : i32
        %lt3A_172 = arith.cmpi slt, %squeeze3A, %lt3A_171 : i32
        %and3A_173 = arith.andi %lt3A_170, %lt3A_172 : i1
        %lt3A_174 = arith.constant 16 : i32
        %lt3A_175 = arith.cmpi slt, %squeeze3A_169, %lt3A_174 : i32
        %le3A = arith.cmpi sle, %squeeze3A_169, %squeeze3A : i32
        %and3A_176 = arith.andi %lt3A_175, %le3A : i1
        %add3A_177 = arith.addi %while3A_117, %squeeze3A : i32
        %min3A = arith.constant 5000 : i32
        %min3A_178 = arith.minsi %add3A_177, %min3A : i32
        %broadcast_in_dim3A_179 = vector.broadcast %min3A_178 : i32 to vector<16xi32>
        %gather3A_180 = tpu.vector_load_idx %arg17[%broadcast_in_dim3A_179] : memref<5024xi32, #tpu.memory_space<vmem>>[vector<16xi32>], vector<16xi32>,
        %slice3A_181 = vector.extract_strided_slice %gather3A_180 {offsets = [0], sizes = [1], strides = [1]} : vector<16xi32> to vector<1xi32>
        %squeeze3A_182 = vector.extract %slice3A_181[0] : i32 from vector<1xi32>
        %eq3A_183 = arith.constant 0 : i32
        %eq3A_184 = arith.cmpi eq, %squeeze3A_182, %eq3A_183 : i32
        %convert_element_type3A_185 = arith.extui %and3A_173 : i1 to i32
        %cond3A_186 = arith.constant 0 : i32
        %cond3A_187 = arith.cmpi ne, %convert_element_type3A_185, %cond3A_186 : i32
        scf.if %cond3A_187 {
          %add3A_208 = arith.constant 16 : i32
          %add3A_209 = arith.addi %while3A_119, %add3A_208 : i32
          %select_n3A_210 = arith.select %eq3A_184, %while3A_118, %add3A_209 : i32
          %broadcast_in_dim3A_211 = vector.broadcast %select_n3A_210 : i32 to vector<16xi32>
          %eq3A_212 = arith.constant 0 : i32
          %eq3A_213 = vector.broadcast %eq3A_212 : i32 to vector<16xi32>
          %eq3A_214 = arith.cmpi eq, %iota3A, %eq3A_213 : vector<16xi32>
          %gather3A_215 = tpu.vector_load_idx %arg11[%broadcast_in_dim3A_179] : memref<5024xf32, #tpu.memory_space<vmem>>[vector<16xi32>], vector<16xf32>,
          tpu.vector_store_idx %arg22[%broadcast_in_dim3A_211], %gather3A_215 masked %eq3A_214 : memref<32xf32, #tpu.memory_space<vmem>>[vector<16xi32>], vector<16xf32>, vector<16xi1>
          %gather3A_216 = tpu.vector_load_idx %arg12[%broadcast_in_dim3A_179] : memref<5024xf32, #tpu.memory_space<vmem>>[vector<16xi32>], vector<16xf32>,
          tpu.vector_store_idx %arg23[%broadcast_in_dim3A_211], %gather3A_216 masked %eq3A_214 : memref<32xf32, #tpu.memory_space<vmem>>[vector<16xi32>], vector<16xf32>, vector<16xi1>
          %gather3A_217 = tpu.vector_load_idx %arg13[%broadcast_in_dim3A_179] : memref<5024xf32, #tpu.memory_space<vmem>>[vector<16xi32>], vector<16xf32>,
          tpu.vector_store_idx %arg24[%broadcast_in_dim3A_211], %gather3A_217 masked %eq3A_214 : memref<32xf32, #tpu.memory_space<vmem>>[vector<16xi32>], vector<16xf32>, vector<16xi1>
          %gather3A_218 = tpu.vector_load_idx %arg14[%broadcast_in_dim3A_179] : memref<5024xf32, #tpu.memory_space<vmem>>[vector<16xi32>], vector<16xf32>,
          tpu.vector_store_idx %arg25[%broadcast_in_dim3A_211], %gather3A_218 masked %eq3A_214 : memref<32xf32, #tpu.memory_space<vmem>>[vector<16xi32>], vector<16xf32>, vector<16xi1>
          %gather3A_219 = tpu.vector_load_idx %arg15[%broadcast_in_dim3A_179] : memref<5024xf32, #tpu.memory_space<vmem>>[vector<16xi32>], vector<16xf32>,
          tpu.vector_store_idx %arg26[%broadcast_in_dim3A_211], %gather3A_219 masked %eq3A_214 : memref<32xf32, #tpu.memory_space<vmem>>[vector<16xi32>], vector<16xf32>, vector<16xi1>
          %gather3A_220 = tpu.vector_load_idx %arg18[%broadcast_in_dim3A_179] : memref<5024xf32, #tpu.memory_space<vmem>>[vector<16xi32>], vector<16xf32>,
          tpu.vector_store_idx %arg27[%broadcast_in_dim3A_211], %gather3A_220 masked %eq3A_214 : memref<32xf32, #tpu.memory_space<vmem>>[vector<16xi32>], vector<16xf32>, vector<16xi1>
          %gather3A_221 = tpu.vector_load_idx %arg19[%broadcast_in_dim3A_179] : memref<5024xf32, #tpu.memory_space<vmem>>[vector<16xi32>], vector<16xf32>,
          tpu.vector_store_idx %arg28[%broadcast_in_dim3A_211], %gather3A_221 masked %eq3A_214 : memref<32xf32, #tpu.memory_space<vmem>>[vector<16xi32>], vector<16xf32>, vector<16xi1>
          %gather3A_222 = tpu.vector_load_idx %arg20[%broadcast_in_dim3A_179] : memref<5024xf32, #tpu.memory_space<vmem>>[vector<16xi32>], vector<16xf32>,
          tpu.vector_store_idx %arg29[%broadcast_in_dim3A_211], %gather3A_222 masked %eq3A_214 : memref<32xf32, #tpu.memory_space<vmem>>[vector<16xi32>], vector<16xf32>, vector<16xi1>
          %gather3A_223 = tpu.vector_load_idx %arg21[%broadcast_in_dim3A_179] : memref<5024xf32, #tpu.memory_space<vmem>>[vector<16xi32>], vector<16xf32>,
          tpu.vector_store_idx %arg30[%broadcast_in_dim3A_211], %gather3A_223 masked %eq3A_214 : memref<32xf32, #tpu.memory_space<vmem>>[vector<16xi32>], vector<16xf32>, vector<16xi1>
          %gather3A_224 = tpu.vector_load_idx %arg16[%broadcast_in_dim3A_179] : memref<5024xf32, #tpu.memory_space<vmem>>[vector<16xi32>], vector<16xf32>,
          tpu.vector_store_idx %arg31[%broadcast_in_dim3A_211], %gather3A_224 masked %eq3A_214 : memref<32xf32, #tpu.memory_space<vmem>>[vector<16xi32>], vector<16xf32>, vector<16xi1>
        } else {
        }
        %jit3A_188 = arith.constant 1 : i32
        %jit3A_189 = arith.constant 0 : i32
        %select_n3A_190 = arith.select %and3A_173, %jit3A_188, %jit3A_189 : i32
        %jit3A_191 = arith.constant 0 : i32
        %select_n3A_192 = arith.select %eq3A_184, %select_n3A_190, %jit3A_191 : i32
        %add3A_193 = arith.addi %while3A_118, %select_n3A_192 : i32
        %jit3A_194 = arith.constant 0 : i32
        %select_n3A_195 = arith.select %eq3A_184, %jit3A_194, %select_n3A_190 : i32
        %add3A_196 = arith.addi %while3A_119, %select_n3A_195 : i32
        %add3A_197 = arith.constant 1 : i32
        %add3A_198 = arith.addi %min3A_178, %add3A_197 : i32
        %add3A_199 = arith.constant 16 : i32
        %add3A_200 = arith.addi %while3A_117, %add3A_199 : i32
        %select_n3A_201 = arith.select %and3A_173, %add3A_198, %add3A_200 : i32
        %ge3A_202 = arith.constant 15 : i32
        %ge3A_203 = arith.cmpi sge, %add3A_193, %ge3A_202 : i32
        %ge3A_204 = arith.constant 15 : i32
        %ge3A_205 = arith.cmpi sge, %add3A_196, %ge3A_204 : i32
        %and3A_206 = arith.andi %ge3A_203, %ge3A_205 : i1
        %or3A_207 = arith.ori %and3A_176, %and3A_206 : i1
        scf.yield %select_n3A_201, %add3A_193, %add3A_196, %or3A_207 : i32, i32, i32, i1
      }
      %lt3A = arith.constant 15 : i32
      %lt3A_71 = vector.broadcast %lt3A : i32 to vector<16xi32>
      %lt3A_72 = arith.cmpi slt, %iota3A, %lt3A_71 : vector<16xi32>
      %broadcast_in_dim3A_73 = arith.constant 0 : i32
      %broadcast_in_dim3A_74 = vector.broadcast %broadcast_in_dim3A_73 : i32 to vector<16xi32>
      %get3A = arith.constant 0 : index
      %get3A_75 = tpu.vector_load %arg27[%get3A] {strides = array<i32>} : memref<32xf32, #tpu.memory_space<vmem>>, vector<16xf32>,
      tpu.vector_store_idx %arg32[%iota3A, %broadcast_in_dim3A_74], %get3A_75 masked %lt3A_72 : memref<30x5xf32, #tpu.memory_space<vmem>>[vector<16xi32>, vector<16xi32>], vector<16xf32>, vector<16xi1>
      %add3A_76 = arith.constant 15 : i32
      %add3A_77 = vector.broadcast %add3A_76 : i32 to vector<16xi32>
      %add3A_78 = arith.addi %iota3A, %add3A_77 : vector<16xi32>
      %get3A_79 = arith.constant 16 : index
      %get3A_80 = tpu.vector_load %arg27[%get3A_79] {strides = array<i32>} : memref<32xf32, #tpu.memory_space<vmem>>, vector<16xf32>,
      tpu.vector_store_idx %arg32[%add3A_78, %broadcast_in_dim3A_74], %get3A_80 masked %lt3A_72 : memref<30x5xf32, #tpu.memory_space<vmem>>[vector<16xi32>, vector<16xi32>], vector<16xf32>, vector<16xi1>
      %broadcast_in_dim3A_81 = arith.constant 1 : i32
      %broadcast_in_dim3A_82 = vector.broadcast %broadcast_in_dim3A_81 : i32 to vector<16xi32>
      %get3A_83 = arith.constant 0 : index
      %get3A_84 = tpu.vector_load %arg28[%get3A_83] {strides = array<i32>} : memref<32xf32, #tpu.memory_space<vmem>>, vector<16xf32>,
      tpu.vector_store_idx %arg32[%iota3A, %broadcast_in_dim3A_82], %get3A_84 masked %lt3A_72 : memref<30x5xf32, #tpu.memory_space<vmem>>[vector<16xi32>, vector<16xi32>], vector<16xf32>, vector<16xi1>
      %add3A_85 = arith.constant 15 : i32
      %add3A_86 = vector.broadcast %add3A_85 : i32 to vector<16xi32>
      %add3A_87 = arith.addi %iota3A, %add3A_86 : vector<16xi32>
      %get3A_88 = arith.constant 16 : index
      %get3A_89 = tpu.vector_load %arg28[%get3A_88] {strides = array<i32>} : memref<32xf32, #tpu.memory_space<vmem>>, vector<16xf32>,
      tpu.vector_store_idx %arg32[%add3A_87, %broadcast_in_dim3A_82], %get3A_89 masked %lt3A_72 : memref<30x5xf32, #tpu.memory_space<vmem>>[vector<16xi32>, vector<16xi32>], vector<16xf32>, vector<16xi1>
      %broadcast_in_dim3A_90 = arith.constant 2 : i32
      %broadcast_in_dim3A_91 = vector.broadcast %broadcast_in_dim3A_90 : i32 to vector<16xi32>
      %get3A_92 = arith.constant 0 : index
      %get3A_93 = tpu.vector_load %arg29[%get3A_92] {strides = array<i32>} : memref<32xf32, #tpu.memory_space<vmem>>, vector<16xf32>,
      tpu.vector_store_idx %arg32[%iota3A, %broadcast_in_dim3A_91], %get3A_93 masked %lt3A_72 : memref<30x5xf32, #tpu.memory_space<vmem>>[vector<16xi32>, vector<16xi32>], vector<16xf32>, vector<16xi1>
      %add3A_94 = arith.constant 15 : i32
      %add3A_95 = vector.broadcast %add3A_94 : i32 to vector<16xi32>
      %add3A_96 = arith.addi %iota3A, %add3A_95 : vector<16xi32>
      %get3A_97 = arith.constant 16 : index
      %get3A_98 = tpu.vector_load %arg29[%get3A_97] {strides = array<i32>} : memref<32xf32, #tpu.memory_space<vmem>>, vector<16xf32>,
      tpu.vector_store_idx %arg32[%add3A_96, %broadcast_in_dim3A_91], %get3A_98 masked %lt3A_72 : memref<30x5xf32, #tpu.memory_space<vmem>>[vector<16xi32>, vector<16xi32>], vector<16xf32>, vector<16xi1>
      %broadcast_in_dim3A_99 = arith.constant 3 : i32
      %broadcast_in_dim3A_100 = vector.broadcast %broadcast_in_dim3A_99 : i32 to vector<16xi32>
      %get3A_101 = arith.constant 0 : index
      %get3A_102 = tpu.vector_load %arg30[%get3A_101] {strides = array<i32>} : memref<32xf32, #tpu.memory_space<vmem>>, vector<16xf32>,
      tpu.vector_store_idx %arg32[%iota3A, %broadcast_in_dim3A_100], %get3A_102 masked %lt3A_72 : memref<30x5xf32, #tpu.memory_space<vmem>>[vector<16xi32>, vector<16xi32>], vector<16xf32>, vector<16xi1>
      %add3A_103 = arith.constant 15 : i32
      %add3A_104 = vector.broadcast %add3A_103 : i32 to vector<16xi32>
      %add3A_105 = arith.addi %iota3A, %add3A_104 : vector<16xi32>
      %get3A_106 = arith.constant 16 : index
      %get3A_107 = tpu.vector_load %arg30[%get3A_106] {strides = array<i32>} : memref<32xf32, #tpu.memory_space<vmem>>, vector<16xf32>,
      tpu.vector_store_idx %arg32[%add3A_105, %broadcast_in_dim3A_100], %get3A_107 masked %lt3A_72 : memref<30x5xf32, #tpu.memory_space<vmem>>[vector<16xi32>, vector<16xi32>], vector<16xf32>, vector<16xi1>
      %broadcast_in_dim3A_108 = arith.constant 4 : i32
      %broadcast_in_dim3A_109 = vector.broadcast %broadcast_in_dim3A_108 : i32 to vector<16xi32>
      %get3A_110 = arith.constant 0 : index
      %get3A_111 = tpu.vector_load %arg31[%get3A_110] {strides = array<i32>} : memref<32xf32, #tpu.memory_space<vmem>>, vector<16xf32>,
      tpu.vector_store_idx %arg32[%iota3A, %broadcast_in_dim3A_109], %get3A_111 masked %lt3A_72 : memref<30x5xf32, #tpu.memory_space<vmem>>[vector<16xi32>, vector<16xi32>], vector<16xf32>, vector<16xi1>
      %add3A_112 = arith.constant 15 : i32
      %add3A_113 = vector.broadcast %add3A_112 : i32 to vector<16xi32>
      %add3A_114 = arith.addi %iota3A, %add3A_113 : vector<16xi32>
      %get3A_115 = arith.constant 16 : index
      %get3A_116 = tpu.vector_load %arg31[%get3A_115] {strides = array<i32>} : memref<32xf32, #tpu.memory_space<vmem>>, vector<16xf32>,
      tpu.vector_store_idx %arg32[%add3A_114, %broadcast_in_dim3A_109], %get3A_116 masked %lt3A_72 : memref<30x5xf32, #tpu.memory_space<vmem>>[vector<16xi32>, vector<16xi32>], vector<16xf32>, vector<16xi1>
      "tpu.region"() ({
        %run_scoped3A = tpu.sem_alloc : memref<!tpu.dma_semaphore, #tpu.memory_space<semaphore_mem>>
        tpu.enqueue_dma source(%arg32 : memref<30x5xf32, #tpu.memory_space<vmem>>) target(%arg6 : memref<30x5xf32, #tpu.memory_space<hbm>>) target_semaphore(%run_scoped3A : memref<!tpu.dma_semaphore, #tpu.memory_space<semaphore_mem>>)
        tpu.wait_dma2 semaphore(%run_scoped3A : memref<!tpu.dma_semaphore, #tpu.memory_space<semaphore_mem>>) src(%arg32 : memref<30x5xf32, #tpu.memory_space<vmem>>) dst(%arg6 : memref<30x5xf32, #tpu.memory_space<hbm>>)
        tpu.yield
      }) : () -> ()
    } else {
    }
    return
  }
}

module attributes {stable_mosaic.version = 14 : i64} {
  func.func @_rank_body(%arg0: memref<40x128xf32, #tpu.memory_space<vmem>>, %arg1: memref<5120x1xf32, #tpu.memory_space<vmem>>, %arg2: memref<40x128xi32, #tpu.memory_space<vmem>>) attributes {dimension_semantics = [], scalar_prefetch = 0 : i64, scratch_operands = 0 : i64, tpu.core_type = #tpu.core_type<tc>} {
    %iota3A = tpu.iota {dimensions = array<i32: 0>} : vector<128x128xi32>
    %iota3A_0 = tpu.iota {dimensions = array<i32: 1>} : vector<128x128xi32>
    %lt3A = arith.cmpi slt, %iota3A, %iota3A_0 : vector<128x128xi32>
    %get3A = arith.constant 0 : index
    %get3A_1 = arith.constant 0 : index
    %get3A_2 = vector.load %arg0[%get3A, %get3A_1] : memref<40x128xf32, #tpu.memory_space<vmem>>, vector<1x128xf32>
    %ge3A = arith.constant 2.000000e-01 : f32
    %ge3A_3 = vector.broadcast %ge3A : f32 to vector<1x128xf32>
    %ge3A_4 = arith.cmpf oge, %get3A_2, %ge3A_3 : vector<1x128xf32>
    %jit3A = arith.constant -1.000000e+00 : f32
    %broadcast_in_dim3A = vector.broadcast %jit3A : f32 to vector<1x128xf32>
    %select_n3A = arith.select %ge3A_4, %get3A_2, %broadcast_in_dim3A : vector<1x128xi1>, vector<1x128xf32>
    %broadcast_in_dim3A_5 = arith.constant 0 : i32
    %broadcast_in_dim3A_6 = vector.broadcast %broadcast_in_dim3A_5 : i32 to vector<128xi32>
    %get3A_7 = arith.constant 128 : index
    %get3A_8 = arith.constant 0 : index
    %get3A_9 = vector.load %arg1[%get3A_7, %get3A_8] : memref<5120x1xf32, #tpu.memory_space<vmem>>, vector<4992x1xf32>
    %ge3A_10 = arith.constant 2.000000e-01 : f32
    %ge3A_11 = vector.broadcast %ge3A_10 : f32 to vector<4992x1xf32>
    %ge3A_12 = arith.cmpf oge, %get3A_9, %ge3A_11 : vector<4992x1xf32>
    %jit3A_13 = arith.constant -1.000000e+00 : f32
    %broadcast_in_dim3A_14 = vector.broadcast %jit3A_13 : f32 to vector<4992x1xf32>
    %select_n3A_15 = arith.select %ge3A_12, %get3A_9, %broadcast_in_dim3A_14 : vector<4992x1xi1>, vector<4992x1xf32>
    %gt3A = vector.broadcast %select_n3A_15 : vector<4992x1xf32> to vector<4992x128xf32>
    %gt3A_16 = vector.broadcast %select_n3A : vector<1x128xf32> to vector<4992x128xf32>
    %gt3A_17 = arith.cmpf ogt, %gt3A, %gt3A_16 : vector<4992x128xf32>
    %convert_element_type3A = arith.extui %gt3A_17 : vector<4992x128xi1> to vector<4992x128xi32>
    %reduce_sum3A = arith.constant dense<0> : vector<128xi32>
    %reduce_sum3A_18 = vector.multi_reduction <add>, %convert_element_type3A, %reduce_sum3A [0] : vector<4992x128xi32> to vector<128xi32>
    %add3A = arith.addi %broadcast_in_dim3A_6, %reduce_sum3A_18 : vector<128xi32>
    %get3A_19 = arith.constant 0 : index
    %get3A_20 = arith.constant 0 : index
    %get3A_21 = vector.load %arg1[%get3A_19, %get3A_20] : memref<5120x1xf32, #tpu.memory_space<vmem>>, vector<128x1xf32>
    %ge3A_22 = arith.constant 2.000000e-01 : f32
    %ge3A_23 = vector.broadcast %ge3A_22 : f32 to vector<128x1xf32>
    %ge3A_24 = arith.cmpf oge, %get3A_21, %ge3A_23 : vector<128x1xf32>
    %jit3A_25 = arith.constant -1.000000e+00 : f32
    %broadcast_in_dim3A_26 = vector.broadcast %jit3A_25 : f32 to vector<128x1xf32>
    %select_n3A_27 = arith.select %ge3A_24, %get3A_21, %broadcast_in_dim3A_26 : vector<128x1xi1>, vector<128x1xf32>
    %gt3A_28 = vector.broadcast %select_n3A_27 : vector<128x1xf32> to vector<128x128xf32>
    %gt3A_29 = vector.broadcast %select_n3A : vector<1x128xf32> to vector<128x128xf32>
    %gt3A_30 = arith.cmpf ogt, %gt3A_28, %gt3A_29 : vector<128x128xf32>
    %eq3A = vector.broadcast %select_n3A_27 : vector<128x1xf32> to vector<128x128xf32>
    %eq3A_31 = vector.broadcast %select_n3A : vector<1x128xf32> to vector<128x128xf32>
    %eq3A_32 = arith.cmpf oeq, %eq3A, %eq3A_31 : vector<128x128xf32>
    %and3A = arith.andi %eq3A_32, %lt3A : vector<128x128xi1>
    %or3A = arith.ori %gt3A_30, %and3A : vector<128x128xi1>
    %convert_element_type3A_33 = arith.extui %or3A : vector<128x128xi1> to vector<128x128xi32>
    %reduce_sum3A_34 = arith.constant dense<0> : vector<128xi32>
    %reduce_sum3A_35 = vector.multi_reduction <add>, %convert_element_type3A_33, %reduce_sum3A_34 [0] : vector<128x128xi32> to vector<128xi32>
    %add3A_36 = arith.addi %add3A, %reduce_sum3A_35 : vector<128xi32>
    %reshape3A = vector.shape_cast %add3A_36 : vector<128xi32> to vector<1x128xi32>
    %swap3A = arith.constant 0 : index
    %swap3A_37 = arith.constant 0 : index
    %swap3A_38 = vector.load %arg2[%swap3A, %swap3A_37] : memref<40x128xi32, #tpu.memory_space<vmem>>, vector<1x128xi32>
    tpu.vector_store %arg2[%swap3A, %swap3A_37], %reshape3A {strides = array<i32>} : memref<40x128xi32, #tpu.memory_space<vmem>>, vector<1x128xi32>,
    %get3A_39 = arith.constant 1 : index
    %get3A_40 = arith.constant 0 : index
    %get3A_41 = vector.load %arg0[%get3A_39, %get3A_40] : memref<40x128xf32, #tpu.memory_space<vmem>>, vector<1x128xf32>
    %ge3A_42 = arith.constant 2.000000e-01 : f32
    %ge3A_43 = vector.broadcast %ge3A_42 : f32 to vector<1x128xf32>
    %ge3A_44 = arith.cmpf oge, %get3A_41, %ge3A_43 : vector<1x128xf32>
    %jit3A_45 = arith.constant -1.000000e+00 : f32
    %broadcast_in_dim3A_46 = vector.broadcast %jit3A_45 : f32 to vector<1x128xf32>
    %select_n3A_47 = arith.select %ge3A_44, %get3A_41, %broadcast_in_dim3A_46 : vector<1x128xi1>, vector<1x128xf32>
    %broadcast_in_dim3A_48 = arith.constant 0 : i32
    %broadcast_in_dim3A_49 = vector.broadcast %broadcast_in_dim3A_48 : i32 to vector<128xi32>
    %get3A_50 = arith.constant 0 : index
    %get3A_51 = arith.constant 0 : index
    %get3A_52 = vector.load %arg1[%get3A_50, %get3A_51] : memref<5120x1xf32, #tpu.memory_space<vmem>>, vector<128x1xf32>
    %ge3A_53 = arith.constant 2.000000e-01 : f32
    %ge3A_54 = vector.broadcast %ge3A_53 : f32 to vector<128x1xf32>
    %ge3A_55 = arith.cmpf oge, %get3A_52, %ge3A_54 : vector<128x1xf32>
    %jit3A_56 = arith.constant -1.000000e+00 : f32
    %broadcast_in_dim3A_57 = vector.broadcast %jit3A_56 : f32 to vector<128x1xf32>
    %select_n3A_58 = arith.select %ge3A_55, %get3A_52, %broadcast_in_dim3A_57 : vector<128x1xi1>, vector<128x1xf32>
    %ge3A_59 = vector.broadcast %select_n3A_58 : vector<128x1xf32> to vector<128x128xf32>
    %ge3A_60 = vector.broadcast %select_n3A_47 : vector<1x128xf32> to vector<128x128xf32>
    %ge3A_61 = arith.cmpf oge, %ge3A_59, %ge3A_60 : vector<128x128xf32>
    %convert_element_type3A_62 = arith.extui %ge3A_61 : vector<128x128xi1> to vector<128x128xi32>
    %reduce_sum3A_63 = arith.constant dense<0> : vector<128xi32>
    %reduce_sum3A_64 = vector.multi_reduction <add>, %convert_element_type3A_62, %reduce_sum3A_63 [0] : vector<128x128xi32> to vector<128xi32>
    %add3A_65 = arith.addi %broadcast_in_dim3A_49, %reduce_sum3A_64 : vector<128xi32>
    %get3A_66 = arith.constant 256 : index
    %get3A_67 = arith.constant 0 : index
    %get3A_68 = vector.load %arg1[%get3A_66, %get3A_67] : memref<5120x1xf32, #tpu.memory_space<vmem>>, vector<4864x1xf32>
    %ge3A_69 = arith.constant 2.000000e-01 : f32
    %ge3A_70 = vector.broadcast %ge3A_69 : f32 to vector<4864x1xf32>
    %ge3A_71 = arith.cmpf oge, %get3A_68, %ge3A_70 : vector<4864x1xf32>
    %jit3A_72 = arith.constant -1.000000e+00 : f32
    %broadcast_in_dim3A_73 = vector.broadcast %jit3A_72 : f32 to vector<4864x1xf32>
    %select_n3A_74 = arith.select %ge3A_71, %get3A_68, %broadcast_in_dim3A_73 : vector<4864x1xi1>, vector<4864x1xf32>
    %gt3A_75 = vector.broadcast %select_n3A_74 : vector<4864x1xf32> to vector<4864x128xf32>
    %gt3A_76 = vector.broadcast %select_n3A_47 : vector<1x128xf32> to vector<4864x128xf32>
    %gt3A_77 = arith.cmpf ogt, %gt3A_75, %gt3A_76 : vector<4864x128xf32>
    %convert_element_type3A_78 = arith.extui %gt3A_77 : vector<4864x128xi1> to vector<4864x128xi32>
    %reduce_sum3A_79 = arith.constant dense<0> : vector<128xi32>
    %reduce_sum3A_80 = vector.multi_reduction <add>, %convert_element_type3A_78, %reduce_sum3A_79 [0] : vector<4864x128xi32> to vector<128xi32>
    %add3A_81 = arith.addi %add3A_65, %reduce_sum3A_80 : vector<128xi32>
    %get3A_82 = arith.constant 128 : index
    %get3A_83 = arith.constant 0 : index
    %get3A_84 = vector.load %arg1[%get3A_82, %get3A_83] : memref<5120x1xf32, #tpu.memory_space<vmem>>, vector<128x1xf32>
    %ge3A_85 = arith.constant 2.000000e-01 : f32
    %ge3A_86 = vector.broadcast %ge3A_85 : f32 to vector<128x1xf32>
    %ge3A_87 = arith.cmpf oge, %get3A_84, %ge3A_86 : vector<128x1xf32>
    %jit3A_88 = arith.constant -1.000000e+00 : f32
    %broadcast_in_dim3A_89 = vector.broadcast %jit3A_88 : f32 to vector<128x1xf32>
    %select_n3A_90 = arith.select %ge3A_87, %get3A_84, %broadcast_in_dim3A_89 : vector<128x1xi1>, vector<128x1xf32>
    %gt3A_91 = vector.broadcast %select_n3A_90 : vector<128x1xf32> to vector<128x128xf32>
    %gt3A_92 = vector.broadcast %select_n3A_47 : vector<1x128xf32> to vector<128x128xf32>
    %gt3A_93 = arith.cmpf ogt, %gt3A_91, %gt3A_92 : vector<128x128xf32>
    %eq3A_94 = vector.broadcast %select_n3A_90 : vector<128x1xf32> to vector<128x128xf32>
    %eq3A_95 = vector.broadcast %select_n3A_47 : vector<1x128xf32> to vector<128x128xf32>
    %eq3A_96 = arith.cmpf oeq, %eq3A_94, %eq3A_95 : vector<128x128xf32>
    %and3A_97 = arith.andi %eq3A_96, %lt3A : vector<128x128xi1>
    %or3A_98 = arith.ori %gt3A_93, %and3A_97 : vector<128x128xi1>
    %convert_element_type3A_99 = arith.extui %or3A_98 : vector<128x128xi1> to vector<128x128xi32>
    %reduce_sum3A_100 = arith.constant dense<0> : vector<128xi32>
    %reduce_sum3A_101 = vector.multi_reduction <add>, %convert_element_type3A_99, %reduce_sum3A_100 [0] : vector<128x128xi32> to vector<128xi32>
    %add3A_102 = arith.addi %add3A_81, %reduce_sum3A_101 : vector<128xi32>
    %reshape3A_103 = vector.shape_cast %add3A_102 : vector<128xi32> to vector<1x128xi32>
    %swap3A_104 = arith.constant 1 : index
    %swap3A_105 = arith.constant 0 : index
    %swap3A_106 = vector.load %arg2[%swap3A_104, %swap3A_105] : memref<40x128xi32, #tpu.memory_space<vmem>>, vector<1x128xi32>
    tpu.vector_store %arg2[%swap3A_104, %swap3A_105], %reshape3A_103 {strides = array<i32>} : memref<40x128xi32, #tpu.memory_space<vmem>>, vector<1x128xi32>,
    %get3A_107 = arith.constant 2 : index
    %get3A_108 = arith.constant 0 : index
    %get3A_109 = vector.load %arg0[%get3A_107, %get3A_108] : memref<40x128xf32, #tpu.memory_space<vmem>>, vector<1x128xf32>
    %ge3A_110 = arith.constant 2.000000e-01 : f32
    %ge3A_111 = vector.broadcast %ge3A_110 : f32 to vector<1x128xf32>
    %ge3A_112 = arith.cmpf oge, %get3A_109, %ge3A_111 : vector<1x128xf32>
    %jit3A_113 = arith.constant -1.000000e+00 : f32
    %broadcast_in_dim3A_114 = vector.broadcast %jit3A_113 : f32 to vector<1x128xf32>
    %select_n3A_115 = arith.select %ge3A_112, %get3A_109, %broadcast_in_dim3A_114 : vector<1x128xi1>, vector<1x128xf32>
    %broadcast_in_dim3A_116 = arith.constant 0 : i32
    %broadcast_in_dim3A_117 = vector.broadcast %broadcast_in_dim3A_116 : i32 to vector<128xi32>
    %get3A_118 = arith.constant 0 : index
    %get3A_119 = arith.constant 0 : index
    %get3A_120 = vector.load %arg1[%get3A_118, %get3A_119] : memref<5120x1xf32, #tpu.memory_space<vmem>>, vector<256x1xf32>
    %ge3A_121 = arith.constant 2.000000e-01 : f32
    %ge3A_122 = vector.broadcast %ge3A_121 : f32 to vector<256x1xf32>
    %ge3A_123 = arith.cmpf oge, %get3A_120, %ge3A_122 : vector<256x1xf32>
    %jit3A_124 = arith.constant -1.000000e+00 : f32
    %broadcast_in_dim3A_125 = vector.broadcast %jit3A_124 : f32 to vector<256x1xf32>
    %select_n3A_126 = arith.select %ge3A_123, %get3A_120, %broadcast_in_dim3A_125 : vector<256x1xi1>, vector<256x1xf32>
    %ge3A_127 = vector.broadcast %select_n3A_126 : vector<256x1xf32> to vector<256x128xf32>
    %ge3A_128 = vector.broadcast %select_n3A_115 : vector<1x128xf32> to vector<256x128xf32>
    %ge3A_129 = arith.cmpf oge, %ge3A_127, %ge3A_128 : vector<256x128xf32>
    %convert_element_type3A_130 = arith.extui %ge3A_129 : vector<256x128xi1> to vector<256x128xi32>
    %reduce_sum3A_131 = arith.constant dense<0> : vector<128xi32>
    %reduce_sum3A_132 = vector.multi_reduction <add>, %convert_element_type3A_130, %reduce_sum3A_131 [0] : vector<256x128xi32> to vector<128xi32>
    %add3A_133 = arith.addi %broadcast_in_dim3A_117, %reduce_sum3A_132 : vector<128xi32>
    %get3A_134 = arith.constant 384 : index
    %get3A_135 = arith.constant 0 : index
    %get3A_136 = vector.load %arg1[%get3A_134, %get3A_135] : memref<5120x1xf32, #tpu.memory_space<vmem>>, vector<4736x1xf32>
    %ge3A_137 = arith.constant 2.000000e-01 : f32
    %ge3A_138 = vector.broadcast %ge3A_137 : f32 to vector<4736x1xf32>
    %ge3A_139 = arith.cmpf oge, %get3A_136, %ge3A_138 : vector<4736x1xf32>
    %jit3A_140 = arith.constant -1.000000e+00 : f32
    %broadcast_in_dim3A_141 = vector.broadcast %jit3A_140 : f32 to vector<4736x1xf32>
    %select_n3A_142 = arith.select %ge3A_139, %get3A_136, %broadcast_in_dim3A_141 : vector<4736x1xi1>, vector<4736x1xf32>
    %gt3A_143 = vector.broadcast %select_n3A_142 : vector<4736x1xf32> to vector<4736x128xf32>
    %gt3A_144 = vector.broadcast %select_n3A_115 : vector<1x128xf32> to vector<4736x128xf32>
    %gt3A_145 = arith.cmpf ogt, %gt3A_143, %gt3A_144 : vector<4736x128xf32>
    %convert_element_type3A_146 = arith.extui %gt3A_145 : vector<4736x128xi1> to vector<4736x128xi32>
    %reduce_sum3A_147 = arith.constant dense<0> : vector<128xi32>
    %reduce_sum3A_148 = vector.multi_reduction <add>, %convert_element_type3A_146, %reduce_sum3A_147 [0] : vector<4736x128xi32> to vector<128xi32>
    %add3A_149 = arith.addi %add3A_133, %reduce_sum3A_148 : vector<128xi32>
    %get3A_150 = arith.constant 256 : index
    %get3A_151 = arith.constant 0 : index
    %get3A_152 = vector.load %arg1[%get3A_150, %get3A_151] : memref<5120x1xf32, #tpu.memory_space<vmem>>, vector<128x1xf32>
    %ge3A_153 = arith.constant 2.000000e-01 : f32
    %ge3A_154 = vector.broadcast %ge3A_153 : f32 to vector<128x1xf32>
    %ge3A_155 = arith.cmpf oge, %get3A_152, %ge3A_154 : vector<128x1xf32>
    %jit3A_156 = arith.constant -1.000000e+00 : f32
    %broadcast_in_dim3A_157 = vector.broadcast %jit3A_156 : f32 to vector<128x1xf32>
    %select_n3A_158 = arith.select %ge3A_155, %get3A_152, %broadcast_in_dim3A_157 : vector<128x1xi1>, vector<128x1xf32>
    %gt3A_159 = vector.broadcast %select_n3A_158 : vector<128x1xf32> to vector<128x128xf32>
    %gt3A_160 = vector.broadcast %select_n3A_115 : vector<1x128xf32> to vector<128x128xf32>
    %gt3A_161 = arith.cmpf ogt, %gt3A_159, %gt3A_160 : vector<128x128xf32>
    %eq3A_162 = vector.broadcast %select_n3A_158 : vector<128x1xf32> to vector<128x128xf32>
    %eq3A_163 = vector.broadcast %select_n3A_115 : vector<1x128xf32> to vector<128x128xf32>
    %eq3A_164 = arith.cmpf oeq, %eq3A_162, %eq3A_163 : vector<128x128xf32>
    %and3A_165 = arith.andi %eq3A_164, %lt3A : vector<128x128xi1>
    %or3A_166 = arith.ori %gt3A_161, %and3A_165 : vector<128x128xi1>
    %convert_element_type3A_167 = arith.extui %or3A_166 : vector<128x128xi1> to vector<128x128xi32>
    %reduce_sum3A_168 = arith.constant dense<0> : vector<128xi32>
    %reduce_sum3A_169 = vector.multi_reduction <add>, %convert_element_type3A_167, %reduce_sum3A_168 [0] : vector<128x128xi32> to vector<128xi32>
    %add3A_170 = arith.addi %add3A_149, %reduce_sum3A_169 : vector<128xi32>
    %reshape3A_171 = vector.shape_cast %add3A_170 : vector<128xi32> to vector<1x128xi32>
    %swap3A_172 = arith.constant 2 : index
    %swap3A_173 = arith.constant 0 : index
    %swap3A_174 = vector.load %arg2[%swap3A_172, %swap3A_173] : memref<40x128xi32, #tpu.memory_space<vmem>>, vector<1x128xi32>
    tpu.vector_store %arg2[%swap3A_172, %swap3A_173], %reshape3A_171 {strides = array<i32>} : memref<40x128xi32, #tpu.memory_space<vmem>>, vector<1x128xi32>,
    %get3A_175 = arith.constant 3 : index
    %get3A_176 = arith.constant 0 : index
    %get3A_177 = vector.load %arg0[%get3A_175, %get3A_176] : memref<40x128xf32, #tpu.memory_space<vmem>>, vector<1x128xf32>
    %ge3A_178 = arith.constant 2.000000e-01 : f32
    %ge3A_179 = vector.broadcast %ge3A_178 : f32 to vector<1x128xf32>
    %ge3A_180 = arith.cmpf oge, %get3A_177, %ge3A_179 : vector<1x128xf32>
    %jit3A_181 = arith.constant -1.000000e+00 : f32
    %broadcast_in_dim3A_182 = vector.broadcast %jit3A_181 : f32 to vector<1x128xf32>
    %select_n3A_183 = arith.select %ge3A_180, %get3A_177, %broadcast_in_dim3A_182 : vector<1x128xi1>, vector<1x128xf32>
    %broadcast_in_dim3A_184 = arith.constant 0 : i32
    %broadcast_in_dim3A_185 = vector.broadcast %broadcast_in_dim3A_184 : i32 to vector<128xi32>
    %get3A_186 = arith.constant 0 : index
    %get3A_187 = arith.constant 0 : index
    %get3A_188 = vector.load %arg1[%get3A_186, %get3A_187] : memref<5120x1xf32, #tpu.memory_space<vmem>>, vector<384x1xf32>
    %ge3A_189 = arith.constant 2.000000e-01 : f32
    %ge3A_190 = vector.broadcast %ge3A_189 : f32 to vector<384x1xf32>
    %ge3A_191 = arith.cmpf oge, %get3A_188, %ge3A_190 : vector<384x1xf32>
    %jit3A_192 = arith.constant -1.000000e+00 : f32
    %broadcast_in_dim3A_193 = vector.broadcast %jit3A_192 : f32 to vector<384x1xf32>
    %select_n3A_194 = arith.select %ge3A_191, %get3A_188, %broadcast_in_dim3A_193 : vector<384x1xi1>, vector<384x1xf32>
    %ge3A_195 = vector.broadcast %select_n3A_194 : vector<384x1xf32> to vector<384x128xf32>
    %ge3A_196 = vector.broadcast %select_n3A_183 : vector<1x128xf32> to vector<384x128xf32>
    %ge3A_197 = arith.cmpf oge, %ge3A_195, %ge3A_196 : vector<384x128xf32>
    %convert_element_type3A_198 = arith.extui %ge3A_197 : vector<384x128xi1> to vector<384x128xi32>
    %reduce_sum3A_199 = arith.constant dense<0> : vector<128xi32>
    %reduce_sum3A_200 = vector.multi_reduction <add>, %convert_element_type3A_198, %reduce_sum3A_199 [0] : vector<384x128xi32> to vector<128xi32>
    %add3A_201 = arith.addi %broadcast_in_dim3A_185, %reduce_sum3A_200 : vector<128xi32>
    %get3A_202 = arith.constant 512 : index
    %get3A_203 = arith.constant 0 : index
    %get3A_204 = vector.load %arg1[%get3A_202, %get3A_203] : memref<5120x1xf32, #tpu.memory_space<vmem>>, vector<4608x1xf32>
    %ge3A_205 = arith.constant 2.000000e-01 : f32
    %ge3A_206 = vector.broadcast %ge3A_205 : f32 to vector<4608x1xf32>
    %ge3A_207 = arith.cmpf oge, %get3A_204, %ge3A_206 : vector<4608x1xf32>
    %jit3A_208 = arith.constant -1.000000e+00 : f32
    %broadcast_in_dim3A_209 = vector.broadcast %jit3A_208 : f32 to vector<4608x1xf32>
    %select_n3A_210 = arith.select %ge3A_207, %get3A_204, %broadcast_in_dim3A_209 : vector<4608x1xi1>, vector<4608x1xf32>
    %gt3A_211 = vector.broadcast %select_n3A_210 : vector<4608x1xf32> to vector<4608x128xf32>
    %gt3A_212 = vector.broadcast %select_n3A_183 : vector<1x128xf32> to vector<4608x128xf32>
    %gt3A_213 = arith.cmpf ogt, %gt3A_211, %gt3A_212 : vector<4608x128xf32>
    %convert_element_type3A_214 = arith.extui %gt3A_213 : vector<4608x128xi1> to vector<4608x128xi32>
    %reduce_sum3A_215 = arith.constant dense<0> : vector<128xi32>
    %reduce_sum3A_216 = vector.multi_reduction <add>, %convert_element_type3A_214, %reduce_sum3A_215 [0] : vector<4608x128xi32> to vector<128xi32>
    %add3A_217 = arith.addi %add3A_201, %reduce_sum3A_216 : vector<128xi32>
    %get3A_218 = arith.constant 384 : index
    %get3A_219 = arith.constant 0 : index
    %get3A_220 = vector.load %arg1[%get3A_218, %get3A_219] : memref<5120x1xf32, #tpu.memory_space<vmem>>, vector<128x1xf32>
    %ge3A_221 = arith.constant 2.000000e-01 : f32
    %ge3A_222 = vector.broadcast %ge3A_221 : f32 to vector<128x1xf32>
    %ge3A_223 = arith.cmpf oge, %get3A_220, %ge3A_222 : vector<128x1xf32>
    %jit3A_224 = arith.constant -1.000000e+00 : f32
    %broadcast_in_dim3A_225 = vector.broadcast %jit3A_224 : f32 to vector<128x1xf32>
    %select_n3A_226 = arith.select %ge3A_223, %get3A_220, %broadcast_in_dim3A_225 : vector<128x1xi1>, vector<128x1xf32>
    %gt3A_227 = vector.broadcast %select_n3A_226 : vector<128x1xf32> to vector<128x128xf32>
    %gt3A_228 = vector.broadcast %select_n3A_183 : vector<1x128xf32> to vector<128x128xf32>
    %gt3A_229 = arith.cmpf ogt, %gt3A_227, %gt3A_228 : vector<128x128xf32>
    %eq3A_230 = vector.broadcast %select_n3A_226 : vector<128x1xf32> to vector<128x128xf32>
    %eq3A_231 = vector.broadcast %select_n3A_183 : vector<1x128xf32> to vector<128x128xf32>
    %eq3A_232 = arith.cmpf oeq, %eq3A_230, %eq3A_231 : vector<128x128xf32>
    %and3A_233 = arith.andi %eq3A_232, %lt3A : vector<128x128xi1>
    %or3A_234 = arith.ori %gt3A_229, %and3A_233 : vector<128x128xi1>
    %convert_element_type3A_235 = arith.extui %or3A_234 : vector<128x128xi1> to vector<128x128xi32>
    %reduce_sum3A_236 = arith.constant dense<0> : vector<128xi32>
    %reduce_sum3A_237 = vector.multi_reduction <add>, %convert_element_type3A_235, %reduce_sum3A_236 [0] : vector<128x128xi32> to vector<128xi32>
    %add3A_238 = arith.addi %add3A_217, %reduce_sum3A_237 : vector<128xi32>
    %reshape3A_239 = vector.shape_cast %add3A_238 : vector<128xi32> to vector<1x128xi32>
    %swap3A_240 = arith.constant 3 : index
    %swap3A_241 = arith.constant 0 : index
    %swap3A_242 = vector.load %arg2[%swap3A_240, %swap3A_241] : memref<40x128xi32, #tpu.memory_space<vmem>>, vector<1x128xi32>
    tpu.vector_store %arg2[%swap3A_240, %swap3A_241], %reshape3A_239 {strides = array<i32>} : memref<40x128xi32, #tpu.memory_space<vmem>>, vector<1x128xi32>,
    %get3A_243 = arith.constant 4 : index
    %get3A_244 = arith.constant 0 : index
    %get3A_245 = vector.load %arg0[%get3A_243, %get3A_244] : memref<40x128xf32, #tpu.memory_space<vmem>>, vector<1x128xf32>
    %ge3A_246 = arith.constant 2.000000e-01 : f32
    %ge3A_247 = vector.broadcast %ge3A_246 : f32 to vector<1x128xf32>
    %ge3A_248 = arith.cmpf oge, %get3A_245, %ge3A_247 : vector<1x128xf32>
    %jit3A_249 = arith.constant -1.000000e+00 : f32
    %broadcast_in_dim3A_250 = vector.broadcast %jit3A_249 : f32 to vector<1x128xf32>
    %select_n3A_251 = arith.select %ge3A_248, %get3A_245, %broadcast_in_dim3A_250 : vector<1x128xi1>, vector<1x128xf32>
    %broadcast_in_dim3A_252 = arith.constant 0 : i32
    %broadcast_in_dim3A_253 = vector.broadcast %broadcast_in_dim3A_252 : i32 to vector<128xi32>
    %get3A_254 = arith.constant 0 : index
    %get3A_255 = arith.constant 0 : index
    %get3A_256 = vector.load %arg1[%get3A_254, %get3A_255] : memref<5120x1xf32, #tpu.memory_space<vmem>>, vector<512x1xf32>
    %ge3A_257 = arith.constant 2.000000e-01 : f32
    %ge3A_258 = vector.broadcast %ge3A_257 : f32 to vector<512x1xf32>
    %ge3A_259 = arith.cmpf oge, %get3A_256, %ge3A_258 : vector<512x1xf32>
    %jit3A_260 = arith.constant -1.000000e+00 : f32
    %broadcast_in_dim3A_261 = vector.broadcast %jit3A_260 : f32 to vector<512x1xf32>
    %select_n3A_262 = arith.select %ge3A_259, %get3A_256, %broadcast_in_dim3A_261 : vector<512x1xi1>, vector<512x1xf32>
    %ge3A_263 = vector.broadcast %select_n3A_262 : vector<512x1xf32> to vector<512x128xf32>
    %ge3A_264 = vector.broadcast %select_n3A_251 : vector<1x128xf32> to vector<512x128xf32>
    %ge3A_265 = arith.cmpf oge, %ge3A_263, %ge3A_264 : vector<512x128xf32>
    %convert_element_type3A_266 = arith.extui %ge3A_265 : vector<512x128xi1> to vector<512x128xi32>
    %reduce_sum3A_267 = arith.constant dense<0> : vector<128xi32>
    %reduce_sum3A_268 = vector.multi_reduction <add>, %convert_element_type3A_266, %reduce_sum3A_267 [0] : vector<512x128xi32> to vector<128xi32>
    %add3A_269 = arith.addi %broadcast_in_dim3A_253, %reduce_sum3A_268 : vector<128xi32>
    %get3A_270 = arith.constant 640 : index
    %get3A_271 = arith.constant 0 : index
    %get3A_272 = vector.load %arg1[%get3A_270, %get3A_271] : memref<5120x1xf32, #tpu.memory_space<vmem>>, vector<4480x1xf32>
    %ge3A_273 = arith.constant 2.000000e-01 : f32
    %ge3A_274 = vector.broadcast %ge3A_273 : f32 to vector<4480x1xf32>
    %ge3A_275 = arith.cmpf oge, %get3A_272, %ge3A_274 : vector<4480x1xf32>
    %jit3A_276 = arith.constant -1.000000e+00 : f32
    %broadcast_in_dim3A_277 = vector.broadcast %jit3A_276 : f32 to vector<4480x1xf32>
    %select_n3A_278 = arith.select %ge3A_275, %get3A_272, %broadcast_in_dim3A_277 : vector<4480x1xi1>, vector<4480x1xf32>
    %gt3A_279 = vector.broadcast %select_n3A_278 : vector<4480x1xf32> to vector<4480x128xf32>
    %gt3A_280 = vector.broadcast %select_n3A_251 : vector<1x128xf32> to vector<4480x128xf32>
    %gt3A_281 = arith.cmpf ogt, %gt3A_279, %gt3A_280 : vector<4480x128xf32>
    %convert_element_type3A_282 = arith.extui %gt3A_281 : vector<4480x128xi1> to vector<4480x128xi32>
    %reduce_sum3A_283 = arith.constant dense<0> : vector<128xi32>
    %reduce_sum3A_284 = vector.multi_reduction <add>, %convert_element_type3A_282, %reduce_sum3A_283 [0] : vector<4480x128xi32> to vector<128xi32>
    %add3A_285 = arith.addi %add3A_269, %reduce_sum3A_284 : vector<128xi32>
    %get3A_286 = arith.constant 512 : index
    %get3A_287 = arith.constant 0 : index
    %get3A_288 = vector.load %arg1[%get3A_286, %get3A_287] : memref<5120x1xf32, #tpu.memory_space<vmem>>, vector<128x1xf32>
    %ge3A_289 = arith.constant 2.000000e-01 : f32
    %ge3A_290 = vector.broadcast %ge3A_289 : f32 to vector<128x1xf32>
    %ge3A_291 = arith.cmpf oge, %get3A_288, %ge3A_290 : vector<128x1xf32>
    %jit3A_292 = arith.constant -1.000000e+00 : f32
    %broadcast_in_dim3A_293 = vector.broadcast %jit3A_292 : f32 to vector<128x1xf32>
    %select_n3A_294 = arith.select %ge3A_291, %get3A_288, %broadcast_in_dim3A_293 : vector<128x1xi1>, vector<128x1xf32>
    %gt3A_295 = vector.broadcast %select_n3A_294 : vector<128x1xf32> to vector<128x128xf32>
    %gt3A_296 = vector.broadcast %select_n3A_251 : vector<1x128xf32> to vector<128x128xf32>
    %gt3A_297 = arith.cmpf ogt, %gt3A_295, %gt3A_296 : vector<128x128xf32>
    %eq3A_298 = vector.broadcast %select_n3A_294 : vector<128x1xf32> to vector<128x128xf32>
    %eq3A_299 = vector.broadcast %select_n3A_251 : vector<1x128xf32> to vector<128x128xf32>
    %eq3A_300 = arith.cmpf oeq, %eq3A_298, %eq3A_299 : vector<128x128xf32>
    %and3A_301 = arith.andi %eq3A_300, %lt3A : vector<128x128xi1>
    %or3A_302 = arith.ori %gt3A_297, %and3A_301 : vector<128x128xi1>
    %convert_element_type3A_303 = arith.extui %or3A_302 : vector<128x128xi1> to vector<128x128xi32>
    %reduce_sum3A_304 = arith.constant dense<0> : vector<128xi32>
    %reduce_sum3A_305 = vector.multi_reduction <add>, %convert_element_type3A_303, %reduce_sum3A_304 [0] : vector<128x128xi32> to vector<128xi32>
    %add3A_306 = arith.addi %add3A_285, %reduce_sum3A_305 : vector<128xi32>
    %reshape3A_307 = vector.shape_cast %add3A_306 : vector<128xi32> to vector<1x128xi32>
    %swap3A_308 = arith.constant 4 : index
    %swap3A_309 = arith.constant 0 : index
    %swap3A_310 = vector.load %arg2[%swap3A_308, %swap3A_309] : memref<40x128xi32, #tpu.memory_space<vmem>>, vector<1x128xi32>
    tpu.vector_store %arg2[%swap3A_308, %swap3A_309], %reshape3A_307 {strides = array<i32>} : memref<40x128xi32, #tpu.memory_space<vmem>>, vector<1x128xi32>,
    %get3A_311 = arith.constant 5 : index
    %get3A_312 = arith.constant 0 : index
    %get3A_313 = vector.load %arg0[%get3A_311, %get3A_312] : memref<40x128xf32, #tpu.memory_space<vmem>>, vector<1x128xf32>
    %ge3A_314 = arith.constant 2.000000e-01 : f32
    %ge3A_315 = vector.broadcast %ge3A_314 : f32 to vector<1x128xf32>
    %ge3A_316 = arith.cmpf oge, %get3A_313, %ge3A_315 : vector<1x128xf32>
    %jit3A_317 = arith.constant -1.000000e+00 : f32
    %broadcast_in_dim3A_318 = vector.broadcast %jit3A_317 : f32 to vector<1x128xf32>
    %select_n3A_319 = arith.select %ge3A_316, %get3A_313, %broadcast_in_dim3A_318 : vector<1x128xi1>, vector<1x128xf32>
    %broadcast_in_dim3A_320 = arith.constant 0 : i32
    %broadcast_in_dim3A_321 = vector.broadcast %broadcast_in_dim3A_320 : i32 to vector<128xi32>
    %get3A_322 = arith.constant 0 : index
    %get3A_323 = arith.constant 0 : index
    %get3A_324 = vector.load %arg1[%get3A_322, %get3A_323] : memref<5120x1xf32, #tpu.memory_space<vmem>>, vector<640x1xf32>
    %ge3A_325 = arith.constant 2.000000e-01 : f32
    %ge3A_326 = vector.broadcast %ge3A_325 : f32 to vector<640x1xf32>
    %ge3A_327 = arith.cmpf oge, %get3A_324, %ge3A_326 : vector<640x1xf32>
    %jit3A_328 = arith.constant -1.000000e+00 : f32
    %broadcast_in_dim3A_329 = vector.broadcast %jit3A_328 : f32 to vector<640x1xf32>
    %select_n3A_330 = arith.select %ge3A_327, %get3A_324, %broadcast_in_dim3A_329 : vector<640x1xi1>, vector<640x1xf32>
    %ge3A_331 = vector.broadcast %select_n3A_330 : vector<640x1xf32> to vector<640x128xf32>
    %ge3A_332 = vector.broadcast %select_n3A_319 : vector<1x128xf32> to vector<640x128xf32>
    %ge3A_333 = arith.cmpf oge, %ge3A_331, %ge3A_332 : vector<640x128xf32>
    %convert_element_type3A_334 = arith.extui %ge3A_333 : vector<640x128xi1> to vector<640x128xi32>
    %reduce_sum3A_335 = arith.constant dense<0> : vector<128xi32>
    %reduce_sum3A_336 = vector.multi_reduction <add>, %convert_element_type3A_334, %reduce_sum3A_335 [0] : vector<640x128xi32> to vector<128xi32>
    %add3A_337 = arith.addi %broadcast_in_dim3A_321, %reduce_sum3A_336 : vector<128xi32>
    %get3A_338 = arith.constant 768 : index
    %get3A_339 = arith.constant 0 : index
    %get3A_340 = vector.load %arg1[%get3A_338, %get3A_339] : memref<5120x1xf32, #tpu.memory_space<vmem>>, vector<4352x1xf32>
    %ge3A_341 = arith.constant 2.000000e-01 : f32
    %ge3A_342 = vector.broadcast %ge3A_341 : f32 to vector<4352x1xf32>
    %ge3A_343 = arith.cmpf oge, %get3A_340, %ge3A_342 : vector<4352x1xf32>
    %jit3A_344 = arith.constant -1.000000e+00 : f32
    %broadcast_in_dim3A_345 = vector.broadcast %jit3A_344 : f32 to vector<4352x1xf32>
    %select_n3A_346 = arith.select %ge3A_343, %get3A_340, %broadcast_in_dim3A_345 : vector<4352x1xi1>, vector<4352x1xf32>
    %gt3A_347 = vector.broadcast %select_n3A_346 : vector<4352x1xf32> to vector<4352x128xf32>
    %gt3A_348 = vector.broadcast %select_n3A_319 : vector<1x128xf32> to vector<4352x128xf32>
    %gt3A_349 = arith.cmpf ogt, %gt3A_347, %gt3A_348 : vector<4352x128xf32>
    %convert_element_type3A_350 = arith.extui %gt3A_349 : vector<4352x128xi1> to vector<4352x128xi32>
    %reduce_sum3A_351 = arith.constant dense<0> : vector<128xi32>
    %reduce_sum3A_352 = vector.multi_reduction <add>, %convert_element_type3A_350, %reduce_sum3A_351 [0] : vector<4352x128xi32> to vector<128xi32>
    %add3A_353 = arith.addi %add3A_337, %reduce_sum3A_352 : vector<128xi32>
    %get3A_354 = arith.constant 640 : index
    %get3A_355 = arith.constant 0 : index
    %get3A_356 = vector.load %arg1[%get3A_354, %get3A_355] : memref<5120x1xf32, #tpu.memory_space<vmem>>, vector<128x1xf32>
    %ge3A_357 = arith.constant 2.000000e-01 : f32
    %ge3A_358 = vector.broadcast %ge3A_357 : f32 to vector<128x1xf32>
    %ge3A_359 = arith.cmpf oge, %get3A_356, %ge3A_358 : vector<128x1xf32>
    %jit3A_360 = arith.constant -1.000000e+00 : f32
    %broadcast_in_dim3A_361 = vector.broadcast %jit3A_360 : f32 to vector<128x1xf32>
    %select_n3A_362 = arith.select %ge3A_359, %get3A_356, %broadcast_in_dim3A_361 : vector<128x1xi1>, vector<128x1xf32>
    %gt3A_363 = vector.broadcast %select_n3A_362 : vector<128x1xf32> to vector<128x128xf32>
    %gt3A_364 = vector.broadcast %select_n3A_319 : vector<1x128xf32> to vector<128x128xf32>
    %gt3A_365 = arith.cmpf ogt, %gt3A_363, %gt3A_364 : vector<128x128xf32>
    %eq3A_366 = vector.broadcast %select_n3A_362 : vector<128x1xf32> to vector<128x128xf32>
    %eq3A_367 = vector.broadcast %select_n3A_319 : vector<1x128xf32> to vector<128x128xf32>
    %eq3A_368 = arith.cmpf oeq, %eq3A_366, %eq3A_367 : vector<128x128xf32>
    %and3A_369 = arith.andi %eq3A_368, %lt3A : vector<128x128xi1>
    %or3A_370 = arith.ori %gt3A_365, %and3A_369 : vector<128x128xi1>
    %convert_element_type3A_371 = arith.extui %or3A_370 : vector<128x128xi1> to vector<128x128xi32>
    %reduce_sum3A_372 = arith.constant dense<0> : vector<128xi32>
    %reduce_sum3A_373 = vector.multi_reduction <add>, %convert_element_type3A_371, %reduce_sum3A_372 [0] : vector<128x128xi32> to vector<128xi32>
    %add3A_374 = arith.addi %add3A_353, %reduce_sum3A_373 : vector<128xi32>
    %reshape3A_375 = vector.shape_cast %add3A_374 : vector<128xi32> to vector<1x128xi32>
    %swap3A_376 = arith.constant 5 : index
    %swap3A_377 = arith.constant 0 : index
    %swap3A_378 = vector.load %arg2[%swap3A_376, %swap3A_377] : memref<40x128xi32, #tpu.memory_space<vmem>>, vector<1x128xi32>
    tpu.vector_store %arg2[%swap3A_376, %swap3A_377], %reshape3A_375 {strides = array<i32>} : memref<40x128xi32, #tpu.memory_space<vmem>>, vector<1x128xi32>,
    %get3A_379 = arith.constant 6 : index
    %get3A_380 = arith.constant 0 : index
    %get3A_381 = vector.load %arg0[%get3A_379, %get3A_380] : memref<40x128xf32, #tpu.memory_space<vmem>>, vector<1x128xf32>
    %ge3A_382 = arith.constant 2.000000e-01 : f32
    %ge3A_383 = vector.broadcast %ge3A_382 : f32 to vector<1x128xf32>
    %ge3A_384 = arith.cmpf oge, %get3A_381, %ge3A_383 : vector<1x128xf32>
    %jit3A_385 = arith.constant -1.000000e+00 : f32
    %broadcast_in_dim3A_386 = vector.broadcast %jit3A_385 : f32 to vector<1x128xf32>
    %select_n3A_387 = arith.select %ge3A_384, %get3A_381, %broadcast_in_dim3A_386 : vector<1x128xi1>, vector<1x128xf32>
    %broadcast_in_dim3A_388 = arith.constant 0 : i32
    %broadcast_in_dim3A_389 = vector.broadcast %broadcast_in_dim3A_388 : i32 to vector<128xi32>
    %get3A_390 = arith.constant 0 : index
    %get3A_391 = arith.constant 0 : index
    %get3A_392 = vector.load %arg1[%get3A_390, %get3A_391] : memref<5120x1xf32, #tpu.memory_space<vmem>>, vector<768x1xf32>
    %ge3A_393 = arith.constant 2.000000e-01 : f32
    %ge3A_394 = vector.broadcast %ge3A_393 : f32 to vector<768x1xf32>
    %ge3A_395 = arith.cmpf oge, %get3A_392, %ge3A_394 : vector<768x1xf32>
    %jit3A_396 = arith.constant -1.000000e+00 : f32
    %broadcast_in_dim3A_397 = vector.broadcast %jit3A_396 : f32 to vector<768x1xf32>
    %select_n3A_398 = arith.select %ge3A_395, %get3A_392, %broadcast_in_dim3A_397 : vector<768x1xi1>, vector<768x1xf32>
    %ge3A_399 = vector.broadcast %select_n3A_398 : vector<768x1xf32> to vector<768x128xf32>
    %ge3A_400 = vector.broadcast %select_n3A_387 : vector<1x128xf32> to vector<768x128xf32>
    %ge3A_401 = arith.cmpf oge, %ge3A_399, %ge3A_400 : vector<768x128xf32>
    %convert_element_type3A_402 = arith.extui %ge3A_401 : vector<768x128xi1> to vector<768x128xi32>
    %reduce_sum3A_403 = arith.constant dense<0> : vector<128xi32>
    %reduce_sum3A_404 = vector.multi_reduction <add>, %convert_element_type3A_402, %reduce_sum3A_403 [0] : vector<768x128xi32> to vector<128xi32>
    %add3A_405 = arith.addi %broadcast_in_dim3A_389, %reduce_sum3A_404 : vector<128xi32>
    %get3A_406 = arith.constant 896 : index
    %get3A_407 = arith.constant 0 : index
    %get3A_408 = vector.load %arg1[%get3A_406, %get3A_407] : memref<5120x1xf32, #tpu.memory_space<vmem>>, vector<4224x1xf32>
    %ge3A_409 = arith.constant 2.000000e-01 : f32
    %ge3A_410 = vector.broadcast %ge3A_409 : f32 to vector<4224x1xf32>
    %ge3A_411 = arith.cmpf oge, %get3A_408, %ge3A_410 : vector<4224x1xf32>
    %jit3A_412 = arith.constant -1.000000e+00 : f32
    %broadcast_in_dim3A_413 = vector.broadcast %jit3A_412 : f32 to vector<4224x1xf32>
    %select_n3A_414 = arith.select %ge3A_411, %get3A_408, %broadcast_in_dim3A_413 : vector<4224x1xi1>, vector<4224x1xf32>
    %gt3A_415 = vector.broadcast %select_n3A_414 : vector<4224x1xf32> to vector<4224x128xf32>
    %gt3A_416 = vector.broadcast %select_n3A_387 : vector<1x128xf32> to vector<4224x128xf32>
    %gt3A_417 = arith.cmpf ogt, %gt3A_415, %gt3A_416 : vector<4224x128xf32>
    %convert_element_type3A_418 = arith.extui %gt3A_417 : vector<4224x128xi1> to vector<4224x128xi32>
    %reduce_sum3A_419 = arith.constant dense<0> : vector<128xi32>
    %reduce_sum3A_420 = vector.multi_reduction <add>, %convert_element_type3A_418, %reduce_sum3A_419 [0] : vector<4224x128xi32> to vector<128xi32>
    %add3A_421 = arith.addi %add3A_405, %reduce_sum3A_420 : vector<128xi32>
    %get3A_422 = arith.constant 768 : index
    %get3A_423 = arith.constant 0 : index
    %get3A_424 = vector.load %arg1[%get3A_422, %get3A_423] : memref<5120x1xf32, #tpu.memory_space<vmem>>, vector<128x1xf32>
    %ge3A_425 = arith.constant 2.000000e-01 : f32
    %ge3A_426 = vector.broadcast %ge3A_425 : f32 to vector<128x1xf32>
    %ge3A_427 = arith.cmpf oge, %get3A_424, %ge3A_426 : vector<128x1xf32>
    %jit3A_428 = arith.constant -1.000000e+00 : f32
    %broadcast_in_dim3A_429 = vector.broadcast %jit3A_428 : f32 to vector<128x1xf32>
    %select_n3A_430 = arith.select %ge3A_427, %get3A_424, %broadcast_in_dim3A_429 : vector<128x1xi1>, vector<128x1xf32>
    %gt3A_431 = vector.broadcast %select_n3A_430 : vector<128x1xf32> to vector<128x128xf32>
    %gt3A_432 = vector.broadcast %select_n3A_387 : vector<1x128xf32> to vector<128x128xf32>
    %gt3A_433 = arith.cmpf ogt, %gt3A_431, %gt3A_432 : vector<128x128xf32>
    %eq3A_434 = vector.broadcast %select_n3A_430 : vector<128x1xf32> to vector<128x128xf32>
    %eq3A_435 = vector.broadcast %select_n3A_387 : vector<1x128xf32> to vector<128x128xf32>
    %eq3A_436 = arith.cmpf oeq, %eq3A_434, %eq3A_435 : vector<128x128xf32>
    %and3A_437 = arith.andi %eq3A_436, %lt3A : vector<128x128xi1>
    %or3A_438 = arith.ori %gt3A_433, %and3A_437 : vector<128x128xi1>
    %convert_element_type3A_439 = arith.extui %or3A_438 : vector<128x128xi1> to vector<128x128xi32>
    %reduce_sum3A_440 = arith.constant dense<0> : vector<128xi32>
    %reduce_sum3A_441 = vector.multi_reduction <add>, %convert_element_type3A_439, %reduce_sum3A_440 [0] : vector<128x128xi32> to vector<128xi32>
    %add3A_442 = arith.addi %add3A_421, %reduce_sum3A_441 : vector<128xi32>
    %reshape3A_443 = vector.shape_cast %add3A_442 : vector<128xi32> to vector<1x128xi32>
    %swap3A_444 = arith.constant 6 : index
    %swap3A_445 = arith.constant 0 : index
    %swap3A_446 = vector.load %arg2[%swap3A_444, %swap3A_445] : memref<40x128xi32, #tpu.memory_space<vmem>>, vector<1x128xi32>
    tpu.vector_store %arg2[%swap3A_444, %swap3A_445], %reshape3A_443 {strides = array<i32>} : memref<40x128xi32, #tpu.memory_space<vmem>>, vector<1x128xi32>,
    %get3A_447 = arith.constant 7 : index
    %get3A_448 = arith.constant 0 : index
    %get3A_449 = vector.load %arg0[%get3A_447, %get3A_448] : memref<40x128xf32, #tpu.memory_space<vmem>>, vector<1x128xf32>
    %ge3A_450 = arith.constant 2.000000e-01 : f32
    %ge3A_451 = vector.broadcast %ge3A_450 : f32 to vector<1x128xf32>
    %ge3A_452 = arith.cmpf oge, %get3A_449, %ge3A_451 : vector<1x128xf32>
    %jit3A_453 = arith.constant -1.000000e+00 : f32
    %broadcast_in_dim3A_454 = vector.broadcast %jit3A_453 : f32 to vector<1x128xf32>
    %select_n3A_455 = arith.select %ge3A_452, %get3A_449, %broadcast_in_dim3A_454 : vector<1x128xi1>, vector<1x128xf32>
    %broadcast_in_dim3A_456 = arith.constant 0 : i32
    %broadcast_in_dim3A_457 = vector.broadcast %broadcast_in_dim3A_456 : i32 to vector<128xi32>
    %get3A_458 = arith.constant 0 : index
    %get3A_459 = arith.constant 0 : index
    %get3A_460 = vector.load %arg1[%get3A_458, %get3A_459] : memref<5120x1xf32, #tpu.memory_space<vmem>>, vector<896x1xf32>
    %ge3A_461 = arith.constant 2.000000e-01 : f32
    %ge3A_462 = vector.broadcast %ge3A_461 : f32 to vector<896x1xf32>
    %ge3A_463 = arith.cmpf oge, %get3A_460, %ge3A_462 : vector<896x1xf32>
    %jit3A_464 = arith.constant -1.000000e+00 : f32
    %broadcast_in_dim3A_465 = vector.broadcast %jit3A_464 : f32 to vector<896x1xf32>
    %select_n3A_466 = arith.select %ge3A_463, %get3A_460, %broadcast_in_dim3A_465 : vector<896x1xi1>, vector<896x1xf32>
    %ge3A_467 = vector.broadcast %select_n3A_466 : vector<896x1xf32> to vector<896x128xf32>
    %ge3A_468 = vector.broadcast %select_n3A_455 : vector<1x128xf32> to vector<896x128xf32>
    %ge3A_469 = arith.cmpf oge, %ge3A_467, %ge3A_468 : vector<896x128xf32>
    %convert_element_type3A_470 = arith.extui %ge3A_469 : vector<896x128xi1> to vector<896x128xi32>
    %reduce_sum3A_471 = arith.constant dense<0> : vector<128xi32>
    %reduce_sum3A_472 = vector.multi_reduction <add>, %convert_element_type3A_470, %reduce_sum3A_471 [0] : vector<896x128xi32> to vector<128xi32>
    %add3A_473 = arith.addi %broadcast_in_dim3A_457, %reduce_sum3A_472 : vector<128xi32>
    %get3A_474 = arith.constant 1024 : index
    %get3A_475 = arith.constant 0 : index
    %get3A_476 = vector.load %arg1[%get3A_474, %get3A_475] : memref<5120x1xf32, #tpu.memory_space<vmem>>, vector<4096x1xf32>
    %ge3A_477 = arith.constant 2.000000e-01 : f32
    %ge3A_478 = vector.broadcast %ge3A_477 : f32 to vector<4096x1xf32>
    %ge3A_479 = arith.cmpf oge, %get3A_476, %ge3A_478 : vector<4096x1xf32>
    %jit3A_480 = arith.constant -1.000000e+00 : f32
    %broadcast_in_dim3A_481 = vector.broadcast %jit3A_480 : f32 to vector<4096x1xf32>
    %select_n3A_482 = arith.select %ge3A_479, %get3A_476, %broadcast_in_dim3A_481 : vector<4096x1xi1>, vector<4096x1xf32>
    %gt3A_483 = vector.broadcast %select_n3A_482 : vector<4096x1xf32> to vector<4096x128xf32>
    %gt3A_484 = vector.broadcast %select_n3A_455 : vector<1x128xf32> to vector<4096x128xf32>
    %gt3A_485 = arith.cmpf ogt, %gt3A_483, %gt3A_484 : vector<4096x128xf32>
    %convert_element_type3A_486 = arith.extui %gt3A_485 : vector<4096x128xi1> to vector<4096x128xi32>
    %reduce_sum3A_487 = arith.constant dense<0> : vector<128xi32>
    %reduce_sum3A_488 = vector.multi_reduction <add>, %convert_element_type3A_486, %reduce_sum3A_487 [0] : vector<4096x128xi32> to vector<128xi32>
    %add3A_489 = arith.addi %add3A_473, %reduce_sum3A_488 : vector<128xi32>
    %get3A_490 = arith.constant 896 : index
    %get3A_491 = arith.constant 0 : index
    %get3A_492 = vector.load %arg1[%get3A_490, %get3A_491] : memref<5120x1xf32, #tpu.memory_space<vmem>>, vector<128x1xf32>
    %ge3A_493 = arith.constant 2.000000e-01 : f32
    %ge3A_494 = vector.broadcast %ge3A_493 : f32 to vector<128x1xf32>
    %ge3A_495 = arith.cmpf oge, %get3A_492, %ge3A_494 : vector<128x1xf32>
    %jit3A_496 = arith.constant -1.000000e+00 : f32
    %broadcast_in_dim3A_497 = vector.broadcast %jit3A_496 : f32 to vector<128x1xf32>
    %select_n3A_498 = arith.select %ge3A_495, %get3A_492, %broadcast_in_dim3A_497 : vector<128x1xi1>, vector<128x1xf32>
    %gt3A_499 = vector.broadcast %select_n3A_498 : vector<128x1xf32> to vector<128x128xf32>
    %gt3A_500 = vector.broadcast %select_n3A_455 : vector<1x128xf32> to vector<128x128xf32>
    %gt3A_501 = arith.cmpf ogt, %gt3A_499, %gt3A_500 : vector<128x128xf32>
    %eq3A_502 = vector.broadcast %select_n3A_498 : vector<128x1xf32> to vector<128x128xf32>
    %eq3A_503 = vector.broadcast %select_n3A_455 : vector<1x128xf32> to vector<128x128xf32>
    %eq3A_504 = arith.cmpf oeq, %eq3A_502, %eq3A_503 : vector<128x128xf32>
    %and3A_505 = arith.andi %eq3A_504, %lt3A : vector<128x128xi1>
    %or3A_506 = arith.ori %gt3A_501, %and3A_505 : vector<128x128xi1>
    %convert_element_type3A_507 = arith.extui %or3A_506 : vector<128x128xi1> to vector<128x128xi32>
    %reduce_sum3A_508 = arith.constant dense<0> : vector<128xi32>
    %reduce_sum3A_509 = vector.multi_reduction <add>, %convert_element_type3A_507, %reduce_sum3A_508 [0] : vector<128x128xi32> to vector<128xi32>
    %add3A_510 = arith.addi %add3A_489, %reduce_sum3A_509 : vector<128xi32>
    %reshape3A_511 = vector.shape_cast %add3A_510 : vector<128xi32> to vector<1x128xi32>
    %swap3A_512 = arith.constant 7 : index
    %swap3A_513 = arith.constant 0 : index
    %swap3A_514 = vector.load %arg2[%swap3A_512, %swap3A_513] : memref<40x128xi32, #tpu.memory_space<vmem>>, vector<1x128xi32>
    tpu.vector_store %arg2[%swap3A_512, %swap3A_513], %reshape3A_511 {strides = array<i32>} : memref<40x128xi32, #tpu.memory_space<vmem>>, vector<1x128xi32>,
    %get3A_515 = arith.constant 8 : index
    %get3A_516 = arith.constant 0 : index
    %get3A_517 = vector.load %arg0[%get3A_515, %get3A_516] : memref<40x128xf32, #tpu.memory_space<vmem>>, vector<1x128xf32>
    %ge3A_518 = arith.constant 2.000000e-01 : f32
    %ge3A_519 = vector.broadcast %ge3A_518 : f32 to vector<1x128xf32>
    %ge3A_520 = arith.cmpf oge, %get3A_517, %ge3A_519 : vector<1x128xf32>
    %jit3A_521 = arith.constant -1.000000e+00 : f32
    %broadcast_in_dim3A_522 = vector.broadcast %jit3A_521 : f32 to vector<1x128xf32>
    %select_n3A_523 = arith.select %ge3A_520, %get3A_517, %broadcast_in_dim3A_522 : vector<1x128xi1>, vector<1x128xf32>
    %broadcast_in_dim3A_524 = arith.constant 0 : i32
    %broadcast_in_dim3A_525 = vector.broadcast %broadcast_in_dim3A_524 : i32 to vector<128xi32>
    %get3A_526 = arith.constant 0 : index
    %get3A_527 = arith.constant 0 : index
    %get3A_528 = vector.load %arg1[%get3A_526, %get3A_527] : memref<5120x1xf32, #tpu.memory_space<vmem>>, vector<1024x1xf32>
    %ge3A_529 = arith.constant 2.000000e-01 : f32
    %ge3A_530 = vector.broadcast %ge3A_529 : f32 to vector<1024x1xf32>
    %ge3A_531 = arith.cmpf oge, %get3A_528, %ge3A_530 : vector<1024x1xf32>
    %jit3A_532 = arith.constant -1.000000e+00 : f32
    %broadcast_in_dim3A_533 = vector.broadcast %jit3A_532 : f32 to vector<1024x1xf32>
    %select_n3A_534 = arith.select %ge3A_531, %get3A_528, %broadcast_in_dim3A_533 : vector<1024x1xi1>, vector<1024x1xf32>
    %ge3A_535 = vector.broadcast %select_n3A_534 : vector<1024x1xf32> to vector<1024x128xf32>
    %ge3A_536 = vector.broadcast %select_n3A_523 : vector<1x128xf32> to vector<1024x128xf32>
    %ge3A_537 = arith.cmpf oge, %ge3A_535, %ge3A_536 : vector<1024x128xf32>
    %convert_element_type3A_538 = arith.extui %ge3A_537 : vector<1024x128xi1> to vector<1024x128xi32>
    %reduce_sum3A_539 = arith.constant dense<0> : vector<128xi32>
    %reduce_sum3A_540 = vector.multi_reduction <add>, %convert_element_type3A_538, %reduce_sum3A_539 [0] : vector<1024x128xi32> to vector<128xi32>
    %add3A_541 = arith.addi %broadcast_in_dim3A_525, %reduce_sum3A_540 : vector<128xi32>
    %get3A_542 = arith.constant 1152 : index
    %get3A_543 = arith.constant 0 : index
    %get3A_544 = vector.load %arg1[%get3A_542, %get3A_543] : memref<5120x1xf32, #tpu.memory_space<vmem>>, vector<3968x1xf32>
    %ge3A_545 = arith.constant 2.000000e-01 : f32
    %ge3A_546 = vector.broadcast %ge3A_545 : f32 to vector<3968x1xf32>
    %ge3A_547 = arith.cmpf oge, %get3A_544, %ge3A_546 : vector<3968x1xf32>
    %jit3A_548 = arith.constant -1.000000e+00 : f32
    %broadcast_in_dim3A_549 = vector.broadcast %jit3A_548 : f32 to vector<3968x1xf32>
    %select_n3A_550 = arith.select %ge3A_547, %get3A_544, %broadcast_in_dim3A_549 : vector<3968x1xi1>, vector<3968x1xf32>
    %gt3A_551 = vector.broadcast %select_n3A_550 : vector<3968x1xf32> to vector<3968x128xf32>
    %gt3A_552 = vector.broadcast %select_n3A_523 : vector<1x128xf32> to vector<3968x128xf32>
    %gt3A_553 = arith.cmpf ogt, %gt3A_551, %gt3A_552 : vector<3968x128xf32>
    %convert_element_type3A_554 = arith.extui %gt3A_553 : vector<3968x128xi1> to vector<3968x128xi32>
    %reduce_sum3A_555 = arith.constant dense<0> : vector<128xi32>
    %reduce_sum3A_556 = vector.multi_reduction <add>, %convert_element_type3A_554, %reduce_sum3A_555 [0] : vector<3968x128xi32> to vector<128xi32>
    %add3A_557 = arith.addi %add3A_541, %reduce_sum3A_556 : vector<128xi32>
    %get3A_558 = arith.constant 1024 : index
    %get3A_559 = arith.constant 0 : index
    %get3A_560 = vector.load %arg1[%get3A_558, %get3A_559] : memref<5120x1xf32, #tpu.memory_space<vmem>>, vector<128x1xf32>
    %ge3A_561 = arith.constant 2.000000e-01 : f32
    %ge3A_562 = vector.broadcast %ge3A_561 : f32 to vector<128x1xf32>
    %ge3A_563 = arith.cmpf oge, %get3A_560, %ge3A_562 : vector<128x1xf32>
    %jit3A_564 = arith.constant -1.000000e+00 : f32
    %broadcast_in_dim3A_565 = vector.broadcast %jit3A_564 : f32 to vector<128x1xf32>
    %select_n3A_566 = arith.select %ge3A_563, %get3A_560, %broadcast_in_dim3A_565 : vector<128x1xi1>, vector<128x1xf32>
    %gt3A_567 = vector.broadcast %select_n3A_566 : vector<128x1xf32> to vector<128x128xf32>
    %gt3A_568 = vector.broadcast %select_n3A_523 : vector<1x128xf32> to vector<128x128xf32>
    %gt3A_569 = arith.cmpf ogt, %gt3A_567, %gt3A_568 : vector<128x128xf32>
    %eq3A_570 = vector.broadcast %select_n3A_566 : vector<128x1xf32> to vector<128x128xf32>
    %eq3A_571 = vector.broadcast %select_n3A_523 : vector<1x128xf32> to vector<128x128xf32>
    %eq3A_572 = arith.cmpf oeq, %eq3A_570, %eq3A_571 : vector<128x128xf32>
    %and3A_573 = arith.andi %eq3A_572, %lt3A : vector<128x128xi1>
    %or3A_574 = arith.ori %gt3A_569, %and3A_573 : vector<128x128xi1>
    %convert_element_type3A_575 = arith.extui %or3A_574 : vector<128x128xi1> to vector<128x128xi32>
    %reduce_sum3A_576 = arith.constant dense<0> : vector<128xi32>
    %reduce_sum3A_577 = vector.multi_reduction <add>, %convert_element_type3A_575, %reduce_sum3A_576 [0] : vector<128x128xi32> to vector<128xi32>
    %add3A_578 = arith.addi %add3A_557, %reduce_sum3A_577 : vector<128xi32>
    %reshape3A_579 = vector.shape_cast %add3A_578 : vector<128xi32> to vector<1x128xi32>
    %swap3A_580 = arith.constant 8 : index
    %swap3A_581 = arith.constant 0 : index
    %swap3A_582 = vector.load %arg2[%swap3A_580, %swap3A_581] : memref<40x128xi32, #tpu.memory_space<vmem>>, vector<1x128xi32>
    tpu.vector_store %arg2[%swap3A_580, %swap3A_581], %reshape3A_579 {strides = array<i32>} : memref<40x128xi32, #tpu.memory_space<vmem>>, vector<1x128xi32>,
    %get3A_583 = arith.constant 9 : index
    %get3A_584 = arith.constant 0 : index
    %get3A_585 = vector.load %arg0[%get3A_583, %get3A_584] : memref<40x128xf32, #tpu.memory_space<vmem>>, vector<1x128xf32>
    %ge3A_586 = arith.constant 2.000000e-01 : f32
    %ge3A_587 = vector.broadcast %ge3A_586 : f32 to vector<1x128xf32>
    %ge3A_588 = arith.cmpf oge, %get3A_585, %ge3A_587 : vector<1x128xf32>
    %jit3A_589 = arith.constant -1.000000e+00 : f32
    %broadcast_in_dim3A_590 = vector.broadcast %jit3A_589 : f32 to vector<1x128xf32>
    %select_n3A_591 = arith.select %ge3A_588, %get3A_585, %broadcast_in_dim3A_590 : vector<1x128xi1>, vector<1x128xf32>
    %broadcast_in_dim3A_592 = arith.constant 0 : i32
    %broadcast_in_dim3A_593 = vector.broadcast %broadcast_in_dim3A_592 : i32 to vector<128xi32>
    %get3A_594 = arith.constant 0 : index
    %get3A_595 = arith.constant 0 : index
    %get3A_596 = vector.load %arg1[%get3A_594, %get3A_595] : memref<5120x1xf32, #tpu.memory_space<vmem>>, vector<1152x1xf32>
    %ge3A_597 = arith.constant 2.000000e-01 : f32
    %ge3A_598 = vector.broadcast %ge3A_597 : f32 to vector<1152x1xf32>
    %ge3A_599 = arith.cmpf oge, %get3A_596, %ge3A_598 : vector<1152x1xf32>
    %jit3A_600 = arith.constant -1.000000e+00 : f32
    %broadcast_in_dim3A_601 = vector.broadcast %jit3A_600 : f32 to vector<1152x1xf32>
    %select_n3A_602 = arith.select %ge3A_599, %get3A_596, %broadcast_in_dim3A_601 : vector<1152x1xi1>, vector<1152x1xf32>
    %ge3A_603 = vector.broadcast %select_n3A_602 : vector<1152x1xf32> to vector<1152x128xf32>
    %ge3A_604 = vector.broadcast %select_n3A_591 : vector<1x128xf32> to vector<1152x128xf32>
    %ge3A_605 = arith.cmpf oge, %ge3A_603, %ge3A_604 : vector<1152x128xf32>
    %convert_element_type3A_606 = arith.extui %ge3A_605 : vector<1152x128xi1> to vector<1152x128xi32>
    %reduce_sum3A_607 = arith.constant dense<0> : vector<128xi32>
    %reduce_sum3A_608 = vector.multi_reduction <add>, %convert_element_type3A_606, %reduce_sum3A_607 [0] : vector<1152x128xi32> to vector<128xi32>
    %add3A_609 = arith.addi %broadcast_in_dim3A_593, %reduce_sum3A_608 : vector<128xi32>
    %get3A_610 = arith.constant 1280 : index
    %get3A_611 = arith.constant 0 : index
    %get3A_612 = vector.load %arg1[%get3A_610, %get3A_611] : memref<5120x1xf32, #tpu.memory_space<vmem>>, vector<3840x1xf32>
    %ge3A_613 = arith.constant 2.000000e-01 : f32
    %ge3A_614 = vector.broadcast %ge3A_613 : f32 to vector<3840x1xf32>
    %ge3A_615 = arith.cmpf oge, %get3A_612, %ge3A_614 : vector<3840x1xf32>
    %jit3A_616 = arith.constant -1.000000e+00 : f32
    %broadcast_in_dim3A_617 = vector.broadcast %jit3A_616 : f32 to vector<3840x1xf32>
    %select_n3A_618 = arith.select %ge3A_615, %get3A_612, %broadcast_in_dim3A_617 : vector<3840x1xi1>, vector<3840x1xf32>
    %gt3A_619 = vector.broadcast %select_n3A_618 : vector<3840x1xf32> to vector<3840x128xf32>
    %gt3A_620 = vector.broadcast %select_n3A_591 : vector<1x128xf32> to vector<3840x128xf32>
    %gt3A_621 = arith.cmpf ogt, %gt3A_619, %gt3A_620 : vector<3840x128xf32>
    %convert_element_type3A_622 = arith.extui %gt3A_621 : vector<3840x128xi1> to vector<3840x128xi32>
    %reduce_sum3A_623 = arith.constant dense<0> : vector<128xi32>
    %reduce_sum3A_624 = vector.multi_reduction <add>, %convert_element_type3A_622, %reduce_sum3A_623 [0] : vector<3840x128xi32> to vector<128xi32>
    %add3A_625 = arith.addi %add3A_609, %reduce_sum3A_624 : vector<128xi32>
    %get3A_626 = arith.constant 1152 : index
    %get3A_627 = arith.constant 0 : index
    %get3A_628 = vector.load %arg1[%get3A_626, %get3A_627] : memref<5120x1xf32, #tpu.memory_space<vmem>>, vector<128x1xf32>
    %ge3A_629 = arith.constant 2.000000e-01 : f32
    %ge3A_630 = vector.broadcast %ge3A_629 : f32 to vector<128x1xf32>
    %ge3A_631 = arith.cmpf oge, %get3A_628, %ge3A_630 : vector<128x1xf32>
    %jit3A_632 = arith.constant -1.000000e+00 : f32
    %broadcast_in_dim3A_633 = vector.broadcast %jit3A_632 : f32 to vector<128x1xf32>
    %select_n3A_634 = arith.select %ge3A_631, %get3A_628, %broadcast_in_dim3A_633 : vector<128x1xi1>, vector<128x1xf32>
    %gt3A_635 = vector.broadcast %select_n3A_634 : vector<128x1xf32> to vector<128x128xf32>
    %gt3A_636 = vector.broadcast %select_n3A_591 : vector<1x128xf32> to vector<128x128xf32>
    %gt3A_637 = arith.cmpf ogt, %gt3A_635, %gt3A_636 : vector<128x128xf32>
    %eq3A_638 = vector.broadcast %select_n3A_634 : vector<128x1xf32> to vector<128x128xf32>
    %eq3A_639 = vector.broadcast %select_n3A_591 : vector<1x128xf32> to vector<128x128xf32>
    %eq3A_640 = arith.cmpf oeq, %eq3A_638, %eq3A_639 : vector<128x128xf32>
    %and3A_641 = arith.andi %eq3A_640, %lt3A : vector<128x128xi1>
    %or3A_642 = arith.ori %gt3A_637, %and3A_641 : vector<128x128xi1>
    %convert_element_type3A_643 = arith.extui %or3A_642 : vector<128x128xi1> to vector<128x128xi32>
    %reduce_sum3A_644 = arith.constant dense<0> : vector<128xi32>
    %reduce_sum3A_645 = vector.multi_reduction <add>, %convert_element_type3A_643, %reduce_sum3A_644 [0] : vector<128x128xi32> to vector<128xi32>
    %add3A_646 = arith.addi %add3A_625, %reduce_sum3A_645 : vector<128xi32>
    %reshape3A_647 = vector.shape_cast %add3A_646 : vector<128xi32> to vector<1x128xi32>
    %swap3A_648 = arith.constant 9 : index
    %swap3A_649 = arith.constant 0 : index
    %swap3A_650 = vector.load %arg2[%swap3A_648, %swap3A_649] : memref<40x128xi32, #tpu.memory_space<vmem>>, vector<1x128xi32>
    tpu.vector_store %arg2[%swap3A_648, %swap3A_649], %reshape3A_647 {strides = array<i32>} : memref<40x128xi32, #tpu.memory_space<vmem>>, vector<1x128xi32>,
    %get3A_651 = arith.constant 10 : index
    %get3A_652 = arith.constant 0 : index
    %get3A_653 = vector.load %arg0[%get3A_651, %get3A_652] : memref<40x128xf32, #tpu.memory_space<vmem>>, vector<1x128xf32>
    %ge3A_654 = arith.constant 2.000000e-01 : f32
    %ge3A_655 = vector.broadcast %ge3A_654 : f32 to vector<1x128xf32>
    %ge3A_656 = arith.cmpf oge, %get3A_653, %ge3A_655 : vector<1x128xf32>
    %jit3A_657 = arith.constant -1.000000e+00 : f32
    %broadcast_in_dim3A_658 = vector.broadcast %jit3A_657 : f32 to vector<1x128xf32>
    %select_n3A_659 = arith.select %ge3A_656, %get3A_653, %broadcast_in_dim3A_658 : vector<1x128xi1>, vector<1x128xf32>
    %broadcast_in_dim3A_660 = arith.constant 0 : i32
    %broadcast_in_dim3A_661 = vector.broadcast %broadcast_in_dim3A_660 : i32 to vector<128xi32>
    %get3A_662 = arith.constant 0 : index
    %get3A_663 = arith.constant 0 : index
    %get3A_664 = vector.load %arg1[%get3A_662, %get3A_663] : memref<5120x1xf32, #tpu.memory_space<vmem>>, vector<1280x1xf32>
    %ge3A_665 = arith.constant 2.000000e-01 : f32
    %ge3A_666 = vector.broadcast %ge3A_665 : f32 to vector<1280x1xf32>
    %ge3A_667 = arith.cmpf oge, %get3A_664, %ge3A_666 : vector<1280x1xf32>
    %jit3A_668 = arith.constant -1.000000e+00 : f32
    %broadcast_in_dim3A_669 = vector.broadcast %jit3A_668 : f32 to vector<1280x1xf32>
    %select_n3A_670 = arith.select %ge3A_667, %get3A_664, %broadcast_in_dim3A_669 : vector<1280x1xi1>, vector<1280x1xf32>
    %ge3A_671 = vector.broadcast %select_n3A_670 : vector<1280x1xf32> to vector<1280x128xf32>
    %ge3A_672 = vector.broadcast %select_n3A_659 : vector<1x128xf32> to vector<1280x128xf32>
    %ge3A_673 = arith.cmpf oge, %ge3A_671, %ge3A_672 : vector<1280x128xf32>
    %convert_element_type3A_674 = arith.extui %ge3A_673 : vector<1280x128xi1> to vector<1280x128xi32>
    %reduce_sum3A_675 = arith.constant dense<0> : vector<128xi32>
    %reduce_sum3A_676 = vector.multi_reduction <add>, %convert_element_type3A_674, %reduce_sum3A_675 [0] : vector<1280x128xi32> to vector<128xi32>
    %add3A_677 = arith.addi %broadcast_in_dim3A_661, %reduce_sum3A_676 : vector<128xi32>
    %get3A_678 = arith.constant 1408 : index
    %get3A_679 = arith.constant 0 : index
    %get3A_680 = vector.load %arg1[%get3A_678, %get3A_679] : memref<5120x1xf32, #tpu.memory_space<vmem>>, vector<3712x1xf32>
    %ge3A_681 = arith.constant 2.000000e-01 : f32
    %ge3A_682 = vector.broadcast %ge3A_681 : f32 to vector<3712x1xf32>
    %ge3A_683 = arith.cmpf oge, %get3A_680, %ge3A_682 : vector<3712x1xf32>
    %jit3A_684 = arith.constant -1.000000e+00 : f32
    %broadcast_in_dim3A_685 = vector.broadcast %jit3A_684 : f32 to vector<3712x1xf32>
    %select_n3A_686 = arith.select %ge3A_683, %get3A_680, %broadcast_in_dim3A_685 : vector<3712x1xi1>, vector<3712x1xf32>
    %gt3A_687 = vector.broadcast %select_n3A_686 : vector<3712x1xf32> to vector<3712x128xf32>
    %gt3A_688 = vector.broadcast %select_n3A_659 : vector<1x128xf32> to vector<3712x128xf32>
    %gt3A_689 = arith.cmpf ogt, %gt3A_687, %gt3A_688 : vector<3712x128xf32>
    %convert_element_type3A_690 = arith.extui %gt3A_689 : vector<3712x128xi1> to vector<3712x128xi32>
    %reduce_sum3A_691 = arith.constant dense<0> : vector<128xi32>
    %reduce_sum3A_692 = vector.multi_reduction <add>, %convert_element_type3A_690, %reduce_sum3A_691 [0] : vector<3712x128xi32> to vector<128xi32>
    %add3A_693 = arith.addi %add3A_677, %reduce_sum3A_692 : vector<128xi32>
    %get3A_694 = arith.constant 1280 : index
    %get3A_695 = arith.constant 0 : index
    %get3A_696 = vector.load %arg1[%get3A_694, %get3A_695] : memref<5120x1xf32, #tpu.memory_space<vmem>>, vector<128x1xf32>
    %ge3A_697 = arith.constant 2.000000e-01 : f32
    %ge3A_698 = vector.broadcast %ge3A_697 : f32 to vector<128x1xf32>
    %ge3A_699 = arith.cmpf oge, %get3A_696, %ge3A_698 : vector<128x1xf32>
    %jit3A_700 = arith.constant -1.000000e+00 : f32
    %broadcast_in_dim3A_701 = vector.broadcast %jit3A_700 : f32 to vector<128x1xf32>
    %select_n3A_702 = arith.select %ge3A_699, %get3A_696, %broadcast_in_dim3A_701 : vector<128x1xi1>, vector<128x1xf32>
    %gt3A_703 = vector.broadcast %select_n3A_702 : vector<128x1xf32> to vector<128x128xf32>
    %gt3A_704 = vector.broadcast %select_n3A_659 : vector<1x128xf32> to vector<128x128xf32>
    %gt3A_705 = arith.cmpf ogt, %gt3A_703, %gt3A_704 : vector<128x128xf32>
    %eq3A_706 = vector.broadcast %select_n3A_702 : vector<128x1xf32> to vector<128x128xf32>
    %eq3A_707 = vector.broadcast %select_n3A_659 : vector<1x128xf32> to vector<128x128xf32>
    %eq3A_708 = arith.cmpf oeq, %eq3A_706, %eq3A_707 : vector<128x128xf32>
    %and3A_709 = arith.andi %eq3A_708, %lt3A : vector<128x128xi1>
    %or3A_710 = arith.ori %gt3A_705, %and3A_709 : vector<128x128xi1>
    %convert_element_type3A_711 = arith.extui %or3A_710 : vector<128x128xi1> to vector<128x128xi32>
    %reduce_sum3A_712 = arith.constant dense<0> : vector<128xi32>
    %reduce_sum3A_713 = vector.multi_reduction <add>, %convert_element_type3A_711, %reduce_sum3A_712 [0] : vector<128x128xi32> to vector<128xi32>
    %add3A_714 = arith.addi %add3A_693, %reduce_sum3A_713 : vector<128xi32>
    %reshape3A_715 = vector.shape_cast %add3A_714 : vector<128xi32> to vector<1x128xi32>
    %swap3A_716 = arith.constant 10 : index
    %swap3A_717 = arith.constant 0 : index
    %swap3A_718 = vector.load %arg2[%swap3A_716, %swap3A_717] : memref<40x128xi32, #tpu.memory_space<vmem>>, vector<1x128xi32>
    tpu.vector_store %arg2[%swap3A_716, %swap3A_717], %reshape3A_715 {strides = array<i32>} : memref<40x128xi32, #tpu.memory_space<vmem>>, vector<1x128xi32>,
    %get3A_719 = arith.constant 11 : index
    %get3A_720 = arith.constant 0 : index
    %get3A_721 = vector.load %arg0[%get3A_719, %get3A_720] : memref<40x128xf32, #tpu.memory_space<vmem>>, vector<1x128xf32>
    %ge3A_722 = arith.constant 2.000000e-01 : f32
    %ge3A_723 = vector.broadcast %ge3A_722 : f32 to vector<1x128xf32>
    %ge3A_724 = arith.cmpf oge, %get3A_721, %ge3A_723 : vector<1x128xf32>
    %jit3A_725 = arith.constant -1.000000e+00 : f32
    %broadcast_in_dim3A_726 = vector.broadcast %jit3A_725 : f32 to vector<1x128xf32>
    %select_n3A_727 = arith.select %ge3A_724, %get3A_721, %broadcast_in_dim3A_726 : vector<1x128xi1>, vector<1x128xf32>
    %broadcast_in_dim3A_728 = arith.constant 0 : i32
    %broadcast_in_dim3A_729 = vector.broadcast %broadcast_in_dim3A_728 : i32 to vector<128xi32>
    %get3A_730 = arith.constant 0 : index
    %get3A_731 = arith.constant 0 : index
    %get3A_732 = vector.load %arg1[%get3A_730, %get3A_731] : memref<5120x1xf32, #tpu.memory_space<vmem>>, vector<1408x1xf32>
    %ge3A_733 = arith.constant 2.000000e-01 : f32
    %ge3A_734 = vector.broadcast %ge3A_733 : f32 to vector<1408x1xf32>
    %ge3A_735 = arith.cmpf oge, %get3A_732, %ge3A_734 : vector<1408x1xf32>
    %jit3A_736 = arith.constant -1.000000e+00 : f32
    %broadcast_in_dim3A_737 = vector.broadcast %jit3A_736 : f32 to vector<1408x1xf32>
    %select_n3A_738 = arith.select %ge3A_735, %get3A_732, %broadcast_in_dim3A_737 : vector<1408x1xi1>, vector<1408x1xf32>
    %ge3A_739 = vector.broadcast %select_n3A_738 : vector<1408x1xf32> to vector<1408x128xf32>
    %ge3A_740 = vector.broadcast %select_n3A_727 : vector<1x128xf32> to vector<1408x128xf32>
    %ge3A_741 = arith.cmpf oge, %ge3A_739, %ge3A_740 : vector<1408x128xf32>
    %convert_element_type3A_742 = arith.extui %ge3A_741 : vector<1408x128xi1> to vector<1408x128xi32>
    %reduce_sum3A_743 = arith.constant dense<0> : vector<128xi32>
    %reduce_sum3A_744 = vector.multi_reduction <add>, %convert_element_type3A_742, %reduce_sum3A_743 [0] : vector<1408x128xi32> to vector<128xi32>
    %add3A_745 = arith.addi %broadcast_in_dim3A_729, %reduce_sum3A_744 : vector<128xi32>
    %get3A_746 = arith.constant 1536 : index
    %get3A_747 = arith.constant 0 : index
    %get3A_748 = vector.load %arg1[%get3A_746, %get3A_747] : memref<5120x1xf32, #tpu.memory_space<vmem>>, vector<3584x1xf32>
    %ge3A_749 = arith.constant 2.000000e-01 : f32
    %ge3A_750 = vector.broadcast %ge3A_749 : f32 to vector<3584x1xf32>
    %ge3A_751 = arith.cmpf oge, %get3A_748, %ge3A_750 : vector<3584x1xf32>
    %jit3A_752 = arith.constant -1.000000e+00 : f32
    %broadcast_in_dim3A_753 = vector.broadcast %jit3A_752 : f32 to vector<3584x1xf32>
    %select_n3A_754 = arith.select %ge3A_751, %get3A_748, %broadcast_in_dim3A_753 : vector<3584x1xi1>, vector<3584x1xf32>
    %gt3A_755 = vector.broadcast %select_n3A_754 : vector<3584x1xf32> to vector<3584x128xf32>
    %gt3A_756 = vector.broadcast %select_n3A_727 : vector<1x128xf32> to vector<3584x128xf32>
    %gt3A_757 = arith.cmpf ogt, %gt3A_755, %gt3A_756 : vector<3584x128xf32>
    %convert_element_type3A_758 = arith.extui %gt3A_757 : vector<3584x128xi1> to vector<3584x128xi32>
    %reduce_sum3A_759 = arith.constant dense<0> : vector<128xi32>
    %reduce_sum3A_760 = vector.multi_reduction <add>, %convert_element_type3A_758, %reduce_sum3A_759 [0] : vector<3584x128xi32> to vector<128xi32>
    %add3A_761 = arith.addi %add3A_745, %reduce_sum3A_760 : vector<128xi32>
    %get3A_762 = arith.constant 1408 : index
    %get3A_763 = arith.constant 0 : index
    %get3A_764 = vector.load %arg1[%get3A_762, %get3A_763] : memref<5120x1xf32, #tpu.memory_space<vmem>>, vector<128x1xf32>
    %ge3A_765 = arith.constant 2.000000e-01 : f32
    %ge3A_766 = vector.broadcast %ge3A_765 : f32 to vector<128x1xf32>
    %ge3A_767 = arith.cmpf oge, %get3A_764, %ge3A_766 : vector<128x1xf32>
    %jit3A_768 = arith.constant -1.000000e+00 : f32
    %broadcast_in_dim3A_769 = vector.broadcast %jit3A_768 : f32 to vector<128x1xf32>
    %select_n3A_770 = arith.select %ge3A_767, %get3A_764, %broadcast_in_dim3A_769 : vector<128x1xi1>, vector<128x1xf32>
    %gt3A_771 = vector.broadcast %select_n3A_770 : vector<128x1xf32> to vector<128x128xf32>
    %gt3A_772 = vector.broadcast %select_n3A_727 : vector<1x128xf32> to vector<128x128xf32>
    %gt3A_773 = arith.cmpf ogt, %gt3A_771, %gt3A_772 : vector<128x128xf32>
    %eq3A_774 = vector.broadcast %select_n3A_770 : vector<128x1xf32> to vector<128x128xf32>
    %eq3A_775 = vector.broadcast %select_n3A_727 : vector<1x128xf32> to vector<128x128xf32>
    %eq3A_776 = arith.cmpf oeq, %eq3A_774, %eq3A_775 : vector<128x128xf32>
    %and3A_777 = arith.andi %eq3A_776, %lt3A : vector<128x128xi1>
    %or3A_778 = arith.ori %gt3A_773, %and3A_777 : vector<128x128xi1>
    %convert_element_type3A_779 = arith.extui %or3A_778 : vector<128x128xi1> to vector<128x128xi32>
    %reduce_sum3A_780 = arith.constant dense<0> : vector<128xi32>
    %reduce_sum3A_781 = vector.multi_reduction <add>, %convert_element_type3A_779, %reduce_sum3A_780 [0] : vector<128x128xi32> to vector<128xi32>
    %add3A_782 = arith.addi %add3A_761, %reduce_sum3A_781 : vector<128xi32>
    %reshape3A_783 = vector.shape_cast %add3A_782 : vector<128xi32> to vector<1x128xi32>
    %swap3A_784 = arith.constant 11 : index
    %swap3A_785 = arith.constant 0 : index
    %swap3A_786 = vector.load %arg2[%swap3A_784, %swap3A_785] : memref<40x128xi32, #tpu.memory_space<vmem>>, vector<1x128xi32>
    tpu.vector_store %arg2[%swap3A_784, %swap3A_785], %reshape3A_783 {strides = array<i32>} : memref<40x128xi32, #tpu.memory_space<vmem>>, vector<1x128xi32>,
    %get3A_787 = arith.constant 12 : index
    %get3A_788 = arith.constant 0 : index
    %get3A_789 = vector.load %arg0[%get3A_787, %get3A_788] : memref<40x128xf32, #tpu.memory_space<vmem>>, vector<1x128xf32>
    %ge3A_790 = arith.constant 2.000000e-01 : f32
    %ge3A_791 = vector.broadcast %ge3A_790 : f32 to vector<1x128xf32>
    %ge3A_792 = arith.cmpf oge, %get3A_789, %ge3A_791 : vector<1x128xf32>
    %jit3A_793 = arith.constant -1.000000e+00 : f32
    %broadcast_in_dim3A_794 = vector.broadcast %jit3A_793 : f32 to vector<1x128xf32>
    %select_n3A_795 = arith.select %ge3A_792, %get3A_789, %broadcast_in_dim3A_794 : vector<1x128xi1>, vector<1x128xf32>
    %broadcast_in_dim3A_796 = arith.constant 0 : i32
    %broadcast_in_dim3A_797 = vector.broadcast %broadcast_in_dim3A_796 : i32 to vector<128xi32>
    %get3A_798 = arith.constant 0 : index
    %get3A_799 = arith.constant 0 : index
    %get3A_800 = vector.load %arg1[%get3A_798, %get3A_799] : memref<5120x1xf32, #tpu.memory_space<vmem>>, vector<1536x1xf32>
    %ge3A_801 = arith.constant 2.000000e-01 : f32
    %ge3A_802 = vector.broadcast %ge3A_801 : f32 to vector<1536x1xf32>
    %ge3A_803 = arith.cmpf oge, %get3A_800, %ge3A_802 : vector<1536x1xf32>
    %jit3A_804 = arith.constant -1.000000e+00 : f32
    %broadcast_in_dim3A_805 = vector.broadcast %jit3A_804 : f32 to vector<1536x1xf32>
    %select_n3A_806 = arith.select %ge3A_803, %get3A_800, %broadcast_in_dim3A_805 : vector<1536x1xi1>, vector<1536x1xf32>
    %ge3A_807 = vector.broadcast %select_n3A_806 : vector<1536x1xf32> to vector<1536x128xf32>
    %ge3A_808 = vector.broadcast %select_n3A_795 : vector<1x128xf32> to vector<1536x128xf32>
    %ge3A_809 = arith.cmpf oge, %ge3A_807, %ge3A_808 : vector<1536x128xf32>
    %convert_element_type3A_810 = arith.extui %ge3A_809 : vector<1536x128xi1> to vector<1536x128xi32>
    %reduce_sum3A_811 = arith.constant dense<0> : vector<128xi32>
    %reduce_sum3A_812 = vector.multi_reduction <add>, %convert_element_type3A_810, %reduce_sum3A_811 [0] : vector<1536x128xi32> to vector<128xi32>
    %add3A_813 = arith.addi %broadcast_in_dim3A_797, %reduce_sum3A_812 : vector<128xi32>
    %get3A_814 = arith.constant 1664 : index
    %get3A_815 = arith.constant 0 : index
    %get3A_816 = vector.load %arg1[%get3A_814, %get3A_815] : memref<5120x1xf32, #tpu.memory_space<vmem>>, vector<3456x1xf32>
    %ge3A_817 = arith.constant 2.000000e-01 : f32
    %ge3A_818 = vector.broadcast %ge3A_817 : f32 to vector<3456x1xf32>
    %ge3A_819 = arith.cmpf oge, %get3A_816, %ge3A_818 : vector<3456x1xf32>
    %jit3A_820 = arith.constant -1.000000e+00 : f32
    %broadcast_in_dim3A_821 = vector.broadcast %jit3A_820 : f32 to vector<3456x1xf32>
    %select_n3A_822 = arith.select %ge3A_819, %get3A_816, %broadcast_in_dim3A_821 : vector<3456x1xi1>, vector<3456x1xf32>
    %gt3A_823 = vector.broadcast %select_n3A_822 : vector<3456x1xf32> to vector<3456x128xf32>
    %gt3A_824 = vector.broadcast %select_n3A_795 : vector<1x128xf32> to vector<3456x128xf32>
    %gt3A_825 = arith.cmpf ogt, %gt3A_823, %gt3A_824 : vector<3456x128xf32>
    %convert_element_type3A_826 = arith.extui %gt3A_825 : vector<3456x128xi1> to vector<3456x128xi32>
    %reduce_sum3A_827 = arith.constant dense<0> : vector<128xi32>
    %reduce_sum3A_828 = vector.multi_reduction <add>, %convert_element_type3A_826, %reduce_sum3A_827 [0] : vector<3456x128xi32> to vector<128xi32>
    %add3A_829 = arith.addi %add3A_813, %reduce_sum3A_828 : vector<128xi32>
    %get3A_830 = arith.constant 1536 : index
    %get3A_831 = arith.constant 0 : index
    %get3A_832 = vector.load %arg1[%get3A_830, %get3A_831] : memref<5120x1xf32, #tpu.memory_space<vmem>>, vector<128x1xf32>
    %ge3A_833 = arith.constant 2.000000e-01 : f32
    %ge3A_834 = vector.broadcast %ge3A_833 : f32 to vector<128x1xf32>
    %ge3A_835 = arith.cmpf oge, %get3A_832, %ge3A_834 : vector<128x1xf32>
    %jit3A_836 = arith.constant -1.000000e+00 : f32
    %broadcast_in_dim3A_837 = vector.broadcast %jit3A_836 : f32 to vector<128x1xf32>
    %select_n3A_838 = arith.select %ge3A_835, %get3A_832, %broadcast_in_dim3A_837 : vector<128x1xi1>, vector<128x1xf32>
    %gt3A_839 = vector.broadcast %select_n3A_838 : vector<128x1xf32> to vector<128x128xf32>
    %gt3A_840 = vector.broadcast %select_n3A_795 : vector<1x128xf32> to vector<128x128xf32>
    %gt3A_841 = arith.cmpf ogt, %gt3A_839, %gt3A_840 : vector<128x128xf32>
    %eq3A_842 = vector.broadcast %select_n3A_838 : vector<128x1xf32> to vector<128x128xf32>
    %eq3A_843 = vector.broadcast %select_n3A_795 : vector<1x128xf32> to vector<128x128xf32>
    %eq3A_844 = arith.cmpf oeq, %eq3A_842, %eq3A_843 : vector<128x128xf32>
    %and3A_845 = arith.andi %eq3A_844, %lt3A : vector<128x128xi1>
    %or3A_846 = arith.ori %gt3A_841, %and3A_845 : vector<128x128xi1>
    %convert_element_type3A_847 = arith.extui %or3A_846 : vector<128x128xi1> to vector<128x128xi32>
    %reduce_sum3A_848 = arith.constant dense<0> : vector<128xi32>
    %reduce_sum3A_849 = vector.multi_reduction <add>, %convert_element_type3A_847, %reduce_sum3A_848 [0] : vector<128x128xi32> to vector<128xi32>
    %add3A_850 = arith.addi %add3A_829, %reduce_sum3A_849 : vector<128xi32>
    %reshape3A_851 = vector.shape_cast %add3A_850 : vector<128xi32> to vector<1x128xi32>
    %swap3A_852 = arith.constant 12 : index
    %swap3A_853 = arith.constant 0 : index
    %swap3A_854 = vector.load %arg2[%swap3A_852, %swap3A_853] : memref<40x128xi32, #tpu.memory_space<vmem>>, vector<1x128xi32>
    tpu.vector_store %arg2[%swap3A_852, %swap3A_853], %reshape3A_851 {strides = array<i32>} : memref<40x128xi32, #tpu.memory_space<vmem>>, vector<1x128xi32>,
    %get3A_855 = arith.constant 13 : index
    %get3A_856 = arith.constant 0 : index
    %get3A_857 = vector.load %arg0[%get3A_855, %get3A_856] : memref<40x128xf32, #tpu.memory_space<vmem>>, vector<1x128xf32>
    %ge3A_858 = arith.constant 2.000000e-01 : f32
    %ge3A_859 = vector.broadcast %ge3A_858 : f32 to vector<1x128xf32>
    %ge3A_860 = arith.cmpf oge, %get3A_857, %ge3A_859 : vector<1x128xf32>
    %jit3A_861 = arith.constant -1.000000e+00 : f32
    %broadcast_in_dim3A_862 = vector.broadcast %jit3A_861 : f32 to vector<1x128xf32>
    %select_n3A_863 = arith.select %ge3A_860, %get3A_857, %broadcast_in_dim3A_862 : vector<1x128xi1>, vector<1x128xf32>
    %broadcast_in_dim3A_864 = arith.constant 0 : i32
    %broadcast_in_dim3A_865 = vector.broadcast %broadcast_in_dim3A_864 : i32 to vector<128xi32>
    %get3A_866 = arith.constant 0 : index
    %get3A_867 = arith.constant 0 : index
    %get3A_868 = vector.load %arg1[%get3A_866, %get3A_867] : memref<5120x1xf32, #tpu.memory_space<vmem>>, vector<1664x1xf32>
    %ge3A_869 = arith.constant 2.000000e-01 : f32
    %ge3A_870 = vector.broadcast %ge3A_869 : f32 to vector<1664x1xf32>
    %ge3A_871 = arith.cmpf oge, %get3A_868, %ge3A_870 : vector<1664x1xf32>
    %jit3A_872 = arith.constant -1.000000e+00 : f32
    %broadcast_in_dim3A_873 = vector.broadcast %jit3A_872 : f32 to vector<1664x1xf32>
    %select_n3A_874 = arith.select %ge3A_871, %get3A_868, %broadcast_in_dim3A_873 : vector<1664x1xi1>, vector<1664x1xf32>
    %ge3A_875 = vector.broadcast %select_n3A_874 : vector<1664x1xf32> to vector<1664x128xf32>
    %ge3A_876 = vector.broadcast %select_n3A_863 : vector<1x128xf32> to vector<1664x128xf32>
    %ge3A_877 = arith.cmpf oge, %ge3A_875, %ge3A_876 : vector<1664x128xf32>
    %convert_element_type3A_878 = arith.extui %ge3A_877 : vector<1664x128xi1> to vector<1664x128xi32>
    %reduce_sum3A_879 = arith.constant dense<0> : vector<128xi32>
    %reduce_sum3A_880 = vector.multi_reduction <add>, %convert_element_type3A_878, %reduce_sum3A_879 [0] : vector<1664x128xi32> to vector<128xi32>
    %add3A_881 = arith.addi %broadcast_in_dim3A_865, %reduce_sum3A_880 : vector<128xi32>
    %get3A_882 = arith.constant 1792 : index
    %get3A_883 = arith.constant 0 : index
    %get3A_884 = vector.load %arg1[%get3A_882, %get3A_883] : memref<5120x1xf32, #tpu.memory_space<vmem>>, vector<3328x1xf32>
    %ge3A_885 = arith.constant 2.000000e-01 : f32
    %ge3A_886 = vector.broadcast %ge3A_885 : f32 to vector<3328x1xf32>
    %ge3A_887 = arith.cmpf oge, %get3A_884, %ge3A_886 : vector<3328x1xf32>
    %jit3A_888 = arith.constant -1.000000e+00 : f32
    %broadcast_in_dim3A_889 = vector.broadcast %jit3A_888 : f32 to vector<3328x1xf32>
    %select_n3A_890 = arith.select %ge3A_887, %get3A_884, %broadcast_in_dim3A_889 : vector<3328x1xi1>, vector<3328x1xf32>
    %gt3A_891 = vector.broadcast %select_n3A_890 : vector<3328x1xf32> to vector<3328x128xf32>
    %gt3A_892 = vector.broadcast %select_n3A_863 : vector<1x128xf32> to vector<3328x128xf32>
    %gt3A_893 = arith.cmpf ogt, %gt3A_891, %gt3A_892 : vector<3328x128xf32>
    %convert_element_type3A_894 = arith.extui %gt3A_893 : vector<3328x128xi1> to vector<3328x128xi32>
    %reduce_sum3A_895 = arith.constant dense<0> : vector<128xi32>
    %reduce_sum3A_896 = vector.multi_reduction <add>, %convert_element_type3A_894, %reduce_sum3A_895 [0] : vector<3328x128xi32> to vector<128xi32>
    %add3A_897 = arith.addi %add3A_881, %reduce_sum3A_896 : vector<128xi32>
    %get3A_898 = arith.constant 1664 : index
    %get3A_899 = arith.constant 0 : index
    %get3A_900 = vector.load %arg1[%get3A_898, %get3A_899] : memref<5120x1xf32, #tpu.memory_space<vmem>>, vector<128x1xf32>
    %ge3A_901 = arith.constant 2.000000e-01 : f32
    %ge3A_902 = vector.broadcast %ge3A_901 : f32 to vector<128x1xf32>
    %ge3A_903 = arith.cmpf oge, %get3A_900, %ge3A_902 : vector<128x1xf32>
    %jit3A_904 = arith.constant -1.000000e+00 : f32
    %broadcast_in_dim3A_905 = vector.broadcast %jit3A_904 : f32 to vector<128x1xf32>
    %select_n3A_906 = arith.select %ge3A_903, %get3A_900, %broadcast_in_dim3A_905 : vector<128x1xi1>, vector<128x1xf32>
    %gt3A_907 = vector.broadcast %select_n3A_906 : vector<128x1xf32> to vector<128x128xf32>
    %gt3A_908 = vector.broadcast %select_n3A_863 : vector<1x128xf32> to vector<128x128xf32>
    %gt3A_909 = arith.cmpf ogt, %gt3A_907, %gt3A_908 : vector<128x128xf32>
    %eq3A_910 = vector.broadcast %select_n3A_906 : vector<128x1xf32> to vector<128x128xf32>
    %eq3A_911 = vector.broadcast %select_n3A_863 : vector<1x128xf32> to vector<128x128xf32>
    %eq3A_912 = arith.cmpf oeq, %eq3A_910, %eq3A_911 : vector<128x128xf32>
    %and3A_913 = arith.andi %eq3A_912, %lt3A : vector<128x128xi1>
    %or3A_914 = arith.ori %gt3A_909, %and3A_913 : vector<128x128xi1>
    %convert_element_type3A_915 = arith.extui %or3A_914 : vector<128x128xi1> to vector<128x128xi32>
    %reduce_sum3A_916 = arith.constant dense<0> : vector<128xi32>
    %reduce_sum3A_917 = vector.multi_reduction <add>, %convert_element_type3A_915, %reduce_sum3A_916 [0] : vector<128x128xi32> to vector<128xi32>
    %add3A_918 = arith.addi %add3A_897, %reduce_sum3A_917 : vector<128xi32>
    %reshape3A_919 = vector.shape_cast %add3A_918 : vector<128xi32> to vector<1x128xi32>
    %swap3A_920 = arith.constant 13 : index
    %swap3A_921 = arith.constant 0 : index
    %swap3A_922 = vector.load %arg2[%swap3A_920, %swap3A_921] : memref<40x128xi32, #tpu.memory_space<vmem>>, vector<1x128xi32>
    tpu.vector_store %arg2[%swap3A_920, %swap3A_921], %reshape3A_919 {strides = array<i32>} : memref<40x128xi32, #tpu.memory_space<vmem>>, vector<1x128xi32>,
    %get3A_923 = arith.constant 14 : index
    %get3A_924 = arith.constant 0 : index
    %get3A_925 = vector.load %arg0[%get3A_923, %get3A_924] : memref<40x128xf32, #tpu.memory_space<vmem>>, vector<1x128xf32>
    %ge3A_926 = arith.constant 2.000000e-01 : f32
    %ge3A_927 = vector.broadcast %ge3A_926 : f32 to vector<1x128xf32>
    %ge3A_928 = arith.cmpf oge, %get3A_925, %ge3A_927 : vector<1x128xf32>
    %jit3A_929 = arith.constant -1.000000e+00 : f32
    %broadcast_in_dim3A_930 = vector.broadcast %jit3A_929 : f32 to vector<1x128xf32>
    %select_n3A_931 = arith.select %ge3A_928, %get3A_925, %broadcast_in_dim3A_930 : vector<1x128xi1>, vector<1x128xf32>
    %broadcast_in_dim3A_932 = arith.constant 0 : i32
    %broadcast_in_dim3A_933 = vector.broadcast %broadcast_in_dim3A_932 : i32 to vector<128xi32>
    %get3A_934 = arith.constant 0 : index
    %get3A_935 = arith.constant 0 : index
    %get3A_936 = vector.load %arg1[%get3A_934, %get3A_935] : memref<5120x1xf32, #tpu.memory_space<vmem>>, vector<1792x1xf32>
    %ge3A_937 = arith.constant 2.000000e-01 : f32
    %ge3A_938 = vector.broadcast %ge3A_937 : f32 to vector<1792x1xf32>
    %ge3A_939 = arith.cmpf oge, %get3A_936, %ge3A_938 : vector<1792x1xf32>
    %jit3A_940 = arith.constant -1.000000e+00 : f32
    %broadcast_in_dim3A_941 = vector.broadcast %jit3A_940 : f32 to vector<1792x1xf32>
    %select_n3A_942 = arith.select %ge3A_939, %get3A_936, %broadcast_in_dim3A_941 : vector<1792x1xi1>, vector<1792x1xf32>
    %ge3A_943 = vector.broadcast %select_n3A_942 : vector<1792x1xf32> to vector<1792x128xf32>
    %ge3A_944 = vector.broadcast %select_n3A_931 : vector<1x128xf32> to vector<1792x128xf32>
    %ge3A_945 = arith.cmpf oge, %ge3A_943, %ge3A_944 : vector<1792x128xf32>
    %convert_element_type3A_946 = arith.extui %ge3A_945 : vector<1792x128xi1> to vector<1792x128xi32>
    %reduce_sum3A_947 = arith.constant dense<0> : vector<128xi32>
    %reduce_sum3A_948 = vector.multi_reduction <add>, %convert_element_type3A_946, %reduce_sum3A_947 [0] : vector<1792x128xi32> to vector<128xi32>
    %add3A_949 = arith.addi %broadcast_in_dim3A_933, %reduce_sum3A_948 : vector<128xi32>
    %get3A_950 = arith.constant 1920 : index
    %get3A_951 = arith.constant 0 : index
    %get3A_952 = vector.load %arg1[%get3A_950, %get3A_951] : memref<5120x1xf32, #tpu.memory_space<vmem>>, vector<3200x1xf32>
    %ge3A_953 = arith.constant 2.000000e-01 : f32
    %ge3A_954 = vector.broadcast %ge3A_953 : f32 to vector<3200x1xf32>
    %ge3A_955 = arith.cmpf oge, %get3A_952, %ge3A_954 : vector<3200x1xf32>
    %jit3A_956 = arith.constant -1.000000e+00 : f32
    %broadcast_in_dim3A_957 = vector.broadcast %jit3A_956 : f32 to vector<3200x1xf32>
    %select_n3A_958 = arith.select %ge3A_955, %get3A_952, %broadcast_in_dim3A_957 : vector<3200x1xi1>, vector<3200x1xf32>
    %gt3A_959 = vector.broadcast %select_n3A_958 : vector<3200x1xf32> to vector<3200x128xf32>
    %gt3A_960 = vector.broadcast %select_n3A_931 : vector<1x128xf32> to vector<3200x128xf32>
    %gt3A_961 = arith.cmpf ogt, %gt3A_959, %gt3A_960 : vector<3200x128xf32>
    %convert_element_type3A_962 = arith.extui %gt3A_961 : vector<3200x128xi1> to vector<3200x128xi32>
    %reduce_sum3A_963 = arith.constant dense<0> : vector<128xi32>
    %reduce_sum3A_964 = vector.multi_reduction <add>, %convert_element_type3A_962, %reduce_sum3A_963 [0] : vector<3200x128xi32> to vector<128xi32>
    %add3A_965 = arith.addi %add3A_949, %reduce_sum3A_964 : vector<128xi32>
    %get3A_966 = arith.constant 1792 : index
    %get3A_967 = arith.constant 0 : index
    %get3A_968 = vector.load %arg1[%get3A_966, %get3A_967] : memref<5120x1xf32, #tpu.memory_space<vmem>>, vector<128x1xf32>
    %ge3A_969 = arith.constant 2.000000e-01 : f32
    %ge3A_970 = vector.broadcast %ge3A_969 : f32 to vector<128x1xf32>
    %ge3A_971 = arith.cmpf oge, %get3A_968, %ge3A_970 : vector<128x1xf32>
    %jit3A_972 = arith.constant -1.000000e+00 : f32
    %broadcast_in_dim3A_973 = vector.broadcast %jit3A_972 : f32 to vector<128x1xf32>
    %select_n3A_974 = arith.select %ge3A_971, %get3A_968, %broadcast_in_dim3A_973 : vector<128x1xi1>, vector<128x1xf32>
    %gt3A_975 = vector.broadcast %select_n3A_974 : vector<128x1xf32> to vector<128x128xf32>
    %gt3A_976 = vector.broadcast %select_n3A_931 : vector<1x128xf32> to vector<128x128xf32>
    %gt3A_977 = arith.cmpf ogt, %gt3A_975, %gt3A_976 : vector<128x128xf32>
    %eq3A_978 = vector.broadcast %select_n3A_974 : vector<128x1xf32> to vector<128x128xf32>
    %eq3A_979 = vector.broadcast %select_n3A_931 : vector<1x128xf32> to vector<128x128xf32>
    %eq3A_980 = arith.cmpf oeq, %eq3A_978, %eq3A_979 : vector<128x128xf32>
    %and3A_981 = arith.andi %eq3A_980, %lt3A : vector<128x128xi1>
    %or3A_982 = arith.ori %gt3A_977, %and3A_981 : vector<128x128xi1>
    %convert_element_type3A_983 = arith.extui %or3A_982 : vector<128x128xi1> to vector<128x128xi32>
    %reduce_sum3A_984 = arith.constant dense<0> : vector<128xi32>
    %reduce_sum3A_985 = vector.multi_reduction <add>, %convert_element_type3A_983, %reduce_sum3A_984 [0] : vector<128x128xi32> to vector<128xi32>
    %add3A_986 = arith.addi %add3A_965, %reduce_sum3A_985 : vector<128xi32>
    %reshape3A_987 = vector.shape_cast %add3A_986 : vector<128xi32> to vector<1x128xi32>
    %swap3A_988 = arith.constant 14 : index
    %swap3A_989 = arith.constant 0 : index
    %swap3A_990 = vector.load %arg2[%swap3A_988, %swap3A_989] : memref<40x128xi32, #tpu.memory_space<vmem>>, vector<1x128xi32>
    tpu.vector_store %arg2[%swap3A_988, %swap3A_989], %reshape3A_987 {strides = array<i32>} : memref<40x128xi32, #tpu.memory_space<vmem>>, vector<1x128xi32>,
    %get3A_991 = arith.constant 15 : index
    %get3A_992 = arith.constant 0 : index
    %get3A_993 = vector.load %arg0[%get3A_991, %get3A_992] : memref<40x128xf32, #tpu.memory_space<vmem>>, vector<1x128xf32>
    %ge3A_994 = arith.constant 2.000000e-01 : f32
    %ge3A_995 = vector.broadcast %ge3A_994 : f32 to vector<1x128xf32>
    %ge3A_996 = arith.cmpf oge, %get3A_993, %ge3A_995 : vector<1x128xf32>
    %jit3A_997 = arith.constant -1.000000e+00 : f32
    %broadcast_in_dim3A_998 = vector.broadcast %jit3A_997 : f32 to vector<1x128xf32>
    %select_n3A_999 = arith.select %ge3A_996, %get3A_993, %broadcast_in_dim3A_998 : vector<1x128xi1>, vector<1x128xf32>
    %broadcast_in_dim3A_1000 = arith.constant 0 : i32
    %broadcast_in_dim3A_1001 = vector.broadcast %broadcast_in_dim3A_1000 : i32 to vector<128xi32>
    %get3A_1002 = arith.constant 0 : index
    %get3A_1003 = arith.constant 0 : index
    %get3A_1004 = vector.load %arg1[%get3A_1002, %get3A_1003] : memref<5120x1xf32, #tpu.memory_space<vmem>>, vector<1920x1xf32>
    %ge3A_1005 = arith.constant 2.000000e-01 : f32
    %ge3A_1006 = vector.broadcast %ge3A_1005 : f32 to vector<1920x1xf32>
    %ge3A_1007 = arith.cmpf oge, %get3A_1004, %ge3A_1006 : vector<1920x1xf32>
    %jit3A_1008 = arith.constant -1.000000e+00 : f32
    %broadcast_in_dim3A_1009 = vector.broadcast %jit3A_1008 : f32 to vector<1920x1xf32>
    %select_n3A_1010 = arith.select %ge3A_1007, %get3A_1004, %broadcast_in_dim3A_1009 : vector<1920x1xi1>, vector<1920x1xf32>
    %ge3A_1011 = vector.broadcast %select_n3A_1010 : vector<1920x1xf32> to vector<1920x128xf32>
    %ge3A_1012 = vector.broadcast %select_n3A_999 : vector<1x128xf32> to vector<1920x128xf32>
    %ge3A_1013 = arith.cmpf oge, %ge3A_1011, %ge3A_1012 : vector<1920x128xf32>
    %convert_element_type3A_1014 = arith.extui %ge3A_1013 : vector<1920x128xi1> to vector<1920x128xi32>
    %reduce_sum3A_1015 = arith.constant dense<0> : vector<128xi32>
    %reduce_sum3A_1016 = vector.multi_reduction <add>, %convert_element_type3A_1014, %reduce_sum3A_1015 [0] : vector<1920x128xi32> to vector<128xi32>
    %add3A_1017 = arith.addi %broadcast_in_dim3A_1001, %reduce_sum3A_1016 : vector<128xi32>
    %get3A_1018 = arith.constant 2048 : index
    %get3A_1019 = arith.constant 0 : index
    %get3A_1020 = vector.load %arg1[%get3A_1018, %get3A_1019] : memref<5120x1xf32, #tpu.memory_space<vmem>>, vector<3072x1xf32>
    %ge3A_1021 = arith.constant 2.000000e-01 : f32
    %ge3A_1022 = vector.broadcast %ge3A_1021 : f32 to vector<3072x1xf32>
    %ge3A_1023 = arith.cmpf oge, %get3A_1020, %ge3A_1022 : vector<3072x1xf32>
    %jit3A_1024 = arith.constant -1.000000e+00 : f32
    %broadcast_in_dim3A_1025 = vector.broadcast %jit3A_1024 : f32 to vector<3072x1xf32>
    %select_n3A_1026 = arith.select %ge3A_1023, %get3A_1020, %broadcast_in_dim3A_1025 : vector<3072x1xi1>, vector<3072x1xf32>
    %gt3A_1027 = vector.broadcast %select_n3A_1026 : vector<3072x1xf32> to vector<3072x128xf32>
    %gt3A_1028 = vector.broadcast %select_n3A_999 : vector<1x128xf32> to vector<3072x128xf32>
    %gt3A_1029 = arith.cmpf ogt, %gt3A_1027, %gt3A_1028 : vector<3072x128xf32>
    %convert_element_type3A_1030 = arith.extui %gt3A_1029 : vector<3072x128xi1> to vector<3072x128xi32>
    %reduce_sum3A_1031 = arith.constant dense<0> : vector<128xi32>
    %reduce_sum3A_1032 = vector.multi_reduction <add>, %convert_element_type3A_1030, %reduce_sum3A_1031 [0] : vector<3072x128xi32> to vector<128xi32>
    %add3A_1033 = arith.addi %add3A_1017, %reduce_sum3A_1032 : vector<128xi32>
    %get3A_1034 = arith.constant 1920 : index
    %get3A_1035 = arith.constant 0 : index
    %get3A_1036 = vector.load %arg1[%get3A_1034, %get3A_1035] : memref<5120x1xf32, #tpu.memory_space<vmem>>, vector<128x1xf32>
    %ge3A_1037 = arith.constant 2.000000e-01 : f32
    %ge3A_1038 = vector.broadcast %ge3A_1037 : f32 to vector<128x1xf32>
    %ge3A_1039 = arith.cmpf oge, %get3A_1036, %ge3A_1038 : vector<128x1xf32>
    %jit3A_1040 = arith.constant -1.000000e+00 : f32
    %broadcast_in_dim3A_1041 = vector.broadcast %jit3A_1040 : f32 to vector<128x1xf32>
    %select_n3A_1042 = arith.select %ge3A_1039, %get3A_1036, %broadcast_in_dim3A_1041 : vector<128x1xi1>, vector<128x1xf32>
    %gt3A_1043 = vector.broadcast %select_n3A_1042 : vector<128x1xf32> to vector<128x128xf32>
    %gt3A_1044 = vector.broadcast %select_n3A_999 : vector<1x128xf32> to vector<128x128xf32>
    %gt3A_1045 = arith.cmpf ogt, %gt3A_1043, %gt3A_1044 : vector<128x128xf32>
    %eq3A_1046 = vector.broadcast %select_n3A_1042 : vector<128x1xf32> to vector<128x128xf32>
    %eq3A_1047 = vector.broadcast %select_n3A_999 : vector<1x128xf32> to vector<128x128xf32>
    %eq3A_1048 = arith.cmpf oeq, %eq3A_1046, %eq3A_1047 : vector<128x128xf32>
    %and3A_1049 = arith.andi %eq3A_1048, %lt3A : vector<128x128xi1>
    %or3A_1050 = arith.ori %gt3A_1045, %and3A_1049 : vector<128x128xi1>
    %convert_element_type3A_1051 = arith.extui %or3A_1050 : vector<128x128xi1> to vector<128x128xi32>
    %reduce_sum3A_1052 = arith.constant dense<0> : vector<128xi32>
    %reduce_sum3A_1053 = vector.multi_reduction <add>, %convert_element_type3A_1051, %reduce_sum3A_1052 [0] : vector<128x128xi32> to vector<128xi32>
    %add3A_1054 = arith.addi %add3A_1033, %reduce_sum3A_1053 : vector<128xi32>
    %reshape3A_1055 = vector.shape_cast %add3A_1054 : vector<128xi32> to vector<1x128xi32>
    %swap3A_1056 = arith.constant 15 : index
    %swap3A_1057 = arith.constant 0 : index
    %swap3A_1058 = vector.load %arg2[%swap3A_1056, %swap3A_1057] : memref<40x128xi32, #tpu.memory_space<vmem>>, vector<1x128xi32>
    tpu.vector_store %arg2[%swap3A_1056, %swap3A_1057], %reshape3A_1055 {strides = array<i32>} : memref<40x128xi32, #tpu.memory_space<vmem>>, vector<1x128xi32>,
    %get3A_1059 = arith.constant 16 : index
    %get3A_1060 = arith.constant 0 : index
    %get3A_1061 = vector.load %arg0[%get3A_1059, %get3A_1060] : memref<40x128xf32, #tpu.memory_space<vmem>>, vector<1x128xf32>
    %ge3A_1062 = arith.constant 2.000000e-01 : f32
    %ge3A_1063 = vector.broadcast %ge3A_1062 : f32 to vector<1x128xf32>
    %ge3A_1064 = arith.cmpf oge, %get3A_1061, %ge3A_1063 : vector<1x128xf32>
    %jit3A_1065 = arith.constant -1.000000e+00 : f32
    %broadcast_in_dim3A_1066 = vector.broadcast %jit3A_1065 : f32 to vector<1x128xf32>
    %select_n3A_1067 = arith.select %ge3A_1064, %get3A_1061, %broadcast_in_dim3A_1066 : vector<1x128xi1>, vector<1x128xf32>
    %broadcast_in_dim3A_1068 = arith.constant 0 : i32
    %broadcast_in_dim3A_1069 = vector.broadcast %broadcast_in_dim3A_1068 : i32 to vector<128xi32>
    %get3A_1070 = arith.constant 0 : index
    %get3A_1071 = arith.constant 0 : index
    %get3A_1072 = vector.load %arg1[%get3A_1070, %get3A_1071] : memref<5120x1xf32, #tpu.memory_space<vmem>>, vector<2048x1xf32>
    %ge3A_1073 = arith.constant 2.000000e-01 : f32
    %ge3A_1074 = vector.broadcast %ge3A_1073 : f32 to vector<2048x1xf32>
    %ge3A_1075 = arith.cmpf oge, %get3A_1072, %ge3A_1074 : vector<2048x1xf32>
    %jit3A_1076 = arith.constant -1.000000e+00 : f32
    %broadcast_in_dim3A_1077 = vector.broadcast %jit3A_1076 : f32 to vector<2048x1xf32>
    %select_n3A_1078 = arith.select %ge3A_1075, %get3A_1072, %broadcast_in_dim3A_1077 : vector<2048x1xi1>, vector<2048x1xf32>
    %ge3A_1079 = vector.broadcast %select_n3A_1078 : vector<2048x1xf32> to vector<2048x128xf32>
    %ge3A_1080 = vector.broadcast %select_n3A_1067 : vector<1x128xf32> to vector<2048x128xf32>
    %ge3A_1081 = arith.cmpf oge, %ge3A_1079, %ge3A_1080 : vector<2048x128xf32>
    %convert_element_type3A_1082 = arith.extui %ge3A_1081 : vector<2048x128xi1> to vector<2048x128xi32>
    %reduce_sum3A_1083 = arith.constant dense<0> : vector<128xi32>
    %reduce_sum3A_1084 = vector.multi_reduction <add>, %convert_element_type3A_1082, %reduce_sum3A_1083 [0] : vector<2048x128xi32> to vector<128xi32>
    %add3A_1085 = arith.addi %broadcast_in_dim3A_1069, %reduce_sum3A_1084 : vector<128xi32>
    %get3A_1086 = arith.constant 2176 : index
    %get3A_1087 = arith.constant 0 : index
    %get3A_1088 = vector.load %arg1[%get3A_1086, %get3A_1087] : memref<5120x1xf32, #tpu.memory_space<vmem>>, vector<2944x1xf32>
    %ge3A_1089 = arith.constant 2.000000e-01 : f32
    %ge3A_1090 = vector.broadcast %ge3A_1089 : f32 to vector<2944x1xf32>
    %ge3A_1091 = arith.cmpf oge, %get3A_1088, %ge3A_1090 : vector<2944x1xf32>
    %jit3A_1092 = arith.constant -1.000000e+00 : f32
    %broadcast_in_dim3A_1093 = vector.broadcast %jit3A_1092 : f32 to vector<2944x1xf32>
    %select_n3A_1094 = arith.select %ge3A_1091, %get3A_1088, %broadcast_in_dim3A_1093 : vector<2944x1xi1>, vector<2944x1xf32>
    %gt3A_1095 = vector.broadcast %select_n3A_1094 : vector<2944x1xf32> to vector<2944x128xf32>
    %gt3A_1096 = vector.broadcast %select_n3A_1067 : vector<1x128xf32> to vector<2944x128xf32>
    %gt3A_1097 = arith.cmpf ogt, %gt3A_1095, %gt3A_1096 : vector<2944x128xf32>
    %convert_element_type3A_1098 = arith.extui %gt3A_1097 : vector<2944x128xi1> to vector<2944x128xi32>
    %reduce_sum3A_1099 = arith.constant dense<0> : vector<128xi32>
    %reduce_sum3A_1100 = vector.multi_reduction <add>, %convert_element_type3A_1098, %reduce_sum3A_1099 [0] : vector<2944x128xi32> to vector<128xi32>
    %add3A_1101 = arith.addi %add3A_1085, %reduce_sum3A_1100 : vector<128xi32>
    %get3A_1102 = arith.constant 2048 : index
    %get3A_1103 = arith.constant 0 : index
    %get3A_1104 = vector.load %arg1[%get3A_1102, %get3A_1103] : memref<5120x1xf32, #tpu.memory_space<vmem>>, vector<128x1xf32>
    %ge3A_1105 = arith.constant 2.000000e-01 : f32
    %ge3A_1106 = vector.broadcast %ge3A_1105 : f32 to vector<128x1xf32>
    %ge3A_1107 = arith.cmpf oge, %get3A_1104, %ge3A_1106 : vector<128x1xf32>
    %jit3A_1108 = arith.constant -1.000000e+00 : f32
    %broadcast_in_dim3A_1109 = vector.broadcast %jit3A_1108 : f32 to vector<128x1xf32>
    %select_n3A_1110 = arith.select %ge3A_1107, %get3A_1104, %broadcast_in_dim3A_1109 : vector<128x1xi1>, vector<128x1xf32>
    %gt3A_1111 = vector.broadcast %select_n3A_1110 : vector<128x1xf32> to vector<128x128xf32>
    %gt3A_1112 = vector.broadcast %select_n3A_1067 : vector<1x128xf32> to vector<128x128xf32>
    %gt3A_1113 = arith.cmpf ogt, %gt3A_1111, %gt3A_1112 : vector<128x128xf32>
    %eq3A_1114 = vector.broadcast %select_n3A_1110 : vector<128x1xf32> to vector<128x128xf32>
    %eq3A_1115 = vector.broadcast %select_n3A_1067 : vector<1x128xf32> to vector<128x128xf32>
    %eq3A_1116 = arith.cmpf oeq, %eq3A_1114, %eq3A_1115 : vector<128x128xf32>
    %and3A_1117 = arith.andi %eq3A_1116, %lt3A : vector<128x128xi1>
    %or3A_1118 = arith.ori %gt3A_1113, %and3A_1117 : vector<128x128xi1>
    %convert_element_type3A_1119 = arith.extui %or3A_1118 : vector<128x128xi1> to vector<128x128xi32>
    %reduce_sum3A_1120 = arith.constant dense<0> : vector<128xi32>
    %reduce_sum3A_1121 = vector.multi_reduction <add>, %convert_element_type3A_1119, %reduce_sum3A_1120 [0] : vector<128x128xi32> to vector<128xi32>
    %add3A_1122 = arith.addi %add3A_1101, %reduce_sum3A_1121 : vector<128xi32>
    %reshape3A_1123 = vector.shape_cast %add3A_1122 : vector<128xi32> to vector<1x128xi32>
    %swap3A_1124 = arith.constant 16 : index
    %swap3A_1125 = arith.constant 0 : index
    %swap3A_1126 = vector.load %arg2[%swap3A_1124, %swap3A_1125] : memref<40x128xi32, #tpu.memory_space<vmem>>, vector<1x128xi32>
    tpu.vector_store %arg2[%swap3A_1124, %swap3A_1125], %reshape3A_1123 {strides = array<i32>} : memref<40x128xi32, #tpu.memory_space<vmem>>, vector<1x128xi32>,
    %get3A_1127 = arith.constant 17 : index
    %get3A_1128 = arith.constant 0 : index
    %get3A_1129 = vector.load %arg0[%get3A_1127, %get3A_1128] : memref<40x128xf32, #tpu.memory_space<vmem>>, vector<1x128xf32>
    %ge3A_1130 = arith.constant 2.000000e-01 : f32
    %ge3A_1131 = vector.broadcast %ge3A_1130 : f32 to vector<1x128xf32>
    %ge3A_1132 = arith.cmpf oge, %get3A_1129, %ge3A_1131 : vector<1x128xf32>
    %jit3A_1133 = arith.constant -1.000000e+00 : f32
    %broadcast_in_dim3A_1134 = vector.broadcast %jit3A_1133 : f32 to vector<1x128xf32>
    %select_n3A_1135 = arith.select %ge3A_1132, %get3A_1129, %broadcast_in_dim3A_1134 : vector<1x128xi1>, vector<1x128xf32>
    %broadcast_in_dim3A_1136 = arith.constant 0 : i32
    %broadcast_in_dim3A_1137 = vector.broadcast %broadcast_in_dim3A_1136 : i32 to vector<128xi32>
    %get3A_1138 = arith.constant 0 : index
    %get3A_1139 = arith.constant 0 : index
    %get3A_1140 = vector.load %arg1[%get3A_1138, %get3A_1139] : memref<5120x1xf32, #tpu.memory_space<vmem>>, vector<2176x1xf32>
    %ge3A_1141 = arith.constant 2.000000e-01 : f32
    %ge3A_1142 = vector.broadcast %ge3A_1141 : f32 to vector<2176x1xf32>
    %ge3A_1143 = arith.cmpf oge, %get3A_1140, %ge3A_1142 : vector<2176x1xf32>
    %jit3A_1144 = arith.constant -1.000000e+00 : f32
    %broadcast_in_dim3A_1145 = vector.broadcast %jit3A_1144 : f32 to vector<2176x1xf32>
    %select_n3A_1146 = arith.select %ge3A_1143, %get3A_1140, %broadcast_in_dim3A_1145 : vector<2176x1xi1>, vector<2176x1xf32>
    %ge3A_1147 = vector.broadcast %select_n3A_1146 : vector<2176x1xf32> to vector<2176x128xf32>
    %ge3A_1148 = vector.broadcast %select_n3A_1135 : vector<1x128xf32> to vector<2176x128xf32>
    %ge3A_1149 = arith.cmpf oge, %ge3A_1147, %ge3A_1148 : vector<2176x128xf32>
    %convert_element_type3A_1150 = arith.extui %ge3A_1149 : vector<2176x128xi1> to vector<2176x128xi32>
    %reduce_sum3A_1151 = arith.constant dense<0> : vector<128xi32>
    %reduce_sum3A_1152 = vector.multi_reduction <add>, %convert_element_type3A_1150, %reduce_sum3A_1151 [0] : vector<2176x128xi32> to vector<128xi32>
    %add3A_1153 = arith.addi %broadcast_in_dim3A_1137, %reduce_sum3A_1152 : vector<128xi32>
    %get3A_1154 = arith.constant 2304 : index
    %get3A_1155 = arith.constant 0 : index
    %get3A_1156 = vector.load %arg1[%get3A_1154, %get3A_1155] : memref<5120x1xf32, #tpu.memory_space<vmem>>, vector<2816x1xf32>
    %ge3A_1157 = arith.constant 2.000000e-01 : f32
    %ge3A_1158 = vector.broadcast %ge3A_1157 : f32 to vector<2816x1xf32>
    %ge3A_1159 = arith.cmpf oge, %get3A_1156, %ge3A_1158 : vector<2816x1xf32>
    %jit3A_1160 = arith.constant -1.000000e+00 : f32
    %broadcast_in_dim3A_1161 = vector.broadcast %jit3A_1160 : f32 to vector<2816x1xf32>
    %select_n3A_1162 = arith.select %ge3A_1159, %get3A_1156, %broadcast_in_dim3A_1161 : vector<2816x1xi1>, vector<2816x1xf32>
    %gt3A_1163 = vector.broadcast %select_n3A_1162 : vector<2816x1xf32> to vector<2816x128xf32>
    %gt3A_1164 = vector.broadcast %select_n3A_1135 : vector<1x128xf32> to vector<2816x128xf32>
    %gt3A_1165 = arith.cmpf ogt, %gt3A_1163, %gt3A_1164 : vector<2816x128xf32>
    %convert_element_type3A_1166 = arith.extui %gt3A_1165 : vector<2816x128xi1> to vector<2816x128xi32>
    %reduce_sum3A_1167 = arith.constant dense<0> : vector<128xi32>
    %reduce_sum3A_1168 = vector.multi_reduction <add>, %convert_element_type3A_1166, %reduce_sum3A_1167 [0] : vector<2816x128xi32> to vector<128xi32>
    %add3A_1169 = arith.addi %add3A_1153, %reduce_sum3A_1168 : vector<128xi32>
    %get3A_1170 = arith.constant 2176 : index
    %get3A_1171 = arith.constant 0 : index
    %get3A_1172 = vector.load %arg1[%get3A_1170, %get3A_1171] : memref<5120x1xf32, #tpu.memory_space<vmem>>, vector<128x1xf32>
    %ge3A_1173 = arith.constant 2.000000e-01 : f32
    %ge3A_1174 = vector.broadcast %ge3A_1173 : f32 to vector<128x1xf32>
    %ge3A_1175 = arith.cmpf oge, %get3A_1172, %ge3A_1174 : vector<128x1xf32>
    %jit3A_1176 = arith.constant -1.000000e+00 : f32
    %broadcast_in_dim3A_1177 = vector.broadcast %jit3A_1176 : f32 to vector<128x1xf32>
    %select_n3A_1178 = arith.select %ge3A_1175, %get3A_1172, %broadcast_in_dim3A_1177 : vector<128x1xi1>, vector<128x1xf32>
    %gt3A_1179 = vector.broadcast %select_n3A_1178 : vector<128x1xf32> to vector<128x128xf32>
    %gt3A_1180 = vector.broadcast %select_n3A_1135 : vector<1x128xf32> to vector<128x128xf32>
    %gt3A_1181 = arith.cmpf ogt, %gt3A_1179, %gt3A_1180 : vector<128x128xf32>
    %eq3A_1182 = vector.broadcast %select_n3A_1178 : vector<128x1xf32> to vector<128x128xf32>
    %eq3A_1183 = vector.broadcast %select_n3A_1135 : vector<1x128xf32> to vector<128x128xf32>
    %eq3A_1184 = arith.cmpf oeq, %eq3A_1182, %eq3A_1183 : vector<128x128xf32>
    %and3A_1185 = arith.andi %eq3A_1184, %lt3A : vector<128x128xi1>
    %or3A_1186 = arith.ori %gt3A_1181, %and3A_1185 : vector<128x128xi1>
    %convert_element_type3A_1187 = arith.extui %or3A_1186 : vector<128x128xi1> to vector<128x128xi32>
    %reduce_sum3A_1188 = arith.constant dense<0> : vector<128xi32>
    %reduce_sum3A_1189 = vector.multi_reduction <add>, %convert_element_type3A_1187, %reduce_sum3A_1188 [0] : vector<128x128xi32> to vector<128xi32>
    %add3A_1190 = arith.addi %add3A_1169, %reduce_sum3A_1189 : vector<128xi32>
    %reshape3A_1191 = vector.shape_cast %add3A_1190 : vector<128xi32> to vector<1x128xi32>
    %swap3A_1192 = arith.constant 17 : index
    %swap3A_1193 = arith.constant 0 : index
    %swap3A_1194 = vector.load %arg2[%swap3A_1192, %swap3A_1193] : memref<40x128xi32, #tpu.memory_space<vmem>>, vector<1x128xi32>
    tpu.vector_store %arg2[%swap3A_1192, %swap3A_1193], %reshape3A_1191 {strides = array<i32>} : memref<40x128xi32, #tpu.memory_space<vmem>>, vector<1x128xi32>,
    %get3A_1195 = arith.constant 18 : index
    %get3A_1196 = arith.constant 0 : index
    %get3A_1197 = vector.load %arg0[%get3A_1195, %get3A_1196] : memref<40x128xf32, #tpu.memory_space<vmem>>, vector<1x128xf32>
    %ge3A_1198 = arith.constant 2.000000e-01 : f32
    %ge3A_1199 = vector.broadcast %ge3A_1198 : f32 to vector<1x128xf32>
    %ge3A_1200 = arith.cmpf oge, %get3A_1197, %ge3A_1199 : vector<1x128xf32>
    %jit3A_1201 = arith.constant -1.000000e+00 : f32
    %broadcast_in_dim3A_1202 = vector.broadcast %jit3A_1201 : f32 to vector<1x128xf32>
    %select_n3A_1203 = arith.select %ge3A_1200, %get3A_1197, %broadcast_in_dim3A_1202 : vector<1x128xi1>, vector<1x128xf32>
    %broadcast_in_dim3A_1204 = arith.constant 0 : i32
    %broadcast_in_dim3A_1205 = vector.broadcast %broadcast_in_dim3A_1204 : i32 to vector<128xi32>
    %get3A_1206 = arith.constant 0 : index
    %get3A_1207 = arith.constant 0 : index
    %get3A_1208 = vector.load %arg1[%get3A_1206, %get3A_1207] : memref<5120x1xf32, #tpu.memory_space<vmem>>, vector<2304x1xf32>
    %ge3A_1209 = arith.constant 2.000000e-01 : f32
    %ge3A_1210 = vector.broadcast %ge3A_1209 : f32 to vector<2304x1xf32>
    %ge3A_1211 = arith.cmpf oge, %get3A_1208, %ge3A_1210 : vector<2304x1xf32>
    %jit3A_1212 = arith.constant -1.000000e+00 : f32
    %broadcast_in_dim3A_1213 = vector.broadcast %jit3A_1212 : f32 to vector<2304x1xf32>
    %select_n3A_1214 = arith.select %ge3A_1211, %get3A_1208, %broadcast_in_dim3A_1213 : vector<2304x1xi1>, vector<2304x1xf32>
    %ge3A_1215 = vector.broadcast %select_n3A_1214 : vector<2304x1xf32> to vector<2304x128xf32>
    %ge3A_1216 = vector.broadcast %select_n3A_1203 : vector<1x128xf32> to vector<2304x128xf32>
    %ge3A_1217 = arith.cmpf oge, %ge3A_1215, %ge3A_1216 : vector<2304x128xf32>
    %convert_element_type3A_1218 = arith.extui %ge3A_1217 : vector<2304x128xi1> to vector<2304x128xi32>
    %reduce_sum3A_1219 = arith.constant dense<0> : vector<128xi32>
    %reduce_sum3A_1220 = vector.multi_reduction <add>, %convert_element_type3A_1218, %reduce_sum3A_1219 [0] : vector<2304x128xi32> to vector<128xi32>
    %add3A_1221 = arith.addi %broadcast_in_dim3A_1205, %reduce_sum3A_1220 : vector<128xi32>
    %get3A_1222 = arith.constant 2432 : index
    %get3A_1223 = arith.constant 0 : index
    %get3A_1224 = vector.load %arg1[%get3A_1222, %get3A_1223] : memref<5120x1xf32, #tpu.memory_space<vmem>>, vector<2688x1xf32>
    %ge3A_1225 = arith.constant 2.000000e-01 : f32
    %ge3A_1226 = vector.broadcast %ge3A_1225 : f32 to vector<2688x1xf32>
    %ge3A_1227 = arith.cmpf oge, %get3A_1224, %ge3A_1226 : vector<2688x1xf32>
    %jit3A_1228 = arith.constant -1.000000e+00 : f32
    %broadcast_in_dim3A_1229 = vector.broadcast %jit3A_1228 : f32 to vector<2688x1xf32>
    %select_n3A_1230 = arith.select %ge3A_1227, %get3A_1224, %broadcast_in_dim3A_1229 : vector<2688x1xi1>, vector<2688x1xf32>
    %gt3A_1231 = vector.broadcast %select_n3A_1230 : vector<2688x1xf32> to vector<2688x128xf32>
    %gt3A_1232 = vector.broadcast %select_n3A_1203 : vector<1x128xf32> to vector<2688x128xf32>
    %gt3A_1233 = arith.cmpf ogt, %gt3A_1231, %gt3A_1232 : vector<2688x128xf32>
    %convert_element_type3A_1234 = arith.extui %gt3A_1233 : vector<2688x128xi1> to vector<2688x128xi32>
    %reduce_sum3A_1235 = arith.constant dense<0> : vector<128xi32>
    %reduce_sum3A_1236 = vector.multi_reduction <add>, %convert_element_type3A_1234, %reduce_sum3A_1235 [0] : vector<2688x128xi32> to vector<128xi32>
    %add3A_1237 = arith.addi %add3A_1221, %reduce_sum3A_1236 : vector<128xi32>
    %get3A_1238 = arith.constant 2304 : index
    %get3A_1239 = arith.constant 0 : index
    %get3A_1240 = vector.load %arg1[%get3A_1238, %get3A_1239] : memref<5120x1xf32, #tpu.memory_space<vmem>>, vector<128x1xf32>
    %ge3A_1241 = arith.constant 2.000000e-01 : f32
    %ge3A_1242 = vector.broadcast %ge3A_1241 : f32 to vector<128x1xf32>
    %ge3A_1243 = arith.cmpf oge, %get3A_1240, %ge3A_1242 : vector<128x1xf32>
    %jit3A_1244 = arith.constant -1.000000e+00 : f32
    %broadcast_in_dim3A_1245 = vector.broadcast %jit3A_1244 : f32 to vector<128x1xf32>
    %select_n3A_1246 = arith.select %ge3A_1243, %get3A_1240, %broadcast_in_dim3A_1245 : vector<128x1xi1>, vector<128x1xf32>
    %gt3A_1247 = vector.broadcast %select_n3A_1246 : vector<128x1xf32> to vector<128x128xf32>
    %gt3A_1248 = vector.broadcast %select_n3A_1203 : vector<1x128xf32> to vector<128x128xf32>
    %gt3A_1249 = arith.cmpf ogt, %gt3A_1247, %gt3A_1248 : vector<128x128xf32>
    %eq3A_1250 = vector.broadcast %select_n3A_1246 : vector<128x1xf32> to vector<128x128xf32>
    %eq3A_1251 = vector.broadcast %select_n3A_1203 : vector<1x128xf32> to vector<128x128xf32>
    %eq3A_1252 = arith.cmpf oeq, %eq3A_1250, %eq3A_1251 : vector<128x128xf32>
    %and3A_1253 = arith.andi %eq3A_1252, %lt3A : vector<128x128xi1>
    %or3A_1254 = arith.ori %gt3A_1249, %and3A_1253 : vector<128x128xi1>
    %convert_element_type3A_1255 = arith.extui %or3A_1254 : vector<128x128xi1> to vector<128x128xi32>
    %reduce_sum3A_1256 = arith.constant dense<0> : vector<128xi32>
    %reduce_sum3A_1257 = vector.multi_reduction <add>, %convert_element_type3A_1255, %reduce_sum3A_1256 [0] : vector<128x128xi32> to vector<128xi32>
    %add3A_1258 = arith.addi %add3A_1237, %reduce_sum3A_1257 : vector<128xi32>
    %reshape3A_1259 = vector.shape_cast %add3A_1258 : vector<128xi32> to vector<1x128xi32>
    %swap3A_1260 = arith.constant 18 : index
    %swap3A_1261 = arith.constant 0 : index
    %swap3A_1262 = vector.load %arg2[%swap3A_1260, %swap3A_1261] : memref<40x128xi32, #tpu.memory_space<vmem>>, vector<1x128xi32>
    tpu.vector_store %arg2[%swap3A_1260, %swap3A_1261], %reshape3A_1259 {strides = array<i32>} : memref<40x128xi32, #tpu.memory_space<vmem>>, vector<1x128xi32>,
    %get3A_1263 = arith.constant 19 : index
    %get3A_1264 = arith.constant 0 : index
    %get3A_1265 = vector.load %arg0[%get3A_1263, %get3A_1264] : memref<40x128xf32, #tpu.memory_space<vmem>>, vector<1x128xf32>
    %ge3A_1266 = arith.constant 2.000000e-01 : f32
    %ge3A_1267 = vector.broadcast %ge3A_1266 : f32 to vector<1x128xf32>
    %ge3A_1268 = arith.cmpf oge, %get3A_1265, %ge3A_1267 : vector<1x128xf32>
    %jit3A_1269 = arith.constant -1.000000e+00 : f32
    %broadcast_in_dim3A_1270 = vector.broadcast %jit3A_1269 : f32 to vector<1x128xf32>
    %select_n3A_1271 = arith.select %ge3A_1268, %get3A_1265, %broadcast_in_dim3A_1270 : vector<1x128xi1>, vector<1x128xf32>
    %broadcast_in_dim3A_1272 = arith.constant 0 : i32
    %broadcast_in_dim3A_1273 = vector.broadcast %broadcast_in_dim3A_1272 : i32 to vector<128xi32>
    %get3A_1274 = arith.constant 0 : index
    %get3A_1275 = arith.constant 0 : index
    %get3A_1276 = vector.load %arg1[%get3A_1274, %get3A_1275] : memref<5120x1xf32, #tpu.memory_space<vmem>>, vector<2432x1xf32>
    %ge3A_1277 = arith.constant 2.000000e-01 : f32
    %ge3A_1278 = vector.broadcast %ge3A_1277 : f32 to vector<2432x1xf32>
    %ge3A_1279 = arith.cmpf oge, %get3A_1276, %ge3A_1278 : vector<2432x1xf32>
    %jit3A_1280 = arith.constant -1.000000e+00 : f32
    %broadcast_in_dim3A_1281 = vector.broadcast %jit3A_1280 : f32 to vector<2432x1xf32>
    %select_n3A_1282 = arith.select %ge3A_1279, %get3A_1276, %broadcast_in_dim3A_1281 : vector<2432x1xi1>, vector<2432x1xf32>
    %ge3A_1283 = vector.broadcast %select_n3A_1282 : vector<2432x1xf32> to vector<2432x128xf32>
    %ge3A_1284 = vector.broadcast %select_n3A_1271 : vector<1x128xf32> to vector<2432x128xf32>
    %ge3A_1285 = arith.cmpf oge, %ge3A_1283, %ge3A_1284 : vector<2432x128xf32>
    %convert_element_type3A_1286 = arith.extui %ge3A_1285 : vector<2432x128xi1> to vector<2432x128xi32>
    %reduce_sum3A_1287 = arith.constant dense<0> : vector<128xi32>
    %reduce_sum3A_1288 = vector.multi_reduction <add>, %convert_element_type3A_1286, %reduce_sum3A_1287 [0] : vector<2432x128xi32> to vector<128xi32>
    %add3A_1289 = arith.addi %broadcast_in_dim3A_1273, %reduce_sum3A_1288 : vector<128xi32>
    %get3A_1290 = arith.constant 2560 : index
    %get3A_1291 = arith.constant 0 : index
    %get3A_1292 = vector.load %arg1[%get3A_1290, %get3A_1291] : memref<5120x1xf32, #tpu.memory_space<vmem>>, vector<2560x1xf32>
    %ge3A_1293 = arith.constant 2.000000e-01 : f32
    %ge3A_1294 = vector.broadcast %ge3A_1293 : f32 to vector<2560x1xf32>
    %ge3A_1295 = arith.cmpf oge, %get3A_1292, %ge3A_1294 : vector<2560x1xf32>
    %jit3A_1296 = arith.constant -1.000000e+00 : f32
    %broadcast_in_dim3A_1297 = vector.broadcast %jit3A_1296 : f32 to vector<2560x1xf32>
    %select_n3A_1298 = arith.select %ge3A_1295, %get3A_1292, %broadcast_in_dim3A_1297 : vector<2560x1xi1>, vector<2560x1xf32>
    %gt3A_1299 = vector.broadcast %select_n3A_1298 : vector<2560x1xf32> to vector<2560x128xf32>
    %gt3A_1300 = vector.broadcast %select_n3A_1271 : vector<1x128xf32> to vector<2560x128xf32>
    %gt3A_1301 = arith.cmpf ogt, %gt3A_1299, %gt3A_1300 : vector<2560x128xf32>
    %convert_element_type3A_1302 = arith.extui %gt3A_1301 : vector<2560x128xi1> to vector<2560x128xi32>
    %reduce_sum3A_1303 = arith.constant dense<0> : vector<128xi32>
    %reduce_sum3A_1304 = vector.multi_reduction <add>, %convert_element_type3A_1302, %reduce_sum3A_1303 [0] : vector<2560x128xi32> to vector<128xi32>
    %add3A_1305 = arith.addi %add3A_1289, %reduce_sum3A_1304 : vector<128xi32>
    %get3A_1306 = arith.constant 2432 : index
    %get3A_1307 = arith.constant 0 : index
    %get3A_1308 = vector.load %arg1[%get3A_1306, %get3A_1307] : memref<5120x1xf32, #tpu.memory_space<vmem>>, vector<128x1xf32>
    %ge3A_1309 = arith.constant 2.000000e-01 : f32
    %ge3A_1310 = vector.broadcast %ge3A_1309 : f32 to vector<128x1xf32>
    %ge3A_1311 = arith.cmpf oge, %get3A_1308, %ge3A_1310 : vector<128x1xf32>
    %jit3A_1312 = arith.constant -1.000000e+00 : f32
    %broadcast_in_dim3A_1313 = vector.broadcast %jit3A_1312 : f32 to vector<128x1xf32>
    %select_n3A_1314 = arith.select %ge3A_1311, %get3A_1308, %broadcast_in_dim3A_1313 : vector<128x1xi1>, vector<128x1xf32>
    %gt3A_1315 = vector.broadcast %select_n3A_1314 : vector<128x1xf32> to vector<128x128xf32>
    %gt3A_1316 = vector.broadcast %select_n3A_1271 : vector<1x128xf32> to vector<128x128xf32>
    %gt3A_1317 = arith.cmpf ogt, %gt3A_1315, %gt3A_1316 : vector<128x128xf32>
    %eq3A_1318 = vector.broadcast %select_n3A_1314 : vector<128x1xf32> to vector<128x128xf32>
    %eq3A_1319 = vector.broadcast %select_n3A_1271 : vector<1x128xf32> to vector<128x128xf32>
    %eq3A_1320 = arith.cmpf oeq, %eq3A_1318, %eq3A_1319 : vector<128x128xf32>
    %and3A_1321 = arith.andi %eq3A_1320, %lt3A : vector<128x128xi1>
    %or3A_1322 = arith.ori %gt3A_1317, %and3A_1321 : vector<128x128xi1>
    %convert_element_type3A_1323 = arith.extui %or3A_1322 : vector<128x128xi1> to vector<128x128xi32>
    %reduce_sum3A_1324 = arith.constant dense<0> : vector<128xi32>
    %reduce_sum3A_1325 = vector.multi_reduction <add>, %convert_element_type3A_1323, %reduce_sum3A_1324 [0] : vector<128x128xi32> to vector<128xi32>
    %add3A_1326 = arith.addi %add3A_1305, %reduce_sum3A_1325 : vector<128xi32>
    %reshape3A_1327 = vector.shape_cast %add3A_1326 : vector<128xi32> to vector<1x128xi32>
    %swap3A_1328 = arith.constant 19 : index
    %swap3A_1329 = arith.constant 0 : index
    %swap3A_1330 = vector.load %arg2[%swap3A_1328, %swap3A_1329] : memref<40x128xi32, #tpu.memory_space<vmem>>, vector<1x128xi32>
    tpu.vector_store %arg2[%swap3A_1328, %swap3A_1329], %reshape3A_1327 {strides = array<i32>} : memref<40x128xi32, #tpu.memory_space<vmem>>, vector<1x128xi32>,
    %get3A_1331 = arith.constant 20 : index
    %get3A_1332 = arith.constant 0 : index
    %get3A_1333 = vector.load %arg0[%get3A_1331, %get3A_1332] : memref<40x128xf32, #tpu.memory_space<vmem>>, vector<1x128xf32>
    %ge3A_1334 = arith.constant 2.000000e-01 : f32
    %ge3A_1335 = vector.broadcast %ge3A_1334 : f32 to vector<1x128xf32>
    %ge3A_1336 = arith.cmpf oge, %get3A_1333, %ge3A_1335 : vector<1x128xf32>
    %jit3A_1337 = arith.constant -1.000000e+00 : f32
    %broadcast_in_dim3A_1338 = vector.broadcast %jit3A_1337 : f32 to vector<1x128xf32>
    %select_n3A_1339 = arith.select %ge3A_1336, %get3A_1333, %broadcast_in_dim3A_1338 : vector<1x128xi1>, vector<1x128xf32>
    %broadcast_in_dim3A_1340 = arith.constant 0 : i32
    %broadcast_in_dim3A_1341 = vector.broadcast %broadcast_in_dim3A_1340 : i32 to vector<128xi32>
    %get3A_1342 = arith.constant 0 : index
    %get3A_1343 = arith.constant 0 : index
    %get3A_1344 = vector.load %arg1[%get3A_1342, %get3A_1343] : memref<5120x1xf32, #tpu.memory_space<vmem>>, vector<2560x1xf32>
    %ge3A_1345 = arith.constant 2.000000e-01 : f32
    %ge3A_1346 = vector.broadcast %ge3A_1345 : f32 to vector<2560x1xf32>
    %ge3A_1347 = arith.cmpf oge, %get3A_1344, %ge3A_1346 : vector<2560x1xf32>
    %jit3A_1348 = arith.constant -1.000000e+00 : f32
    %broadcast_in_dim3A_1349 = vector.broadcast %jit3A_1348 : f32 to vector<2560x1xf32>
    %select_n3A_1350 = arith.select %ge3A_1347, %get3A_1344, %broadcast_in_dim3A_1349 : vector<2560x1xi1>, vector<2560x1xf32>
    %ge3A_1351 = vector.broadcast %select_n3A_1350 : vector<2560x1xf32> to vector<2560x128xf32>
    %ge3A_1352 = vector.broadcast %select_n3A_1339 : vector<1x128xf32> to vector<2560x128xf32>
    %ge3A_1353 = arith.cmpf oge, %ge3A_1351, %ge3A_1352 : vector<2560x128xf32>
    %convert_element_type3A_1354 = arith.extui %ge3A_1353 : vector<2560x128xi1> to vector<2560x128xi32>
    %reduce_sum3A_1355 = arith.constant dense<0> : vector<128xi32>
    %reduce_sum3A_1356 = vector.multi_reduction <add>, %convert_element_type3A_1354, %reduce_sum3A_1355 [0] : vector<2560x128xi32> to vector<128xi32>
    %add3A_1357 = arith.addi %broadcast_in_dim3A_1341, %reduce_sum3A_1356 : vector<128xi32>
    %get3A_1358 = arith.constant 2688 : index
    %get3A_1359 = arith.constant 0 : index
    %get3A_1360 = vector.load %arg1[%get3A_1358, %get3A_1359] : memref<5120x1xf32, #tpu.memory_space<vmem>>, vector<2432x1xf32>
    %ge3A_1361 = arith.constant 2.000000e-01 : f32
    %ge3A_1362 = vector.broadcast %ge3A_1361 : f32 to vector<2432x1xf32>
    %ge3A_1363 = arith.cmpf oge, %get3A_1360, %ge3A_1362 : vector<2432x1xf32>
    %jit3A_1364 = arith.constant -1.000000e+00 : f32
    %broadcast_in_dim3A_1365 = vector.broadcast %jit3A_1364 : f32 to vector<2432x1xf32>
    %select_n3A_1366 = arith.select %ge3A_1363, %get3A_1360, %broadcast_in_dim3A_1365 : vector<2432x1xi1>, vector<2432x1xf32>
    %gt3A_1367 = vector.broadcast %select_n3A_1366 : vector<2432x1xf32> to vector<2432x128xf32>
    %gt3A_1368 = vector.broadcast %select_n3A_1339 : vector<1x128xf32> to vector<2432x128xf32>
    %gt3A_1369 = arith.cmpf ogt, %gt3A_1367, %gt3A_1368 : vector<2432x128xf32>
    %convert_element_type3A_1370 = arith.extui %gt3A_1369 : vector<2432x128xi1> to vector<2432x128xi32>
    %reduce_sum3A_1371 = arith.constant dense<0> : vector<128xi32>
    %reduce_sum3A_1372 = vector.multi_reduction <add>, %convert_element_type3A_1370, %reduce_sum3A_1371 [0] : vector<2432x128xi32> to vector<128xi32>
    %add3A_1373 = arith.addi %add3A_1357, %reduce_sum3A_1372 : vector<128xi32>
    %get3A_1374 = arith.constant 2560 : index
    %get3A_1375 = arith.constant 0 : index
    %get3A_1376 = vector.load %arg1[%get3A_1374, %get3A_1375] : memref<5120x1xf32, #tpu.memory_space<vmem>>, vector<128x1xf32>
    %ge3A_1377 = arith.constant 2.000000e-01 : f32
    %ge3A_1378 = vector.broadcast %ge3A_1377 : f32 to vector<128x1xf32>
    %ge3A_1379 = arith.cmpf oge, %get3A_1376, %ge3A_1378 : vector<128x1xf32>
    %jit3A_1380 = arith.constant -1.000000e+00 : f32
    %broadcast_in_dim3A_1381 = vector.broadcast %jit3A_1380 : f32 to vector<128x1xf32>
    %select_n3A_1382 = arith.select %ge3A_1379, %get3A_1376, %broadcast_in_dim3A_1381 : vector<128x1xi1>, vector<128x1xf32>
    %gt3A_1383 = vector.broadcast %select_n3A_1382 : vector<128x1xf32> to vector<128x128xf32>
    %gt3A_1384 = vector.broadcast %select_n3A_1339 : vector<1x128xf32> to vector<128x128xf32>
    %gt3A_1385 = arith.cmpf ogt, %gt3A_1383, %gt3A_1384 : vector<128x128xf32>
    %eq3A_1386 = vector.broadcast %select_n3A_1382 : vector<128x1xf32> to vector<128x128xf32>
    %eq3A_1387 = vector.broadcast %select_n3A_1339 : vector<1x128xf32> to vector<128x128xf32>
    %eq3A_1388 = arith.cmpf oeq, %eq3A_1386, %eq3A_1387 : vector<128x128xf32>
    %and3A_1389 = arith.andi %eq3A_1388, %lt3A : vector<128x128xi1>
    %or3A_1390 = arith.ori %gt3A_1385, %and3A_1389 : vector<128x128xi1>
    %convert_element_type3A_1391 = arith.extui %or3A_1390 : vector<128x128xi1> to vector<128x128xi32>
    %reduce_sum3A_1392 = arith.constant dense<0> : vector<128xi32>
    %reduce_sum3A_1393 = vector.multi_reduction <add>, %convert_element_type3A_1391, %reduce_sum3A_1392 [0] : vector<128x128xi32> to vector<128xi32>
    %add3A_1394 = arith.addi %add3A_1373, %reduce_sum3A_1393 : vector<128xi32>
    %reshape3A_1395 = vector.shape_cast %add3A_1394 : vector<128xi32> to vector<1x128xi32>
    %swap3A_1396 = arith.constant 20 : index
    %swap3A_1397 = arith.constant 0 : index
    %swap3A_1398 = vector.load %arg2[%swap3A_1396, %swap3A_1397] : memref<40x128xi32, #tpu.memory_space<vmem>>, vector<1x128xi32>
    tpu.vector_store %arg2[%swap3A_1396, %swap3A_1397], %reshape3A_1395 {strides = array<i32>} : memref<40x128xi32, #tpu.memory_space<vmem>>, vector<1x128xi32>,
    %get3A_1399 = arith.constant 21 : index
    %get3A_1400 = arith.constant 0 : index
    %get3A_1401 = vector.load %arg0[%get3A_1399, %get3A_1400] : memref<40x128xf32, #tpu.memory_space<vmem>>, vector<1x128xf32>
    %ge3A_1402 = arith.constant 2.000000e-01 : f32
    %ge3A_1403 = vector.broadcast %ge3A_1402 : f32 to vector<1x128xf32>
    %ge3A_1404 = arith.cmpf oge, %get3A_1401, %ge3A_1403 : vector<1x128xf32>
    %jit3A_1405 = arith.constant -1.000000e+00 : f32
    %broadcast_in_dim3A_1406 = vector.broadcast %jit3A_1405 : f32 to vector<1x128xf32>
    %select_n3A_1407 = arith.select %ge3A_1404, %get3A_1401, %broadcast_in_dim3A_1406 : vector<1x128xi1>, vector<1x128xf32>
    %broadcast_in_dim3A_1408 = arith.constant 0 : i32
    %broadcast_in_dim3A_1409 = vector.broadcast %broadcast_in_dim3A_1408 : i32 to vector<128xi32>
    %get3A_1410 = arith.constant 0 : index
    %get3A_1411 = arith.constant 0 : index
    %get3A_1412 = vector.load %arg1[%get3A_1410, %get3A_1411] : memref<5120x1xf32, #tpu.memory_space<vmem>>, vector<2688x1xf32>
    %ge3A_1413 = arith.constant 2.000000e-01 : f32
    %ge3A_1414 = vector.broadcast %ge3A_1413 : f32 to vector<2688x1xf32>
    %ge3A_1415 = arith.cmpf oge, %get3A_1412, %ge3A_1414 : vector<2688x1xf32>
    %jit3A_1416 = arith.constant -1.000000e+00 : f32
    %broadcast_in_dim3A_1417 = vector.broadcast %jit3A_1416 : f32 to vector<2688x1xf32>
    %select_n3A_1418 = arith.select %ge3A_1415, %get3A_1412, %broadcast_in_dim3A_1417 : vector<2688x1xi1>, vector<2688x1xf32>
    %ge3A_1419 = vector.broadcast %select_n3A_1418 : vector<2688x1xf32> to vector<2688x128xf32>
    %ge3A_1420 = vector.broadcast %select_n3A_1407 : vector<1x128xf32> to vector<2688x128xf32>
    %ge3A_1421 = arith.cmpf oge, %ge3A_1419, %ge3A_1420 : vector<2688x128xf32>
    %convert_element_type3A_1422 = arith.extui %ge3A_1421 : vector<2688x128xi1> to vector<2688x128xi32>
    %reduce_sum3A_1423 = arith.constant dense<0> : vector<128xi32>
    %reduce_sum3A_1424 = vector.multi_reduction <add>, %convert_element_type3A_1422, %reduce_sum3A_1423 [0] : vector<2688x128xi32> to vector<128xi32>
    %add3A_1425 = arith.addi %broadcast_in_dim3A_1409, %reduce_sum3A_1424 : vector<128xi32>
    %get3A_1426 = arith.constant 2816 : index
    %get3A_1427 = arith.constant 0 : index
    %get3A_1428 = vector.load %arg1[%get3A_1426, %get3A_1427] : memref<5120x1xf32, #tpu.memory_space<vmem>>, vector<2304x1xf32>
    %ge3A_1429 = arith.constant 2.000000e-01 : f32
    %ge3A_1430 = vector.broadcast %ge3A_1429 : f32 to vector<2304x1xf32>
    %ge3A_1431 = arith.cmpf oge, %get3A_1428, %ge3A_1430 : vector<2304x1xf32>
    %jit3A_1432 = arith.constant -1.000000e+00 : f32
    %broadcast_in_dim3A_1433 = vector.broadcast %jit3A_1432 : f32 to vector<2304x1xf32>
    %select_n3A_1434 = arith.select %ge3A_1431, %get3A_1428, %broadcast_in_dim3A_1433 : vector<2304x1xi1>, vector<2304x1xf32>
    %gt3A_1435 = vector.broadcast %select_n3A_1434 : vector<2304x1xf32> to vector<2304x128xf32>
    %gt3A_1436 = vector.broadcast %select_n3A_1407 : vector<1x128xf32> to vector<2304x128xf32>
    %gt3A_1437 = arith.cmpf ogt, %gt3A_1435, %gt3A_1436 : vector<2304x128xf32>
    %convert_element_type3A_1438 = arith.extui %gt3A_1437 : vector<2304x128xi1> to vector<2304x128xi32>
    %reduce_sum3A_1439 = arith.constant dense<0> : vector<128xi32>
    %reduce_sum3A_1440 = vector.multi_reduction <add>, %convert_element_type3A_1438, %reduce_sum3A_1439 [0] : vector<2304x128xi32> to vector<128xi32>
    %add3A_1441 = arith.addi %add3A_1425, %reduce_sum3A_1440 : vector<128xi32>
    %get3A_1442 = arith.constant 2688 : index
    %get3A_1443 = arith.constant 0 : index
    %get3A_1444 = vector.load %arg1[%get3A_1442, %get3A_1443] : memref<5120x1xf32, #tpu.memory_space<vmem>>, vector<128x1xf32>
    %ge3A_1445 = arith.constant 2.000000e-01 : f32
    %ge3A_1446 = vector.broadcast %ge3A_1445 : f32 to vector<128x1xf32>
    %ge3A_1447 = arith.cmpf oge, %get3A_1444, %ge3A_1446 : vector<128x1xf32>
    %jit3A_1448 = arith.constant -1.000000e+00 : f32
    %broadcast_in_dim3A_1449 = vector.broadcast %jit3A_1448 : f32 to vector<128x1xf32>
    %select_n3A_1450 = arith.select %ge3A_1447, %get3A_1444, %broadcast_in_dim3A_1449 : vector<128x1xi1>, vector<128x1xf32>
    %gt3A_1451 = vector.broadcast %select_n3A_1450 : vector<128x1xf32> to vector<128x128xf32>
    %gt3A_1452 = vector.broadcast %select_n3A_1407 : vector<1x128xf32> to vector<128x128xf32>
    %gt3A_1453 = arith.cmpf ogt, %gt3A_1451, %gt3A_1452 : vector<128x128xf32>
    %eq3A_1454 = vector.broadcast %select_n3A_1450 : vector<128x1xf32> to vector<128x128xf32>
    %eq3A_1455 = vector.broadcast %select_n3A_1407 : vector<1x128xf32> to vector<128x128xf32>
    %eq3A_1456 = arith.cmpf oeq, %eq3A_1454, %eq3A_1455 : vector<128x128xf32>
    %and3A_1457 = arith.andi %eq3A_1456, %lt3A : vector<128x128xi1>
    %or3A_1458 = arith.ori %gt3A_1453, %and3A_1457 : vector<128x128xi1>
    %convert_element_type3A_1459 = arith.extui %or3A_1458 : vector<128x128xi1> to vector<128x128xi32>
    %reduce_sum3A_1460 = arith.constant dense<0> : vector<128xi32>
    %reduce_sum3A_1461 = vector.multi_reduction <add>, %convert_element_type3A_1459, %reduce_sum3A_1460 [0] : vector<128x128xi32> to vector<128xi32>
    %add3A_1462 = arith.addi %add3A_1441, %reduce_sum3A_1461 : vector<128xi32>
    %reshape3A_1463 = vector.shape_cast %add3A_1462 : vector<128xi32> to vector<1x128xi32>
    %swap3A_1464 = arith.constant 21 : index
    %swap3A_1465 = arith.constant 0 : index
    %swap3A_1466 = vector.load %arg2[%swap3A_1464, %swap3A_1465] : memref<40x128xi32, #tpu.memory_space<vmem>>, vector<1x128xi32>
    tpu.vector_store %arg2[%swap3A_1464, %swap3A_1465], %reshape3A_1463 {strides = array<i32>} : memref<40x128xi32, #tpu.memory_space<vmem>>, vector<1x128xi32>,
    %get3A_1467 = arith.constant 22 : index
    %get3A_1468 = arith.constant 0 : index
    %get3A_1469 = vector.load %arg0[%get3A_1467, %get3A_1468] : memref<40x128xf32, #tpu.memory_space<vmem>>, vector<1x128xf32>
    %ge3A_1470 = arith.constant 2.000000e-01 : f32
    %ge3A_1471 = vector.broadcast %ge3A_1470 : f32 to vector<1x128xf32>
    %ge3A_1472 = arith.cmpf oge, %get3A_1469, %ge3A_1471 : vector<1x128xf32>
    %jit3A_1473 = arith.constant -1.000000e+00 : f32
    %broadcast_in_dim3A_1474 = vector.broadcast %jit3A_1473 : f32 to vector<1x128xf32>
    %select_n3A_1475 = arith.select %ge3A_1472, %get3A_1469, %broadcast_in_dim3A_1474 : vector<1x128xi1>, vector<1x128xf32>
    %broadcast_in_dim3A_1476 = arith.constant 0 : i32
    %broadcast_in_dim3A_1477 = vector.broadcast %broadcast_in_dim3A_1476 : i32 to vector<128xi32>
    %get3A_1478 = arith.constant 0 : index
    %get3A_1479 = arith.constant 0 : index
    %get3A_1480 = vector.load %arg1[%get3A_1478, %get3A_1479] : memref<5120x1xf32, #tpu.memory_space<vmem>>, vector<2816x1xf32>
    %ge3A_1481 = arith.constant 2.000000e-01 : f32
    %ge3A_1482 = vector.broadcast %ge3A_1481 : f32 to vector<2816x1xf32>
    %ge3A_1483 = arith.cmpf oge, %get3A_1480, %ge3A_1482 : vector<2816x1xf32>
    %jit3A_1484 = arith.constant -1.000000e+00 : f32
    %broadcast_in_dim3A_1485 = vector.broadcast %jit3A_1484 : f32 to vector<2816x1xf32>
    %select_n3A_1486 = arith.select %ge3A_1483, %get3A_1480, %broadcast_in_dim3A_1485 : vector<2816x1xi1>, vector<2816x1xf32>
    %ge3A_1487 = vector.broadcast %select_n3A_1486 : vector<2816x1xf32> to vector<2816x128xf32>
    %ge3A_1488 = vector.broadcast %select_n3A_1475 : vector<1x128xf32> to vector<2816x128xf32>
    %ge3A_1489 = arith.cmpf oge, %ge3A_1487, %ge3A_1488 : vector<2816x128xf32>
    %convert_element_type3A_1490 = arith.extui %ge3A_1489 : vector<2816x128xi1> to vector<2816x128xi32>
    %reduce_sum3A_1491 = arith.constant dense<0> : vector<128xi32>
    %reduce_sum3A_1492 = vector.multi_reduction <add>, %convert_element_type3A_1490, %reduce_sum3A_1491 [0] : vector<2816x128xi32> to vector<128xi32>
    %add3A_1493 = arith.addi %broadcast_in_dim3A_1477, %reduce_sum3A_1492 : vector<128xi32>
    %get3A_1494 = arith.constant 2944 : index
    %get3A_1495 = arith.constant 0 : index
    %get3A_1496 = vector.load %arg1[%get3A_1494, %get3A_1495] : memref<5120x1xf32, #tpu.memory_space<vmem>>, vector<2176x1xf32>
    %ge3A_1497 = arith.constant 2.000000e-01 : f32
    %ge3A_1498 = vector.broadcast %ge3A_1497 : f32 to vector<2176x1xf32>
    %ge3A_1499 = arith.cmpf oge, %get3A_1496, %ge3A_1498 : vector<2176x1xf32>
    %jit3A_1500 = arith.constant -1.000000e+00 : f32
    %broadcast_in_dim3A_1501 = vector.broadcast %jit3A_1500 : f32 to vector<2176x1xf32>
    %select_n3A_1502 = arith.select %ge3A_1499, %get3A_1496, %broadcast_in_dim3A_1501 : vector<2176x1xi1>, vector<2176x1xf32>
    %gt3A_1503 = vector.broadcast %select_n3A_1502 : vector<2176x1xf32> to vector<2176x128xf32>
    %gt3A_1504 = vector.broadcast %select_n3A_1475 : vector<1x128xf32> to vector<2176x128xf32>
    %gt3A_1505 = arith.cmpf ogt, %gt3A_1503, %gt3A_1504 : vector<2176x128xf32>
    %convert_element_type3A_1506 = arith.extui %gt3A_1505 : vector<2176x128xi1> to vector<2176x128xi32>
    %reduce_sum3A_1507 = arith.constant dense<0> : vector<128xi32>
    %reduce_sum3A_1508 = vector.multi_reduction <add>, %convert_element_type3A_1506, %reduce_sum3A_1507 [0] : vector<2176x128xi32> to vector<128xi32>
    %add3A_1509 = arith.addi %add3A_1493, %reduce_sum3A_1508 : vector<128xi32>
    %get3A_1510 = arith.constant 2816 : index
    %get3A_1511 = arith.constant 0 : index
    %get3A_1512 = vector.load %arg1[%get3A_1510, %get3A_1511] : memref<5120x1xf32, #tpu.memory_space<vmem>>, vector<128x1xf32>
    %ge3A_1513 = arith.constant 2.000000e-01 : f32
    %ge3A_1514 = vector.broadcast %ge3A_1513 : f32 to vector<128x1xf32>
    %ge3A_1515 = arith.cmpf oge, %get3A_1512, %ge3A_1514 : vector<128x1xf32>
    %jit3A_1516 = arith.constant -1.000000e+00 : f32
    %broadcast_in_dim3A_1517 = vector.broadcast %jit3A_1516 : f32 to vector<128x1xf32>
    %select_n3A_1518 = arith.select %ge3A_1515, %get3A_1512, %broadcast_in_dim3A_1517 : vector<128x1xi1>, vector<128x1xf32>
    %gt3A_1519 = vector.broadcast %select_n3A_1518 : vector<128x1xf32> to vector<128x128xf32>
    %gt3A_1520 = vector.broadcast %select_n3A_1475 : vector<1x128xf32> to vector<128x128xf32>
    %gt3A_1521 = arith.cmpf ogt, %gt3A_1519, %gt3A_1520 : vector<128x128xf32>
    %eq3A_1522 = vector.broadcast %select_n3A_1518 : vector<128x1xf32> to vector<128x128xf32>
    %eq3A_1523 = vector.broadcast %select_n3A_1475 : vector<1x128xf32> to vector<128x128xf32>
    %eq3A_1524 = arith.cmpf oeq, %eq3A_1522, %eq3A_1523 : vector<128x128xf32>
    %and3A_1525 = arith.andi %eq3A_1524, %lt3A : vector<128x128xi1>
    %or3A_1526 = arith.ori %gt3A_1521, %and3A_1525 : vector<128x128xi1>
    %convert_element_type3A_1527 = arith.extui %or3A_1526 : vector<128x128xi1> to vector<128x128xi32>
    %reduce_sum3A_1528 = arith.constant dense<0> : vector<128xi32>
    %reduce_sum3A_1529 = vector.multi_reduction <add>, %convert_element_type3A_1527, %reduce_sum3A_1528 [0] : vector<128x128xi32> to vector<128xi32>
    %add3A_1530 = arith.addi %add3A_1509, %reduce_sum3A_1529 : vector<128xi32>
    %reshape3A_1531 = vector.shape_cast %add3A_1530 : vector<128xi32> to vector<1x128xi32>
    %swap3A_1532 = arith.constant 22 : index
    %swap3A_1533 = arith.constant 0 : index
    %swap3A_1534 = vector.load %arg2[%swap3A_1532, %swap3A_1533] : memref<40x128xi32, #tpu.memory_space<vmem>>, vector<1x128xi32>
    tpu.vector_store %arg2[%swap3A_1532, %swap3A_1533], %reshape3A_1531 {strides = array<i32>} : memref<40x128xi32, #tpu.memory_space<vmem>>, vector<1x128xi32>,
    %get3A_1535 = arith.constant 23 : index
    %get3A_1536 = arith.constant 0 : index
    %get3A_1537 = vector.load %arg0[%get3A_1535, %get3A_1536] : memref<40x128xf32, #tpu.memory_space<vmem>>, vector<1x128xf32>
    %ge3A_1538 = arith.constant 2.000000e-01 : f32
    %ge3A_1539 = vector.broadcast %ge3A_1538 : f32 to vector<1x128xf32>
    %ge3A_1540 = arith.cmpf oge, %get3A_1537, %ge3A_1539 : vector<1x128xf32>
    %jit3A_1541 = arith.constant -1.000000e+00 : f32
    %broadcast_in_dim3A_1542 = vector.broadcast %jit3A_1541 : f32 to vector<1x128xf32>
    %select_n3A_1543 = arith.select %ge3A_1540, %get3A_1537, %broadcast_in_dim3A_1542 : vector<1x128xi1>, vector<1x128xf32>
    %broadcast_in_dim3A_1544 = arith.constant 0 : i32
    %broadcast_in_dim3A_1545 = vector.broadcast %broadcast_in_dim3A_1544 : i32 to vector<128xi32>
    %get3A_1546 = arith.constant 0 : index
    %get3A_1547 = arith.constant 0 : index
    %get3A_1548 = vector.load %arg1[%get3A_1546, %get3A_1547] : memref<5120x1xf32, #tpu.memory_space<vmem>>, vector<2944x1xf32>
    %ge3A_1549 = arith.constant 2.000000e-01 : f32
    %ge3A_1550 = vector.broadcast %ge3A_1549 : f32 to vector<2944x1xf32>
    %ge3A_1551 = arith.cmpf oge, %get3A_1548, %ge3A_1550 : vector<2944x1xf32>
    %jit3A_1552 = arith.constant -1.000000e+00 : f32
    %broadcast_in_dim3A_1553 = vector.broadcast %jit3A_1552 : f32 to vector<2944x1xf32>
    %select_n3A_1554 = arith.select %ge3A_1551, %get3A_1548, %broadcast_in_dim3A_1553 : vector<2944x1xi1>, vector<2944x1xf32>
    %ge3A_1555 = vector.broadcast %select_n3A_1554 : vector<2944x1xf32> to vector<2944x128xf32>
    %ge3A_1556 = vector.broadcast %select_n3A_1543 : vector<1x128xf32> to vector<2944x128xf32>
    %ge3A_1557 = arith.cmpf oge, %ge3A_1555, %ge3A_1556 : vector<2944x128xf32>
    %convert_element_type3A_1558 = arith.extui %ge3A_1557 : vector<2944x128xi1> to vector<2944x128xi32>
    %reduce_sum3A_1559 = arith.constant dense<0> : vector<128xi32>
    %reduce_sum3A_1560 = vector.multi_reduction <add>, %convert_element_type3A_1558, %reduce_sum3A_1559 [0] : vector<2944x128xi32> to vector<128xi32>
    %add3A_1561 = arith.addi %broadcast_in_dim3A_1545, %reduce_sum3A_1560 : vector<128xi32>
    %get3A_1562 = arith.constant 3072 : index
    %get3A_1563 = arith.constant 0 : index
    %get3A_1564 = vector.load %arg1[%get3A_1562, %get3A_1563] : memref<5120x1xf32, #tpu.memory_space<vmem>>, vector<2048x1xf32>
    %ge3A_1565 = arith.constant 2.000000e-01 : f32
    %ge3A_1566 = vector.broadcast %ge3A_1565 : f32 to vector<2048x1xf32>
    %ge3A_1567 = arith.cmpf oge, %get3A_1564, %ge3A_1566 : vector<2048x1xf32>
    %jit3A_1568 = arith.constant -1.000000e+00 : f32
    %broadcast_in_dim3A_1569 = vector.broadcast %jit3A_1568 : f32 to vector<2048x1xf32>
    %select_n3A_1570 = arith.select %ge3A_1567, %get3A_1564, %broadcast_in_dim3A_1569 : vector<2048x1xi1>, vector<2048x1xf32>
    %gt3A_1571 = vector.broadcast %select_n3A_1570 : vector<2048x1xf32> to vector<2048x128xf32>
    %gt3A_1572 = vector.broadcast %select_n3A_1543 : vector<1x128xf32> to vector<2048x128xf32>
    %gt3A_1573 = arith.cmpf ogt, %gt3A_1571, %gt3A_1572 : vector<2048x128xf32>
    %convert_element_type3A_1574 = arith.extui %gt3A_1573 : vector<2048x128xi1> to vector<2048x128xi32>
    %reduce_sum3A_1575 = arith.constant dense<0> : vector<128xi32>
    %reduce_sum3A_1576 = vector.multi_reduction <add>, %convert_element_type3A_1574, %reduce_sum3A_1575 [0] : vector<2048x128xi32> to vector<128xi32>
    %add3A_1577 = arith.addi %add3A_1561, %reduce_sum3A_1576 : vector<128xi32>
    %get3A_1578 = arith.constant 2944 : index
    %get3A_1579 = arith.constant 0 : index
    %get3A_1580 = vector.load %arg1[%get3A_1578, %get3A_1579] : memref<5120x1xf32, #tpu.memory_space<vmem>>, vector<128x1xf32>
    %ge3A_1581 = arith.constant 2.000000e-01 : f32
    %ge3A_1582 = vector.broadcast %ge3A_1581 : f32 to vector<128x1xf32>
    %ge3A_1583 = arith.cmpf oge, %get3A_1580, %ge3A_1582 : vector<128x1xf32>
    %jit3A_1584 = arith.constant -1.000000e+00 : f32
    %broadcast_in_dim3A_1585 = vector.broadcast %jit3A_1584 : f32 to vector<128x1xf32>
    %select_n3A_1586 = arith.select %ge3A_1583, %get3A_1580, %broadcast_in_dim3A_1585 : vector<128x1xi1>, vector<128x1xf32>
    %gt3A_1587 = vector.broadcast %select_n3A_1586 : vector<128x1xf32> to vector<128x128xf32>
    %gt3A_1588 = vector.broadcast %select_n3A_1543 : vector<1x128xf32> to vector<128x128xf32>
    %gt3A_1589 = arith.cmpf ogt, %gt3A_1587, %gt3A_1588 : vector<128x128xf32>
    %eq3A_1590 = vector.broadcast %select_n3A_1586 : vector<128x1xf32> to vector<128x128xf32>
    %eq3A_1591 = vector.broadcast %select_n3A_1543 : vector<1x128xf32> to vector<128x128xf32>
    %eq3A_1592 = arith.cmpf oeq, %eq3A_1590, %eq3A_1591 : vector<128x128xf32>
    %and3A_1593 = arith.andi %eq3A_1592, %lt3A : vector<128x128xi1>
    %or3A_1594 = arith.ori %gt3A_1589, %and3A_1593 : vector<128x128xi1>
    %convert_element_type3A_1595 = arith.extui %or3A_1594 : vector<128x128xi1> to vector<128x128xi32>
    %reduce_sum3A_1596 = arith.constant dense<0> : vector<128xi32>
    %reduce_sum3A_1597 = vector.multi_reduction <add>, %convert_element_type3A_1595, %reduce_sum3A_1596 [0] : vector<128x128xi32> to vector<128xi32>
    %add3A_1598 = arith.addi %add3A_1577, %reduce_sum3A_1597 : vector<128xi32>
    %reshape3A_1599 = vector.shape_cast %add3A_1598 : vector<128xi32> to vector<1x128xi32>
    %swap3A_1600 = arith.constant 23 : index
    %swap3A_1601 = arith.constant 0 : index
    %swap3A_1602 = vector.load %arg2[%swap3A_1600, %swap3A_1601] : memref<40x128xi32, #tpu.memory_space<vmem>>, vector<1x128xi32>
    tpu.vector_store %arg2[%swap3A_1600, %swap3A_1601], %reshape3A_1599 {strides = array<i32>} : memref<40x128xi32, #tpu.memory_space<vmem>>, vector<1x128xi32>,
    %get3A_1603 = arith.constant 24 : index
    %get3A_1604 = arith.constant 0 : index
    %get3A_1605 = vector.load %arg0[%get3A_1603, %get3A_1604] : memref<40x128xf32, #tpu.memory_space<vmem>>, vector<1x128xf32>
    %ge3A_1606 = arith.constant 2.000000e-01 : f32
    %ge3A_1607 = vector.broadcast %ge3A_1606 : f32 to vector<1x128xf32>
    %ge3A_1608 = arith.cmpf oge, %get3A_1605, %ge3A_1607 : vector<1x128xf32>
    %jit3A_1609 = arith.constant -1.000000e+00 : f32
    %broadcast_in_dim3A_1610 = vector.broadcast %jit3A_1609 : f32 to vector<1x128xf32>
    %select_n3A_1611 = arith.select %ge3A_1608, %get3A_1605, %broadcast_in_dim3A_1610 : vector<1x128xi1>, vector<1x128xf32>
    %broadcast_in_dim3A_1612 = arith.constant 0 : i32
    %broadcast_in_dim3A_1613 = vector.broadcast %broadcast_in_dim3A_1612 : i32 to vector<128xi32>
    %get3A_1614 = arith.constant 0 : index
    %get3A_1615 = arith.constant 0 : index
    %get3A_1616 = vector.load %arg1[%get3A_1614, %get3A_1615] : memref<5120x1xf32, #tpu.memory_space<vmem>>, vector<3072x1xf32>
    %ge3A_1617 = arith.constant 2.000000e-01 : f32
    %ge3A_1618 = vector.broadcast %ge3A_1617 : f32 to vector<3072x1xf32>
    %ge3A_1619 = arith.cmpf oge, %get3A_1616, %ge3A_1618 : vector<3072x1xf32>
    %jit3A_1620 = arith.constant -1.000000e+00 : f32
    %broadcast_in_dim3A_1621 = vector.broadcast %jit3A_1620 : f32 to vector<3072x1xf32>
    %select_n3A_1622 = arith.select %ge3A_1619, %get3A_1616, %broadcast_in_dim3A_1621 : vector<3072x1xi1>, vector<3072x1xf32>
    %ge3A_1623 = vector.broadcast %select_n3A_1622 : vector<3072x1xf32> to vector<3072x128xf32>
    %ge3A_1624 = vector.broadcast %select_n3A_1611 : vector<1x128xf32> to vector<3072x128xf32>
    %ge3A_1625 = arith.cmpf oge, %ge3A_1623, %ge3A_1624 : vector<3072x128xf32>
    %convert_element_type3A_1626 = arith.extui %ge3A_1625 : vector<3072x128xi1> to vector<3072x128xi32>
    %reduce_sum3A_1627 = arith.constant dense<0> : vector<128xi32>
    %reduce_sum3A_1628 = vector.multi_reduction <add>, %convert_element_type3A_1626, %reduce_sum3A_1627 [0] : vector<3072x128xi32> to vector<128xi32>
    %add3A_1629 = arith.addi %broadcast_in_dim3A_1613, %reduce_sum3A_1628 : vector<128xi32>
    %get3A_1630 = arith.constant 3200 : index
    %get3A_1631 = arith.constant 0 : index
    %get3A_1632 = vector.load %arg1[%get3A_1630, %get3A_1631] : memref<5120x1xf32, #tpu.memory_space<vmem>>, vector<1920x1xf32>
    %ge3A_1633 = arith.constant 2.000000e-01 : f32
    %ge3A_1634 = vector.broadcast %ge3A_1633 : f32 to vector<1920x1xf32>
    %ge3A_1635 = arith.cmpf oge, %get3A_1632, %ge3A_1634 : vector<1920x1xf32>
    %jit3A_1636 = arith.constant -1.000000e+00 : f32
    %broadcast_in_dim3A_1637 = vector.broadcast %jit3A_1636 : f32 to vector<1920x1xf32>
    %select_n3A_1638 = arith.select %ge3A_1635, %get3A_1632, %broadcast_in_dim3A_1637 : vector<1920x1xi1>, vector<1920x1xf32>
    %gt3A_1639 = vector.broadcast %select_n3A_1638 : vector<1920x1xf32> to vector<1920x128xf32>
    %gt3A_1640 = vector.broadcast %select_n3A_1611 : vector<1x128xf32> to vector<1920x128xf32>
    %gt3A_1641 = arith.cmpf ogt, %gt3A_1639, %gt3A_1640 : vector<1920x128xf32>
    %convert_element_type3A_1642 = arith.extui %gt3A_1641 : vector<1920x128xi1> to vector<1920x128xi32>
    %reduce_sum3A_1643 = arith.constant dense<0> : vector<128xi32>
    %reduce_sum3A_1644 = vector.multi_reduction <add>, %convert_element_type3A_1642, %reduce_sum3A_1643 [0] : vector<1920x128xi32> to vector<128xi32>
    %add3A_1645 = arith.addi %add3A_1629, %reduce_sum3A_1644 : vector<128xi32>
    %get3A_1646 = arith.constant 3072 : index
    %get3A_1647 = arith.constant 0 : index
    %get3A_1648 = vector.load %arg1[%get3A_1646, %get3A_1647] : memref<5120x1xf32, #tpu.memory_space<vmem>>, vector<128x1xf32>
    %ge3A_1649 = arith.constant 2.000000e-01 : f32
    %ge3A_1650 = vector.broadcast %ge3A_1649 : f32 to vector<128x1xf32>
    %ge3A_1651 = arith.cmpf oge, %get3A_1648, %ge3A_1650 : vector<128x1xf32>
    %jit3A_1652 = arith.constant -1.000000e+00 : f32
    %broadcast_in_dim3A_1653 = vector.broadcast %jit3A_1652 : f32 to vector<128x1xf32>
    %select_n3A_1654 = arith.select %ge3A_1651, %get3A_1648, %broadcast_in_dim3A_1653 : vector<128x1xi1>, vector<128x1xf32>
    %gt3A_1655 = vector.broadcast %select_n3A_1654 : vector<128x1xf32> to vector<128x128xf32>
    %gt3A_1656 = vector.broadcast %select_n3A_1611 : vector<1x128xf32> to vector<128x128xf32>
    %gt3A_1657 = arith.cmpf ogt, %gt3A_1655, %gt3A_1656 : vector<128x128xf32>
    %eq3A_1658 = vector.broadcast %select_n3A_1654 : vector<128x1xf32> to vector<128x128xf32>
    %eq3A_1659 = vector.broadcast %select_n3A_1611 : vector<1x128xf32> to vector<128x128xf32>
    %eq3A_1660 = arith.cmpf oeq, %eq3A_1658, %eq3A_1659 : vector<128x128xf32>
    %and3A_1661 = arith.andi %eq3A_1660, %lt3A : vector<128x128xi1>
    %or3A_1662 = arith.ori %gt3A_1657, %and3A_1661 : vector<128x128xi1>
    %convert_element_type3A_1663 = arith.extui %or3A_1662 : vector<128x128xi1> to vector<128x128xi32>
    %reduce_sum3A_1664 = arith.constant dense<0> : vector<128xi32>
    %reduce_sum3A_1665 = vector.multi_reduction <add>, %convert_element_type3A_1663, %reduce_sum3A_1664 [0] : vector<128x128xi32> to vector<128xi32>
    %add3A_1666 = arith.addi %add3A_1645, %reduce_sum3A_1665 : vector<128xi32>
    %reshape3A_1667 = vector.shape_cast %add3A_1666 : vector<128xi32> to vector<1x128xi32>
    %swap3A_1668 = arith.constant 24 : index
    %swap3A_1669 = arith.constant 0 : index
    %swap3A_1670 = vector.load %arg2[%swap3A_1668, %swap3A_1669] : memref<40x128xi32, #tpu.memory_space<vmem>>, vector<1x128xi32>
    tpu.vector_store %arg2[%swap3A_1668, %swap3A_1669], %reshape3A_1667 {strides = array<i32>} : memref<40x128xi32, #tpu.memory_space<vmem>>, vector<1x128xi32>,
    %get3A_1671 = arith.constant 25 : index
    %get3A_1672 = arith.constant 0 : index
    %get3A_1673 = vector.load %arg0[%get3A_1671, %get3A_1672] : memref<40x128xf32, #tpu.memory_space<vmem>>, vector<1x128xf32>
    %ge3A_1674 = arith.constant 2.000000e-01 : f32
    %ge3A_1675 = vector.broadcast %ge3A_1674 : f32 to vector<1x128xf32>
    %ge3A_1676 = arith.cmpf oge, %get3A_1673, %ge3A_1675 : vector<1x128xf32>
    %jit3A_1677 = arith.constant -1.000000e+00 : f32
    %broadcast_in_dim3A_1678 = vector.broadcast %jit3A_1677 : f32 to vector<1x128xf32>
    %select_n3A_1679 = arith.select %ge3A_1676, %get3A_1673, %broadcast_in_dim3A_1678 : vector<1x128xi1>, vector<1x128xf32>
    %broadcast_in_dim3A_1680 = arith.constant 0 : i32
    %broadcast_in_dim3A_1681 = vector.broadcast %broadcast_in_dim3A_1680 : i32 to vector<128xi32>
    %get3A_1682 = arith.constant 0 : index
    %get3A_1683 = arith.constant 0 : index
    %get3A_1684 = vector.load %arg1[%get3A_1682, %get3A_1683] : memref<5120x1xf32, #tpu.memory_space<vmem>>, vector<3200x1xf32>
    %ge3A_1685 = arith.constant 2.000000e-01 : f32
    %ge3A_1686 = vector.broadcast %ge3A_1685 : f32 to vector<3200x1xf32>
    %ge3A_1687 = arith.cmpf oge, %get3A_1684, %ge3A_1686 : vector<3200x1xf32>
    %jit3A_1688 = arith.constant -1.000000e+00 : f32
    %broadcast_in_dim3A_1689 = vector.broadcast %jit3A_1688 : f32 to vector<3200x1xf32>
    %select_n3A_1690 = arith.select %ge3A_1687, %get3A_1684, %broadcast_in_dim3A_1689 : vector<3200x1xi1>, vector<3200x1xf32>
    %ge3A_1691 = vector.broadcast %select_n3A_1690 : vector<3200x1xf32> to vector<3200x128xf32>
    %ge3A_1692 = vector.broadcast %select_n3A_1679 : vector<1x128xf32> to vector<3200x128xf32>
    %ge3A_1693 = arith.cmpf oge, %ge3A_1691, %ge3A_1692 : vector<3200x128xf32>
    %convert_element_type3A_1694 = arith.extui %ge3A_1693 : vector<3200x128xi1> to vector<3200x128xi32>
    %reduce_sum3A_1695 = arith.constant dense<0> : vector<128xi32>
    %reduce_sum3A_1696 = vector.multi_reduction <add>, %convert_element_type3A_1694, %reduce_sum3A_1695 [0] : vector<3200x128xi32> to vector<128xi32>
    %add3A_1697 = arith.addi %broadcast_in_dim3A_1681, %reduce_sum3A_1696 : vector<128xi32>
    %get3A_1698 = arith.constant 3328 : index
    %get3A_1699 = arith.constant 0 : index
    %get3A_1700 = vector.load %arg1[%get3A_1698, %get3A_1699] : memref<5120x1xf32, #tpu.memory_space<vmem>>, vector<1792x1xf32>
    %ge3A_1701 = arith.constant 2.000000e-01 : f32
    %ge3A_1702 = vector.broadcast %ge3A_1701 : f32 to vector<1792x1xf32>
    %ge3A_1703 = arith.cmpf oge, %get3A_1700, %ge3A_1702 : vector<1792x1xf32>
    %jit3A_1704 = arith.constant -1.000000e+00 : f32
    %broadcast_in_dim3A_1705 = vector.broadcast %jit3A_1704 : f32 to vector<1792x1xf32>
    %select_n3A_1706 = arith.select %ge3A_1703, %get3A_1700, %broadcast_in_dim3A_1705 : vector<1792x1xi1>, vector<1792x1xf32>
    %gt3A_1707 = vector.broadcast %select_n3A_1706 : vector<1792x1xf32> to vector<1792x128xf32>
    %gt3A_1708 = vector.broadcast %select_n3A_1679 : vector<1x128xf32> to vector<1792x128xf32>
    %gt3A_1709 = arith.cmpf ogt, %gt3A_1707, %gt3A_1708 : vector<1792x128xf32>
    %convert_element_type3A_1710 = arith.extui %gt3A_1709 : vector<1792x128xi1> to vector<1792x128xi32>
    %reduce_sum3A_1711 = arith.constant dense<0> : vector<128xi32>
    %reduce_sum3A_1712 = vector.multi_reduction <add>, %convert_element_type3A_1710, %reduce_sum3A_1711 [0] : vector<1792x128xi32> to vector<128xi32>
    %add3A_1713 = arith.addi %add3A_1697, %reduce_sum3A_1712 : vector<128xi32>
    %get3A_1714 = arith.constant 3200 : index
    %get3A_1715 = arith.constant 0 : index
    %get3A_1716 = vector.load %arg1[%get3A_1714, %get3A_1715] : memref<5120x1xf32, #tpu.memory_space<vmem>>, vector<128x1xf32>
    %ge3A_1717 = arith.constant 2.000000e-01 : f32
    %ge3A_1718 = vector.broadcast %ge3A_1717 : f32 to vector<128x1xf32>
    %ge3A_1719 = arith.cmpf oge, %get3A_1716, %ge3A_1718 : vector<128x1xf32>
    %jit3A_1720 = arith.constant -1.000000e+00 : f32
    %broadcast_in_dim3A_1721 = vector.broadcast %jit3A_1720 : f32 to vector<128x1xf32>
    %select_n3A_1722 = arith.select %ge3A_1719, %get3A_1716, %broadcast_in_dim3A_1721 : vector<128x1xi1>, vector<128x1xf32>
    %gt3A_1723 = vector.broadcast %select_n3A_1722 : vector<128x1xf32> to vector<128x128xf32>
    %gt3A_1724 = vector.broadcast %select_n3A_1679 : vector<1x128xf32> to vector<128x128xf32>
    %gt3A_1725 = arith.cmpf ogt, %gt3A_1723, %gt3A_1724 : vector<128x128xf32>
    %eq3A_1726 = vector.broadcast %select_n3A_1722 : vector<128x1xf32> to vector<128x128xf32>
    %eq3A_1727 = vector.broadcast %select_n3A_1679 : vector<1x128xf32> to vector<128x128xf32>
    %eq3A_1728 = arith.cmpf oeq, %eq3A_1726, %eq3A_1727 : vector<128x128xf32>
    %and3A_1729 = arith.andi %eq3A_1728, %lt3A : vector<128x128xi1>
    %or3A_1730 = arith.ori %gt3A_1725, %and3A_1729 : vector<128x128xi1>
    %convert_element_type3A_1731 = arith.extui %or3A_1730 : vector<128x128xi1> to vector<128x128xi32>
    %reduce_sum3A_1732 = arith.constant dense<0> : vector<128xi32>
    %reduce_sum3A_1733 = vector.multi_reduction <add>, %convert_element_type3A_1731, %reduce_sum3A_1732 [0] : vector<128x128xi32> to vector<128xi32>
    %add3A_1734 = arith.addi %add3A_1713, %reduce_sum3A_1733 : vector<128xi32>
    %reshape3A_1735 = vector.shape_cast %add3A_1734 : vector<128xi32> to vector<1x128xi32>
    %swap3A_1736 = arith.constant 25 : index
    %swap3A_1737 = arith.constant 0 : index
    %swap3A_1738 = vector.load %arg2[%swap3A_1736, %swap3A_1737] : memref<40x128xi32, #tpu.memory_space<vmem>>, vector<1x128xi32>
    tpu.vector_store %arg2[%swap3A_1736, %swap3A_1737], %reshape3A_1735 {strides = array<i32>} : memref<40x128xi32, #tpu.memory_space<vmem>>, vector<1x128xi32>,
    %get3A_1739 = arith.constant 26 : index
    %get3A_1740 = arith.constant 0 : index
    %get3A_1741 = vector.load %arg0[%get3A_1739, %get3A_1740] : memref<40x128xf32, #tpu.memory_space<vmem>>, vector<1x128xf32>
    %ge3A_1742 = arith.constant 2.000000e-01 : f32
    %ge3A_1743 = vector.broadcast %ge3A_1742 : f32 to vector<1x128xf32>
    %ge3A_1744 = arith.cmpf oge, %get3A_1741, %ge3A_1743 : vector<1x128xf32>
    %jit3A_1745 = arith.constant -1.000000e+00 : f32
    %broadcast_in_dim3A_1746 = vector.broadcast %jit3A_1745 : f32 to vector<1x128xf32>
    %select_n3A_1747 = arith.select %ge3A_1744, %get3A_1741, %broadcast_in_dim3A_1746 : vector<1x128xi1>, vector<1x128xf32>
    %broadcast_in_dim3A_1748 = arith.constant 0 : i32
    %broadcast_in_dim3A_1749 = vector.broadcast %broadcast_in_dim3A_1748 : i32 to vector<128xi32>
    %get3A_1750 = arith.constant 0 : index
    %get3A_1751 = arith.constant 0 : index
    %get3A_1752 = vector.load %arg1[%get3A_1750, %get3A_1751] : memref<5120x1xf32, #tpu.memory_space<vmem>>, vector<3328x1xf32>
    %ge3A_1753 = arith.constant 2.000000e-01 : f32
    %ge3A_1754 = vector.broadcast %ge3A_1753 : f32 to vector<3328x1xf32>
    %ge3A_1755 = arith.cmpf oge, %get3A_1752, %ge3A_1754 : vector<3328x1xf32>
    %jit3A_1756 = arith.constant -1.000000e+00 : f32
    %broadcast_in_dim3A_1757 = vector.broadcast %jit3A_1756 : f32 to vector<3328x1xf32>
    %select_n3A_1758 = arith.select %ge3A_1755, %get3A_1752, %broadcast_in_dim3A_1757 : vector<3328x1xi1>, vector<3328x1xf32>
    %ge3A_1759 = vector.broadcast %select_n3A_1758 : vector<3328x1xf32> to vector<3328x128xf32>
    %ge3A_1760 = vector.broadcast %select_n3A_1747 : vector<1x128xf32> to vector<3328x128xf32>
    %ge3A_1761 = arith.cmpf oge, %ge3A_1759, %ge3A_1760 : vector<3328x128xf32>
    %convert_element_type3A_1762 = arith.extui %ge3A_1761 : vector<3328x128xi1> to vector<3328x128xi32>
    %reduce_sum3A_1763 = arith.constant dense<0> : vector<128xi32>
    %reduce_sum3A_1764 = vector.multi_reduction <add>, %convert_element_type3A_1762, %reduce_sum3A_1763 [0] : vector<3328x128xi32> to vector<128xi32>
    %add3A_1765 = arith.addi %broadcast_in_dim3A_1749, %reduce_sum3A_1764 : vector<128xi32>
    %get3A_1766 = arith.constant 3456 : index
    %get3A_1767 = arith.constant 0 : index
    %get3A_1768 = vector.load %arg1[%get3A_1766, %get3A_1767] : memref<5120x1xf32, #tpu.memory_space<vmem>>, vector<1664x1xf32>
    %ge3A_1769 = arith.constant 2.000000e-01 : f32
    %ge3A_1770 = vector.broadcast %ge3A_1769 : f32 to vector<1664x1xf32>
    %ge3A_1771 = arith.cmpf oge, %get3A_1768, %ge3A_1770 : vector<1664x1xf32>
    %jit3A_1772 = arith.constant -1.000000e+00 : f32
    %broadcast_in_dim3A_1773 = vector.broadcast %jit3A_1772 : f32 to vector<1664x1xf32>
    %select_n3A_1774 = arith.select %ge3A_1771, %get3A_1768, %broadcast_in_dim3A_1773 : vector<1664x1xi1>, vector<1664x1xf32>
    %gt3A_1775 = vector.broadcast %select_n3A_1774 : vector<1664x1xf32> to vector<1664x128xf32>
    %gt3A_1776 = vector.broadcast %select_n3A_1747 : vector<1x128xf32> to vector<1664x128xf32>
    %gt3A_1777 = arith.cmpf ogt, %gt3A_1775, %gt3A_1776 : vector<1664x128xf32>
    %convert_element_type3A_1778 = arith.extui %gt3A_1777 : vector<1664x128xi1> to vector<1664x128xi32>
    %reduce_sum3A_1779 = arith.constant dense<0> : vector<128xi32>
    %reduce_sum3A_1780 = vector.multi_reduction <add>, %convert_element_type3A_1778, %reduce_sum3A_1779 [0] : vector<1664x128xi32> to vector<128xi32>
    %add3A_1781 = arith.addi %add3A_1765, %reduce_sum3A_1780 : vector<128xi32>
    %get3A_1782 = arith.constant 3328 : index
    %get3A_1783 = arith.constant 0 : index
    %get3A_1784 = vector.load %arg1[%get3A_1782, %get3A_1783] : memref<5120x1xf32, #tpu.memory_space<vmem>>, vector<128x1xf32>
    %ge3A_1785 = arith.constant 2.000000e-01 : f32
    %ge3A_1786 = vector.broadcast %ge3A_1785 : f32 to vector<128x1xf32>
    %ge3A_1787 = arith.cmpf oge, %get3A_1784, %ge3A_1786 : vector<128x1xf32>
    %jit3A_1788 = arith.constant -1.000000e+00 : f32
    %broadcast_in_dim3A_1789 = vector.broadcast %jit3A_1788 : f32 to vector<128x1xf32>
    %select_n3A_1790 = arith.select %ge3A_1787, %get3A_1784, %broadcast_in_dim3A_1789 : vector<128x1xi1>, vector<128x1xf32>
    %gt3A_1791 = vector.broadcast %select_n3A_1790 : vector<128x1xf32> to vector<128x128xf32>
    %gt3A_1792 = vector.broadcast %select_n3A_1747 : vector<1x128xf32> to vector<128x128xf32>
    %gt3A_1793 = arith.cmpf ogt, %gt3A_1791, %gt3A_1792 : vector<128x128xf32>
    %eq3A_1794 = vector.broadcast %select_n3A_1790 : vector<128x1xf32> to vector<128x128xf32>
    %eq3A_1795 = vector.broadcast %select_n3A_1747 : vector<1x128xf32> to vector<128x128xf32>
    %eq3A_1796 = arith.cmpf oeq, %eq3A_1794, %eq3A_1795 : vector<128x128xf32>
    %and3A_1797 = arith.andi %eq3A_1796, %lt3A : vector<128x128xi1>
    %or3A_1798 = arith.ori %gt3A_1793, %and3A_1797 : vector<128x128xi1>
    %convert_element_type3A_1799 = arith.extui %or3A_1798 : vector<128x128xi1> to vector<128x128xi32>
    %reduce_sum3A_1800 = arith.constant dense<0> : vector<128xi32>
    %reduce_sum3A_1801 = vector.multi_reduction <add>, %convert_element_type3A_1799, %reduce_sum3A_1800 [0] : vector<128x128xi32> to vector<128xi32>
    %add3A_1802 = arith.addi %add3A_1781, %reduce_sum3A_1801 : vector<128xi32>
    %reshape3A_1803 = vector.shape_cast %add3A_1802 : vector<128xi32> to vector<1x128xi32>
    %swap3A_1804 = arith.constant 26 : index
    %swap3A_1805 = arith.constant 0 : index
    %swap3A_1806 = vector.load %arg2[%swap3A_1804, %swap3A_1805] : memref<40x128xi32, #tpu.memory_space<vmem>>, vector<1x128xi32>
    tpu.vector_store %arg2[%swap3A_1804, %swap3A_1805], %reshape3A_1803 {strides = array<i32>} : memref<40x128xi32, #tpu.memory_space<vmem>>, vector<1x128xi32>,
    %get3A_1807 = arith.constant 27 : index
    %get3A_1808 = arith.constant 0 : index
    %get3A_1809 = vector.load %arg0[%get3A_1807, %get3A_1808] : memref<40x128xf32, #tpu.memory_space<vmem>>, vector<1x128xf32>
    %ge3A_1810 = arith.constant 2.000000e-01 : f32
    %ge3A_1811 = vector.broadcast %ge3A_1810 : f32 to vector<1x128xf32>
    %ge3A_1812 = arith.cmpf oge, %get3A_1809, %ge3A_1811 : vector<1x128xf32>
    %jit3A_1813 = arith.constant -1.000000e+00 : f32
    %broadcast_in_dim3A_1814 = vector.broadcast %jit3A_1813 : f32 to vector<1x128xf32>
    %select_n3A_1815 = arith.select %ge3A_1812, %get3A_1809, %broadcast_in_dim3A_1814 : vector<1x128xi1>, vector<1x128xf32>
    %broadcast_in_dim3A_1816 = arith.constant 0 : i32
    %broadcast_in_dim3A_1817 = vector.broadcast %broadcast_in_dim3A_1816 : i32 to vector<128xi32>
    %get3A_1818 = arith.constant 0 : index
    %get3A_1819 = arith.constant 0 : index
    %get3A_1820 = vector.load %arg1[%get3A_1818, %get3A_1819] : memref<5120x1xf32, #tpu.memory_space<vmem>>, vector<3456x1xf32>
    %ge3A_1821 = arith.constant 2.000000e-01 : f32
    %ge3A_1822 = vector.broadcast %ge3A_1821 : f32 to vector<3456x1xf32>
    %ge3A_1823 = arith.cmpf oge, %get3A_1820, %ge3A_1822 : vector<3456x1xf32>
    %jit3A_1824 = arith.constant -1.000000e+00 : f32
    %broadcast_in_dim3A_1825 = vector.broadcast %jit3A_1824 : f32 to vector<3456x1xf32>
    %select_n3A_1826 = arith.select %ge3A_1823, %get3A_1820, %broadcast_in_dim3A_1825 : vector<3456x1xi1>, vector<3456x1xf32>
    %ge3A_1827 = vector.broadcast %select_n3A_1826 : vector<3456x1xf32> to vector<3456x128xf32>
    %ge3A_1828 = vector.broadcast %select_n3A_1815 : vector<1x128xf32> to vector<3456x128xf32>
    %ge3A_1829 = arith.cmpf oge, %ge3A_1827, %ge3A_1828 : vector<3456x128xf32>
    %convert_element_type3A_1830 = arith.extui %ge3A_1829 : vector<3456x128xi1> to vector<3456x128xi32>
    %reduce_sum3A_1831 = arith.constant dense<0> : vector<128xi32>
    %reduce_sum3A_1832 = vector.multi_reduction <add>, %convert_element_type3A_1830, %reduce_sum3A_1831 [0] : vector<3456x128xi32> to vector<128xi32>
    %add3A_1833 = arith.addi %broadcast_in_dim3A_1817, %reduce_sum3A_1832 : vector<128xi32>
    %get3A_1834 = arith.constant 3584 : index
    %get3A_1835 = arith.constant 0 : index
    %get3A_1836 = vector.load %arg1[%get3A_1834, %get3A_1835] : memref<5120x1xf32, #tpu.memory_space<vmem>>, vector<1536x1xf32>
    %ge3A_1837 = arith.constant 2.000000e-01 : f32
    %ge3A_1838 = vector.broadcast %ge3A_1837 : f32 to vector<1536x1xf32>
    %ge3A_1839 = arith.cmpf oge, %get3A_1836, %ge3A_1838 : vector<1536x1xf32>
    %jit3A_1840 = arith.constant -1.000000e+00 : f32
    %broadcast_in_dim3A_1841 = vector.broadcast %jit3A_1840 : f32 to vector<1536x1xf32>
    %select_n3A_1842 = arith.select %ge3A_1839, %get3A_1836, %broadcast_in_dim3A_1841 : vector<1536x1xi1>, vector<1536x1xf32>
    %gt3A_1843 = vector.broadcast %select_n3A_1842 : vector<1536x1xf32> to vector<1536x128xf32>
    %gt3A_1844 = vector.broadcast %select_n3A_1815 : vector<1x128xf32> to vector<1536x128xf32>
    %gt3A_1845 = arith.cmpf ogt, %gt3A_1843, %gt3A_1844 : vector<1536x128xf32>
    %convert_element_type3A_1846 = arith.extui %gt3A_1845 : vector<1536x128xi1> to vector<1536x128xi32>
    %reduce_sum3A_1847 = arith.constant dense<0> : vector<128xi32>
    %reduce_sum3A_1848 = vector.multi_reduction <add>, %convert_element_type3A_1846, %reduce_sum3A_1847 [0] : vector<1536x128xi32> to vector<128xi32>
    %add3A_1849 = arith.addi %add3A_1833, %reduce_sum3A_1848 : vector<128xi32>
    %get3A_1850 = arith.constant 3456 : index
    %get3A_1851 = arith.constant 0 : index
    %get3A_1852 = vector.load %arg1[%get3A_1850, %get3A_1851] : memref<5120x1xf32, #tpu.memory_space<vmem>>, vector<128x1xf32>
    %ge3A_1853 = arith.constant 2.000000e-01 : f32
    %ge3A_1854 = vector.broadcast %ge3A_1853 : f32 to vector<128x1xf32>
    %ge3A_1855 = arith.cmpf oge, %get3A_1852, %ge3A_1854 : vector<128x1xf32>
    %jit3A_1856 = arith.constant -1.000000e+00 : f32
    %broadcast_in_dim3A_1857 = vector.broadcast %jit3A_1856 : f32 to vector<128x1xf32>
    %select_n3A_1858 = arith.select %ge3A_1855, %get3A_1852, %broadcast_in_dim3A_1857 : vector<128x1xi1>, vector<128x1xf32>
    %gt3A_1859 = vector.broadcast %select_n3A_1858 : vector<128x1xf32> to vector<128x128xf32>
    %gt3A_1860 = vector.broadcast %select_n3A_1815 : vector<1x128xf32> to vector<128x128xf32>
    %gt3A_1861 = arith.cmpf ogt, %gt3A_1859, %gt3A_1860 : vector<128x128xf32>
    %eq3A_1862 = vector.broadcast %select_n3A_1858 : vector<128x1xf32> to vector<128x128xf32>
    %eq3A_1863 = vector.broadcast %select_n3A_1815 : vector<1x128xf32> to vector<128x128xf32>
    %eq3A_1864 = arith.cmpf oeq, %eq3A_1862, %eq3A_1863 : vector<128x128xf32>
    %and3A_1865 = arith.andi %eq3A_1864, %lt3A : vector<128x128xi1>
    %or3A_1866 = arith.ori %gt3A_1861, %and3A_1865 : vector<128x128xi1>
    %convert_element_type3A_1867 = arith.extui %or3A_1866 : vector<128x128xi1> to vector<128x128xi32>
    %reduce_sum3A_1868 = arith.constant dense<0> : vector<128xi32>
    %reduce_sum3A_1869 = vector.multi_reduction <add>, %convert_element_type3A_1867, %reduce_sum3A_1868 [0] : vector<128x128xi32> to vector<128xi32>
    %add3A_1870 = arith.addi %add3A_1849, %reduce_sum3A_1869 : vector<128xi32>
    %reshape3A_1871 = vector.shape_cast %add3A_1870 : vector<128xi32> to vector<1x128xi32>
    %swap3A_1872 = arith.constant 27 : index
    %swap3A_1873 = arith.constant 0 : index
    %swap3A_1874 = vector.load %arg2[%swap3A_1872, %swap3A_1873] : memref<40x128xi32, #tpu.memory_space<vmem>>, vector<1x128xi32>
    tpu.vector_store %arg2[%swap3A_1872, %swap3A_1873], %reshape3A_1871 {strides = array<i32>} : memref<40x128xi32, #tpu.memory_space<vmem>>, vector<1x128xi32>,
    %get3A_1875 = arith.constant 28 : index
    %get3A_1876 = arith.constant 0 : index
    %get3A_1877 = vector.load %arg0[%get3A_1875, %get3A_1876] : memref<40x128xf32, #tpu.memory_space<vmem>>, vector<1x128xf32>
    %ge3A_1878 = arith.constant 2.000000e-01 : f32
    %ge3A_1879 = vector.broadcast %ge3A_1878 : f32 to vector<1x128xf32>
    %ge3A_1880 = arith.cmpf oge, %get3A_1877, %ge3A_1879 : vector<1x128xf32>
    %jit3A_1881 = arith.constant -1.000000e+00 : f32
    %broadcast_in_dim3A_1882 = vector.broadcast %jit3A_1881 : f32 to vector<1x128xf32>
    %select_n3A_1883 = arith.select %ge3A_1880, %get3A_1877, %broadcast_in_dim3A_1882 : vector<1x128xi1>, vector<1x128xf32>
    %broadcast_in_dim3A_1884 = arith.constant 0 : i32
    %broadcast_in_dim3A_1885 = vector.broadcast %broadcast_in_dim3A_1884 : i32 to vector<128xi32>
    %get3A_1886 = arith.constant 0 : index
    %get3A_1887 = arith.constant 0 : index
    %get3A_1888 = vector.load %arg1[%get3A_1886, %get3A_1887] : memref<5120x1xf32, #tpu.memory_space<vmem>>, vector<3584x1xf32>
    %ge3A_1889 = arith.constant 2.000000e-01 : f32
    %ge3A_1890 = vector.broadcast %ge3A_1889 : f32 to vector<3584x1xf32>
    %ge3A_1891 = arith.cmpf oge, %get3A_1888, %ge3A_1890 : vector<3584x1xf32>
    %jit3A_1892 = arith.constant -1.000000e+00 : f32
    %broadcast_in_dim3A_1893 = vector.broadcast %jit3A_1892 : f32 to vector<3584x1xf32>
    %select_n3A_1894 = arith.select %ge3A_1891, %get3A_1888, %broadcast_in_dim3A_1893 : vector<3584x1xi1>, vector<3584x1xf32>
    %ge3A_1895 = vector.broadcast %select_n3A_1894 : vector<3584x1xf32> to vector<3584x128xf32>
    %ge3A_1896 = vector.broadcast %select_n3A_1883 : vector<1x128xf32> to vector<3584x128xf32>
    %ge3A_1897 = arith.cmpf oge, %ge3A_1895, %ge3A_1896 : vector<3584x128xf32>
    %convert_element_type3A_1898 = arith.extui %ge3A_1897 : vector<3584x128xi1> to vector<3584x128xi32>
    %reduce_sum3A_1899 = arith.constant dense<0> : vector<128xi32>
    %reduce_sum3A_1900 = vector.multi_reduction <add>, %convert_element_type3A_1898, %reduce_sum3A_1899 [0] : vector<3584x128xi32> to vector<128xi32>
    %add3A_1901 = arith.addi %broadcast_in_dim3A_1885, %reduce_sum3A_1900 : vector<128xi32>
    %get3A_1902 = arith.constant 3712 : index
    %get3A_1903 = arith.constant 0 : index
    %get3A_1904 = vector.load %arg1[%get3A_1902, %get3A_1903] : memref<5120x1xf32, #tpu.memory_space<vmem>>, vector<1408x1xf32>
    %ge3A_1905 = arith.constant 2.000000e-01 : f32
    %ge3A_1906 = vector.broadcast %ge3A_1905 : f32 to vector<1408x1xf32>
    %ge3A_1907 = arith.cmpf oge, %get3A_1904, %ge3A_1906 : vector<1408x1xf32>
    %jit3A_1908 = arith.constant -1.000000e+00 : f32
    %broadcast_in_dim3A_1909 = vector.broadcast %jit3A_1908 : f32 to vector<1408x1xf32>
    %select_n3A_1910 = arith.select %ge3A_1907, %get3A_1904, %broadcast_in_dim3A_1909 : vector<1408x1xi1>, vector<1408x1xf32>
    %gt3A_1911 = vector.broadcast %select_n3A_1910 : vector<1408x1xf32> to vector<1408x128xf32>
    %gt3A_1912 = vector.broadcast %select_n3A_1883 : vector<1x128xf32> to vector<1408x128xf32>
    %gt3A_1913 = arith.cmpf ogt, %gt3A_1911, %gt3A_1912 : vector<1408x128xf32>
    %convert_element_type3A_1914 = arith.extui %gt3A_1913 : vector<1408x128xi1> to vector<1408x128xi32>
    %reduce_sum3A_1915 = arith.constant dense<0> : vector<128xi32>
    %reduce_sum3A_1916 = vector.multi_reduction <add>, %convert_element_type3A_1914, %reduce_sum3A_1915 [0] : vector<1408x128xi32> to vector<128xi32>
    %add3A_1917 = arith.addi %add3A_1901, %reduce_sum3A_1916 : vector<128xi32>
    %get3A_1918 = arith.constant 3584 : index
    %get3A_1919 = arith.constant 0 : index
    %get3A_1920 = vector.load %arg1[%get3A_1918, %get3A_1919] : memref<5120x1xf32, #tpu.memory_space<vmem>>, vector<128x1xf32>
    %ge3A_1921 = arith.constant 2.000000e-01 : f32
    %ge3A_1922 = vector.broadcast %ge3A_1921 : f32 to vector<128x1xf32>
    %ge3A_1923 = arith.cmpf oge, %get3A_1920, %ge3A_1922 : vector<128x1xf32>
    %jit3A_1924 = arith.constant -1.000000e+00 : f32
    %broadcast_in_dim3A_1925 = vector.broadcast %jit3A_1924 : f32 to vector<128x1xf32>
    %select_n3A_1926 = arith.select %ge3A_1923, %get3A_1920, %broadcast_in_dim3A_1925 : vector<128x1xi1>, vector<128x1xf32>
    %gt3A_1927 = vector.broadcast %select_n3A_1926 : vector<128x1xf32> to vector<128x128xf32>
    %gt3A_1928 = vector.broadcast %select_n3A_1883 : vector<1x128xf32> to vector<128x128xf32>
    %gt3A_1929 = arith.cmpf ogt, %gt3A_1927, %gt3A_1928 : vector<128x128xf32>
    %eq3A_1930 = vector.broadcast %select_n3A_1926 : vector<128x1xf32> to vector<128x128xf32>
    %eq3A_1931 = vector.broadcast %select_n3A_1883 : vector<1x128xf32> to vector<128x128xf32>
    %eq3A_1932 = arith.cmpf oeq, %eq3A_1930, %eq3A_1931 : vector<128x128xf32>
    %and3A_1933 = arith.andi %eq3A_1932, %lt3A : vector<128x128xi1>
    %or3A_1934 = arith.ori %gt3A_1929, %and3A_1933 : vector<128x128xi1>
    %convert_element_type3A_1935 = arith.extui %or3A_1934 : vector<128x128xi1> to vector<128x128xi32>
    %reduce_sum3A_1936 = arith.constant dense<0> : vector<128xi32>
    %reduce_sum3A_1937 = vector.multi_reduction <add>, %convert_element_type3A_1935, %reduce_sum3A_1936 [0] : vector<128x128xi32> to vector<128xi32>
    %add3A_1938 = arith.addi %add3A_1917, %reduce_sum3A_1937 : vector<128xi32>
    %reshape3A_1939 = vector.shape_cast %add3A_1938 : vector<128xi32> to vector<1x128xi32>
    %swap3A_1940 = arith.constant 28 : index
    %swap3A_1941 = arith.constant 0 : index
    %swap3A_1942 = vector.load %arg2[%swap3A_1940, %swap3A_1941] : memref<40x128xi32, #tpu.memory_space<vmem>>, vector<1x128xi32>
    tpu.vector_store %arg2[%swap3A_1940, %swap3A_1941], %reshape3A_1939 {strides = array<i32>} : memref<40x128xi32, #tpu.memory_space<vmem>>, vector<1x128xi32>,
    %get3A_1943 = arith.constant 29 : index
    %get3A_1944 = arith.constant 0 : index
    %get3A_1945 = vector.load %arg0[%get3A_1943, %get3A_1944] : memref<40x128xf32, #tpu.memory_space<vmem>>, vector<1x128xf32>
    %ge3A_1946 = arith.constant 2.000000e-01 : f32
    %ge3A_1947 = vector.broadcast %ge3A_1946 : f32 to vector<1x128xf32>
    %ge3A_1948 = arith.cmpf oge, %get3A_1945, %ge3A_1947 : vector<1x128xf32>
    %jit3A_1949 = arith.constant -1.000000e+00 : f32
    %broadcast_in_dim3A_1950 = vector.broadcast %jit3A_1949 : f32 to vector<1x128xf32>
    %select_n3A_1951 = arith.select %ge3A_1948, %get3A_1945, %broadcast_in_dim3A_1950 : vector<1x128xi1>, vector<1x128xf32>
    %broadcast_in_dim3A_1952 = arith.constant 0 : i32
    %broadcast_in_dim3A_1953 = vector.broadcast %broadcast_in_dim3A_1952 : i32 to vector<128xi32>
    %get3A_1954 = arith.constant 0 : index
    %get3A_1955 = arith.constant 0 : index
    %get3A_1956 = vector.load %arg1[%get3A_1954, %get3A_1955] : memref<5120x1xf32, #tpu.memory_space<vmem>>, vector<3712x1xf32>
    %ge3A_1957 = arith.constant 2.000000e-01 : f32
    %ge3A_1958 = vector.broadcast %ge3A_1957 : f32 to vector<3712x1xf32>
    %ge3A_1959 = arith.cmpf oge, %get3A_1956, %ge3A_1958 : vector<3712x1xf32>
    %jit3A_1960 = arith.constant -1.000000e+00 : f32
    %broadcast_in_dim3A_1961 = vector.broadcast %jit3A_1960 : f32 to vector<3712x1xf32>
    %select_n3A_1962 = arith.select %ge3A_1959, %get3A_1956, %broadcast_in_dim3A_1961 : vector<3712x1xi1>, vector<3712x1xf32>
    %ge3A_1963 = vector.broadcast %select_n3A_1962 : vector<3712x1xf32> to vector<3712x128xf32>
    %ge3A_1964 = vector.broadcast %select_n3A_1951 : vector<1x128xf32> to vector<3712x128xf32>
    %ge3A_1965 = arith.cmpf oge, %ge3A_1963, %ge3A_1964 : vector<3712x128xf32>
    %convert_element_type3A_1966 = arith.extui %ge3A_1965 : vector<3712x128xi1> to vector<3712x128xi32>
    %reduce_sum3A_1967 = arith.constant dense<0> : vector<128xi32>
    %reduce_sum3A_1968 = vector.multi_reduction <add>, %convert_element_type3A_1966, %reduce_sum3A_1967 [0] : vector<3712x128xi32> to vector<128xi32>
    %add3A_1969 = arith.addi %broadcast_in_dim3A_1953, %reduce_sum3A_1968 : vector<128xi32>
    %get3A_1970 = arith.constant 3840 : index
    %get3A_1971 = arith.constant 0 : index
    %get3A_1972 = vector.load %arg1[%get3A_1970, %get3A_1971] : memref<5120x1xf32, #tpu.memory_space<vmem>>, vector<1280x1xf32>
    %ge3A_1973 = arith.constant 2.000000e-01 : f32
    %ge3A_1974 = vector.broadcast %ge3A_1973 : f32 to vector<1280x1xf32>
    %ge3A_1975 = arith.cmpf oge, %get3A_1972, %ge3A_1974 : vector<1280x1xf32>
    %jit3A_1976 = arith.constant -1.000000e+00 : f32
    %broadcast_in_dim3A_1977 = vector.broadcast %jit3A_1976 : f32 to vector<1280x1xf32>
    %select_n3A_1978 = arith.select %ge3A_1975, %get3A_1972, %broadcast_in_dim3A_1977 : vector<1280x1xi1>, vector<1280x1xf32>
    %gt3A_1979 = vector.broadcast %select_n3A_1978 : vector<1280x1xf32> to vector<1280x128xf32>
    %gt3A_1980 = vector.broadcast %select_n3A_1951 : vector<1x128xf32> to vector<1280x128xf32>
    %gt3A_1981 = arith.cmpf ogt, %gt3A_1979, %gt3A_1980 : vector<1280x128xf32>
    %convert_element_type3A_1982 = arith.extui %gt3A_1981 : vector<1280x128xi1> to vector<1280x128xi32>
    %reduce_sum3A_1983 = arith.constant dense<0> : vector<128xi32>
    %reduce_sum3A_1984 = vector.multi_reduction <add>, %convert_element_type3A_1982, %reduce_sum3A_1983 [0] : vector<1280x128xi32> to vector<128xi32>
    %add3A_1985 = arith.addi %add3A_1969, %reduce_sum3A_1984 : vector<128xi32>
    %get3A_1986 = arith.constant 3712 : index
    %get3A_1987 = arith.constant 0 : index
    %get3A_1988 = vector.load %arg1[%get3A_1986, %get3A_1987] : memref<5120x1xf32, #tpu.memory_space<vmem>>, vector<128x1xf32>
    %ge3A_1989 = arith.constant 2.000000e-01 : f32
    %ge3A_1990 = vector.broadcast %ge3A_1989 : f32 to vector<128x1xf32>
    %ge3A_1991 = arith.cmpf oge, %get3A_1988, %ge3A_1990 : vector<128x1xf32>
    %jit3A_1992 = arith.constant -1.000000e+00 : f32
    %broadcast_in_dim3A_1993 = vector.broadcast %jit3A_1992 : f32 to vector<128x1xf32>
    %select_n3A_1994 = arith.select %ge3A_1991, %get3A_1988, %broadcast_in_dim3A_1993 : vector<128x1xi1>, vector<128x1xf32>
    %gt3A_1995 = vector.broadcast %select_n3A_1994 : vector<128x1xf32> to vector<128x128xf32>
    %gt3A_1996 = vector.broadcast %select_n3A_1951 : vector<1x128xf32> to vector<128x128xf32>
    %gt3A_1997 = arith.cmpf ogt, %gt3A_1995, %gt3A_1996 : vector<128x128xf32>
    %eq3A_1998 = vector.broadcast %select_n3A_1994 : vector<128x1xf32> to vector<128x128xf32>
    %eq3A_1999 = vector.broadcast %select_n3A_1951 : vector<1x128xf32> to vector<128x128xf32>
    %eq3A_2000 = arith.cmpf oeq, %eq3A_1998, %eq3A_1999 : vector<128x128xf32>
    %and3A_2001 = arith.andi %eq3A_2000, %lt3A : vector<128x128xi1>
    %or3A_2002 = arith.ori %gt3A_1997, %and3A_2001 : vector<128x128xi1>
    %convert_element_type3A_2003 = arith.extui %or3A_2002 : vector<128x128xi1> to vector<128x128xi32>
    %reduce_sum3A_2004 = arith.constant dense<0> : vector<128xi32>
    %reduce_sum3A_2005 = vector.multi_reduction <add>, %convert_element_type3A_2003, %reduce_sum3A_2004 [0] : vector<128x128xi32> to vector<128xi32>
    %add3A_2006 = arith.addi %add3A_1985, %reduce_sum3A_2005 : vector<128xi32>
    %reshape3A_2007 = vector.shape_cast %add3A_2006 : vector<128xi32> to vector<1x128xi32>
    %swap3A_2008 = arith.constant 29 : index
    %swap3A_2009 = arith.constant 0 : index
    %swap3A_2010 = vector.load %arg2[%swap3A_2008, %swap3A_2009] : memref<40x128xi32, #tpu.memory_space<vmem>>, vector<1x128xi32>
    tpu.vector_store %arg2[%swap3A_2008, %swap3A_2009], %reshape3A_2007 {strides = array<i32>} : memref<40x128xi32, #tpu.memory_space<vmem>>, vector<1x128xi32>,
    %get3A_2011 = arith.constant 30 : index
    %get3A_2012 = arith.constant 0 : index
    %get3A_2013 = vector.load %arg0[%get3A_2011, %get3A_2012] : memref<40x128xf32, #tpu.memory_space<vmem>>, vector<1x128xf32>
    %ge3A_2014 = arith.constant 2.000000e-01 : f32
    %ge3A_2015 = vector.broadcast %ge3A_2014 : f32 to vector<1x128xf32>
    %ge3A_2016 = arith.cmpf oge, %get3A_2013, %ge3A_2015 : vector<1x128xf32>
    %jit3A_2017 = arith.constant -1.000000e+00 : f32
    %broadcast_in_dim3A_2018 = vector.broadcast %jit3A_2017 : f32 to vector<1x128xf32>
    %select_n3A_2019 = arith.select %ge3A_2016, %get3A_2013, %broadcast_in_dim3A_2018 : vector<1x128xi1>, vector<1x128xf32>
    %broadcast_in_dim3A_2020 = arith.constant 0 : i32
    %broadcast_in_dim3A_2021 = vector.broadcast %broadcast_in_dim3A_2020 : i32 to vector<128xi32>
    %get3A_2022 = arith.constant 0 : index
    %get3A_2023 = arith.constant 0 : index
    %get3A_2024 = vector.load %arg1[%get3A_2022, %get3A_2023] : memref<5120x1xf32, #tpu.memory_space<vmem>>, vector<3840x1xf32>
    %ge3A_2025 = arith.constant 2.000000e-01 : f32
    %ge3A_2026 = vector.broadcast %ge3A_2025 : f32 to vector<3840x1xf32>
    %ge3A_2027 = arith.cmpf oge, %get3A_2024, %ge3A_2026 : vector<3840x1xf32>
    %jit3A_2028 = arith.constant -1.000000e+00 : f32
    %broadcast_in_dim3A_2029 = vector.broadcast %jit3A_2028 : f32 to vector<3840x1xf32>
    %select_n3A_2030 = arith.select %ge3A_2027, %get3A_2024, %broadcast_in_dim3A_2029 : vector<3840x1xi1>, vector<3840x1xf32>
    %ge3A_2031 = vector.broadcast %select_n3A_2030 : vector<3840x1xf32> to vector<3840x128xf32>
    %ge3A_2032 = vector.broadcast %select_n3A_2019 : vector<1x128xf32> to vector<3840x128xf32>
    %ge3A_2033 = arith.cmpf oge, %ge3A_2031, %ge3A_2032 : vector<3840x128xf32>
    %convert_element_type3A_2034 = arith.extui %ge3A_2033 : vector<3840x128xi1> to vector<3840x128xi32>
    %reduce_sum3A_2035 = arith.constant dense<0> : vector<128xi32>
    %reduce_sum3A_2036 = vector.multi_reduction <add>, %convert_element_type3A_2034, %reduce_sum3A_2035 [0] : vector<3840x128xi32> to vector<128xi32>
    %add3A_2037 = arith.addi %broadcast_in_dim3A_2021, %reduce_sum3A_2036 : vector<128xi32>
    %get3A_2038 = arith.constant 3968 : index
    %get3A_2039 = arith.constant 0 : index
    %get3A_2040 = vector.load %arg1[%get3A_2038, %get3A_2039] : memref<5120x1xf32, #tpu.memory_space<vmem>>, vector<1152x1xf32>
    %ge3A_2041 = arith.constant 2.000000e-01 : f32
    %ge3A_2042 = vector.broadcast %ge3A_2041 : f32 to vector<1152x1xf32>
    %ge3A_2043 = arith.cmpf oge, %get3A_2040, %ge3A_2042 : vector<1152x1xf32>
    %jit3A_2044 = arith.constant -1.000000e+00 : f32
    %broadcast_in_dim3A_2045 = vector.broadcast %jit3A_2044 : f32 to vector<1152x1xf32>
    %select_n3A_2046 = arith.select %ge3A_2043, %get3A_2040, %broadcast_in_dim3A_2045 : vector<1152x1xi1>, vector<1152x1xf32>
    %gt3A_2047 = vector.broadcast %select_n3A_2046 : vector<1152x1xf32> to vector<1152x128xf32>
    %gt3A_2048 = vector.broadcast %select_n3A_2019 : vector<1x128xf32> to vector<1152x128xf32>
    %gt3A_2049 = arith.cmpf ogt, %gt3A_2047, %gt3A_2048 : vector<1152x128xf32>
    %convert_element_type3A_2050 = arith.extui %gt3A_2049 : vector<1152x128xi1> to vector<1152x128xi32>
    %reduce_sum3A_2051 = arith.constant dense<0> : vector<128xi32>
    %reduce_sum3A_2052 = vector.multi_reduction <add>, %convert_element_type3A_2050, %reduce_sum3A_2051 [0] : vector<1152x128xi32> to vector<128xi32>
    %add3A_2053 = arith.addi %add3A_2037, %reduce_sum3A_2052 : vector<128xi32>
    %get3A_2054 = arith.constant 3840 : index
    %get3A_2055 = arith.constant 0 : index
    %get3A_2056 = vector.load %arg1[%get3A_2054, %get3A_2055] : memref<5120x1xf32, #tpu.memory_space<vmem>>, vector<128x1xf32>
    %ge3A_2057 = arith.constant 2.000000e-01 : f32
    %ge3A_2058 = vector.broadcast %ge3A_2057 : f32 to vector<128x1xf32>
    %ge3A_2059 = arith.cmpf oge, %get3A_2056, %ge3A_2058 : vector<128x1xf32>
    %jit3A_2060 = arith.constant -1.000000e+00 : f32
    %broadcast_in_dim3A_2061 = vector.broadcast %jit3A_2060 : f32 to vector<128x1xf32>
    %select_n3A_2062 = arith.select %ge3A_2059, %get3A_2056, %broadcast_in_dim3A_2061 : vector<128x1xi1>, vector<128x1xf32>
    %gt3A_2063 = vector.broadcast %select_n3A_2062 : vector<128x1xf32> to vector<128x128xf32>
    %gt3A_2064 = vector.broadcast %select_n3A_2019 : vector<1x128xf32> to vector<128x128xf32>
    %gt3A_2065 = arith.cmpf ogt, %gt3A_2063, %gt3A_2064 : vector<128x128xf32>
    %eq3A_2066 = vector.broadcast %select_n3A_2062 : vector<128x1xf32> to vector<128x128xf32>
    %eq3A_2067 = vector.broadcast %select_n3A_2019 : vector<1x128xf32> to vector<128x128xf32>
    %eq3A_2068 = arith.cmpf oeq, %eq3A_2066, %eq3A_2067 : vector<128x128xf32>
    %and3A_2069 = arith.andi %eq3A_2068, %lt3A : vector<128x128xi1>
    %or3A_2070 = arith.ori %gt3A_2065, %and3A_2069 : vector<128x128xi1>
    %convert_element_type3A_2071 = arith.extui %or3A_2070 : vector<128x128xi1> to vector<128x128xi32>
    %reduce_sum3A_2072 = arith.constant dense<0> : vector<128xi32>
    %reduce_sum3A_2073 = vector.multi_reduction <add>, %convert_element_type3A_2071, %reduce_sum3A_2072 [0] : vector<128x128xi32> to vector<128xi32>
    %add3A_2074 = arith.addi %add3A_2053, %reduce_sum3A_2073 : vector<128xi32>
    %reshape3A_2075 = vector.shape_cast %add3A_2074 : vector<128xi32> to vector<1x128xi32>
    %swap3A_2076 = arith.constant 30 : index
    %swap3A_2077 = arith.constant 0 : index
    %swap3A_2078 = vector.load %arg2[%swap3A_2076, %swap3A_2077] : memref<40x128xi32, #tpu.memory_space<vmem>>, vector<1x128xi32>
    tpu.vector_store %arg2[%swap3A_2076, %swap3A_2077], %reshape3A_2075 {strides = array<i32>} : memref<40x128xi32, #tpu.memory_space<vmem>>, vector<1x128xi32>,
    %get3A_2079 = arith.constant 31 : index
    %get3A_2080 = arith.constant 0 : index
    %get3A_2081 = vector.load %arg0[%get3A_2079, %get3A_2080] : memref<40x128xf32, #tpu.memory_space<vmem>>, vector<1x128xf32>
    %ge3A_2082 = arith.constant 2.000000e-01 : f32
    %ge3A_2083 = vector.broadcast %ge3A_2082 : f32 to vector<1x128xf32>
    %ge3A_2084 = arith.cmpf oge, %get3A_2081, %ge3A_2083 : vector<1x128xf32>
    %jit3A_2085 = arith.constant -1.000000e+00 : f32
    %broadcast_in_dim3A_2086 = vector.broadcast %jit3A_2085 : f32 to vector<1x128xf32>
    %select_n3A_2087 = arith.select %ge3A_2084, %get3A_2081, %broadcast_in_dim3A_2086 : vector<1x128xi1>, vector<1x128xf32>
    %broadcast_in_dim3A_2088 = arith.constant 0 : i32
    %broadcast_in_dim3A_2089 = vector.broadcast %broadcast_in_dim3A_2088 : i32 to vector<128xi32>
    %get3A_2090 = arith.constant 0 : index
    %get3A_2091 = arith.constant 0 : index
    %get3A_2092 = vector.load %arg1[%get3A_2090, %get3A_2091] : memref<5120x1xf32, #tpu.memory_space<vmem>>, vector<3968x1xf32>
    %ge3A_2093 = arith.constant 2.000000e-01 : f32
    %ge3A_2094 = vector.broadcast %ge3A_2093 : f32 to vector<3968x1xf32>
    %ge3A_2095 = arith.cmpf oge, %get3A_2092, %ge3A_2094 : vector<3968x1xf32>
    %jit3A_2096 = arith.constant -1.000000e+00 : f32
    %broadcast_in_dim3A_2097 = vector.broadcast %jit3A_2096 : f32 to vector<3968x1xf32>
    %select_n3A_2098 = arith.select %ge3A_2095, %get3A_2092, %broadcast_in_dim3A_2097 : vector<3968x1xi1>, vector<3968x1xf32>
    %ge3A_2099 = vector.broadcast %select_n3A_2098 : vector<3968x1xf32> to vector<3968x128xf32>
    %ge3A_2100 = vector.broadcast %select_n3A_2087 : vector<1x128xf32> to vector<3968x128xf32>
    %ge3A_2101 = arith.cmpf oge, %ge3A_2099, %ge3A_2100 : vector<3968x128xf32>
    %convert_element_type3A_2102 = arith.extui %ge3A_2101 : vector<3968x128xi1> to vector<3968x128xi32>
    %reduce_sum3A_2103 = arith.constant dense<0> : vector<128xi32>
    %reduce_sum3A_2104 = vector.multi_reduction <add>, %convert_element_type3A_2102, %reduce_sum3A_2103 [0] : vector<3968x128xi32> to vector<128xi32>
    %add3A_2105 = arith.addi %broadcast_in_dim3A_2089, %reduce_sum3A_2104 : vector<128xi32>
    %get3A_2106 = arith.constant 4096 : index
    %get3A_2107 = arith.constant 0 : index
    %get3A_2108 = vector.load %arg1[%get3A_2106, %get3A_2107] : memref<5120x1xf32, #tpu.memory_space<vmem>>, vector<1024x1xf32>
    %ge3A_2109 = arith.constant 2.000000e-01 : f32
    %ge3A_2110 = vector.broadcast %ge3A_2109 : f32 to vector<1024x1xf32>
    %ge3A_2111 = arith.cmpf oge, %get3A_2108, %ge3A_2110 : vector<1024x1xf32>
    %jit3A_2112 = arith.constant -1.000000e+00 : f32
    %broadcast_in_dim3A_2113 = vector.broadcast %jit3A_2112 : f32 to vector<1024x1xf32>
    %select_n3A_2114 = arith.select %ge3A_2111, %get3A_2108, %broadcast_in_dim3A_2113 : vector<1024x1xi1>, vector<1024x1xf32>
    %gt3A_2115 = vector.broadcast %select_n3A_2114 : vector<1024x1xf32> to vector<1024x128xf32>
    %gt3A_2116 = vector.broadcast %select_n3A_2087 : vector<1x128xf32> to vector<1024x128xf32>
    %gt3A_2117 = arith.cmpf ogt, %gt3A_2115, %gt3A_2116 : vector<1024x128xf32>
    %convert_element_type3A_2118 = arith.extui %gt3A_2117 : vector<1024x128xi1> to vector<1024x128xi32>
    %reduce_sum3A_2119 = arith.constant dense<0> : vector<128xi32>
    %reduce_sum3A_2120 = vector.multi_reduction <add>, %convert_element_type3A_2118, %reduce_sum3A_2119 [0] : vector<1024x128xi32> to vector<128xi32>
    %add3A_2121 = arith.addi %add3A_2105, %reduce_sum3A_2120 : vector<128xi32>
    %get3A_2122 = arith.constant 3968 : index
    %get3A_2123 = arith.constant 0 : index
    %get3A_2124 = vector.load %arg1[%get3A_2122, %get3A_2123] : memref<5120x1xf32, #tpu.memory_space<vmem>>, vector<128x1xf32>
    %ge3A_2125 = arith.constant 2.000000e-01 : f32
    %ge3A_2126 = vector.broadcast %ge3A_2125 : f32 to vector<128x1xf32>
    %ge3A_2127 = arith.cmpf oge, %get3A_2124, %ge3A_2126 : vector<128x1xf32>
    %jit3A_2128 = arith.constant -1.000000e+00 : f32
    %broadcast_in_dim3A_2129 = vector.broadcast %jit3A_2128 : f32 to vector<128x1xf32>
    %select_n3A_2130 = arith.select %ge3A_2127, %get3A_2124, %broadcast_in_dim3A_2129 : vector<128x1xi1>, vector<128x1xf32>
    %gt3A_2131 = vector.broadcast %select_n3A_2130 : vector<128x1xf32> to vector<128x128xf32>
    %gt3A_2132 = vector.broadcast %select_n3A_2087 : vector<1x128xf32> to vector<128x128xf32>
    %gt3A_2133 = arith.cmpf ogt, %gt3A_2131, %gt3A_2132 : vector<128x128xf32>
    %eq3A_2134 = vector.broadcast %select_n3A_2130 : vector<128x1xf32> to vector<128x128xf32>
    %eq3A_2135 = vector.broadcast %select_n3A_2087 : vector<1x128xf32> to vector<128x128xf32>
    %eq3A_2136 = arith.cmpf oeq, %eq3A_2134, %eq3A_2135 : vector<128x128xf32>
    %and3A_2137 = arith.andi %eq3A_2136, %lt3A : vector<128x128xi1>
    %or3A_2138 = arith.ori %gt3A_2133, %and3A_2137 : vector<128x128xi1>
    %convert_element_type3A_2139 = arith.extui %or3A_2138 : vector<128x128xi1> to vector<128x128xi32>
    %reduce_sum3A_2140 = arith.constant dense<0> : vector<128xi32>
    %reduce_sum3A_2141 = vector.multi_reduction <add>, %convert_element_type3A_2139, %reduce_sum3A_2140 [0] : vector<128x128xi32> to vector<128xi32>
    %add3A_2142 = arith.addi %add3A_2121, %reduce_sum3A_2141 : vector<128xi32>
    %reshape3A_2143 = vector.shape_cast %add3A_2142 : vector<128xi32> to vector<1x128xi32>
    %swap3A_2144 = arith.constant 31 : index
    %swap3A_2145 = arith.constant 0 : index
    %swap3A_2146 = vector.load %arg2[%swap3A_2144, %swap3A_2145] : memref<40x128xi32, #tpu.memory_space<vmem>>, vector<1x128xi32>
    tpu.vector_store %arg2[%swap3A_2144, %swap3A_2145], %reshape3A_2143 {strides = array<i32>} : memref<40x128xi32, #tpu.memory_space<vmem>>, vector<1x128xi32>,
    %get3A_2147 = arith.constant 32 : index
    %get3A_2148 = arith.constant 0 : index
    %get3A_2149 = vector.load %arg0[%get3A_2147, %get3A_2148] : memref<40x128xf32, #tpu.memory_space<vmem>>, vector<1x128xf32>
    %ge3A_2150 = arith.constant 2.000000e-01 : f32
    %ge3A_2151 = vector.broadcast %ge3A_2150 : f32 to vector<1x128xf32>
    %ge3A_2152 = arith.cmpf oge, %get3A_2149, %ge3A_2151 : vector<1x128xf32>
    %jit3A_2153 = arith.constant -1.000000e+00 : f32
    %broadcast_in_dim3A_2154 = vector.broadcast %jit3A_2153 : f32 to vector<1x128xf32>
    %select_n3A_2155 = arith.select %ge3A_2152, %get3A_2149, %broadcast_in_dim3A_2154 : vector<1x128xi1>, vector<1x128xf32>
    %broadcast_in_dim3A_2156 = arith.constant 0 : i32
    %broadcast_in_dim3A_2157 = vector.broadcast %broadcast_in_dim3A_2156 : i32 to vector<128xi32>
    %get3A_2158 = arith.constant 0 : index
    %get3A_2159 = arith.constant 0 : index
    %get3A_2160 = vector.load %arg1[%get3A_2158, %get3A_2159] : memref<5120x1xf32, #tpu.memory_space<vmem>>, vector<4096x1xf32>
    %ge3A_2161 = arith.constant 2.000000e-01 : f32
    %ge3A_2162 = vector.broadcast %ge3A_2161 : f32 to vector<4096x1xf32>
    %ge3A_2163 = arith.cmpf oge, %get3A_2160, %ge3A_2162 : vector<4096x1xf32>
    %jit3A_2164 = arith.constant -1.000000e+00 : f32
    %broadcast_in_dim3A_2165 = vector.broadcast %jit3A_2164 : f32 to vector<4096x1xf32>
    %select_n3A_2166 = arith.select %ge3A_2163, %get3A_2160, %broadcast_in_dim3A_2165 : vector<4096x1xi1>, vector<4096x1xf32>
    %ge3A_2167 = vector.broadcast %select_n3A_2166 : vector<4096x1xf32> to vector<4096x128xf32>
    %ge3A_2168 = vector.broadcast %select_n3A_2155 : vector<1x128xf32> to vector<4096x128xf32>
    %ge3A_2169 = arith.cmpf oge, %ge3A_2167, %ge3A_2168 : vector<4096x128xf32>
    %convert_element_type3A_2170 = arith.extui %ge3A_2169 : vector<4096x128xi1> to vector<4096x128xi32>
    %reduce_sum3A_2171 = arith.constant dense<0> : vector<128xi32>
    %reduce_sum3A_2172 = vector.multi_reduction <add>, %convert_element_type3A_2170, %reduce_sum3A_2171 [0] : vector<4096x128xi32> to vector<128xi32>
    %add3A_2173 = arith.addi %broadcast_in_dim3A_2157, %reduce_sum3A_2172 : vector<128xi32>
    %get3A_2174 = arith.constant 4224 : index
    %get3A_2175 = arith.constant 0 : index
    %get3A_2176 = vector.load %arg1[%get3A_2174, %get3A_2175] : memref<5120x1xf32, #tpu.memory_space<vmem>>, vector<896x1xf32>
    %ge3A_2177 = arith.constant 2.000000e-01 : f32
    %ge3A_2178 = vector.broadcast %ge3A_2177 : f32 to vector<896x1xf32>
    %ge3A_2179 = arith.cmpf oge, %get3A_2176, %ge3A_2178 : vector<896x1xf32>
    %jit3A_2180 = arith.constant -1.000000e+00 : f32
    %broadcast_in_dim3A_2181 = vector.broadcast %jit3A_2180 : f32 to vector<896x1xf32>
    %select_n3A_2182 = arith.select %ge3A_2179, %get3A_2176, %broadcast_in_dim3A_2181 : vector<896x1xi1>, vector<896x1xf32>
    %gt3A_2183 = vector.broadcast %select_n3A_2182 : vector<896x1xf32> to vector<896x128xf32>
    %gt3A_2184 = vector.broadcast %select_n3A_2155 : vector<1x128xf32> to vector<896x128xf32>
    %gt3A_2185 = arith.cmpf ogt, %gt3A_2183, %gt3A_2184 : vector<896x128xf32>
    %convert_element_type3A_2186 = arith.extui %gt3A_2185 : vector<896x128xi1> to vector<896x128xi32>
    %reduce_sum3A_2187 = arith.constant dense<0> : vector<128xi32>
    %reduce_sum3A_2188 = vector.multi_reduction <add>, %convert_element_type3A_2186, %reduce_sum3A_2187 [0] : vector<896x128xi32> to vector<128xi32>
    %add3A_2189 = arith.addi %add3A_2173, %reduce_sum3A_2188 : vector<128xi32>
    %get3A_2190 = arith.constant 4096 : index
    %get3A_2191 = arith.constant 0 : index
    %get3A_2192 = vector.load %arg1[%get3A_2190, %get3A_2191] : memref<5120x1xf32, #tpu.memory_space<vmem>>, vector<128x1xf32>
    %ge3A_2193 = arith.constant 2.000000e-01 : f32
    %ge3A_2194 = vector.broadcast %ge3A_2193 : f32 to vector<128x1xf32>
    %ge3A_2195 = arith.cmpf oge, %get3A_2192, %ge3A_2194 : vector<128x1xf32>
    %jit3A_2196 = arith.constant -1.000000e+00 : f32
    %broadcast_in_dim3A_2197 = vector.broadcast %jit3A_2196 : f32 to vector<128x1xf32>
    %select_n3A_2198 = arith.select %ge3A_2195, %get3A_2192, %broadcast_in_dim3A_2197 : vector<128x1xi1>, vector<128x1xf32>
    %gt3A_2199 = vector.broadcast %select_n3A_2198 : vector<128x1xf32> to vector<128x128xf32>
    %gt3A_2200 = vector.broadcast %select_n3A_2155 : vector<1x128xf32> to vector<128x128xf32>
    %gt3A_2201 = arith.cmpf ogt, %gt3A_2199, %gt3A_2200 : vector<128x128xf32>
    %eq3A_2202 = vector.broadcast %select_n3A_2198 : vector<128x1xf32> to vector<128x128xf32>
    %eq3A_2203 = vector.broadcast %select_n3A_2155 : vector<1x128xf32> to vector<128x128xf32>
    %eq3A_2204 = arith.cmpf oeq, %eq3A_2202, %eq3A_2203 : vector<128x128xf32>
    %and3A_2205 = arith.andi %eq3A_2204, %lt3A : vector<128x128xi1>
    %or3A_2206 = arith.ori %gt3A_2201, %and3A_2205 : vector<128x128xi1>
    %convert_element_type3A_2207 = arith.extui %or3A_2206 : vector<128x128xi1> to vector<128x128xi32>
    %reduce_sum3A_2208 = arith.constant dense<0> : vector<128xi32>
    %reduce_sum3A_2209 = vector.multi_reduction <add>, %convert_element_type3A_2207, %reduce_sum3A_2208 [0] : vector<128x128xi32> to vector<128xi32>
    %add3A_2210 = arith.addi %add3A_2189, %reduce_sum3A_2209 : vector<128xi32>
    %reshape3A_2211 = vector.shape_cast %add3A_2210 : vector<128xi32> to vector<1x128xi32>
    %swap3A_2212 = arith.constant 32 : index
    %swap3A_2213 = arith.constant 0 : index
    %swap3A_2214 = vector.load %arg2[%swap3A_2212, %swap3A_2213] : memref<40x128xi32, #tpu.memory_space<vmem>>, vector<1x128xi32>
    tpu.vector_store %arg2[%swap3A_2212, %swap3A_2213], %reshape3A_2211 {strides = array<i32>} : memref<40x128xi32, #tpu.memory_space<vmem>>, vector<1x128xi32>,
    %get3A_2215 = arith.constant 33 : index
    %get3A_2216 = arith.constant 0 : index
    %get3A_2217 = vector.load %arg0[%get3A_2215, %get3A_2216] : memref<40x128xf32, #tpu.memory_space<vmem>>, vector<1x128xf32>
    %ge3A_2218 = arith.constant 2.000000e-01 : f32
    %ge3A_2219 = vector.broadcast %ge3A_2218 : f32 to vector<1x128xf32>
    %ge3A_2220 = arith.cmpf oge, %get3A_2217, %ge3A_2219 : vector<1x128xf32>
    %jit3A_2221 = arith.constant -1.000000e+00 : f32
    %broadcast_in_dim3A_2222 = vector.broadcast %jit3A_2221 : f32 to vector<1x128xf32>
    %select_n3A_2223 = arith.select %ge3A_2220, %get3A_2217, %broadcast_in_dim3A_2222 : vector<1x128xi1>, vector<1x128xf32>
    %broadcast_in_dim3A_2224 = arith.constant 0 : i32
    %broadcast_in_dim3A_2225 = vector.broadcast %broadcast_in_dim3A_2224 : i32 to vector<128xi32>
    %get3A_2226 = arith.constant 0 : index
    %get3A_2227 = arith.constant 0 : index
    %get3A_2228 = vector.load %arg1[%get3A_2226, %get3A_2227] : memref<5120x1xf32, #tpu.memory_space<vmem>>, vector<4224x1xf32>
    %ge3A_2229 = arith.constant 2.000000e-01 : f32
    %ge3A_2230 = vector.broadcast %ge3A_2229 : f32 to vector<4224x1xf32>
    %ge3A_2231 = arith.cmpf oge, %get3A_2228, %ge3A_2230 : vector<4224x1xf32>
    %jit3A_2232 = arith.constant -1.000000e+00 : f32
    %broadcast_in_dim3A_2233 = vector.broadcast %jit3A_2232 : f32 to vector<4224x1xf32>
    %select_n3A_2234 = arith.select %ge3A_2231, %get3A_2228, %broadcast_in_dim3A_2233 : vector<4224x1xi1>, vector<4224x1xf32>
    %ge3A_2235 = vector.broadcast %select_n3A_2234 : vector<4224x1xf32> to vector<4224x128xf32>
    %ge3A_2236 = vector.broadcast %select_n3A_2223 : vector<1x128xf32> to vector<4224x128xf32>
    %ge3A_2237 = arith.cmpf oge, %ge3A_2235, %ge3A_2236 : vector<4224x128xf32>
    %convert_element_type3A_2238 = arith.extui %ge3A_2237 : vector<4224x128xi1> to vector<4224x128xi32>
    %reduce_sum3A_2239 = arith.constant dense<0> : vector<128xi32>
    %reduce_sum3A_2240 = vector.multi_reduction <add>, %convert_element_type3A_2238, %reduce_sum3A_2239 [0] : vector<4224x128xi32> to vector<128xi32>
    %add3A_2241 = arith.addi %broadcast_in_dim3A_2225, %reduce_sum3A_2240 : vector<128xi32>
    %get3A_2242 = arith.constant 4352 : index
    %get3A_2243 = arith.constant 0 : index
    %get3A_2244 = vector.load %arg1[%get3A_2242, %get3A_2243] : memref<5120x1xf32, #tpu.memory_space<vmem>>, vector<768x1xf32>
    %ge3A_2245 = arith.constant 2.000000e-01 : f32
    %ge3A_2246 = vector.broadcast %ge3A_2245 : f32 to vector<768x1xf32>
    %ge3A_2247 = arith.cmpf oge, %get3A_2244, %ge3A_2246 : vector<768x1xf32>
    %jit3A_2248 = arith.constant -1.000000e+00 : f32
    %broadcast_in_dim3A_2249 = vector.broadcast %jit3A_2248 : f32 to vector<768x1xf32>
    %select_n3A_2250 = arith.select %ge3A_2247, %get3A_2244, %broadcast_in_dim3A_2249 : vector<768x1xi1>, vector<768x1xf32>
    %gt3A_2251 = vector.broadcast %select_n3A_2250 : vector<768x1xf32> to vector<768x128xf32>
    %gt3A_2252 = vector.broadcast %select_n3A_2223 : vector<1x128xf32> to vector<768x128xf32>
    %gt3A_2253 = arith.cmpf ogt, %gt3A_2251, %gt3A_2252 : vector<768x128xf32>
    %convert_element_type3A_2254 = arith.extui %gt3A_2253 : vector<768x128xi1> to vector<768x128xi32>
    %reduce_sum3A_2255 = arith.constant dense<0> : vector<128xi32>
    %reduce_sum3A_2256 = vector.multi_reduction <add>, %convert_element_type3A_2254, %reduce_sum3A_2255 [0] : vector<768x128xi32> to vector<128xi32>
    %add3A_2257 = arith.addi %add3A_2241, %reduce_sum3A_2256 : vector<128xi32>
    %get3A_2258 = arith.constant 4224 : index
    %get3A_2259 = arith.constant 0 : index
    %get3A_2260 = vector.load %arg1[%get3A_2258, %get3A_2259] : memref<5120x1xf32, #tpu.memory_space<vmem>>, vector<128x1xf32>
    %ge3A_2261 = arith.constant 2.000000e-01 : f32
    %ge3A_2262 = vector.broadcast %ge3A_2261 : f32 to vector<128x1xf32>
    %ge3A_2263 = arith.cmpf oge, %get3A_2260, %ge3A_2262 : vector<128x1xf32>
    %jit3A_2264 = arith.constant -1.000000e+00 : f32
    %broadcast_in_dim3A_2265 = vector.broadcast %jit3A_2264 : f32 to vector<128x1xf32>
    %select_n3A_2266 = arith.select %ge3A_2263, %get3A_2260, %broadcast_in_dim3A_2265 : vector<128x1xi1>, vector<128x1xf32>
    %gt3A_2267 = vector.broadcast %select_n3A_2266 : vector<128x1xf32> to vector<128x128xf32>
    %gt3A_2268 = vector.broadcast %select_n3A_2223 : vector<1x128xf32> to vector<128x128xf32>
    %gt3A_2269 = arith.cmpf ogt, %gt3A_2267, %gt3A_2268 : vector<128x128xf32>
    %eq3A_2270 = vector.broadcast %select_n3A_2266 : vector<128x1xf32> to vector<128x128xf32>
    %eq3A_2271 = vector.broadcast %select_n3A_2223 : vector<1x128xf32> to vector<128x128xf32>
    %eq3A_2272 = arith.cmpf oeq, %eq3A_2270, %eq3A_2271 : vector<128x128xf32>
    %and3A_2273 = arith.andi %eq3A_2272, %lt3A : vector<128x128xi1>
    %or3A_2274 = arith.ori %gt3A_2269, %and3A_2273 : vector<128x128xi1>
    %convert_element_type3A_2275 = arith.extui %or3A_2274 : vector<128x128xi1> to vector<128x128xi32>
    %reduce_sum3A_2276 = arith.constant dense<0> : vector<128xi32>
    %reduce_sum3A_2277 = vector.multi_reduction <add>, %convert_element_type3A_2275, %reduce_sum3A_2276 [0] : vector<128x128xi32> to vector<128xi32>
    %add3A_2278 = arith.addi %add3A_2257, %reduce_sum3A_2277 : vector<128xi32>
    %reshape3A_2279 = vector.shape_cast %add3A_2278 : vector<128xi32> to vector<1x128xi32>
    %swap3A_2280 = arith.constant 33 : index
    %swap3A_2281 = arith.constant 0 : index
    %swap3A_2282 = vector.load %arg2[%swap3A_2280, %swap3A_2281] : memref<40x128xi32, #tpu.memory_space<vmem>>, vector<1x128xi32>
    tpu.vector_store %arg2[%swap3A_2280, %swap3A_2281], %reshape3A_2279 {strides = array<i32>} : memref<40x128xi32, #tpu.memory_space<vmem>>, vector<1x128xi32>,
    %get3A_2283 = arith.constant 34 : index
    %get3A_2284 = arith.constant 0 : index
    %get3A_2285 = vector.load %arg0[%get3A_2283, %get3A_2284] : memref<40x128xf32, #tpu.memory_space<vmem>>, vector<1x128xf32>
    %ge3A_2286 = arith.constant 2.000000e-01 : f32
    %ge3A_2287 = vector.broadcast %ge3A_2286 : f32 to vector<1x128xf32>
    %ge3A_2288 = arith.cmpf oge, %get3A_2285, %ge3A_2287 : vector<1x128xf32>
    %jit3A_2289 = arith.constant -1.000000e+00 : f32
    %broadcast_in_dim3A_2290 = vector.broadcast %jit3A_2289 : f32 to vector<1x128xf32>
    %select_n3A_2291 = arith.select %ge3A_2288, %get3A_2285, %broadcast_in_dim3A_2290 : vector<1x128xi1>, vector<1x128xf32>
    %broadcast_in_dim3A_2292 = arith.constant 0 : i32
    %broadcast_in_dim3A_2293 = vector.broadcast %broadcast_in_dim3A_2292 : i32 to vector<128xi32>
    %get3A_2294 = arith.constant 0 : index
    %get3A_2295 = arith.constant 0 : index
    %get3A_2296 = vector.load %arg1[%get3A_2294, %get3A_2295] : memref<5120x1xf32, #tpu.memory_space<vmem>>, vector<4352x1xf32>
    %ge3A_2297 = arith.constant 2.000000e-01 : f32
    %ge3A_2298 = vector.broadcast %ge3A_2297 : f32 to vector<4352x1xf32>
    %ge3A_2299 = arith.cmpf oge, %get3A_2296, %ge3A_2298 : vector<4352x1xf32>
    %jit3A_2300 = arith.constant -1.000000e+00 : f32
    %broadcast_in_dim3A_2301 = vector.broadcast %jit3A_2300 : f32 to vector<4352x1xf32>
    %select_n3A_2302 = arith.select %ge3A_2299, %get3A_2296, %broadcast_in_dim3A_2301 : vector<4352x1xi1>, vector<4352x1xf32>
    %ge3A_2303 = vector.broadcast %select_n3A_2302 : vector<4352x1xf32> to vector<4352x128xf32>
    %ge3A_2304 = vector.broadcast %select_n3A_2291 : vector<1x128xf32> to vector<4352x128xf32>
    %ge3A_2305 = arith.cmpf oge, %ge3A_2303, %ge3A_2304 : vector<4352x128xf32>
    %convert_element_type3A_2306 = arith.extui %ge3A_2305 : vector<4352x128xi1> to vector<4352x128xi32>
    %reduce_sum3A_2307 = arith.constant dense<0> : vector<128xi32>
    %reduce_sum3A_2308 = vector.multi_reduction <add>, %convert_element_type3A_2306, %reduce_sum3A_2307 [0] : vector<4352x128xi32> to vector<128xi32>
    %add3A_2309 = arith.addi %broadcast_in_dim3A_2293, %reduce_sum3A_2308 : vector<128xi32>
    %get3A_2310 = arith.constant 4480 : index
    %get3A_2311 = arith.constant 0 : index
    %get3A_2312 = vector.load %arg1[%get3A_2310, %get3A_2311] : memref<5120x1xf32, #tpu.memory_space<vmem>>, vector<640x1xf32>
    %ge3A_2313 = arith.constant 2.000000e-01 : f32
    %ge3A_2314 = vector.broadcast %ge3A_2313 : f32 to vector<640x1xf32>
    %ge3A_2315 = arith.cmpf oge, %get3A_2312, %ge3A_2314 : vector<640x1xf32>
    %jit3A_2316 = arith.constant -1.000000e+00 : f32
    %broadcast_in_dim3A_2317 = vector.broadcast %jit3A_2316 : f32 to vector<640x1xf32>
    %select_n3A_2318 = arith.select %ge3A_2315, %get3A_2312, %broadcast_in_dim3A_2317 : vector<640x1xi1>, vector<640x1xf32>
    %gt3A_2319 = vector.broadcast %select_n3A_2318 : vector<640x1xf32> to vector<640x128xf32>
    %gt3A_2320 = vector.broadcast %select_n3A_2291 : vector<1x128xf32> to vector<640x128xf32>
    %gt3A_2321 = arith.cmpf ogt, %gt3A_2319, %gt3A_2320 : vector<640x128xf32>
    %convert_element_type3A_2322 = arith.extui %gt3A_2321 : vector<640x128xi1> to vector<640x128xi32>
    %reduce_sum3A_2323 = arith.constant dense<0> : vector<128xi32>
    %reduce_sum3A_2324 = vector.multi_reduction <add>, %convert_element_type3A_2322, %reduce_sum3A_2323 [0] : vector<640x128xi32> to vector<128xi32>
    %add3A_2325 = arith.addi %add3A_2309, %reduce_sum3A_2324 : vector<128xi32>
    %get3A_2326 = arith.constant 4352 : index
    %get3A_2327 = arith.constant 0 : index
    %get3A_2328 = vector.load %arg1[%get3A_2326, %get3A_2327] : memref<5120x1xf32, #tpu.memory_space<vmem>>, vector<128x1xf32>
    %ge3A_2329 = arith.constant 2.000000e-01 : f32
    %ge3A_2330 = vector.broadcast %ge3A_2329 : f32 to vector<128x1xf32>
    %ge3A_2331 = arith.cmpf oge, %get3A_2328, %ge3A_2330 : vector<128x1xf32>
    %jit3A_2332 = arith.constant -1.000000e+00 : f32
    %broadcast_in_dim3A_2333 = vector.broadcast %jit3A_2332 : f32 to vector<128x1xf32>
    %select_n3A_2334 = arith.select %ge3A_2331, %get3A_2328, %broadcast_in_dim3A_2333 : vector<128x1xi1>, vector<128x1xf32>
    %gt3A_2335 = vector.broadcast %select_n3A_2334 : vector<128x1xf32> to vector<128x128xf32>
    %gt3A_2336 = vector.broadcast %select_n3A_2291 : vector<1x128xf32> to vector<128x128xf32>
    %gt3A_2337 = arith.cmpf ogt, %gt3A_2335, %gt3A_2336 : vector<128x128xf32>
    %eq3A_2338 = vector.broadcast %select_n3A_2334 : vector<128x1xf32> to vector<128x128xf32>
    %eq3A_2339 = vector.broadcast %select_n3A_2291 : vector<1x128xf32> to vector<128x128xf32>
    %eq3A_2340 = arith.cmpf oeq, %eq3A_2338, %eq3A_2339 : vector<128x128xf32>
    %and3A_2341 = arith.andi %eq3A_2340, %lt3A : vector<128x128xi1>
    %or3A_2342 = arith.ori %gt3A_2337, %and3A_2341 : vector<128x128xi1>
    %convert_element_type3A_2343 = arith.extui %or3A_2342 : vector<128x128xi1> to vector<128x128xi32>
    %reduce_sum3A_2344 = arith.constant dense<0> : vector<128xi32>
    %reduce_sum3A_2345 = vector.multi_reduction <add>, %convert_element_type3A_2343, %reduce_sum3A_2344 [0] : vector<128x128xi32> to vector<128xi32>
    %add3A_2346 = arith.addi %add3A_2325, %reduce_sum3A_2345 : vector<128xi32>
    %reshape3A_2347 = vector.shape_cast %add3A_2346 : vector<128xi32> to vector<1x128xi32>
    %swap3A_2348 = arith.constant 34 : index
    %swap3A_2349 = arith.constant 0 : index
    %swap3A_2350 = vector.load %arg2[%swap3A_2348, %swap3A_2349] : memref<40x128xi32, #tpu.memory_space<vmem>>, vector<1x128xi32>
    tpu.vector_store %arg2[%swap3A_2348, %swap3A_2349], %reshape3A_2347 {strides = array<i32>} : memref<40x128xi32, #tpu.memory_space<vmem>>, vector<1x128xi32>,
    %get3A_2351 = arith.constant 35 : index
    %get3A_2352 = arith.constant 0 : index
    %get3A_2353 = vector.load %arg0[%get3A_2351, %get3A_2352] : memref<40x128xf32, #tpu.memory_space<vmem>>, vector<1x128xf32>
    %ge3A_2354 = arith.constant 2.000000e-01 : f32
    %ge3A_2355 = vector.broadcast %ge3A_2354 : f32 to vector<1x128xf32>
    %ge3A_2356 = arith.cmpf oge, %get3A_2353, %ge3A_2355 : vector<1x128xf32>
    %jit3A_2357 = arith.constant -1.000000e+00 : f32
    %broadcast_in_dim3A_2358 = vector.broadcast %jit3A_2357 : f32 to vector<1x128xf32>
    %select_n3A_2359 = arith.select %ge3A_2356, %get3A_2353, %broadcast_in_dim3A_2358 : vector<1x128xi1>, vector<1x128xf32>
    %broadcast_in_dim3A_2360 = arith.constant 0 : i32
    %broadcast_in_dim3A_2361 = vector.broadcast %broadcast_in_dim3A_2360 : i32 to vector<128xi32>
    %get3A_2362 = arith.constant 0 : index
    %get3A_2363 = arith.constant 0 : index
    %get3A_2364 = vector.load %arg1[%get3A_2362, %get3A_2363] : memref<5120x1xf32, #tpu.memory_space<vmem>>, vector<4480x1xf32>
    %ge3A_2365 = arith.constant 2.000000e-01 : f32
    %ge3A_2366 = vector.broadcast %ge3A_2365 : f32 to vector<4480x1xf32>
    %ge3A_2367 = arith.cmpf oge, %get3A_2364, %ge3A_2366 : vector<4480x1xf32>
    %jit3A_2368 = arith.constant -1.000000e+00 : f32
    %broadcast_in_dim3A_2369 = vector.broadcast %jit3A_2368 : f32 to vector<4480x1xf32>
    %select_n3A_2370 = arith.select %ge3A_2367, %get3A_2364, %broadcast_in_dim3A_2369 : vector<4480x1xi1>, vector<4480x1xf32>
    %ge3A_2371 = vector.broadcast %select_n3A_2370 : vector<4480x1xf32> to vector<4480x128xf32>
    %ge3A_2372 = vector.broadcast %select_n3A_2359 : vector<1x128xf32> to vector<4480x128xf32>
    %ge3A_2373 = arith.cmpf oge, %ge3A_2371, %ge3A_2372 : vector<4480x128xf32>
    %convert_element_type3A_2374 = arith.extui %ge3A_2373 : vector<4480x128xi1> to vector<4480x128xi32>
    %reduce_sum3A_2375 = arith.constant dense<0> : vector<128xi32>
    %reduce_sum3A_2376 = vector.multi_reduction <add>, %convert_element_type3A_2374, %reduce_sum3A_2375 [0] : vector<4480x128xi32> to vector<128xi32>
    %add3A_2377 = arith.addi %broadcast_in_dim3A_2361, %reduce_sum3A_2376 : vector<128xi32>
    %get3A_2378 = arith.constant 4608 : index
    %get3A_2379 = arith.constant 0 : index
    %get3A_2380 = vector.load %arg1[%get3A_2378, %get3A_2379] : memref<5120x1xf32, #tpu.memory_space<vmem>>, vector<512x1xf32>
    %ge3A_2381 = arith.constant 2.000000e-01 : f32
    %ge3A_2382 = vector.broadcast %ge3A_2381 : f32 to vector<512x1xf32>
    %ge3A_2383 = arith.cmpf oge, %get3A_2380, %ge3A_2382 : vector<512x1xf32>
    %jit3A_2384 = arith.constant -1.000000e+00 : f32
    %broadcast_in_dim3A_2385 = vector.broadcast %jit3A_2384 : f32 to vector<512x1xf32>
    %select_n3A_2386 = arith.select %ge3A_2383, %get3A_2380, %broadcast_in_dim3A_2385 : vector<512x1xi1>, vector<512x1xf32>
    %gt3A_2387 = vector.broadcast %select_n3A_2386 : vector<512x1xf32> to vector<512x128xf32>
    %gt3A_2388 = vector.broadcast %select_n3A_2359 : vector<1x128xf32> to vector<512x128xf32>
    %gt3A_2389 = arith.cmpf ogt, %gt3A_2387, %gt3A_2388 : vector<512x128xf32>
    %convert_element_type3A_2390 = arith.extui %gt3A_2389 : vector<512x128xi1> to vector<512x128xi32>
    %reduce_sum3A_2391 = arith.constant dense<0> : vector<128xi32>
    %reduce_sum3A_2392 = vector.multi_reduction <add>, %convert_element_type3A_2390, %reduce_sum3A_2391 [0] : vector<512x128xi32> to vector<128xi32>
    %add3A_2393 = arith.addi %add3A_2377, %reduce_sum3A_2392 : vector<128xi32>
    %get3A_2394 = arith.constant 4480 : index
    %get3A_2395 = arith.constant 0 : index
    %get3A_2396 = vector.load %arg1[%get3A_2394, %get3A_2395] : memref<5120x1xf32, #tpu.memory_space<vmem>>, vector<128x1xf32>
    %ge3A_2397 = arith.constant 2.000000e-01 : f32
    %ge3A_2398 = vector.broadcast %ge3A_2397 : f32 to vector<128x1xf32>
    %ge3A_2399 = arith.cmpf oge, %get3A_2396, %ge3A_2398 : vector<128x1xf32>
    %jit3A_2400 = arith.constant -1.000000e+00 : f32
    %broadcast_in_dim3A_2401 = vector.broadcast %jit3A_2400 : f32 to vector<128x1xf32>
    %select_n3A_2402 = arith.select %ge3A_2399, %get3A_2396, %broadcast_in_dim3A_2401 : vector<128x1xi1>, vector<128x1xf32>
    %gt3A_2403 = vector.broadcast %select_n3A_2402 : vector<128x1xf32> to vector<128x128xf32>
    %gt3A_2404 = vector.broadcast %select_n3A_2359 : vector<1x128xf32> to vector<128x128xf32>
    %gt3A_2405 = arith.cmpf ogt, %gt3A_2403, %gt3A_2404 : vector<128x128xf32>
    %eq3A_2406 = vector.broadcast %select_n3A_2402 : vector<128x1xf32> to vector<128x128xf32>
    %eq3A_2407 = vector.broadcast %select_n3A_2359 : vector<1x128xf32> to vector<128x128xf32>
    %eq3A_2408 = arith.cmpf oeq, %eq3A_2406, %eq3A_2407 : vector<128x128xf32>
    %and3A_2409 = arith.andi %eq3A_2408, %lt3A : vector<128x128xi1>
    %or3A_2410 = arith.ori %gt3A_2405, %and3A_2409 : vector<128x128xi1>
    %convert_element_type3A_2411 = arith.extui %or3A_2410 : vector<128x128xi1> to vector<128x128xi32>
    %reduce_sum3A_2412 = arith.constant dense<0> : vector<128xi32>
    %reduce_sum3A_2413 = vector.multi_reduction <add>, %convert_element_type3A_2411, %reduce_sum3A_2412 [0] : vector<128x128xi32> to vector<128xi32>
    %add3A_2414 = arith.addi %add3A_2393, %reduce_sum3A_2413 : vector<128xi32>
    %reshape3A_2415 = vector.shape_cast %add3A_2414 : vector<128xi32> to vector<1x128xi32>
    %swap3A_2416 = arith.constant 35 : index
    %swap3A_2417 = arith.constant 0 : index
    %swap3A_2418 = vector.load %arg2[%swap3A_2416, %swap3A_2417] : memref<40x128xi32, #tpu.memory_space<vmem>>, vector<1x128xi32>
    tpu.vector_store %arg2[%swap3A_2416, %swap3A_2417], %reshape3A_2415 {strides = array<i32>} : memref<40x128xi32, #tpu.memory_space<vmem>>, vector<1x128xi32>,
    %get3A_2419 = arith.constant 36 : index
    %get3A_2420 = arith.constant 0 : index
    %get3A_2421 = vector.load %arg0[%get3A_2419, %get3A_2420] : memref<40x128xf32, #tpu.memory_space<vmem>>, vector<1x128xf32>
    %ge3A_2422 = arith.constant 2.000000e-01 : f32
    %ge3A_2423 = vector.broadcast %ge3A_2422 : f32 to vector<1x128xf32>
    %ge3A_2424 = arith.cmpf oge, %get3A_2421, %ge3A_2423 : vector<1x128xf32>
    %jit3A_2425 = arith.constant -1.000000e+00 : f32
    %broadcast_in_dim3A_2426 = vector.broadcast %jit3A_2425 : f32 to vector<1x128xf32>
    %select_n3A_2427 = arith.select %ge3A_2424, %get3A_2421, %broadcast_in_dim3A_2426 : vector<1x128xi1>, vector<1x128xf32>
    %broadcast_in_dim3A_2428 = arith.constant 0 : i32
    %broadcast_in_dim3A_2429 = vector.broadcast %broadcast_in_dim3A_2428 : i32 to vector<128xi32>
    %get3A_2430 = arith.constant 0 : index
    %get3A_2431 = arith.constant 0 : index
    %get3A_2432 = vector.load %arg1[%get3A_2430, %get3A_2431] : memref<5120x1xf32, #tpu.memory_space<vmem>>, vector<4608x1xf32>
    %ge3A_2433 = arith.constant 2.000000e-01 : f32
    %ge3A_2434 = vector.broadcast %ge3A_2433 : f32 to vector<4608x1xf32>
    %ge3A_2435 = arith.cmpf oge, %get3A_2432, %ge3A_2434 : vector<4608x1xf32>
    %jit3A_2436 = arith.constant -1.000000e+00 : f32
    %broadcast_in_dim3A_2437 = vector.broadcast %jit3A_2436 : f32 to vector<4608x1xf32>
    %select_n3A_2438 = arith.select %ge3A_2435, %get3A_2432, %broadcast_in_dim3A_2437 : vector<4608x1xi1>, vector<4608x1xf32>
    %ge3A_2439 = vector.broadcast %select_n3A_2438 : vector<4608x1xf32> to vector<4608x128xf32>
    %ge3A_2440 = vector.broadcast %select_n3A_2427 : vector<1x128xf32> to vector<4608x128xf32>
    %ge3A_2441 = arith.cmpf oge, %ge3A_2439, %ge3A_2440 : vector<4608x128xf32>
    %convert_element_type3A_2442 = arith.extui %ge3A_2441 : vector<4608x128xi1> to vector<4608x128xi32>
    %reduce_sum3A_2443 = arith.constant dense<0> : vector<128xi32>
    %reduce_sum3A_2444 = vector.multi_reduction <add>, %convert_element_type3A_2442, %reduce_sum3A_2443 [0] : vector<4608x128xi32> to vector<128xi32>
    %add3A_2445 = arith.addi %broadcast_in_dim3A_2429, %reduce_sum3A_2444 : vector<128xi32>
    %get3A_2446 = arith.constant 4736 : index
    %get3A_2447 = arith.constant 0 : index
    %get3A_2448 = vector.load %arg1[%get3A_2446, %get3A_2447] : memref<5120x1xf32, #tpu.memory_space<vmem>>, vector<384x1xf32>
    %ge3A_2449 = arith.constant 2.000000e-01 : f32
    %ge3A_2450 = vector.broadcast %ge3A_2449 : f32 to vector<384x1xf32>
    %ge3A_2451 = arith.cmpf oge, %get3A_2448, %ge3A_2450 : vector<384x1xf32>
    %jit3A_2452 = arith.constant -1.000000e+00 : f32
    %broadcast_in_dim3A_2453 = vector.broadcast %jit3A_2452 : f32 to vector<384x1xf32>
    %select_n3A_2454 = arith.select %ge3A_2451, %get3A_2448, %broadcast_in_dim3A_2453 : vector<384x1xi1>, vector<384x1xf32>
    %gt3A_2455 = vector.broadcast %select_n3A_2454 : vector<384x1xf32> to vector<384x128xf32>
    %gt3A_2456 = vector.broadcast %select_n3A_2427 : vector<1x128xf32> to vector<384x128xf32>
    %gt3A_2457 = arith.cmpf ogt, %gt3A_2455, %gt3A_2456 : vector<384x128xf32>
    %convert_element_type3A_2458 = arith.extui %gt3A_2457 : vector<384x128xi1> to vector<384x128xi32>
    %reduce_sum3A_2459 = arith.constant dense<0> : vector<128xi32>
    %reduce_sum3A_2460 = vector.multi_reduction <add>, %convert_element_type3A_2458, %reduce_sum3A_2459 [0] : vector<384x128xi32> to vector<128xi32>
    %add3A_2461 = arith.addi %add3A_2445, %reduce_sum3A_2460 : vector<128xi32>
    %get3A_2462 = arith.constant 4608 : index
    %get3A_2463 = arith.constant 0 : index
    %get3A_2464 = vector.load %arg1[%get3A_2462, %get3A_2463] : memref<5120x1xf32, #tpu.memory_space<vmem>>, vector<128x1xf32>
    %ge3A_2465 = arith.constant 2.000000e-01 : f32
    %ge3A_2466 = vector.broadcast %ge3A_2465 : f32 to vector<128x1xf32>
    %ge3A_2467 = arith.cmpf oge, %get3A_2464, %ge3A_2466 : vector<128x1xf32>
    %jit3A_2468 = arith.constant -1.000000e+00 : f32
    %broadcast_in_dim3A_2469 = vector.broadcast %jit3A_2468 : f32 to vector<128x1xf32>
    %select_n3A_2470 = arith.select %ge3A_2467, %get3A_2464, %broadcast_in_dim3A_2469 : vector<128x1xi1>, vector<128x1xf32>
    %gt3A_2471 = vector.broadcast %select_n3A_2470 : vector<128x1xf32> to vector<128x128xf32>
    %gt3A_2472 = vector.broadcast %select_n3A_2427 : vector<1x128xf32> to vector<128x128xf32>
    %gt3A_2473 = arith.cmpf ogt, %gt3A_2471, %gt3A_2472 : vector<128x128xf32>
    %eq3A_2474 = vector.broadcast %select_n3A_2470 : vector<128x1xf32> to vector<128x128xf32>
    %eq3A_2475 = vector.broadcast %select_n3A_2427 : vector<1x128xf32> to vector<128x128xf32>
    %eq3A_2476 = arith.cmpf oeq, %eq3A_2474, %eq3A_2475 : vector<128x128xf32>
    %and3A_2477 = arith.andi %eq3A_2476, %lt3A : vector<128x128xi1>
    %or3A_2478 = arith.ori %gt3A_2473, %and3A_2477 : vector<128x128xi1>
    %convert_element_type3A_2479 = arith.extui %or3A_2478 : vector<128x128xi1> to vector<128x128xi32>
    %reduce_sum3A_2480 = arith.constant dense<0> : vector<128xi32>
    %reduce_sum3A_2481 = vector.multi_reduction <add>, %convert_element_type3A_2479, %reduce_sum3A_2480 [0] : vector<128x128xi32> to vector<128xi32>
    %add3A_2482 = arith.addi %add3A_2461, %reduce_sum3A_2481 : vector<128xi32>
    %reshape3A_2483 = vector.shape_cast %add3A_2482 : vector<128xi32> to vector<1x128xi32>
    %swap3A_2484 = arith.constant 36 : index
    %swap3A_2485 = arith.constant 0 : index
    %swap3A_2486 = vector.load %arg2[%swap3A_2484, %swap3A_2485] : memref<40x128xi32, #tpu.memory_space<vmem>>, vector<1x128xi32>
    tpu.vector_store %arg2[%swap3A_2484, %swap3A_2485], %reshape3A_2483 {strides = array<i32>} : memref<40x128xi32, #tpu.memory_space<vmem>>, vector<1x128xi32>,
    %get3A_2487 = arith.constant 37 : index
    %get3A_2488 = arith.constant 0 : index
    %get3A_2489 = vector.load %arg0[%get3A_2487, %get3A_2488] : memref<40x128xf32, #tpu.memory_space<vmem>>, vector<1x128xf32>
    %ge3A_2490 = arith.constant 2.000000e-01 : f32
    %ge3A_2491 = vector.broadcast %ge3A_2490 : f32 to vector<1x128xf32>
    %ge3A_2492 = arith.cmpf oge, %get3A_2489, %ge3A_2491 : vector<1x128xf32>
    %jit3A_2493 = arith.constant -1.000000e+00 : f32
    %broadcast_in_dim3A_2494 = vector.broadcast %jit3A_2493 : f32 to vector<1x128xf32>
    %select_n3A_2495 = arith.select %ge3A_2492, %get3A_2489, %broadcast_in_dim3A_2494 : vector<1x128xi1>, vector<1x128xf32>
    %broadcast_in_dim3A_2496 = arith.constant 0 : i32
    %broadcast_in_dim3A_2497 = vector.broadcast %broadcast_in_dim3A_2496 : i32 to vector<128xi32>
    %get3A_2498 = arith.constant 0 : index
    %get3A_2499 = arith.constant 0 : index
    %get3A_2500 = vector.load %arg1[%get3A_2498, %get3A_2499] : memref<5120x1xf32, #tpu.memory_space<vmem>>, vector<4736x1xf32>
    %ge3A_2501 = arith.constant 2.000000e-01 : f32
    %ge3A_2502 = vector.broadcast %ge3A_2501 : f32 to vector<4736x1xf32>
    %ge3A_2503 = arith.cmpf oge, %get3A_2500, %ge3A_2502 : vector<4736x1xf32>
    %jit3A_2504 = arith.constant -1.000000e+00 : f32
    %broadcast_in_dim3A_2505 = vector.broadcast %jit3A_2504 : f32 to vector<4736x1xf32>
    %select_n3A_2506 = arith.select %ge3A_2503, %get3A_2500, %broadcast_in_dim3A_2505 : vector<4736x1xi1>, vector<4736x1xf32>
    %ge3A_2507 = vector.broadcast %select_n3A_2506 : vector<4736x1xf32> to vector<4736x128xf32>
    %ge3A_2508 = vector.broadcast %select_n3A_2495 : vector<1x128xf32> to vector<4736x128xf32>
    %ge3A_2509 = arith.cmpf oge, %ge3A_2507, %ge3A_2508 : vector<4736x128xf32>
    %convert_element_type3A_2510 = arith.extui %ge3A_2509 : vector<4736x128xi1> to vector<4736x128xi32>
    %reduce_sum3A_2511 = arith.constant dense<0> : vector<128xi32>
    %reduce_sum3A_2512 = vector.multi_reduction <add>, %convert_element_type3A_2510, %reduce_sum3A_2511 [0] : vector<4736x128xi32> to vector<128xi32>
    %add3A_2513 = arith.addi %broadcast_in_dim3A_2497, %reduce_sum3A_2512 : vector<128xi32>
    %get3A_2514 = arith.constant 4864 : index
    %get3A_2515 = arith.constant 0 : index
    %get3A_2516 = vector.load %arg1[%get3A_2514, %get3A_2515] : memref<5120x1xf32, #tpu.memory_space<vmem>>, vector<256x1xf32>
    %ge3A_2517 = arith.constant 2.000000e-01 : f32
    %ge3A_2518 = vector.broadcast %ge3A_2517 : f32 to vector<256x1xf32>
    %ge3A_2519 = arith.cmpf oge, %get3A_2516, %ge3A_2518 : vector<256x1xf32>
    %jit3A_2520 = arith.constant -1.000000e+00 : f32
    %broadcast_in_dim3A_2521 = vector.broadcast %jit3A_2520 : f32 to vector<256x1xf32>
    %select_n3A_2522 = arith.select %ge3A_2519, %get3A_2516, %broadcast_in_dim3A_2521 : vector<256x1xi1>, vector<256x1xf32>
    %gt3A_2523 = vector.broadcast %select_n3A_2522 : vector<256x1xf32> to vector<256x128xf32>
    %gt3A_2524 = vector.broadcast %select_n3A_2495 : vector<1x128xf32> to vector<256x128xf32>
    %gt3A_2525 = arith.cmpf ogt, %gt3A_2523, %gt3A_2524 : vector<256x128xf32>
    %convert_element_type3A_2526 = arith.extui %gt3A_2525 : vector<256x128xi1> to vector<256x128xi32>
    %reduce_sum3A_2527 = arith.constant dense<0> : vector<128xi32>
    %reduce_sum3A_2528 = vector.multi_reduction <add>, %convert_element_type3A_2526, %reduce_sum3A_2527 [0] : vector<256x128xi32> to vector<128xi32>
    %add3A_2529 = arith.addi %add3A_2513, %reduce_sum3A_2528 : vector<128xi32>
    %get3A_2530 = arith.constant 4736 : index
    %get3A_2531 = arith.constant 0 : index
    %get3A_2532 = vector.load %arg1[%get3A_2530, %get3A_2531] : memref<5120x1xf32, #tpu.memory_space<vmem>>, vector<128x1xf32>
    %ge3A_2533 = arith.constant 2.000000e-01 : f32
    %ge3A_2534 = vector.broadcast %ge3A_2533 : f32 to vector<128x1xf32>
    %ge3A_2535 = arith.cmpf oge, %get3A_2532, %ge3A_2534 : vector<128x1xf32>
    %jit3A_2536 = arith.constant -1.000000e+00 : f32
    %broadcast_in_dim3A_2537 = vector.broadcast %jit3A_2536 : f32 to vector<128x1xf32>
    %select_n3A_2538 = arith.select %ge3A_2535, %get3A_2532, %broadcast_in_dim3A_2537 : vector<128x1xi1>, vector<128x1xf32>
    %gt3A_2539 = vector.broadcast %select_n3A_2538 : vector<128x1xf32> to vector<128x128xf32>
    %gt3A_2540 = vector.broadcast %select_n3A_2495 : vector<1x128xf32> to vector<128x128xf32>
    %gt3A_2541 = arith.cmpf ogt, %gt3A_2539, %gt3A_2540 : vector<128x128xf32>
    %eq3A_2542 = vector.broadcast %select_n3A_2538 : vector<128x1xf32> to vector<128x128xf32>
    %eq3A_2543 = vector.broadcast %select_n3A_2495 : vector<1x128xf32> to vector<128x128xf32>
    %eq3A_2544 = arith.cmpf oeq, %eq3A_2542, %eq3A_2543 : vector<128x128xf32>
    %and3A_2545 = arith.andi %eq3A_2544, %lt3A : vector<128x128xi1>
    %or3A_2546 = arith.ori %gt3A_2541, %and3A_2545 : vector<128x128xi1>
    %convert_element_type3A_2547 = arith.extui %or3A_2546 : vector<128x128xi1> to vector<128x128xi32>
    %reduce_sum3A_2548 = arith.constant dense<0> : vector<128xi32>
    %reduce_sum3A_2549 = vector.multi_reduction <add>, %convert_element_type3A_2547, %reduce_sum3A_2548 [0] : vector<128x128xi32> to vector<128xi32>
    %add3A_2550 = arith.addi %add3A_2529, %reduce_sum3A_2549 : vector<128xi32>
    %reshape3A_2551 = vector.shape_cast %add3A_2550 : vector<128xi32> to vector<1x128xi32>
    %swap3A_2552 = arith.constant 37 : index
    %swap3A_2553 = arith.constant 0 : index
    %swap3A_2554 = vector.load %arg2[%swap3A_2552, %swap3A_2553] : memref<40x128xi32, #tpu.memory_space<vmem>>, vector<1x128xi32>
    tpu.vector_store %arg2[%swap3A_2552, %swap3A_2553], %reshape3A_2551 {strides = array<i32>} : memref<40x128xi32, #tpu.memory_space<vmem>>, vector<1x128xi32>,
    %get3A_2555 = arith.constant 38 : index
    %get3A_2556 = arith.constant 0 : index
    %get3A_2557 = vector.load %arg0[%get3A_2555, %get3A_2556] : memref<40x128xf32, #tpu.memory_space<vmem>>, vector<1x128xf32>
    %ge3A_2558 = arith.constant 2.000000e-01 : f32
    %ge3A_2559 = vector.broadcast %ge3A_2558 : f32 to vector<1x128xf32>
    %ge3A_2560 = arith.cmpf oge, %get3A_2557, %ge3A_2559 : vector<1x128xf32>
    %jit3A_2561 = arith.constant -1.000000e+00 : f32
    %broadcast_in_dim3A_2562 = vector.broadcast %jit3A_2561 : f32 to vector<1x128xf32>
    %select_n3A_2563 = arith.select %ge3A_2560, %get3A_2557, %broadcast_in_dim3A_2562 : vector<1x128xi1>, vector<1x128xf32>
    %broadcast_in_dim3A_2564 = arith.constant 0 : i32
    %broadcast_in_dim3A_2565 = vector.broadcast %broadcast_in_dim3A_2564 : i32 to vector<128xi32>
    %get3A_2566 = arith.constant 0 : index
    %get3A_2567 = arith.constant 0 : index
    %get3A_2568 = vector.load %arg1[%get3A_2566, %get3A_2567] : memref<5120x1xf32, #tpu.memory_space<vmem>>, vector<4864x1xf32>
    %ge3A_2569 = arith.constant 2.000000e-01 : f32
    %ge3A_2570 = vector.broadcast %ge3A_2569 : f32 to vector<4864x1xf32>
    %ge3A_2571 = arith.cmpf oge, %get3A_2568, %ge3A_2570 : vector<4864x1xf32>
    %jit3A_2572 = arith.constant -1.000000e+00 : f32
    %broadcast_in_dim3A_2573 = vector.broadcast %jit3A_2572 : f32 to vector<4864x1xf32>
    %select_n3A_2574 = arith.select %ge3A_2571, %get3A_2568, %broadcast_in_dim3A_2573 : vector<4864x1xi1>, vector<4864x1xf32>
    %ge3A_2575 = vector.broadcast %select_n3A_2574 : vector<4864x1xf32> to vector<4864x128xf32>
    %ge3A_2576 = vector.broadcast %select_n3A_2563 : vector<1x128xf32> to vector<4864x128xf32>
    %ge3A_2577 = arith.cmpf oge, %ge3A_2575, %ge3A_2576 : vector<4864x128xf32>
    %convert_element_type3A_2578 = arith.extui %ge3A_2577 : vector<4864x128xi1> to vector<4864x128xi32>
    %reduce_sum3A_2579 = arith.constant dense<0> : vector<128xi32>
    %reduce_sum3A_2580 = vector.multi_reduction <add>, %convert_element_type3A_2578, %reduce_sum3A_2579 [0] : vector<4864x128xi32> to vector<128xi32>
    %add3A_2581 = arith.addi %broadcast_in_dim3A_2565, %reduce_sum3A_2580 : vector<128xi32>
    %get3A_2582 = arith.constant 4992 : index
    %get3A_2583 = arith.constant 0 : index
    %get3A_2584 = vector.load %arg1[%get3A_2582, %get3A_2583] : memref<5120x1xf32, #tpu.memory_space<vmem>>, vector<128x1xf32>
    %ge3A_2585 = arith.constant 2.000000e-01 : f32
    %ge3A_2586 = vector.broadcast %ge3A_2585 : f32 to vector<128x1xf32>
    %ge3A_2587 = arith.cmpf oge, %get3A_2584, %ge3A_2586 : vector<128x1xf32>
    %jit3A_2588 = arith.constant -1.000000e+00 : f32
    %broadcast_in_dim3A_2589 = vector.broadcast %jit3A_2588 : f32 to vector<128x1xf32>
    %select_n3A_2590 = arith.select %ge3A_2587, %get3A_2584, %broadcast_in_dim3A_2589 : vector<128x1xi1>, vector<128x1xf32>
    %gt3A_2591 = vector.broadcast %select_n3A_2590 : vector<128x1xf32> to vector<128x128xf32>
    %gt3A_2592 = vector.broadcast %select_n3A_2563 : vector<1x128xf32> to vector<128x128xf32>
    %gt3A_2593 = arith.cmpf ogt, %gt3A_2591, %gt3A_2592 : vector<128x128xf32>
    %convert_element_type3A_2594 = arith.extui %gt3A_2593 : vector<128x128xi1> to vector<128x128xi32>
    %reduce_sum3A_2595 = arith.constant dense<0> : vector<128xi32>
    %reduce_sum3A_2596 = vector.multi_reduction <add>, %convert_element_type3A_2594, %reduce_sum3A_2595 [0] : vector<128x128xi32> to vector<128xi32>
    %add3A_2597 = arith.addi %add3A_2581, %reduce_sum3A_2596 : vector<128xi32>
    %get3A_2598 = arith.constant 4864 : index
    %get3A_2599 = arith.constant 0 : index
    %get3A_2600 = vector.load %arg1[%get3A_2598, %get3A_2599] : memref<5120x1xf32, #tpu.memory_space<vmem>>, vector<128x1xf32>
    %ge3A_2601 = arith.constant 2.000000e-01 : f32
    %ge3A_2602 = vector.broadcast %ge3A_2601 : f32 to vector<128x1xf32>
    %ge3A_2603 = arith.cmpf oge, %get3A_2600, %ge3A_2602 : vector<128x1xf32>
    %jit3A_2604 = arith.constant -1.000000e+00 : f32
    %broadcast_in_dim3A_2605 = vector.broadcast %jit3A_2604 : f32 to vector<128x1xf32>
    %select_n3A_2606 = arith.select %ge3A_2603, %get3A_2600, %broadcast_in_dim3A_2605 : vector<128x1xi1>, vector<128x1xf32>
    %gt3A_2607 = vector.broadcast %select_n3A_2606 : vector<128x1xf32> to vector<128x128xf32>
    %gt3A_2608 = vector.broadcast %select_n3A_2563 : vector<1x128xf32> to vector<128x128xf32>
    %gt3A_2609 = arith.cmpf ogt, %gt3A_2607, %gt3A_2608 : vector<128x128xf32>
    %eq3A_2610 = vector.broadcast %select_n3A_2606 : vector<128x1xf32> to vector<128x128xf32>
    %eq3A_2611 = vector.broadcast %select_n3A_2563 : vector<1x128xf32> to vector<128x128xf32>
    %eq3A_2612 = arith.cmpf oeq, %eq3A_2610, %eq3A_2611 : vector<128x128xf32>
    %and3A_2613 = arith.andi %eq3A_2612, %lt3A : vector<128x128xi1>
    %or3A_2614 = arith.ori %gt3A_2609, %and3A_2613 : vector<128x128xi1>
    %convert_element_type3A_2615 = arith.extui %or3A_2614 : vector<128x128xi1> to vector<128x128xi32>
    %reduce_sum3A_2616 = arith.constant dense<0> : vector<128xi32>
    %reduce_sum3A_2617 = vector.multi_reduction <add>, %convert_element_type3A_2615, %reduce_sum3A_2616 [0] : vector<128x128xi32> to vector<128xi32>
    %add3A_2618 = arith.addi %add3A_2597, %reduce_sum3A_2617 : vector<128xi32>
    %reshape3A_2619 = vector.shape_cast %add3A_2618 : vector<128xi32> to vector<1x128xi32>
    %swap3A_2620 = arith.constant 38 : index
    %swap3A_2621 = arith.constant 0 : index
    %swap3A_2622 = vector.load %arg2[%swap3A_2620, %swap3A_2621] : memref<40x128xi32, #tpu.memory_space<vmem>>, vector<1x128xi32>
    tpu.vector_store %arg2[%swap3A_2620, %swap3A_2621], %reshape3A_2619 {strides = array<i32>} : memref<40x128xi32, #tpu.memory_space<vmem>>, vector<1x128xi32>,
    %get3A_2623 = arith.constant 39 : index
    %get3A_2624 = arith.constant 0 : index
    %get3A_2625 = vector.load %arg0[%get3A_2623, %get3A_2624] : memref<40x128xf32, #tpu.memory_space<vmem>>, vector<1x128xf32>
    %ge3A_2626 = arith.constant 2.000000e-01 : f32
    %ge3A_2627 = vector.broadcast %ge3A_2626 : f32 to vector<1x128xf32>
    %ge3A_2628 = arith.cmpf oge, %get3A_2625, %ge3A_2627 : vector<1x128xf32>
    %jit3A_2629 = arith.constant -1.000000e+00 : f32
    %broadcast_in_dim3A_2630 = vector.broadcast %jit3A_2629 : f32 to vector<1x128xf32>
    %select_n3A_2631 = arith.select %ge3A_2628, %get3A_2625, %broadcast_in_dim3A_2630 : vector<1x128xi1>, vector<1x128xf32>
    %broadcast_in_dim3A_2632 = arith.constant 0 : i32
    %broadcast_in_dim3A_2633 = vector.broadcast %broadcast_in_dim3A_2632 : i32 to vector<128xi32>
    %get3A_2634 = arith.constant 0 : index
    %get3A_2635 = arith.constant 0 : index
    %get3A_2636 = vector.load %arg1[%get3A_2634, %get3A_2635] : memref<5120x1xf32, #tpu.memory_space<vmem>>, vector<4992x1xf32>
    %ge3A_2637 = arith.constant 2.000000e-01 : f32
    %ge3A_2638 = vector.broadcast %ge3A_2637 : f32 to vector<4992x1xf32>
    %ge3A_2639 = arith.cmpf oge, %get3A_2636, %ge3A_2638 : vector<4992x1xf32>
    %jit3A_2640 = arith.constant -1.000000e+00 : f32
    %broadcast_in_dim3A_2641 = vector.broadcast %jit3A_2640 : f32 to vector<4992x1xf32>
    %select_n3A_2642 = arith.select %ge3A_2639, %get3A_2636, %broadcast_in_dim3A_2641 : vector<4992x1xi1>, vector<4992x1xf32>
    %ge3A_2643 = vector.broadcast %select_n3A_2642 : vector<4992x1xf32> to vector<4992x128xf32>
    %ge3A_2644 = vector.broadcast %select_n3A_2631 : vector<1x128xf32> to vector<4992x128xf32>
    %ge3A_2645 = arith.cmpf oge, %ge3A_2643, %ge3A_2644 : vector<4992x128xf32>
    %convert_element_type3A_2646 = arith.extui %ge3A_2645 : vector<4992x128xi1> to vector<4992x128xi32>
    %reduce_sum3A_2647 = arith.constant dense<0> : vector<128xi32>
    %reduce_sum3A_2648 = vector.multi_reduction <add>, %convert_element_type3A_2646, %reduce_sum3A_2647 [0] : vector<4992x128xi32> to vector<128xi32>
    %add3A_2649 = arith.addi %broadcast_in_dim3A_2633, %reduce_sum3A_2648 : vector<128xi32>
    %get3A_2650 = arith.constant 4992 : index
    %get3A_2651 = arith.constant 0 : index
    %get3A_2652 = vector.load %arg1[%get3A_2650, %get3A_2651] : memref<5120x1xf32, #tpu.memory_space<vmem>>, vector<128x1xf32>
    %ge3A_2653 = arith.constant 2.000000e-01 : f32
    %ge3A_2654 = vector.broadcast %ge3A_2653 : f32 to vector<128x1xf32>
    %ge3A_2655 = arith.cmpf oge, %get3A_2652, %ge3A_2654 : vector<128x1xf32>
    %jit3A_2656 = arith.constant -1.000000e+00 : f32
    %broadcast_in_dim3A_2657 = vector.broadcast %jit3A_2656 : f32 to vector<128x1xf32>
    %select_n3A_2658 = arith.select %ge3A_2655, %get3A_2652, %broadcast_in_dim3A_2657 : vector<128x1xi1>, vector<128x1xf32>
    %gt3A_2659 = vector.broadcast %select_n3A_2658 : vector<128x1xf32> to vector<128x128xf32>
    %gt3A_2660 = vector.broadcast %select_n3A_2631 : vector<1x128xf32> to vector<128x128xf32>
    %gt3A_2661 = arith.cmpf ogt, %gt3A_2659, %gt3A_2660 : vector<128x128xf32>
    %eq3A_2662 = vector.broadcast %select_n3A_2658 : vector<128x1xf32> to vector<128x128xf32>
    %eq3A_2663 = vector.broadcast %select_n3A_2631 : vector<1x128xf32> to vector<128x128xf32>
    %eq3A_2664 = arith.cmpf oeq, %eq3A_2662, %eq3A_2663 : vector<128x128xf32>
    %and3A_2665 = arith.andi %eq3A_2664, %lt3A : vector<128x128xi1>
    %or3A_2666 = arith.ori %gt3A_2661, %and3A_2665 : vector<128x128xi1>
    %convert_element_type3A_2667 = arith.extui %or3A_2666 : vector<128x128xi1> to vector<128x128xi32>
    %reduce_sum3A_2668 = arith.constant dense<0> : vector<128xi32>
    %reduce_sum3A_2669 = vector.multi_reduction <add>, %convert_element_type3A_2667, %reduce_sum3A_2668 [0] : vector<128x128xi32> to vector<128xi32>
    %add3A_2670 = arith.addi %add3A_2649, %reduce_sum3A_2669 : vector<128xi32>
    %reshape3A_2671 = vector.shape_cast %add3A_2670 : vector<128xi32> to vector<1x128xi32>
    %swap3A_2672 = arith.constant 39 : index
    %swap3A_2673 = arith.constant 0 : index
    %swap3A_2674 = vector.load %arg2[%swap3A_2672, %swap3A_2673] : memref<40x128xi32, #tpu.memory_space<vmem>>, vector<1x128xi32>
    tpu.vector_store %arg2[%swap3A_2672, %swap3A_2673], %reshape3A_2671 {strides = array<i32>} : memref<40x128xi32, #tpu.memory_space<vmem>>, vector<1x128xi32>,
    return
  }
}

</mosaic_0001>

<sc_bundles>
// kernel: kernel.4.cloned.1.call-start
scs
__scs_entry_jumppad:
0x0: {  	(pc) =	sbr.rel $0x88, $3  }
0x1: {  	(tag) =	ssettag $0x0;
	lr =	simm.s32 $0x1  }
0x2: {  	[smem:$0x3F9E] =	sst lr;
	_ =	strace $0xD0000000  }
0x3: {  	_ = 	snop  }
0x4: {  	_ = 	snop  }
0x5: {  	_ = 	snop  }
0x6: {  	_ = 	snop  }
0x7: {  	_ = 	snop  }
__scs_overlays_trampoline_lowered:
0x8: {  	[smem:$0x3FAD] =	sst s0  }
0x9: {  	[smem:$0x3FAE] =	sst s1  }
0xa: {  	[smem:$0x3FAF] =	sst s2  }
0xb: {  	[smem:$0x3FB0] =	sst s3  }
0xc: {  	[smem:$0x3FB1] =	sst s4  }
0xd: {  	[smem:$0x3FB2] =	sst s5  }
0xe: {  	[smem:$0x3FB3] =	sst s6  }
0xf: {  	[smem:$0x3FB4] =	sst s7  }
0x10: {  	[smem:$0x3FB5] =	sst s8  }
0x11: {  	[smem:$0x3FB6] =	sst s9;
	s0 =	simm.s32 @!p0 $0x0  }
0x12: {  	s1 =	sld [smem:$0x3F9C];
	s0 =	simm.s32 @p0 $0x1  }
0x13: {  	[smem:$0x3FB7] =	sst s0;
	s0 =	simm.s32 @!p1 $0x0  }
0x14: {  	s2 =	sld [smem:$0x3F9B];
	s0 =	simm.s32 @p1 $0x1  }
0x15: {  	[smem:$0x3FB8] =	sst s0;
	s0 =	simm.s32 @!p2 $0x0  }
0x16: {  	s3 =	sld [smem:$0x3FDB];
	s0 =	simm.s32 @p2 $0x1  }
0x17: {  	s4 =	simm.s32 $0x1BF5;
	[smem:$0x3FBA] =	sst s0  }
0x18: {  	s0 =	sld [smem:$0x3F9D];
	_ =	swait.ge [sflag:s4], $0x0  }
0x19: {  	s7 =	sld [smem:$0x3F9E]  }
0x1a: {  	s8 =	sadd.s32 $0xFFFFE003, lr  }
0x1b: {  	s9 =	sadd.s32 $0xFFFFFEF7, lr;
	s5 =	simm.s32 $0xFFFFFFFF;
	p2 =	slt.u32 s8, $0xFFFFF086  }
0x1c: {  	p1 =	slt.u32 s9, $0xF7A;
	s5 =	simm.s32 @!p2 $0x0  }
0x1d: {  	s5 =	simm.s32 @p1 $0x1;
	p0 =	seq.s32 s7, s2  }
0x1e: {  	s7 =	smul.u32 @!p0 $0xF7A, s2;
	p2 =	seq.s32 @!p0 s5, $0x0  }
0x1f: {  	s9 =	smul.u32 $0xF7A, s1;
	s8 =	simm.s32 @!p0 $0x1BF5;
	p2 =	por !p2, p0  }
0x20: {  	[sflag:s8] =	ssyncset.s32 @!p0 $0xFFFFF086;
	s6 =	sadd.s32 @!p0 s3, s7;
	s7 =	simm.s32 @!p0 $0x108  }
0x21: {  	s3 =	sadd.s32 s3, s9;
	s6 =	sadd.s32 @!p0 $0x88, s6;
	s7 =	simm.s32 @p2 $0x1082  }
0x22: {  	[simem:s7], [sflag:s8] =	dma.local @!p0 [hbm:s6], $0xF7A  }
0x23: {  	s9 =	sor.u32 $0xD0000000, s2;
	s6 =	simm.s32 $0x108;
	_ =	swait.ge @!p0 [sflag:s8], $0x0  }
0x24: {  	s3 =	sadd.s32 $0x88, s3;
	s6 =	simm.s32 @!p1 $0x1082;
	[sflag:s4] =	ssyncset.s32 $0xFFFFF086  }
0x25: {  	[simem:s6], [sflag:s4] =	dma.local [hbm:s3], $0xF7A  }
0x26: {  	[smem:$0x3F9E] =	sst s1;
	(tag) =	ssettag s2;
	_ =	strace s9  }
0x27: {  	s1 =	sld [smem:$0x3FAE]  }
0x28: {  	s2 =	sld [smem:$0x3FAF]  }
0x29: {  	s4 =	sld [smem:$0x3FB1]  }
0x2a: {  	p0 =	seq.s32 s5, $0x0;
	s5 =	sld [smem:$0x3FB2]  }
0x2b: {  	s6 =	sld [smem:$0x3FB3]  }
0x2c: {  	s7 =	sld [smem:$0x3FB4]  }
0x2d: {  	s3 =	simm.s32 $0x108;
	s8 =	sld [smem:$0x3FB5]  }
0x2e: {  	s3 =	simm.s32 @!p0 $0x1082;
	s9 =	sld [smem:$0x3FB6]  }
0x2f: {  	lr =	sadd.s32 s0, s3;
	s0 =	sld [smem:$0x3FAD]  }
0x30: {  	s3 =	sld [smem:$0x3FB0]  }
0x31: {  	[smem:$0x3FB9] =	sst s10  }
0x32: {  	s10 =	sld [smem:$0x3FB7];
	_ =	sdelay $0x3  }
0x33: {  	p0 =	seq.s32 s10, $0x1;
	s10 =	sld [smem:$0x3FB9];
	_ =	sdelay $0x3  }
0x34: {  	[smem:$0x3FB9] =	sst s10  }
0x35: {  	s10 =	sld [smem:$0x3FB8];
	_ =	sdelay $0x3  }
0x36: {  	p1 =	seq.s32 s10, $0x1;
	s10 =	sld [smem:$0x3FB9];
	_ =	sdelay $0x3  }
0x37: {  	[smem:$0x3FB9] =	sst s10  }
0x38: {  	s10 =	sld [smem:$0x3FBA]  }
0x39: {  	_ = 	snop;
	(pc) =	sbr.ind lr, $3  }
0x3a: {  	_ = 	snop  }
0x3b: {  	_ = 	snop  }
0x3c: {  	p2 =	seq.s32 s10, $0x1;
	s10 =	sld [smem:$0x3FB9]  }
0x3d: {  	_ =	shalt  }
0x3e: {  	_ =	shalt  }
0x3f: {  	_ =	shalt  }
0x40: {  	_ =	shalt  }
0x41: {  	_ =	shalt  }
0x42: {  	_ =	shalt  }
0x43: {  	_ =	shalt  }
0x44: {  	_ =	shalt  }
0x45: {  	_ =	shalt  }
0x46: {  	_ =	shalt  }
0x47: {  	_ =	shalt  }
0x48: {  	_ =	shalt  }
0x49: {  	_ =	shalt  }
0x4a: {  	_ =	shalt  }
0x4b: {  	_ =	shalt  }
0x4c: {  	_ =	shalt  }
0x4d: {  	_ =	shalt  }
0x4e: {  	_ =	shalt  }
0x4f: {  	_ =	shalt  }
0x50: {  	_ =	shalt  }
0x51: {  	_ =	shalt  }
0x52: {  	_ =	shalt  }
0x53: {  	_ =	shalt  }
0x54: {  	_ =	shalt  }
0x55: {  	_ =	shalt  }
0x56: {  	_ =	shalt  }
0x57: {  	_ =	shalt  }
0x58: {  	_ =	shalt  }
0x59: {  	_ =	shalt  }
0x5a: {  	_ =	shalt  }
0x5b: {  	_ =	shalt  }
0x5c: {  	_ =	shalt  }
0x5d: {  	_ =	shalt  }
0x5e: {  	_ =	shalt  }
0x5f: {  	_ =	shalt  }
0x60: {  	_ =	shalt  }
0x61: {  	_ =	shalt  }
0x62: {  	_ =	shalt  }
0x63: {  	_ =	shalt  }
0x64: {  	_ =	shalt  }
0x65: {  	_ =	shalt  }
0x66: {  	_ =	shalt  }
0x67: {  	_ =	shalt  }
0x68: {  	_ =	shalt  }
0x69: {  	_ =	shalt  }
0x6a: {  	_ =	shalt  }
0x6b: {  	_ =	shalt  }
0x6c: {  	_ =	shalt  }
0x6d: {  	_ =	shalt  }
0x6e: {  	_ =	shalt  }
0x6f: {  	_ =	shalt  }
0x70: {  	_ =	shalt  }
0x71: {  	_ =	shalt  }
0x72: {  	_ =	shalt  }
0x73: {  	_ =	shalt  }
0x74: {  	_ =	shalt  }
0x75: {  	_ =	shalt  }
0x76: {  	_ =	shalt  }
0x77: {  	_ =	shalt  }
0x78: {  	_ =	shalt  }
0x79: {  	_ =	shalt  }
0x7a: {  	_ =	shalt  }
0x7b: {  	_ =	shalt  }
0x7c: {  	_ =	shalt  }
0x7d: {  	_ =	shalt  }
0x7e: {  	_ =	shalt  }
0x7f: {  	_ =	shalt  }
0x80: {  	_ =	shalt  }
0x81: {  	_ =	shalt  }
0x82: {  	_ =	shalt  }
0x83: {  	_ =	shalt  }
0x84: {  	_ =	shalt  }
0x85: {  	_ =	shalt  }
0x86: {  	_ =	shalt  }
0x87: {  	_ =	shalt  }
.Lfunc_end0:
.L_simem_size_0:
called_computation_lowered:
.L_overlay_start_0:
0x88: {  	s2 =	sld [smem:$0x3FD9]  }
0x89: {  	s3 =	sld [smem:$0x3FFE];
	_ =	sdelay $0x1  }
0x8a: {  	s1 =	srdreg.scid  }
0x8b: {  	s0 =	sand.u32 $0x1, s1  }
0x8c: {  	s16 =	sshll.u32 s0, $0xA;
	s2 =	sadd.s32 s3, s2  }
0x8d: {  	s2 =	sadd.s32 s2, s16  }
0x8e: {  	[smem:$0x3FC5] =	sst s2  }
0x8f: {  	_ = 	snop  }
0x90: {  	(tm) =	ssettm $0x1  }
0x91: {  	s17 =	sld [smem:$0x3FFB];
	_ =	sdelay $0x3  }
0x92: {  	_ =	strace s17  }
0x93: {  	s2 =	sld [smem:$0x3FFC];
	_ =	sdelay $0x3  }
0x94: {  	_ =	strace s2  }
0x95: {  	s2 =	sld [smem:$0x3FFD];
	_ =	sdelay $0x3  }
0x96: {  	_ =	strace s2  }
0x97: {  	_ =	strace $0x8FFFFFFF  }
0x98: {  	s18 =	sld [smem:$0x3FDB];
	_ =	sdelay $0x1  }
0x99: {  	s19 =	simm.s32 $_scs_section_size  }
0x9a: {  	s4 =	simm.s32 $_size__tile_overlayer_lowered;
	s5 =	simm.s32 $_tile_overlayer_lowered  }
0x9b: {  	s22 =	simm.s32 $0x1BFF;
	s21 =	sshll.u32 s5, $0x1;
	s2 =	sadd.s32 s19, s18  }
0x9c: {  	s6 =	simm.s32 $0x0;
	s20 =	sshll.u32 s4, $0x1;
	s4 =	sadd.s32 s21, s2  }
0x9d: {  	[timem:s6], [sflag:s22] =	dma.local [hbm:s4], s20  }
0x9e: {  	_ =	swait.ge [sflag:s22], s20  }
0x9f: {  	s3 =	ssub.s32 $0x0, s20;
	[sflag:s22] =	ssyncset.done $0x0  }
0xa0: {  	[sflag:s22] =	ssyncadd.s32 s3;
	_ =	sdelay $0x1  }
0xa1: {  	s23 =	simm.s32 $0x1B8B  }
0xa2: {  	_ =	swait.ge [sflag:s23], $0x1  }
0xa3: {  	[sflag:s23] =	ssyncset.done $0x0  }
0xa4: {  	s25 =	simm.s32 $0x1B8E;
	s24 =	sld [smem:$0x3FFE];
	[sflag:s23] =	ssyncadd.s32 $0xFFFFFFFF  }
0xa5: {  	s26 =	simm.s32 $execute0_lowered;
	[smem:$0x3FD2] =	sst s25  }
0xa6: {  	s4 =	sshll.u32 s26, $0x1;
	_ =	strace $0x80000046;
	[dreg:$0x1] =	wrdreg $0xFFFFFFFF  }
0xa7: {  	s28 =	simm.s32 $_size_execute0_lowered;
	s2 =	sadd.s32 s2, s4;
	[dreg:$0x0] =	wrdreg $0x0  }
0xa8: {  	s4 =	sshll.u32 s28, $0x1;
	[dreg:$0x2] =	wrdreg s2  }
0xa9: {  	[dreg:$0x3] =	wrdreg s4  }
0xaa: {  	[dreg:$0x4] =	wrdreg $0xC0  }
0xab: {  	_ =	task [dreg:s6], $0x5FFFF  }
0xac: {  	[dreg:$0x1] =	wrdreg $0xFFFFFFFF  }
0xad: {  	[dreg:$0x0] =	wrdreg $0x60  }
0xae: {  	[dreg:$0x2] =	wrdreg s24  }
0xaf: {  	[dreg:$0x3] =	wrdreg $0x9  }
0xb0: {  	_ =	task.clear_ibuf [dreg:s6], $0x4FFFF;
	_ =	strace $0x90000046  }
0xb1: {  	s29 =	simm.s32 $0x9;
	_ =	strace $0x80000048  }
0xb2: {  	_ =	swait.ge [sflag:s29], $0x1  }
0xb3: {  	[sflag:s29] =	ssyncadd.s32 $0xFFFFFFFF  }
0xb4: {  	_ =	strace $0x90000048  }
0xb5: {  	_ =	sfence  }
0xb6: {  	s30 =	sld [smem:$0x0];
	_ =	sdelay $0x2  }
0xb7: {  	s31 =	sshll.u32 s1, $0xD;
	s1 =	sshrl.u32 s1, $0x2  }
0xb8: {  	s3 =	sand.u32 $0x4000, s31;
	s1 =	sadd.s32 s1, s30  }
0xb9: {  	s0 =	sor.u32 s3, s0;
	s1 =	sshll.u32 s1, $0x11  }
0xba: {  	s0 =	sor.u32 s1, s0  }
0xbb: {  	s0 =	sadd.s32 $0x8F2B, s0  }
0xbc: {  	[sflag:s0] =	ssyncadd.remote.s32 $0x1  }
0xbd: {  	_ =	sfence.sel $0xFFFF  }
0xbe: {  	[dreg:$0x0] =	wrdreg $0xFFFFFFFF;
	(pc) =	sbr.abs _section_cstart, $3  }
0xbf: {  	[dreg:$0x1] =	wrdreg $0xFFFFFFFF  }
0xc0: {  	_ =	task.clear_ibuf [dreg:s6], $0x2FFFF;
	_ =	strace $0x9FFFFFFF  }
0xc1: {  	(tm) =	ssettm $0x7FFFFFFF  }
tec
execute0_lowered:
.L_overlay_start_1:
0x0: {  	(tag) =	ssettag $0x1  }
0x1: {  	s0 =	srdreg.scid  }
0x2: {  	s2 =	stileid.u32;
	s1 =	sand.u32 $0x1, s0  }
0x3: {  	s2 =	sor.u32 s2, s1  }
0x4: {  	p0 =	sne.s32 s2, $0x0  }
.Ltmp0:
0x5: {  	_ = 	snop;
	(pc) =	sbr.rel @!p0 .LBB2_1-.Ltmp0, $2  }
0x6: {  	_ =	sdelay $0x2  }
0x7: {  	s0 =	rddreg [dreg:$0x0];
	_ =	strace $0x80000047  }
.LBB2_11:
0x8: {  	_ =	sfence.sel $0x180000  }
0x9: {  	[bflag:$0x0] =	sbarrier.arrive $0xFFFF  }
0xa: {  	_ =	strace $0x90000047  }
0xb: {  	s0 =	stileid.u32;
	[bflag:$0x2] =	sbarrier.arrive $0xFFFF  }
0xc: {  	p0 =	sne.s32 s0, $0x0;
	s0 =	rddreg [dreg:$0x1]  }
0xd: {  	s0 =	sadd.s32 @!p0 $0x100000, s0  }
0xe: {  	[sflag:s0] =	ssyncadd.tile.s32 @!p0 $0x1;
	_ =	shalt  }
.LBB2_1:
0xf: {  	s2 =	sadd.s32 $0x1200, s0;
	s1 =	ssub.s32 $0x2, s1  }
0x10: {  	s25 =	sadd.s32 $0xE00, s0;
	s26 =	sadd.s32 $0x2000, s0;
	s30 =	sadd.s32 $0x1C00, s0  }
0x11: {  	s31 =	sadd.s32 $0x2400, s0;
	s8 =	simm.s32 $0x0;
	s9 =	simm.s32 $0x7680  }
0x12: {  	s10 =	simm.s32 $0xEE80;
	s11 =	simm.s32 $0x10280;
	s12 =	simm.s32 $0x11680  }
0x13: {  	s13 =	simm.s32 $0x12A80;
	s14 =	simm.s32 $0x1;
	s15 =	simm.s32 $0x13E80  }
0x14: {  	s16 =	simm.s32 $0x15280;
	s17 =	simm.s32 $0x8A80;
	s18 =	simm.s32 $0x9E80  }
0x15: {  	s19 =	simm.s32 $0xB280;
	s20 =	simm.s32 $0xC680;
	[dreg:$0x2] =	wrdreg s2  }
.Ltmp1:
0x16: {  	v0 =	vlaneseq.u32;
	v1 =	vimm.f32 $1.000000020e+30;
	s21 =	simm.s32 $0xDA80;
	[dreg:$0x3] =	wrdreg s25;
	(pc) =	sbr.rel .LBB2_2-.Ltmp1, $4  }
0x17: {  	v2 =	vimm.f32 $-1.000000020e+30;
	v3 =	vimm.f32 $0.0e+00;
	s22 =	simm.s32 $0x16680;
	s23 =	simm.s32 $0x16700;
	[dreg:$0x4] =	wrdreg s26;
	v4 =	vmul.u32 $0x80, v0  }
0x18: {  	vm0 =	vmxor vm0, vm0;
	v5 =	vimm.f32 $1.000000000e+00;
	v6 =	vimm.s32 $0x10;
	s24 =	simm.s32 $0x16780;
	s28 =	simm.s32 $0x16B80;
	[dreg:$0x5] =	wrdreg s30  }
0x19: {  	s29 =	simm.s32 $0x0;
	s7 =	sshrl.u32 s1, $0x1;
	[dreg:$0x6] =	wrdreg s31;
	v7 =	vadd.s32 $0x780, v4;
	v8 =	vor.u32 $0x1, v4;
	v9 =	vadd.s32 $0x781, v4  }
0x1a: {  	s25 =	simm.s32 $0x16800;
	s26 =	simm.s32 $0x16880;
	s7 =	ssub.s32 s1, s7;
	v10 =	vor.u32 $0x2, v4;
	v11 =	vadd.s32 $0x782, v4;
	v12 =	vor.u32 $0x3, v4  }
.LBB2_10:
0x1b: {  	v13 =	vld [tilespmem:$0x16900];
	_ =	sdelay $0x4  }
0x1c: {  	[tilespmem:v4+s28+$0x0] =	vst.idx.msk $0x7fff, v13  }
0x1d: {  	v13 =	vld [tilespmem:$0x16910];
	_ =	sdelay $0x4  }
0x1e: {  	[tilespmem:v7+s28+$0x0] =	vst.idx.msk $0x7fff, v13  }
0x1f: {  	v13 =	vld [tilespmem:$0x16980];
	_ =	sdelay $0x4  }
0x20: {  	[tilespmem:v8+s28+$0x0] =	vst.idx.msk $0x7fff, v13  }
0x21: {  	v13 =	vld [tilespmem:$0x16990];
	_ =	sdelay $0x4  }
0x22: {  	[tilespmem:v9+s28+$0x0] =	vst.idx.msk $0x7fff, v13  }
0x23: {  	v13 =	vld [tilespmem:$0x16A00];
	_ =	sdelay $0x4  }
0x24: {  	[tilespmem:v10+s28+$0x0] =	vst.idx.msk $0x7fff, v13  }
0x25: {  	v13 =	vld [tilespmem:$0x16A10];
	_ =	sdelay $0x4  }
0x26: {  	[tilespmem:v11+s28+$0x0] =	vst.idx.msk $0x7fff, v13  }
0x27: {  	v13 =	vld [tilespmem:$0x16A80];
	_ =	sdelay $0x4  }
0x28: {  	[tilespmem:v12+s28+$0x0] =	vst.idx.msk $0x7fff, v13  }
0x29: {  	v14 =	vadd.s32 $0x783, v4;
	v13 =	vld [tilespmem:$0x16A90];
	_ =	sdelay $0x4  }
0x2a: {  	[tilespmem:v14+s28+$0x0] =	vst.idx.msk $0x7fff, v13  }
0x2b: {  	v14 =	vor.u32 $0x4, v4;
	v13 =	vld [tilespmem:$0x16B00];
	_ =	sdelay $0x4  }
0x2c: {  	[tilespmem:v14+s28+$0x0] =	vst.idx.msk $0x7fff, v13  }
0x2d: {  	v14 =	vadd.s32 $0x784, v4;
	v13 =	vld [tilespmem:$0x16B10];
	_ =	sdelay $0x2  }
0x2e: {  	s29 =	sadd.s32 $0x1, s29  }
0x2f: {  	p0 =	sne.s32 s29, s7  }
.Ltmp2:
0x30: {  	s0 =	rddreg [dreg:$0x6];
	[tilespmem:v14+s28+$0x0] =	vst.idx.msk $0x7fff, v13;
	(pc) =	sbr.rel @!p0 .LBB2_11-.Ltmp2, $4  }
0x31: {  	[hbm4b:s0+s8] =	stream.linear.scatter [tilespmem:s28], [sflag:$0x1], $0xF00, $0x38;
	[tilespmem:$0x17B80] =	vst v63  }
0x32: {  	_ =	swait.ge [sflag:s14], $0xF00  }
0x33: {  	[sflag:s14] =	ssyncset.done $0x0  }
0x34: {  	[sflag:s14] =	ssyncadd.s32 $0xFFFFF100  }
.LBB2_2:
0x35: {  	s0 =	rddreg [dreg:$0x2]  }
0x36: {  	[tilespmem:s8], [sflag:$0x1] =	stream.linear.gather [hbm4b:s0+s8], $0x4E80, $0x38;
	[tilespmem:$0x17B80] =	vst v63  }
0x37: {  	_ =	swait.ge [sflag:s14], $0x4E80  }
0x38: {  	[sflag:s14] =	ssyncset.done $0x0  }
0x39: {  	s1 =	simm.s32 $0x4E80;
	s2 =	rddreg [dreg:$0x3];
	[sflag:s14] =	ssyncadd.s32 $0xFFFFB180  }
0x3a: {  	[tilespmem:s1], [sflag:$0x1] =	stream.linear.gather [hbm4b:s2+s8], $0x1390, $0x38;
	[tilespmem:$0x17B80] =	vst v63  }
0x3b: {  	_ =	swait.ge [sflag:s14], $0x1390  }
0x3c: {  	s30 =	simm.s32 $0x6280;
	[sflag:s14] =	ssyncset.done $0x0  }
0x3d: {  	s4 =	simm.s32 $0x0;
	s3 =	rddreg [dreg:$0x4];
	[sflag:s14] =	ssyncadd.s32 $0xFFFFEC70  }
0x3e: {  	[tilespmem:s30], [sflag:$0x1] =	stream.linear.gather [hbm4b:s3+s8], $0x1400, $0x38;
	[tilespmem:$0x17B80] =	vst v63  }
0x3f: {  	v13 =	vor.u32 s8, v0;
	s31 =	sand.u32 $0x70, s8;
	s0 =	sand.u32 $0xFFFFFF80, s4;
	_ =	swait.ge [sflag:s14], $0x1400  }
0x40: {  	vm1 =	vlt.s32 v13, $0x1387;
	s0 =	sor.u32 s31, s0;
	[sflag:s14] =	ssyncset.done $0x0  }
0x41: {  	v14 =	vnsel vm1, $0x1387, v13;
	v15 =	vor.u32 s0, v0;
	s5 =	rddreg [dreg:$0x5];
	[sflag:s14] =	ssyncadd.s32 $0xFFFFEC00  }
0x42: {  	v16 =	vshll.u32 v14, $0x2;
	[tilespmem:s9], [sflag:$0x1] =	stream.linear.gather [hbm4b:s5+s8], $0x1400, $0x38;
	[tilespmem:$0x17B80] =	vst v63  }
0x43: {  	v17 =	vor.u32 $0x2, v16;
	_ =	swait.ge [sflag:s14], $0x1400  }
0x44: {  	[sflag:s14] =	ssyncset.done $0x0  }
0x45: {  	[sflag:s14] =	ssyncadd.s32 $0xFFFFEC00  }
0x46: {  	v14 =	vld.idx.msk [tilespmem:v15+s9+$0x0], $0xffff  }
0x47: {  	v15 =	vor.u32 $0x1, v16  }
0x48: {  	vm1 =	vlt.u32 v13, $0x1388;
	v18 =	vor.u32 $0x3, v16;
	v21 =	vld.idx.msk [tilespmem:v17+s8+$0x0], $0xffff  }
0x49: {  	v17 =	vld [tilespmem:s1+$0x0]  }
0x4a: {  	v19 =	vld [tilespmem:s30+$0x0]  }
0x4b: {  	s6 =	simm.s32 $0x10;
	v16 =	vld.idx.msk [tilespmem:v16+s8+$0x0], $0xffff  }
0x4c: {  	v13 =	vor.u32 s6, v0;
	v22 =	vld.idx.msk [tilespmem:v15+s8+$0x0], $0xffff  }
0x4d: {  	vm2 =	vlt.s32 v13, $0x1387;
	v18 =	vld.idx.msk [tilespmem:v18+s8+$0x0], $0xffff  }
0x4e: {  	s31 =	simm.s32 $0x10;
	v15 =	vnsel vm2, $0x1387, v13;
	[tilespmem:v14+s10+$0x0] =	vst.idx.msk vm1, v17  }
0x4f: {  	s0 =	sand.u32 $0x70, s6;
	s31 =	sand.u32 $0xFFFFFF80, s31;
	v15 =	vshll.u32 v15, $0x2;
	[tilespmem:v14+s11+$0x0] =	vst.idx.msk vm1, v19  }
0x50: {  	s0 =	sor.u32 s0, s31;
	v20 =	vor.u32 $0x2, v15;
	[tilespmem:v14+s12+$0x0] =	vst.idx.msk vm1, v16  }
0x51: {  	v19 =	vor.u32 s0, v0;
	[tilespmem:v14+s13+$0x0] =	vst.idx.msk vm1, v22  }
0x52: {  	s31 =	simm.s32 $0x2;
	v17 =	vor.u32 $0x3, v15;
	s0 =	simm.s32 $0x20;
	v16 =	vimm.f32 $-3.000000010e+38;
	[tilespmem:v14+s15+$0x0] =	vst.idx.msk vm1, v21;
	v21 =	vmax.f32 v21, v18  }
.LBB2_3:
0x53: {  	s1 =	sadd.s32 $0x10, s1  }
0x54: {  	v22 =	vor.u32 s0, v0;
	[tilespmem:v14+s16+$0x0] =	vst.idx.msk vm1, v18;
	v16 =	vmax.f32 v16, v21;
	s30 =	sadd.s32 $0x10, s30;
	s2 =	smov.u32 s31;
	s3 =	sadd.s32 $0x1, s31  }
0x55: {  	p0 =	sne.s32 s31, $0x138;
	vm1 =	vlt.s32 v22, $0x1387;
	v21 =	vld.idx.msk [tilespmem:v20+s8+$0x0], $0xffff  }
0x56: {  	v18 =	vor.u32 $0x1, v15;
	v20 =	vnsel vm1, $0x1387, v22;
	v14 =	vld.idx.msk [tilespmem:v19+s9+$0x0], $0xffff;
	_ =	sdelay $0x1  }
0x57: {  	vm1 =	vlt.u32 v13, $0x1388;
	v13 =	vmov v22;
	v19 =	vld [tilespmem:s1+$0x0]  }
0x58: {  	v22 =	vld.idx.msk [tilespmem:v15+s8+$0x0], $0xffff  }
0x59: {  	v23 =	vld [tilespmem:s30+$0x0]  }
0x5a: {  	v24 =	vld.idx.msk [tilespmem:v18+s8+$0x0], $0xffff  }
0x5b: {  	v18 =	vld.idx.msk [tilespmem:v17+s8+$0x0], $0xffff  }
0x5c: {  	s2 =	sshll.u32 s2, $0x4  }
.Ltmp3:
0x5d: {  	s31 =	sand.u32 $0x70, s0;
	s2 =	sand.u32 $0xFFFFFF80, s2;
	v15 =	vshll.u32 v20, $0x2;
	[tilespmem:v14+s10+$0x0] =	vst.idx.msk vm1, v19;
	(pc) =	sbr.rel @p0 .LBB2_3-.Ltmp3, $4  }
0x5e: {  	s2 =	sor.u32 s31, s2;
	v20 =	vor.u32 $0x2, v15;
	v17 =	vor.u32 $0x3, v15;
	[tilespmem:v14+s11+$0x0] =	vst.idx.msk vm1, v23  }
0x5f: {  	v19 =	vor.u32 s2, v0;
	[tilespmem:v14+s12+$0x0] =	vst.idx.msk vm1, v22  }
0x60: {  	[tilespmem:v14+s13+$0x0] =	vst.idx.msk vm1, v24  }
0x61: {  	s0 =	sadd.s32 $0x10, s0;
	s31 =	smov.u32 s3;
	[tilespmem:v14+s15+$0x0] =	vst.idx.msk vm1, v21;
	v21 =	vmax.f32 v21, v18  }
0x62: {  	_ =	sdelay $0x4  }
0x63: {  	[tilespmem:v14+s16+$0x0] =	vst.idx.msk vm1, v18  }
0x64: {  	v14 =	vld.idx.msk [tilespmem:v20+s8+$0x0], $0xffff  }
0x65: {  	v17 =	vld.idx.msk [tilespmem:v17+s8+$0x0], $0xffff;
	_ =	sdelay $0x4  }
0x66: {  	v16 =	vmax.f32 v16, v21;
	v18 =	vmax.f32 v14, v17  }
0x67: {  	v16 =	vmax.f32 v16, v18  }
0x68: {  	(xrf0) =	vmax.scan.msk.f32 $0xffff, v16;
	_ =	sdelay $0x5  }
0x69: {  	v16 =	vld.idx.msk [tilespmem:v19+s9+$0x0], $0xffff;
	v19, _, _ =	vpop (xrf0)  }
0x6a: {  	v18 =	vor.u32 $0x1, v15;
	(v2sf) =	vpush v19, $0xF  }
0x6b: {  	s0 =	sadd.s32 $0x10, s1;
	vm1 =	vlt.u32 v13, $0x1388  }
0x6c: {  	s6 =	sadd.s32 $0x10, s30;
	v13 =	vld [tilespmem:s0+$0x0]  }
0x6d: {  	v19 =	vld [tilespmem:s6+$0x0]  }
0x6e: {  	v15 =	vld.idx.msk [tilespmem:v15+s8+$0x0], $0xffff  }
0x6f: {  	v18 =	vld.idx.msk [tilespmem:v18+s8+$0x0], $0xffff;
	_ =	sdelay $0x1  }
0x70: {  	[tilespmem:v16+s10+$0x0] =	vst.idx.msk vm1, v13  }
0x71: {  	[tilespmem:v16+s11+$0x0] =	vst.idx.msk vm1, v19  }
0x72: {  	[tilespmem:v16+s12+$0x0] =	vst.idx.msk vm1, v15  }
0x73: {  	[tilespmem:v16+s13+$0x0] =	vst.idx.msk vm1, v18  }
0x74: {  	[tilespmem:v16+s15+$0x0] =	vst.idx.msk vm1, v14  }
0x75: {  	s0 =	simm.s32 $0x0;
	[tilespmem:v16+s16+$0x0] =	vst.idx.msk vm1, v17  }
0x76: {  	v13 =	vld [tilespmem:s0+$0x10280];
	_ =	sdelay $0x1  }
0x77: {  	v16 =	vld [tilespmem:s0+$0x11680];
	s31 =	spop (v2sf)  }
0x78: {  	v18 =	vld [tilespmem:s0+$0x12A80];
	s1 =	sadd.f32 $1.000000000e+00, s31  }
0x79: {  	v21 =	vld [tilespmem:s0+$0x13E80]  }
0x7a: {  	v22 =	vld [tilespmem:s0+$0x15280];
	v14 =	vcvt.s32.f32 v13;
	v13 =	vmov s1;
	s1 =	simm.s32 $0x10  }
0x7b: {  	v17 =	vld [tilespmem:s1+$0x10280]  }
0x7c: {  	v23 =	vmul.f32 v14, v13  }
0x7d: {  	v15 =	vld [tilespmem:s1+$0x11680]  }
0x7e: {  	v14 =	vld [tilespmem:s1+$0x12A80];
	v20 =	vadd.f32 v23, v16;
	v19 =	vadd.f32 v23, v18  }
0x7f: {  	s30 =	simm.s32 $0x80;
	v16 =	vld [tilespmem:s1+$0x13E80];
	v21 =	vadd.f32 v23, v21;
	v18 =	vadd.f32 v23, v22  }
.LBB2_5:
0x80: {  	s2 =	sshra.s32 s30, $0x2;
	v22 =	vld [tilespmem:s1+$0x15280];
	v23 =	vcvt.s32.f32 v17;
	[tilespmem:s0+$0x8A80] =	vst v20;
	p0 =	sne.s32 s30, $0x4E00  }
.Ltmp4:
0x81: {  	s30 =	sadd.s32 $0x40, s30;
	v17 =	vld [tilespmem:s2+$0x10280];
	[tilespmem:s0+$0x9E80] =	vst v19;
	v20 =	vsub.f32 v21, v20;
	v19 =	vsub.f32 v18, v19;
	(pc) =	sbr.rel @p0 .LBB2_5-.Ltmp4, $4  }
0x82: {  	v23 =	vmul.f32 v23, v13;
	[tilespmem:s0+$0xB280] =	vst v21;
	v21 =	vmov v15  }
0x83: {  	v15 =	vld [tilespmem:s2+$0x11680];
	[tilespmem:s0+$0xC680] =	vst v18;
	v24 =	vmul.f32 v19, v20  }
0x84: {  	v20 =	vadd.f32 v23, v21;
	v19 =	vadd.f32 v23, v14;
	v14 =	vld [tilespmem:s2+$0x12A80]  }
0x85: {  	v21 =	vadd.f32 v23, v16;
	v16 =	vld [tilespmem:s2+$0x13E80];
	v18 =	vadd.f32 v23, v22;
	[tilespmem:s0+$0xDA80] =	vst v24;
	s0 =	smov.u32 s1;
	s1 =	smov.u32 s2  }
0x86: {  	v22 =	vld [tilespmem:s1+$0x15280];
	v17 =	vcvt.s32.f32 v17;
	_ =	sdelay $0x1  }
0x87: {  	[tilespmem:s0+$0x8A80] =	vst v20;
	v61 =	vsub.f32 v21, v20;
	v62 =	vsub.f32 v18, v19;
	v13 =	vmul.f32 v17, v13  }
0x88: {  	[tilespmem:s0+$0x9E80] =	vst v19  }
0x89: {  	[tilespmem:s0+$0xB280] =	vst v21;
	v17 =	vmul.f32 v62, v61;
	v15 =	vadd.f32 v13, v15;
	v14 =	vadd.f32 v13, v14  }
0x8a: {  	[tilespmem:s0+$0xC680] =	vst v18;
	v16 =	vadd.f32 v13, v16;
	v13 =	vadd.f32 v13, v22  }
0x8b: {  	[tilespmem:s0+$0xDA80] =	vst v17  }
0x8c: {  	[tilespmem:s1+$0x8A80] =	vst v15;
	v15 =	vsub.f32 v16, v15;
	v63 =	vsub.f32 v13, v14  }
0x8d: {  	[tilespmem:s1+$0x9E80] =	vst v14  }
0x8e: {  	[tilespmem:s1+$0xB280] =	vst v16;
	v14 =	vmul.f32 v63, v15  }
0x8f: {  	[tilespmem:s1+$0xC680] =	vst v13  }
0x90: {  	[tilespmem:s1+$0xDA80] =	vst v14  }
0x91: {  	[tilespmem:$0x16680] =	vst v1  }
0x92: {  	[tilespmem:$0x16700] =	vst v1  }
0x93: {  	[tilespmem:$0x16780] =	vst v2  }
0x94: {  	[tilespmem:$0x16800] =	vst v2  }
0x95: {  	[tilespmem:$0x16880] =	vst v3  }
0x96: {  	[tilespmem:$0x16900] =	vst v3  }
0x97: {  	[tilespmem:$0x16980] =	vst v3  }
0x98: {  	[tilespmem:$0x16A00] =	vst v3  }
0x99: {  	[tilespmem:$0x16A80] =	vst v3  }
0x9a: {  	[tilespmem:$0x16B00] =	vst v3  }
0x9b: {  	[tilespmem:$0x16690] =	vst v1  }
0x9c: {  	[tilespmem:$0x16710] =	vst v1  }
0x9d: {  	[tilespmem:$0x16790] =	vst v2  }
0x9e: {  	[tilespmem:$0x16810] =	vst v2  }
0x9f: {  	[tilespmem:$0x16890] =	vst v3  }
.Ltmp5:
0xa0: {  	[tilespmem:$0x16910] =	vst v3;
	(pc) =	sbr.rel .LBB2_7-.Ltmp5, $4  }
0xa1: {  	[tilespmem:$0x16990] =	vst v3  }
0xa2: {  	[tilespmem:$0x16A10] =	vst v3  }
0xa3: {  	[tilespmem:$0x16A90] =	vst v3  }
0xa4: {  	s6 =	simm.s32 $0x0;
	s31 =	simm.s32 $0x0;
	s1 =	simm.s32 $0x0;
	[tilespmem:$0x16B10] =	vst v3  }
.LBB2_9:
0xa5: {  	v13 =	vmctz.xlane vm2;
	_ =	sdelay $0x1  }
0xa6: {  	(v2sf) =	vpush v13, $0x0;
	_ =	sdelay $0xe  }
0xa7: {  	s2 =	spop (v2sf)  }
0xa8: {  	s0 =	sadd.s32 s1, s2  }
0xa9: {  	p0 =	slt.s32 s0, $0x1388  }
0xaa: {  	s0 =	simm.s32 @!p0 $0x1388  }
0xab: {  	v13 =	vmov s0;
	_ =	sdelay $0x4  }
0xac: {  	v14 =	vmctz.xlane vm1;
	v15 =	vld.idx.msk [tilespmem:v13+s11+$0x0], $0xffff;
	_ =	sdelay $0x1  }
0xad: {  	(v2sf) =	vpush v14, $0x0;
	_ =	sdelay $0x2  }
0xae: {  	(v2sf) =	vpush v15, $0x0;
	_ =	sdelay $0xb  }
0xaf: {  	s3 =	spop (v2sf)  }
0xb0: {  	p1 =	slt.s32 s2, $0x10;
	p5 =	slt.s32 s2, s3  }
0xb1: {  	p0 =	por !p1, !p5  }
0xb2: {  	p0 =	por !p0, !p0;
	s4 =	spop (v2sf)  }
0xb3: {  	p1 =	seq.s32 @p0 s4, $0x0  }
0xb4: {  	s30 =	smov.u32 s6;
	s5 =	sadd.s32 @p0 $0x10, s31;
	p1 =	por !p1, !p0  }
0xb5: {  	s30 =	smov.u32 @p1 s5;
	s5 =	simm.s32 @p0 $0x8A80  }
0xb6: {  	v14 =	vmov @p0 s30;
	v15 =	vld.idx.msk @p0 [tilespmem:v13+s5+$0x0], $0xffff;
	_ =	sdelay $0x3  }
0xb7: {  	s5 =	simm.s32 @p0 $0x16680  }
0xb8: {  	[tilespmem:v14+s5+$0x0] =	vst.idx.msk @p0 $0x1, v15;
	s5 =	simm.s32 @p0 $0x9E80  }
0xb9: {  	v15 =	vld.idx.msk @p0 [tilespmem:v13+s5+$0x0], $0xffff;
	_ =	sdelay $0x3  }
0xba: {  	s5 =	simm.s32 @p0 $0x16700  }
0xbb: {  	[tilespmem:v14+s5+$0x0] =	vst.idx.msk @p0 $0x1, v15;
	s5 =	simm.s32 @p0 $0xB280  }
0xbc: {  	v15 =	vld.idx.msk @p0 [tilespmem:v13+s5+$0x0], $0xffff;
	_ =	sdelay $0x3  }
0xbd: {  	s5 =	simm.s32 @p0 $0x16780  }
0xbe: {  	[tilespmem:v14+s5+$0x0] =	vst.idx.msk @p0 $0x1, v15;
	s5 =	simm.s32 @p0 $0xC680  }
0xbf: {  	v15 =	vld.idx.msk @p0 [tilespmem:v13+s5+$0x0], $0xffff;
	_ =	sdelay $0x3  }
0xc0: {  	s5 =	simm.s32 @p0 $0x16800  }
0xc1: {  	[tilespmem:v14+s5+$0x0] =	vst.idx.msk @p0 $0x1, v15;
	s5 =	simm.s32 @p0 $0xDA80  }
0xc2: {  	v15 =	vld.idx.msk @p0 [tilespmem:v13+s5+$0x0], $0xffff;
	_ =	sdelay $0x3  }
0xc3: {  	s5 =	simm.s32 @p0 $0x16880  }
0xc4: {  	[tilespmem:v14+s5+$0x0] =	vst.idx.msk @p0 $0x1, v15;
	s5 =	simm.s32 @p0 $0x11680  }
0xc5: {  	v15 =	vld.idx.msk @p0 [tilespmem:v13+s5+$0x0], $0xffff;
	_ =	sdelay $0x3  }
0xc6: {  	s5 =	simm.s32 @p0 $0x16900  }
0xc7: {  	[tilespmem:v14+s5+$0x0] =	vst.idx.msk @p0 $0x1, v15;
	s5 =	simm.s32 @p0 $0x12A80  }
0xc8: {  	v15 =	vld.idx.msk @p0 [tilespmem:v13+s5+$0x0], $0xffff;
	_ =	sdelay $0x3  }
0xc9: {  	s5 =	simm.s32 @p0 $0x16980  }
0xca: {  	[tilespmem:v14+s5+$0x0] =	vst.idx.msk @p0 $0x1, v15;
	s5 =	simm.s32 @p0 $0x13E80  }
0xcb: {  	v15 =	vld.idx.msk @p0 [tilespmem:v13+s5+$0x0], $0xffff;
	_ =	sdelay $0x3  }
0xcc: {  	s5 =	simm.s32 @p0 $0x16A00  }
0xcd: {  	[tilespmem:v14+s5+$0x0] =	vst.idx.msk @p0 $0x1, v15;
	s5 =	simm.s32 @p0 $0x15280  }
0xce: {  	v15 =	vld.idx.msk @p0 [tilespmem:v13+s5+$0x0], $0xffff;
	s5 =	simm.s32 $0x1  }
0xcf: {  	s5 =	simm.s32 @!p0 $0x0  }
0xd0: {  	p6 =	sle.s32 s3, s2;
	p3 =	seq.s32 s4, $0x0;
	s2 =	smov.u32 s5  }
0xd1: {  	s1 =	sadd.s32 $0x10, s1;
	s5 =	simm.s32 @p3 $0x0;
	s2 =	simm.s32 @!p3 $0x0  }
0xd2: {  	s0 =	sadd.s32 $0x1, s0;
	s31 =	sadd.s32 s31, s5;
	s6 =	sadd.s32 s6, s2  }
0xd3: {  	p2 =	slt.s32 s3, $0x10;
	p5 =	sgt.s32 s31, $0xE;
	p4 =	sgt.s32 s6, $0xE  }
0xd4: {  	s3 =	simm.s32 @p0 $0x16A80;
	p1 =	por !p2, !p6;
	p2 =	por !p4, !p5  }
0xd5: {  	s1 =	smov.u32 @p0 s0;
	p1 =	por !p1, !p1;
	p2 =	por !p2, !p2  }
0xd6: {  	p6 =	sgt.s32 s1, $0x1387;
	[tilespmem:v14+s3+$0x0] =	vst.idx.msk @p0 $0x1, v15;
	s3 =	simm.s32 @p0 $0xEE80;
	p1 =	por p1, p2  }
0xd7: {  	v13 =	vld.idx.msk @p0 [tilespmem:v13+s3+$0x0], $0xffff;
	p1 =	por p6, p1  }
.Ltmp6:
0xd8: {  	_ = 	snop;
	(pc) =	sbr.rel @p1 .LBB2_10-.Ltmp6, $3  }
0xd9: {  	_ =	sdelay $0x1  }
0xda: {  	s0 =	simm.s32 @p0 $0x16B00  }
0xdb: {  	[tilespmem:v14+s0+$0x0] =	vst.idx.msk @p0 $0x1, v13  }
.LBB2_7:
0xdc: {  	v13 =	vadd.s32 s1, v0;
	_ =	sdelay $0x4  }
0xdd: {  	v15 =	vld.idx.msk [tilespmem:v13+s11+$0x0], $0xffff  }
0xde: {  	v14 =	vld.idx.msk [tilespmem:v13+s10+$0x0], $0xffff;
	_ =	sdelay $0x2  }
0xdf: {  	p0 =	sgt.s32 s6, $0xE;
	vm2 =	vmmov vm0  }
0xe0: {  	p1 =	sgt.s32 s31, $0xE;
	vm4 =	vmmov vm0;
	vm2 =	vmneg @p0 vm2;
	vm3 =	veq.s32 v15, $0x0  }
0xe1: {  	vm4 =	vmneg @p1 vm4;
	vm1 =	vlt.f32 v14, $2.000000030e-01;
	vm5 =	vmneg vm3  }
0xe2: {  	vm2 =	vmand vm3, vm2;
	vm4 =	vmand vm5, vm4;
	vm5 =	vgt.s32 v13, $0x1387  }
0xe3: {  	vm1 =	vmor vm5, vm1;
	vm2 =	vmor vm2, vm4  }
0xe4: {  	vm2 =	vmor vm1, vm2  }
0xe5: {  	v14 =	vsel vm2, $0x0, v5  }
0xe6: {  	(xrf0) =	vmax.scan.msk.f32 $0xffff, v14;
	_ =	sdelay $0x5  }
0xe7: {  	v14, _, _ =	vpop (xrf0)  }
0xe8: {  	(v2sf) =	vpush v14, $0xF;
	_ =	sdelay $0xe  }
0xe9: {  	s0 =	spop (v2sf)  }
0xea: {  	p0 =	sgt.f32 s0, $0.0e+00  }
.Ltmp7:
0xeb: {  	v16 =	vld.idx.msk [tilespmem:v13+s19+$0x0], $0xffff;
	(pc) =	sbr.rel @!p0 .LBB2_9-.Ltmp7, $4  }
0xec: {  	v17 =	vld.idx.msk [tilespmem:v13+s20+$0x0], $0xffff  }
0xed: {  	v15 =	vld.idx.msk [tilespmem:v13+s18+$0x0], $0xffff  }
0xee: {  	v14 =	vld.idx.msk [tilespmem:v13+s17+$0x0], $0xffff  }
0xef: {  	vm2 =	vmneg vm2;
	v13 =	vld.idx.msk [tilespmem:v13+s21+$0x0], $0xffff  }
0xf0: {  	v18 =	vsel vm3, $0x0, v6;
	_ =	sdelay $0x4  }
0xf1: {  	v20 =	vor.u32 $0x1, v18;
	v19 =	vld.idx.msk [tilespmem:v18+s22+$0x0], $0xffff  }
0xf2: {  	v21 =	vld.idx.msk [tilespmem:v18+s23+$0x0], $0xffff  }
0xf3: {  	v22 =	vld.idx.msk [tilespmem:v18+s24+$0x0], $0xffff  }
0xf4: {  	v23 =	vld.idx.msk [tilespmem:v18+s25+$0x0], $0xffff  }
0xf5: {  	v24 =	vld.idx.msk [tilespmem:v18+s26+$0x0], $0xffff  }
0xf6: {  	v26 =	vor.u32 $0x2, v18;
	v25 =	vld.idx.msk [tilespmem:v20+s22+$0x0], $0xffff  }
0xf7: {  	v27 =	vld.idx.msk [tilespmem:v20+s23+$0x0], $0xffff  }
0xf8: {  	v28 =	vld.idx.msk [tilespmem:v20+s24+$0x0], $0xffff  }
0xf9: {  	v29 =	vld.idx.msk [tilespmem:v20+s25+$0x0], $0xffff  }
0xfa: {  	v20 =	vld.idx.msk [tilespmem:v20+s26+$0x0], $0xffff  }
0xfb: {  	v51 =	vor.u32 $0x3, v18;
	v50 =	vld.idx.msk [tilespmem:v26+s22+$0x0], $0xffff  }
0xfc: {  	v30 =	vld.idx.msk [tilespmem:v26+s23+$0x0], $0xffff  }
0xfd: {  	v31 =	vld.idx.msk [tilespmem:v26+s24+$0x0], $0xffff  }
0xfe: {  	v53 =	vld.idx.msk [tilespmem:v26+s25+$0x0], $0xffff  }
0xff: {  	v26 =	vld.idx.msk [tilespmem:v26+s26+$0x0], $0xffff  }
0x100: {  	v33 =	vor.u32 $0x4, v18;
	v32 =	vld.idx.msk [tilespmem:v51+s22+$0x0], $0xffff  }
0x101: {  	v34 =	vld.idx.msk [tilespmem:v51+s23+$0x0], $0xffff  }
0x102: {  	v54 =	vld.idx.msk [tilespmem:v51+s24+$0x0], $0xffff  }
0x103: {  	v55 =	vld.idx.msk [tilespmem:v51+s25+$0x0], $0xffff  }
0x104: {  	v37 =	vor.u32 $0x5, v18;
	v49 =	vor.u32 $0x6, v18;
	v35 =	vld.idx.msk [tilespmem:v51+s26+$0x0], $0xffff  }
0x105: {  	v39 =	vor.u32 $0x7, v18;
	v36 =	vld.idx.msk [tilespmem:v33+s22+$0x0], $0xffff;
	v19 =	vmax.f32 v14, v19;
	v21 =	vmax.f32 v15, v21  }
0x106: {  	v38 =	vld.idx.msk [tilespmem:v33+s23+$0x0], $0xffff;
	v22 =	vmin.f32 v16, v22;
	v23 =	vmin.f32 v17, v23;
	v52 =	vadd.f32 v24, v13  }
0x107: {  	v61 =	vld.idx.msk [tilespmem:v33+s26+$0x0], $0xffff;
	v19 =	vsub.f32 v22, v19;
	v21 =	vsub.f32 v23, v21;
	v25 =	vmax.f32 v14, v25  }
0x108: {  	v60 =	vld.idx.msk [tilespmem:v33+s25+$0x0], $0xffff;
	v27 =	vmax.f32 v15, v27;
	v28 =	vmin.f32 v16, v28;
	v29 =	vmin.f32 v17, v29  }
0x109: {  	v59 =	vld.idx.msk [tilespmem:v33+s24+$0x0], $0xffff;
	v20 =	vadd.f32 v20, v13;
	v22 =	vmax.f32 v14, v50;
	v56 =	vmax.f32 v15, v30  }
0x10a: {  	v63 =	vld.idx.msk [tilespmem:v37+s22+$0x0], $0xffff;
	v57 =	vmin.f32 v16, v31;
	v58 =	vmin.f32 v17, v53;
	v26 =	vadd.f32 v26, v13  }
0x10b: {  	v33 =	vld.idx.msk [tilespmem:v37+s26+$0x0], $0xffff;
	v62 =	vmax.f32 v14, v32;
	v50 =	vmax.f32 v15, v34;
	v35 =	vadd.f32 v35, v13  }
0x10c: {  	v41 =	vld.idx.msk [tilespmem:v49+s23+$0x0], $0xffff;
	v36 =	vmax.f32 v14, v36;
	v38 =	vmax.f32 v15, v38;
	v48 =	vadd.f32 v61, v13  }
0x10d: {  	v47 =	vld.idx.msk [tilespmem:v49+s26+$0x0], $0xffff;
	v40 =	vmin.f32 v17, v60;
	v25 =	vsub.f32 v28, v25;
	v27 =	vsub.f32 v29, v27  }
0x10e: {  	v44 =	vld.idx.msk [tilespmem:v39+s26+$0x0], $0xffff;
	v22 =	vsub.f32 v57, v22;
	v23 =	vsub.f32 v58, v56;
	v28 =	vmin.f32 v16, v54  }
0x10f: {  	v34 =	vld.idx.msk [tilespmem:v37+s23+$0x0], $0xffff;
	v29 =	vmin.f32 v17, v55;
	v57 =	vsub.f32 v40, v38;
	v19 =	vmax.f32 v19, $0.0e+00  }
0x110: {  	v53 =	vld.idx.msk [tilespmem:v37+s24+$0x0], $0xffff;
	v21 =	vmax.f32 v21, $0.0e+00;
	v51 =	vsub.f32 v28, v62;
	v62 =	vmax.f32 v14, v63  }
0x111: {  	v60 =	vld.idx.msk [tilespmem:v39+s23+$0x0], $0xffff;
	v21 =	vmul.f32 v21, v19;
	v25 =	vmax.f32 v25, $0.0e+00;
	v27 =	vmax.f32 v27, $0.0e+00  }
0x112: {  	v54 =	vld.idx.msk [tilespmem:v37+s25+$0x0], $0xffff;
	v22 =	vmax.f32 v22, $0.0e+00;
	v23 =	vmax.f32 v23, $0.0e+00;
	v46 =	vmax.f32 v57, $0.0e+00  }
0x113: {  	v55 =	vld.idx.msk [tilespmem:v49+s22+$0x0], $0xffff;
	v19 =	vsub.f32 v52, v21;
	v52 =	vsub.f32 v29, v50;
	v50 =	vor.u32 $0x8, v18  }
0x114: {  	v58 =	vld.idx.msk [tilespmem:v49+s24+$0x0], $0xffff;
	v57 =	vmax.f32 v15, v41;
	v24 =	vmul.f32 v27, v25;
	v25 =	vmin.f32 v16, v59  }
0x115: {  	v40 =	vld.idx.msk [tilespmem:v49+s25+$0x0], $0xffff;
	v23 =	vmul.f32 v23, v22;
	v22 =	vmax.f32 v51, $0.0e+00;
	v56 =	vsub.f32 v25, v36  }
0x116: {  	v49 =	vld.idx.msk [tilespmem:v39+s22+$0x0], $0xffff;
	v34 =	vmax.f32 v15, v34;
	v29 =	vmin.f32 v16, v53;
	v53 =	vor.u32 $0x9, v18  }
0x117: {  	v63 =	vld.idx.msk [tilespmem:v39+s24+$0x0], $0xffff;
	v20 =	vsub.f32 v20, v24;
	v26 =	vsub.f32 v26, v23;
	v30 =	vmin.f32 v17, v54  }
0x118: {  	v19 =	vmax.f32 v19, $9.999999710e-10;
	v28 =	vmax.f32 v52, $0.0e+00;
	v45 =	vmax.f32 v56, $0.0e+00;
	v52 =	vld.idx.msk [tilespmem:v50+s22+$0x0], $0xffff  }
0x119: {  	(erf) = vrcp.f32 v19;
	v20 =	vmax.f32 v20, $9.999999710e-10;
	v19 =	vmul.f32 v28, v22;
	v54 =	vld.idx.msk [tilespmem:v50+s23+$0x0], $0xffff  }
0x11a: {  	v26 =	vmax.f32 v26, $9.999999710e-10;
	v28 =	vmin.f32 v16, v58;
	(erf) = vrcp.f32 v20;
	v56 =	vld.idx.msk [tilespmem:v50+s24+$0x0], $0xffff  }
0x11b: {  	(erf) = vrcp.f32 v26;
	v58 =	vld.idx.msk [tilespmem:v50+s25+$0x0], $0xffff;
	v26 =	vmax.f32 v15, v60;
	v60 =	vor.u32 $0xA, v18  }
0x11c: {  	v25 =	vadd.f32 v47, v13;
	v51 =	vmax.f32 v14, v55;
	v55 =	vadd.f32 v33, v13;
	v32 =	vld.idx.msk [tilespmem:v50+s26+$0x0], $0xffff  }
0x11d: {  	v36 =	vmin.f32 v17, v40;
	v27 =	vmax.f32 v14, v49;
	v31 =	vmin.f32 v16, v63;
	v63 =	vld.idx.msk [tilespmem:v53+s24+$0x0], $0xffff  }
0x11e: {  	v43 =	vsub.f32 v30, v34;
	v33 =	vsub.f32 v36, v57;
	v20 =	vmul.f32 v46, v45;
	v46 =	vld.idx.msk [tilespmem:v53+s25+$0x0], $0xffff  }
0x11f: {  	v30 =	vadd.f32 v44, v13;
	v44 =	vor.u32 $0xD, v18;
	v22 =	vsub.f32 v29, v62;
	v38 =	vld.idx.msk [tilespmem:v53+s26+$0x0], $0xffff  }
0x120: {  	v27 =	vsub.f32 v31, v27;
	v29 =	vmax.f32 v43, $0.0e+00;
	v61 =	vsub.f32 v48, v20;
	v48 =	vld.idx.msk [tilespmem:v60+s22+$0x0], $0xffff  }
0x121: {  	v28 =	vsub.f32 v28, v51;
	v43 =	vor.u32 $0xC, v18;
	v35 =	vsub.f32 v35, v19;
	v50 =	vld.idx.msk [tilespmem:v60+s23+$0x0], $0xffff  }
0x122: {  	v33 =	vmax.f32 v33, $0.0e+00;
	v22 =	vmax.f32 v22, $0.0e+00;
	v34 =	vmax.f32 v15, v54;
	v54 =	vld.idx.msk [tilespmem:v60+s25+$0x0], $0xffff  }
0x123: {  	v27 =	vmax.f32 v27, $0.0e+00;
	v28 =	vmax.f32 v28, $0.0e+00;
	v59 =	vmax.f32 v35, $9.999999710e-10;
	v40 =	vld.idx.msk [tilespmem:v60+s26+$0x0], $0xffff;
	v42 =	vpop (erf)  }
0x124: {  	v45 =	vmax.f32 v14, v52;
	(erf) = vrcp.f32 v59;
	v59 =	vld.idx.msk [tilespmem:v53+s22+$0x0], $0xffff;
	v21 =	vmul.f32 v42, v21  }
0x125: {  	v32 =	vadd.f32 v32, v13;
	v37 =	vmin.f32 v17, v46;
	v42 =	vld.idx.msk [tilespmem:v39+s25+$0x0], $0xffff;
	v39 =	vmin.f32 v17, v58  }
0x126: {  	v46 =	vld.idx.msk [tilespmem:v43+s23+$0x0], $0xffff;
	v47 =	vsub.f32 v39, v34;
	vm3 =	vgt.f32 v21, $5.000000000e-01;
	v21 =	vmax.f32 v61, $9.999999710e-10  }
0x127: {  	v39 =	vor.u32 $0xB, v18;
	v18 =	vor.u32 $0xE, v18;
	v61 =	vld.idx.msk [tilespmem:v53+s23+$0x0], $0xffff;
	(erf) = vrcp.f32 v21  }
0x128: {  	v53 =	vld.idx.msk [tilespmem:v60+s24+$0x0], $0xffff;
	v34 =	vmax.f32 v14, v48;
	v21 =	vmul.f32 v29, v22;
	v22 =	vmul.f32 v33, v28  }
0x129: {  	v60 =	vpop (erf);
	v48 =	vld.idx.msk [tilespmem:v43+s25+$0x0], $0xffff;
	v29 =	vmin.f32 v16, v56;
	v52 =	vmax.f32 v47, $0.0e+00;
	v28 =	vmin.f32 v16, v63  }
0x12a: {  	v24 =	vmul.f32 v60, v24;
	v63 =	vld.idx.msk [tilespmem:v43+s22+$0x0], $0xffff;
	v29 =	vsub.f32 v29, v45;
	v36 =	vmax.f32 v14, v59  }
0x12b: {  	v47 =	vld.idx.msk [tilespmem:v43+s24+$0x0], $0xffff;
	v35 =	vmin.f32 v17, v42;
	v62 =	vsub.f32 v55, v21;
	v49 =	vsub.f32 v25, v22  }
0x12c: {  	v28 =	vsub.f32 v28, v36;
	v42 =	vmin.f32 v17, v54;
	v54 =	vld.idx.msk [tilespmem:v44+s24+$0x0], $0xffff;
	vm4 =	vgt.f32 v24, $5.000000000e-01  }
0x12d: {  	v26 =	vsub.f32 v35, v26;
	v51 =	vmax.f32 v29, $0.0e+00;
	v56 =	vld.idx.msk [tilespmem:v39+s22+$0x0], $0xffff;
	v35 =	vmax.f32 v62, $9.999999710e-10  }
0x12e: {  	v58 =	vld.idx.msk [tilespmem:v39+s23+$0x0], $0xffff;
	v31 =	vmax.f32 v15, v61;
	v57 =	vmax.f32 v49, $9.999999710e-10;
	v28 =	vmax.f32 v28, $0.0e+00  }
0x12f: {  	v59 =	vld.idx.msk [tilespmem:v39+s24+$0x0], $0xffff;
	v61 =	vadd.f32 v38, v13;
	v33 =	vmin.f32 v16, v53;
	v26 =	vmax.f32 v26, $0.0e+00  }
0x130: {  	v60 =	vld.idx.msk [tilespmem:v18+s25+$0x0], $0xffff;
	v55 =	vsub.f32 v37, v31;
	(erf) = vrcp.f32 v35;
	v33 =	vsub.f32 v33, v34  }
0x131: {  	v62 =	vld.idx.msk [tilespmem:v39+s25+$0x0], $0xffff;
	v35 =	vmax.f32 v14, v63;
	v34 =	vmin.f32 v17, v48;
	v25 =	vmul.f32 v26, v27  }
0x132: {  	v63 =	vld.idx.msk [tilespmem:v39+s26+$0x0], $0xffff;
	v26 =	vmul.f32 v52, v51;
	(erf) = vrcp.f32 v57;
	v27 =	vmax.f32 v15, v50;
	v49 =	vpop (erf)  }
0x133: {  	v39 =	vld.idx.msk [tilespmem:v43+s26+$0x0], $0xffff;
	v29 =	vmax.f32 v55, $0.0e+00;
	v27 =	vsub.f32 v42, v27;
	v23 =	vmul.f32 v49, v23  }
0x134: {  	v43 =	vld.idx.msk [tilespmem:v44+s26+$0x0], $0xffff;
	v51 =	vmax.f32 v33, $0.0e+00;
	v37 =	vmin.f32 v16, v54;
	v30 =	vsub.f32 v30, v25  }
0x135: {  	v50 =	vld.idx.msk [tilespmem:v44+s22+$0x0], $0xffff;
	v32 =	vsub.f32 v32, v26;
	v28 =	vmul.f32 v29, v28;
	v31 =	vmax.f32 v14, v56  }
0x136: {  	v52 =	vld.idx.msk [tilespmem:v44+s23+$0x0], $0xffff;
	v53 =	vmin.f32 v16, v59;
	v36 =	vmax.f32 v15, v58;
	v56 =	vmin.f32 v16, v47  }
0x137: {  	v55 =	vld.idx.msk [tilespmem:v44+s25+$0x0], $0xffff;
	v44 =	vmin.f32 v17, v60;
	v27 =	vmax.f32 v27, $0.0e+00;
	v38 =	vmin.f32 v17, v62  }
0x138: {  	v57 =	vld.idx.msk [tilespmem:v18+s22+$0x0], $0xffff;
	v31 =	vsub.f32 v53, v31;
	v35 =	vsub.f32 v56, v35;
	v30 =	vmax.f32 v30, $9.999999710e-10  }
0x139: {  	v45 =	vmax.f32 v32, $9.999999710e-10;
	v29 =	vsub.f32 v61, v28;
	v36 =	vsub.f32 v38, v36  }
0x13a: {  	v58 =	vld.idx.msk [tilespmem:v18+s23+$0x0], $0xffff;
	v32 =	vmax.f32 v15, v46;
	v24 =	vmul.f32 v27, v51;
	v48 =	vadd.f32 v63, v13  }
0x13b: {  	v59 =	vld.idx.msk [tilespmem:v18+s24+$0x0], $0xffff;
	v49 =	vadd.f32 v39, v13;
	(erf) = vrcp.f32 v30;
	v31 =	vmax.f32 v31, $0.0e+00  }
0x13c: {  	v32 =	vsub.f32 v34, v32;
	v61 =	vmax.f32 v35, $0.0e+00;
	v62 =	vmax.f32 v14, v50  }
0x13d: {  	v30 =	vmax.f32 v15, v52;
	v14 =	vmax.f32 v14, v57;
	v50 =	vadd.f32 v43, v13  }
0x13e: {  	(erf) = vrcp.f32 v45;
	v29 =	vmax.f32 v29, $9.999999710e-10;
	v36 =	vmax.f32 v36, $0.0e+00  }
0x13f: {  	v33 =	vmin.f32 v17, v55;
	v37 =	vsub.f32 v37, v62;
	v45 =	vadd.f32 v40, v13  }
0x140: {  	v18 =	vld.idx.msk [tilespmem:v18+s26+$0x0], $0xffff;
	v27 =	vmul.f32 v36, v31;
	v15 =	vmax.f32 v15, v58;
	v42 =	vmin.f32 v16, v59  }
0x141: {  	v32 =	vmax.f32 v32, $0.0e+00;
	v14 =	vsub.f32 v42, v14;
	v15 =	vsub.f32 v44, v15  }
0x142: {  	v30 =	vsub.f32 v33, v30;
	v31 =	vmul.f32 v32, v61;
	v46 =	vmax.f32 v37, $0.0e+00  }
0x143: {  	v16 =	vsub.f32 v45, v24;
	v14 =	vmax.f32 v14, $0.0e+00;
	v15 =	vmax.f32 v15, $0.0e+00  }
0x144: {  	v47 =	vmax.f32 v30, $0.0e+00;
	v14 =	vmul.f32 v15, v14;
	v15 =	vsub.f32 v48, v27  }
0x145: {  	(erf) = vrcp.f32 v29;
	v13 =	vadd.f32 v18, v13;
	v17 =	vmul.f32 v47, v46  }
0x146: {  	v16 =	vmax.f32 v16, $9.999999710e-10;
	v51 =	vsub.f32 v49, v31;
	v15 =	vmax.f32 v15, $9.999999710e-10  }
0x147: {  	(erf) = vrcp.f32 v16;
	v52 =	vsub.f32 v50, v17;
	v13 =	vsub.f32 v13, v14  }
0x148: {  	v18 =	vmax.f32 v51, $9.999999710e-10;
	(erf) = vrcp.f32 v15  }
0x149: {  	v16 =	vmax.f32 v52, $9.999999710e-10;
	v13 =	vmax.f32 v13, $9.999999710e-10;
	v15 =	vpop (erf);
	(erf) = vrcp.f32 v18  }
0x14a: {  	vm3 =	vmor vm3, vm4;
	v15 =	vmul.f32 v15, v19;
	v53 =	vpop (erf);
	(erf) = vrcp.f32 v16  }
0x14b: {  	vm11 =	vgt.f32 v23, $5.000000000e-01;
	v54 =	vmul.f32 v53, v20;
	v55 =	vpop (erf);
	(erf) = vrcp.f32 v13  }
0x14c: {  	vm3 =	vmor vm3, vm11;
	v13 =	vpop (erf);
	vm12 =	vgt.f32 v15, $5.000000000e-01;
	v15 =	vmul.f32 v55, v21  }
0x14d: {  	v56 =	vpop (erf);
	vm3 =	vmor vm3, vm12;
	vm13 =	vgt.f32 v54, $5.000000000e-01;
	v13 =	vmul.f32 v13, v22  }
0x14e: {  	v57 =	vpop (erf);
	vm3 =	vmor vm3, vm13;
	vm14 =	vgt.f32 v15, $5.000000000e-01;
	v15 =	vmul.f32 v56, v25  }
0x14f: {  	v58 =	vpop (erf);
	vm3 =	vmor vm3, vm14;
	vm15 =	vgt.f32 v13, $5.000000000e-01;
	v13 =	vmul.f32 v57, v26  }
0x150: {  	v59 =	vpop (erf);
	vm3 =	vmor vm3, vm15;
	vm8 =	vgt.f32 v15, $5.000000000e-01;
	v15 =	vmul.f32 v58, v28  }
0x151: {  	v60 =	vpop (erf);
	vm3 =	vmor vm3, vm8;
	vm9 =	vgt.f32 v13, $5.000000000e-01;
	v13 =	vmul.f32 v59, v24  }
0x152: {  	v61 =	vpop (erf);
	vm3 =	vmor vm3, vm9;
	vm10 =	vgt.f32 v15, $5.000000000e-01;
	v15 =	vmul.f32 v60, v27  }
0x153: {  	v62 =	vpop (erf);
	vm3 =	vmor vm3, vm10;
	vm11 =	vgt.f32 v13, $5.000000000e-01;
	v13 =	vmul.f32 v61, v31  }
0x154: {  	vm3 =	vmor vm3, vm11;
	vm12 =	vgt.f32 v15, $5.000000000e-01;
	v15 =	vmul.f32 v62, v17;
	v63 =	vpop (erf)  }
0x155: {  	vm3 =	vmor vm3, vm12;
	vm13 =	vgt.f32 v13, $5.000000000e-01;
	v13 =	vmul.f32 v63, v14  }
.Ltmp8:
0x156: {  	vm3 =	vmor vm3, vm13;
	vm14 =	vgt.f32 v15, $5.000000000e-01;
	(pc) =	sbr.rel .LBB2_9-.Ltmp8, $4  }
0x157: {  	vm3 =	vmor vm3, vm14;
	vm15 =	vgt.f32 v13, $5.000000000e-01  }
0x158: {  	vm3 =	vmor vm3, vm15  }
0x159: {  	vm3 =	vmneg vm3  }
0x15a: {  	vm2 =	vmand vm2, vm3  }
.Lfunc_end2:
_tile_overlayer_lowered:
.L_overlay_start_2:
0x15b: {  	(tag) =	ssettag $0x2  }
0x15c: {  	s0 =	rddreg [dreg:$0x0];
	s2 =	stileid.u32  }
0x15d: {  	s1 =	rddreg [dreg:$0x1];
	p0 =	sne.s32 s2, $0x0  }
0x15e: {  	s3 =	rddreg [dreg:$0x2];
	[bflag:$0x3] =	sbarrier.arrive $0xFFFF;
	s2 =	simm.s32 @!p0 $0x1C01  }
0x15f: {  	[timem:s3], [sflag:s2] =	dma.local @!p0 [hbm:s0], s1  }
0x160: {  	s0 =	simm.s32 @!p0 $0x1  }
0x161: {  	_ =	swait.ge @!p0 [sflag:s0], s1  }
0x162: {  	s1 =	ssub.s32 @!p0 $0x0, s1;
	[sflag:s0] =	ssyncset.done @!p0 $0x0  }
0x163: {  	[sflag:s0] =	ssyncadd.s32 @!p0 s1  }
0x164: {  	[bflag:$0x3] =	sbarrier.arrive $0xFFFF  }
0x165: {  	_ =	shalt  }

</sc_bundles>
